<compile_context>
chip_gen: v7x
topology: tpu7x:2x2x1
jax: 0.10.2.dev20260603
libtpu: 0.0.44.dev20260713+nightly
codegen_flags: <defaults>
</compile_context>

<pallas_src>
import functools

import jax
import jax.numpy as jnp
from jax import lax
from jax.experimental import pallas as pl
from jax.experimental.pallas import tpu as pltpu
from jax.experimental.pallas import tpu_sc as plsc

NC = 2
NS = 16
NW = NC * NS
LANES = 16


def _wid():
    return lax.axis_index("s") * NC + lax.axis_index("c")


def _mesh():
    return plsc.VectorSubcoreMesh(core_axis_name="c", subcore_axis_name="s")


_PARAMS = pltpu.CompilerParams(needs_layout_passes=False)


def _round_up(x, m):
    return (x + m - 1) // m * m


def _make_build_combined(geff, tcnt, n_rows):

    @functools.partial(
        pl.kernel,
        out_type=jax.ShapeDtypeStruct((geff,), jnp.float32),
        mesh=_mesh(),
        compiler_params=_PARAMS,
        scratch_types=[
            pltpu.VMEM((n_rows,), jnp.float32),
            pltpu.VMEM((tcnt,), jnp.int32),
            pltpu.VMEM((tcnt,), jnp.float32),
            pltpu.SemaphoreType.DMA,
            pltpu.SemaphoreType.DMA,
        ],
    )
    def build(g2l_hbm, w_hbm, comb_hbm, w_v, g2l_v, comb_v, sem_w, sem_g):
        base = jnp.minimum(_wid() * tcnt, geff - tcnt)
        wdesc = pltpu.async_copy(w_hbm, w_v, sem_w)
        gdesc = pltpu.async_copy(g2l_hbm.at[pl.ds(base, tcnt)], g2l_v, sem_g)
        wdesc.wait()
        gdesc.wait()

        def body(c, carry):
            idx = g2l_v[pl.ds(c * LANES, LANES)]
            comb_v[pl.ds(c * LANES, LANES)] = plsc.load_gather(w_v, [idx])
            return carry

        lax.fori_loop(0, tcnt // LANES, body, 0, unroll=4)
        pltpu.sync_copy(comb_v, comb_hbm.at[pl.ds(base, tcnt)])

    return build


def _make_aggregate(batch, hist, gpad, rows_per_tile, unroll, chunk_groups):
    groups = rows_per_tile // LANES
    steps = hist // unroll
    nchunks = groups // chunk_groups
    chunk_rows = chunk_groups * LANES
    chunk_words = chunk_rows * hist

    @functools.partial(
        pl.kernel,
        out_type=jax.ShapeDtypeStruct((batch,), jnp.float32),
        mesh=_mesh(),
        compiler_params=_PARAMS,
        scratch_types=[
            pltpu.VMEM((gpad,), jnp.float32),
            pltpu.VMEM((chunk_words,), jnp.int32),
            pltpu.VMEM((chunk_words,), jnp.int32),
            pltpu.VMEM((rows_per_tile,), jnp.float32),
            pltpu.VMEM((LANES,), jnp.float32),
            pltpu.SemaphoreType.DMA,
            pltpu.SemaphoreType.DMA,
            pltpu.SemaphoreType.DMA,
        ],
    )
    def aggregate(rules_hbm, comb_hbm, bias_hbm, out_hbm,
                  comb_v, rules_a, rules_b, out_v, bias_v,
                  sem_c, sem_a, sem_b):
        wid = _wid()
        row0 = wid * rows_per_tile

        def chunk_src(c):
            return rules_hbm.at[
                pl.ds((row0 + c * chunk_rows) * hist, chunk_words)]

        bufs = [(rules_a, sem_a), (rules_b, sem_b)]
        comb_desc = pltpu.async_copy(comb_hbm, comb_v, sem_c)
        descs = {0: pltpu.async_copy(chunk_src(0), rules_a, sem_a)}
        if nchunks > 1:
            descs[1] = pltpu.async_copy(chunk_src(1), rules_b, sem_b)
        pltpu.sync_copy(bias_hbm, bias_v)
        comb_desc.wait()
        offs = lax.iota(jnp.int32, LANES) * hist

        for c in range(nchunks):
            buf, sem = bufs[c % 2]
            descs[c].wait()

            def group(g, carry, buf=buf, c=c):
                base_w = g * (LANES * hist)

                def step(j, acc):
                    base_l = base_w + j * unroll
                    for u in range(unroll):
                        idx = plsc.load_gather(buf, [offs + (base_l + u)])
                        acc = acc + plsc.load_gather(comb_v, [idx])
                    return acc

                acc = lax.fori_loop(0, steps, step,
                                    jnp.zeros((LANES,), jnp.float32))
                out_v[pl.ds((c * chunk_groups + g) * LANES, LANES)] = (
                    acc + bias_v[...])
                return carry

            lax.fori_loop(0, chunk_groups, group, 0)
            if c + 2 < nchunks:
                descs[c + 2] = pltpu.async_copy(chunk_src(c + 2), buf, sem)

        pltpu.sync_copy(out_v, out_hbm.at[pl.ds(row0, rows_per_tile)])

    return aggregate


def _make_fused(batch, hist, geff, n_rows, rows_per_tile, unroll,
                chunk_groups):
    tcnt = _round_up(-(-geff // NS), LANES)
    steps = hist // unroll
    nchunks = (rows_per_tile // LANES) // chunk_groups
    chunk_rows = chunk_groups * LANES
    chunk_words = chunk_rows * hist

    @functools.partial(
        pl.kernel,
        out_type=jax.ShapeDtypeStruct((batch,), jnp.float32),
        mesh=_mesh(),
        compiler_params=_PARAMS,
        scratch_types=[
            pltpu.VMEM_SHARED((geff,), jnp.float32),
            pltpu.VMEM((chunk_words,), jnp.int32),
            pltpu.VMEM((chunk_words,), jnp.int32),
            pltpu.VMEM((rows_per_tile,), jnp.float32),
            pltpu.VMEM((LANES,), jnp.float32),
            pltpu.SemaphoreType.DMA,
            pltpu.SemaphoreType.DMA,
            pltpu.SemaphoreType.DMA,
        ],
    )
    def fused(rules_hbm, g2l_hbm, w_hbm, bias_hbm, out_hbm, comb_sh,
              rules_a, rules_b, out_v, bias_v, sem_a, sem_b, sem_c):
        sid = lax.axis_index("s")
        wid = sid * NC + lax.axis_index("c")
        row0 = wid * rows_per_tile

        def chunk_src(c):
            return rules_hbm.at[
                pl.ds((row0 + c * chunk_rows) * hist, chunk_words)]

        bufs = [(rules_a, sem_a), (rules_b, sem_b)]
        descs = {0: pltpu.async_copy(chunk_src(0), rules_a, sem_a)}
        if nchunks > 1:
            descs[1] = pltpu.async_copy(chunk_src(1), rules_b, sem_b)
        pltpu.sync_copy(bias_hbm, bias_v)

        def stage1(w_v, g2l_v, slice_v, sem_w, sem_g):
            base = jnp.minimum(sid * tcnt, geff - tcnt)
            wdesc = pltpu.async_copy(w_hbm, w_v, sem_w)
            gdesc = pltpu.async_copy(g2l_hbm.at[pl.ds(base, tcnt)],
                                     g2l_v, sem_g)
            wdesc.wait()
            gdesc.wait()

            def body(c, carry):
                idx = g2l_v[pl.ds(c * LANES, LANES)]
                slice_v[pl.ds(c * LANES, LANES)] = (
                    plsc.load_gather(w_v, [idx]))
                return carry

            lax.fori_loop(0, tcnt // LANES, body, 0, unroll=4)
            pltpu.sync_copy(slice_v, comb_sh.at[pl.ds(base, tcnt)])

        pl.run_scoped(stage1,
                      pltpu.VMEM((n_rows,), jnp.float32),
                      pltpu.VMEM((tcnt,), jnp.int32),
                      pltpu.VMEM((tcnt,), jnp.float32),
                      pltpu.SemaphoreType.DMA,
                      pltpu.SemaphoreType.DMA)
        plsc.subcore_barrier()

        def stage2(comb_v):
            pltpu.async_copy(comb_sh, comb_v, sem_c).wait()
            offs = lax.iota(jnp.int32, LANES) * hist

            for c in range(nchunks):
                buf, sem = bufs[c % 2]
                descs[c].wait()

                def group(g, carry, buf=buf, c=c):
                    base_w = g * (LANES * hist)

                    def step(j, acc):
                        base_l = base_w + j * unroll
                        for u in range(unroll):
                            idx = plsc.load_gather(
                                buf, [offs + (base_l + u)])
                            acc = acc + plsc.load_gather(comb_v, [idx])
                        return acc

                    acc = lax.fori_loop(0, steps, step,
                                        jnp.zeros((LANES,), jnp.float32))
                    out_v[pl.ds((c * chunk_groups + g) * LANES, LANES)] = (
                        acc + bias_v[...])
                    return carry

                lax.fori_loop(0, chunk_groups, group, 0)
                if c + 2 < nchunks:
                    descs[c + 2] = pltpu.async_copy(chunk_src(c + 2),
                                                    buf, sem)

            pltpu.sync_copy(out_v, out_hbm.at[pl.ds(row0, rows_per_tile)])

        pl.run_scoped(stage2, pltpu.VMEM((geff,), jnp.float32))

    return fused


def kernel(rules, rules_weight, bias, global_to_local):
    batch, hist = rules.shape
    n_weight_rows = rules_weight.shape[0]

    geff = global_to_local.shape[0] - 1

    w_flat = rules_weight[:, 0]
    bias_vec = jnp.broadcast_to(bias.reshape(1), (LANES,))
    rules_flat = rules.reshape(batch * hist)

    rows_per_tile = batch // NW
    out = _make_fused(batch, hist, geff, n_weight_rows, rows_per_tile,
                      8, 2)(rules_flat, global_to_local, w_flat, bias_vec)
    return out.reshape(batch, 1)

# --- scband reference (transcript-rebuilt; emitter-appended) ---
"""Pipeline reference for scband-linear-aggregator-55886114456226 (READ-ONLY COPY).

The authoritative reference and input builder live on the scoring server;
editing this copy changes nothing except your own understanding.
"""

import jax, jax.numpy as jnp
import numpy as np

LEN_RULES = 100000
NUM_REL_RULES = 50000  # rules assigned to this relation
PAD_LOCAL = NUM_REL_RULES
BATCH = 16384
HIST = 200


def setup_inputs(seed: int = 0) -> dict:
    key = jax.random.key(seed)
    k1, k2, k3 = jax.random.split(key, 3)
    # forward input: global rule ids, values in [0, LEN_RULES)
    rules = jax.random.randint(k1, (BATCH, HIST), 0, LEN_RULES, dtype=jnp.int32)
    # relation owns the even-indexed global rule ids (sorted, as in __init__)
    relation_rule_ids = jnp.arange(NUM_REL_RULES, dtype=jnp.int32) * 2
    global_to_local = jnp.full((LEN_RULES + 1,), PAD_LOCAL, dtype=jnp.int32)
    global_to_local = global_to_local.at[relation_rule_ids].set(
        jnp.arange(NUM_REL_RULES, dtype=jnp.int32))
    # nn.Embedding(num_relation_rules + 1, 1, padding_idx=pad): conf-initialized
    # rows for real rules, zero row for padding index
    confs = jax.random.uniform(k2, (NUM_REL_RULES, 1), dtype=jnp.float32)
    rules_weight = jnp.concatenate(
        [confs, jnp.zeros((1, 1), dtype=jnp.float32)], axis=0)
    # bias ~ U(-bound, bound) with fan_in = num_relation_rules
    bound = 1.0 / np.sqrt(NUM_REL_RULES)
    bias = jax.random.uniform(k3, (1, 1), dtype=jnp.float32,
                              minval=-bound, maxval=bound)
    return {"rules": rules, "rules_weight": rules_weight, "bias": bias,
            "global_to_local": global_to_local}


def reference(rules, rules_weight, bias, global_to_local):
    # local_rules = self.global_to_local[rules.long()]
    local_rules = jnp.take(global_to_local, rules, axis=0)          # [B, L]
    pad_local_tok = rules_weight.shape[0] - 1
    mask = local_rules == pad_local_tok                              # [B, L]
    # emb lookup (padding row is zero) then masked_fill_(mask, 0.0)
    emb = jnp.take(rules_weight, local_rules, axis=0)                # [B, L, 1]
    emb = jnp.where(mask[..., None], 0.0, emb)
    # sign_constraint=False -> no squaring
    logits = emb.sum(axis=1) + bias                                  # [B, 1]
    return logits

if __name__ == "__main__":
    import jax
    _d = setup_inputs()
    print(jax.jit(kernel)(*tuple(_d.values())))

</pallas_src>

<mosaic_0001>
#map = affine_map<(d0, d1) -> (0)>
module attributes {stable_mosaic.version = 14 : i64} {
  func.func @fused(%arg0: i32, %arg1: i32, %arg2: memref<3276800xi32, #tpu.memory_space<hbm>>, %arg3: memref<100001xi32, #tpu.memory_space<hbm>>, %arg4: memref<50001xf32, #tpu.memory_space<hbm>>, %arg5: memref<16xf32, #tpu.memory_space<hbm>>, %arg6: memref<16384xf32, #tpu.memory_space<hbm>>, %arg7: memref<100000xf32, #tpu.memory_space<vmem_shared>>, %arg8: memref<6400xi32, #tpu.memory_space<vmem>>, %arg9: memref<6400xi32, #tpu.memory_space<vmem>>, %arg10: memref<512xf32, #tpu.memory_space<vmem>>, %arg11: memref<16xf32, #tpu.memory_space<vmem>>, %arg12: memref<!tpu.dma_semaphore, #tpu.memory_space<semaphore_mem>>, %arg13: memref<!tpu.dma_semaphore, #tpu.memory_space<semaphore_mem>>, %arg14: memref<!tpu.dma_semaphore, #tpu.memory_space<semaphore_mem>>) attributes {dimension_semantics = [#tpu.dimension_semantics<core_parallel>, #tpu.dimension_semantics<subcore_parallel>], iteration_bounds = array<i64: 2, 16>, scalar_prefetch = 0 : i64, scratch_operands = 8 : i64, tpu.core_type = #tpu.core_type<sc_vector_subcore>, window_params = [{transform_indices = #map}, {transform_indices = #map}, {transform_indices = #map}, {transform_indices = #map}, {transform_indices = #map}]} {
    %mul3A = arith.constant 2 : i32
    %mul3A_0 = arith.muli %arg1, %mul3A : i32
    %add3A = arith.addi %mul3A_0, %arg0 : i32
    %mul3A_1 = arith.constant 512 : i32
    %mul3A_2 = arith.muli %add3A, %mul3A_1 : i32
    %add3A_3 = arith.constant 0 : i32
    %add3A_4 = arith.addi %mul3A_2, %add3A_3 : i32
    %mul3A_5 = arith.constant 200 : i32
    %mul3A_6 = arith.muli %add3A_4, %mul3A_5 : i32
    %dma_start3A = tpu.memref_slice %arg2[%mul3A_6] : memref<3276800xi32, #tpu.memory_space<hbm>> -> memref<6400xi32, #tpu.memory_space<hbm>>
    %dma_start3A_7 = tpu.memref_slice %arg2[%mul3A_6] : memref<3276800xi32, #tpu.memory_space<hbm>> -> memref<6400xi32, #tpu.memory_space<hbm>>
    tpu.enqueue_dma source(%dma_start3A_7 : memref<6400xi32, #tpu.memory_space<hbm>>) target(%arg8 : memref<6400xi32, #tpu.memory_space<vmem>>) target_semaphore(%arg12 : memref<!tpu.dma_semaphore, #tpu.memory_space<semaphore_mem>>)
    %add3A_8 = arith.constant 32 : i32
    %add3A_9 = arith.addi %mul3A_2, %add3A_8 : i32
    %mul3A_10 = arith.constant 200 : i32
    %mul3A_11 = arith.muli %add3A_9, %mul3A_10 : i32
    %dma_start3A_12 = tpu.memref_slice %arg2[%mul3A_11] : memref<3276800xi32, #tpu.memory_space<hbm>> -> memref<6400xi32, #tpu.memory_space<hbm>>
    %dma_start3A_13 = tpu.memref_slice %arg2[%mul3A_11] : memref<3276800xi32, #tpu.memory_space<hbm>> -> memref<6400xi32, #tpu.memory_space<hbm>>
    tpu.enqueue_dma source(%dma_start3A_13 : memref<6400xi32, #tpu.memory_space<hbm>>) target(%arg9 : memref<6400xi32, #tpu.memory_space<vmem>>) target_semaphore(%arg13 : memref<!tpu.dma_semaphore, #tpu.memory_space<semaphore_mem>>)
    "tpu.region"() ({
      %run_scoped3A = tpu.sem_alloc : memref<!tpu.dma_semaphore, #tpu.memory_space<semaphore_mem>>
      tpu.enqueue_dma source(%arg5 : memref<16xf32, #tpu.memory_space<hbm>>) target(%arg11 : memref<16xf32, #tpu.memory_space<vmem>>) target_semaphore(%run_scoped3A : memref<!tpu.dma_semaphore, #tpu.memory_space<semaphore_mem>>)
      tpu.wait_dma2 semaphore(%run_scoped3A : memref<!tpu.dma_semaphore, #tpu.memory_space<semaphore_mem>>) src(%arg5 : memref<16xf32, #tpu.memory_space<hbm>>) dst(%arg11 : memref<16xf32, #tpu.memory_space<vmem>>)
      tpu.yield
    }) : () -> ()
    "tpu.region"() ({
      %run_scoped3A = memref.alloca() : memref<50001xf32, #tpu.memory_space<vmem>>
      %run_scoped3A_14 = memref.alloca() : memref<6256xi32, #tpu.memory_space<vmem>>
      %run_scoped3A_15 = memref.alloca() : memref<6256xf32, #tpu.memory_space<vmem>>
      %run_scoped3A_16 = tpu.sem_alloc : memref<!tpu.dma_semaphore, #tpu.memory_space<semaphore_mem>>
      %run_scoped3A_17 = tpu.sem_alloc : memref<!tpu.dma_semaphore, #tpu.memory_space<semaphore_mem>>
      %mul3A_18 = arith.constant 6256 : i32
      %mul3A_19 = arith.muli %arg1, %mul3A_18 : i32
      %min3A = arith.constant 93744 : i32
      %min3A_20 = arith.minsi %mul3A_19, %min3A : i32
      tpu.enqueue_dma source(%arg4 : memref<50001xf32, #tpu.memory_space<hbm>>) target(%run_scoped3A : memref<50001xf32, #tpu.memory_space<vmem>>) target_semaphore(%run_scoped3A_16 : memref<!tpu.dma_semaphore, #tpu.memory_space<semaphore_mem>>)
      %dma_start3A_21 = tpu.memref_slice %arg3[%min3A_20] : memref<100001xi32, #tpu.memory_space<hbm>> -> memref<6256xi32, #tpu.memory_space<hbm>>
      %dma_start3A_22 = tpu.memref_slice %arg3[%min3A_20] : memref<100001xi32, #tpu.memory_space<hbm>> -> memref<6256xi32, #tpu.memory_space<hbm>>
      tpu.enqueue_dma source(%dma_start3A_22 : memref<6256xi32, #tpu.memory_space<hbm>>) target(%run_scoped3A_14 : memref<6256xi32, #tpu.memory_space<vmem>>) target_semaphore(%run_scoped3A_17 : memref<!tpu.dma_semaphore, #tpu.memory_space<semaphore_mem>>)
      tpu.wait_dma2 semaphore(%run_scoped3A_16 : memref<!tpu.dma_semaphore, #tpu.memory_space<semaphore_mem>>) src(%arg4 : memref<50001xf32, #tpu.memory_space<hbm>>) dst(%run_scoped3A : memref<50001xf32, #tpu.memory_space<vmem>>)
      %dma_wait3A = tpu.memref_slice %arg3[%min3A_20] : memref<100001xi32, #tpu.memory_space<hbm>> -> memref<6256xi32, #tpu.memory_space<hbm>>
      %dma_wait3A_23 = tpu.memref_slice %arg3[%min3A_20] : memref<100001xi32, #tpu.memory_space<hbm>> -> memref<6256xi32, #tpu.memory_space<hbm>>
      tpu.wait_dma2 semaphore(%run_scoped3A_17 : memref<!tpu.dma_semaphore, #tpu.memory_space<semaphore_mem>>) src(%dma_wait3A_23 : memref<6256xi32, #tpu.memory_space<hbm>>) dst(%run_scoped3A_14 : memref<6256xi32, #tpu.memory_space<vmem>>)
      %scan3A = arith.constant 0 : i32
      %scan3A_24 = arith.constant 0 : i32
      %scan3A_25 = arith.constant 388 : i32
      %scan3A_26 = arith.addi %scan3A_24, %scan3A_25 : i32
      %scan3A_27 = arith.constant 4 : i32
      scf.for %scan3A_59 = %scan3A_24 to %scan3A_26 step %scan3A_27  : i32 {
        %mul3A_60 = arith.constant 16 : i32
        %mul3A_61 = arith.muli %scan3A_59, %mul3A_60 : i32
        %get3A_62 = arith.index_cast %mul3A_61 : i32 to index
        %get3A_63 = tpu.vector_load %run_scoped3A_14[%get3A_62] {strides = array<i32>} : memref<6256xi32, #tpu.memory_space<vmem>>, vector<16xi32>,
        %gather3A_64 = tpu.vector_load_idx %run_scoped3A[%get3A_63] : memref<50001xf32, #tpu.memory_space<vmem>>[vector<16xi32>], vector<16xf32>,
        %mul3A_65 = arith.constant 16 : i32
        %mul3A_66 = arith.muli %scan3A_59, %mul3A_65 : i32
        %swap3A_67 = arith.index_cast %mul3A_66 : i32 to index
        %swap3A_68 = tpu.vector_load %run_scoped3A_15[%swap3A_67] {strides = array<i32>} : memref<6256xf32, #tpu.memory_space<vmem>>, vector<16xf32>,
        tpu.vector_store %run_scoped3A_15[%swap3A_67], %gather3A_64 {strides = array<i32>} : memref<6256xf32, #tpu.memory_space<vmem>>, vector<16xf32>,
        %scan3A_69 = arith.constant 1 : i32
        %scan3A_70 = arith.addi %scan3A_59, %scan3A_69 : i32
        %mul3A_71 = arith.constant 16 : i32
        %mul3A_72 = arith.muli %scan3A_70, %mul3A_71 : i32
        %get3A_73 = arith.index_cast %mul3A_72 : i32 to index
        %get3A_74 = tpu.vector_load %run_scoped3A_14[%get3A_73] {strides = array<i32>} : memref<6256xi32, #tpu.memory_space<vmem>>, vector<16xi32>,
        %gather3A_75 = tpu.vector_load_idx %run_scoped3A[%get3A_74] : memref<50001xf32, #tpu.memory_space<vmem>>[vector<16xi32>], vector<16xf32>,
        %mul3A_76 = arith.constant 16 : i32
        %mul3A_77 = arith.muli %scan3A_70, %mul3A_76 : i32
        %swap3A_78 = arith.index_cast %mul3A_77 : i32 to index
        %swap3A_79 = tpu.vector_load %run_scoped3A_15[%swap3A_78] {strides = array<i32>} : memref<6256xf32, #tpu.memory_space<vmem>>, vector<16xf32>,
        tpu.vector_store %run_scoped3A_15[%swap3A_78], %gather3A_75 {strides = array<i32>} : memref<6256xf32, #tpu.memory_space<vmem>>, vector<16xf32>,
        %scan3A_80 = arith.constant 2 : i32
        %scan3A_81 = arith.addi %scan3A_59, %scan3A_80 : i32
        %mul3A_82 = arith.constant 16 : i32
        %mul3A_83 = arith.muli %scan3A_81, %mul3A_82 : i32
        %get3A_84 = arith.index_cast %mul3A_83 : i32 to index
        %get3A_85 = tpu.vector_load %run_scoped3A_14[%get3A_84] {strides = array<i32>} : memref<6256xi32, #tpu.memory_space<vmem>>, vector<16xi32>,
        %gather3A_86 = tpu.vector_load_idx %run_scoped3A[%get3A_85] : memref<50001xf32, #tpu.memory_space<vmem>>[vector<16xi32>], vector<16xf32>,
        %mul3A_87 = arith.constant 16 : i32
        %mul3A_88 = arith.muli %scan3A_81, %mul3A_87 : i32
        %swap3A_89 = arith.index_cast %mul3A_88 : i32 to index
        %swap3A_90 = tpu.vector_load %run_scoped3A_15[%swap3A_89] {strides = array<i32>} : memref<6256xf32, #tpu.memory_space<vmem>>, vector<16xf32>,
        tpu.vector_store %run_scoped3A_15[%swap3A_89], %gather3A_86 {strides = array<i32>} : memref<6256xf32, #tpu.memory_space<vmem>>, vector<16xf32>,
        %scan3A_91 = arith.constant 3 : i32
        %scan3A_92 = arith.addi %scan3A_59, %scan3A_91 : i32
        %mul3A_93 = arith.constant 16 : i32
        %mul3A_94 = arith.muli %scan3A_92, %mul3A_93 : i32
        %get3A_95 = arith.index_cast %mul3A_94 : i32 to index
        %get3A_96 = tpu.vector_load %run_scoped3A_14[%get3A_95] {strides = array<i32>} : memref<6256xi32, #tpu.memory_space<vmem>>, vector<16xi32>,
        %gather3A_97 = tpu.vector_load_idx %run_scoped3A[%get3A_96] : memref<50001xf32, #tpu.memory_space<vmem>>[vector<16xi32>], vector<16xf32>,
        %mul3A_98 = arith.constant 16 : i32
        %mul3A_99 = arith.muli %scan3A_92, %mul3A_98 : i32
        %swap3A_100 = arith.index_cast %mul3A_99 : i32 to index
        %swap3A_101 = tpu.vector_load %run_scoped3A_15[%swap3A_100] {strides = array<i32>} : memref<6256xf32, #tpu.memory_space<vmem>>, vector<16xf32>,
        tpu.vector_store %run_scoped3A_15[%swap3A_100], %gather3A_97 {strides = array<i32>} : memref<6256xf32, #tpu.memory_space<vmem>>, vector<16xf32>,
      }
      %scan3A_28 = arith.constant 388 : i32
      %scan3A_29 = arith.addi %scan3A_24, %scan3A_28 : i32
      %mul3A_30 = arith.constant 16 : i32
      %mul3A_31 = arith.muli %scan3A_29, %mul3A_30 : i32
      %get3A = arith.index_cast %mul3A_31 : i32 to index
      %get3A_32 = tpu.vector_load %run_scoped3A_14[%get3A] {strides = array<i32>} : memref<6256xi32, #tpu.memory_space<vmem>>, vector<16xi32>,
      %gather3A = tpu.vector_load_idx %run_scoped3A[%get3A_32] : memref<50001xf32, #tpu.memory_space<vmem>>[vector<16xi32>], vector<16xf32>,
      %mul3A_33 = arith.constant 16 : i32
      %mul3A_34 = arith.muli %scan3A_29, %mul3A_33 : i32
      %swap3A = arith.index_cast %mul3A_34 : i32 to index
      %swap3A_35 = tpu.vector_load %run_scoped3A_15[%swap3A] {strides = array<i32>} : memref<6256xf32, #tpu.memory_space<vmem>>, vector<16xf32>,
      tpu.vector_store %run_scoped3A_15[%swap3A], %gather3A {strides = array<i32>} : memref<6256xf32, #tpu.memory_space<vmem>>, vector<16xf32>,
      %scan3A_36 = arith.constant 389 : i32
      %scan3A_37 = arith.addi %scan3A_24, %scan3A_36 : i32
      %mul3A_38 = arith.constant 16 : i32
      %mul3A_39 = arith.muli %scan3A_37, %mul3A_38 : i32
      %get3A_40 = arith.index_cast %mul3A_39 : i32 to index
      %get3A_41 = tpu.vector_load %run_scoped3A_14[%get3A_40] {strides = array<i32>} : memref<6256xi32, #tpu.memory_space<vmem>>, vector<16xi32>,
      %gather3A_42 = tpu.vector_load_idx %run_scoped3A[%get3A_41] : memref<50001xf32, #tpu.memory_space<vmem>>[vector<16xi32>], vector<16xf32>,
      %mul3A_43 = arith.constant 16 : i32
      %mul3A_44 = arith.muli %scan3A_37, %mul3A_43 : i32
      %swap3A_45 = arith.index_cast %mul3A_44 : i32 to index
      %swap3A_46 = tpu.vector_load %run_scoped3A_15[%swap3A_45] {strides = array<i32>} : memref<6256xf32, #tpu.memory_space<vmem>>, vector<16xf32>,
      tpu.vector_store %run_scoped3A_15[%swap3A_45], %gather3A_42 {strides = array<i32>} : memref<6256xf32, #tpu.memory_space<vmem>>, vector<16xf32>,
      %scan3A_47 = arith.constant 390 : i32
      %scan3A_48 = arith.addi %scan3A_24, %scan3A_47 : i32
      %mul3A_49 = arith.constant 16 : i32
      %mul3A_50 = arith.muli %scan3A_48, %mul3A_49 : i32
      %get3A_51 = arith.index_cast %mul3A_50 : i32 to index
      %get3A_52 = tpu.vector_load %run_scoped3A_14[%get3A_51] {strides = array<i32>} : memref<6256xi32, #tpu.memory_space<vmem>>, vector<16xi32>,
      %gather3A_53 = tpu.vector_load_idx %run_scoped3A[%get3A_52] : memref<50001xf32, #tpu.memory_space<vmem>>[vector<16xi32>], vector<16xf32>,
      %mul3A_54 = arith.constant 16 : i32
      %mul3A_55 = arith.muli %scan3A_48, %mul3A_54 : i32
      %swap3A_56 = arith.index_cast %mul3A_55 : i32 to index
      %swap3A_57 = tpu.vector_load %run_scoped3A_15[%swap3A_56] {strides = array<i32>} : memref<6256xf32, #tpu.memory_space<vmem>>, vector<16xf32>,
      tpu.vector_store %run_scoped3A_15[%swap3A_56], %gather3A_53 {strides = array<i32>} : memref<6256xf32, #tpu.memory_space<vmem>>, vector<16xf32>,
      %scan3A_58 = arith.constant 391 : i32
      "tpu.region"() ({
        %run_scoped3A_59 = tpu.sem_alloc : memref<!tpu.dma_semaphore, #tpu.memory_space<semaphore_mem>>
        %dma_start3A_60 = tpu.memref_slice %arg7[%min3A_20] : memref<100000xf32, #tpu.memory_space<vmem_shared>> -> memref<6256xf32, #tpu.memory_space<vmem_shared>>
        %dma_start3A_61 = tpu.memref_slice %arg7[%min3A_20] : memref<100000xf32, #tpu.memory_space<vmem_shared>> -> memref<6256xf32, #tpu.memory_space<vmem_shared>>
        tpu.enqueue_dma source(%run_scoped3A_15 : memref<6256xf32, #tpu.memory_space<vmem>>) target(%dma_start3A_61 : memref<6256xf32, #tpu.memory_space<vmem_shared>>) target_semaphore(%run_scoped3A_59 : memref<!tpu.dma_semaphore, #tpu.memory_space<semaphore_mem>>)
        %dma_wait3A_62 = tpu.memref_slice %arg7[%min3A_20] : memref<100000xf32, #tpu.memory_space<vmem_shared>> -> memref<6256xf32, #tpu.memory_space<vmem_shared>>
        %dma_wait3A_63 = tpu.memref_slice %arg7[%min3A_20] : memref<100000xf32, #tpu.memory_space<vmem_shared>> -> memref<6256xf32, #tpu.memory_space<vmem_shared>>
        tpu.wait_dma2 semaphore(%run_scoped3A_59 : memref<!tpu.dma_semaphore, #tpu.memory_space<semaphore_mem>>) src(%run_scoped3A_15 : memref<6256xf32, #tpu.memory_space<vmem>>) dst(%dma_wait3A_63 : memref<6256xf32, #tpu.memory_space<vmem_shared>>)
        tpu.yield
      }) : () -> ()
      tpu.yield
    }) : () -> ()
    %barrier3A = arith.constant 0 : index
    tpu.barrier barrier_id(%barrier3A)
    "tpu.region"() ({
      %run_scoped3A = memref.alloca() : memref<100000xf32, #tpu.memory_space<vmem>>
      tpu.enqueue_dma source(%arg7 : memref<100000xf32, #tpu.memory_space<vmem_shared>>) target(%run_scoped3A : memref<100000xf32, #tpu.memory_space<vmem>>) target_semaphore(%arg14 : memref<!tpu.dma_semaphore, #tpu.memory_space<semaphore_mem>>)
      tpu.wait_dma2 semaphore(%arg14 : memref<!tpu.dma_semaphore, #tpu.memory_space<semaphore_mem>>) src(%arg7 : memref<100000xf32, #tpu.memory_space<vmem_shared>>) dst(%run_scoped3A : memref<100000xf32, #tpu.memory_space<vmem>>)
      %iota3A = tpu.iota {dimensions = array<i32: 0>} : vector<16xi32>
      %mul3A_14 = arith.constant 200 : i32
      %mul3A_15 = vector.broadcast %mul3A_14 : i32 to vector<16xi32>
      %mul3A_16 = arith.muli %iota3A, %mul3A_15 : vector<16xi32>
      %dma_wait3A = tpu.memref_slice %arg2[%mul3A_6] : memref<3276800xi32, #tpu.memory_space<hbm>> -> memref<6400xi32, #tpu.memory_space<hbm>>
      %dma_wait3A_17 = tpu.memref_slice %arg2[%mul3A_6] : memref<3276800xi32, #tpu.memory_space<hbm>> -> memref<6400xi32, #tpu.memory_space<hbm>>
      tpu.wait_dma2 semaphore(%arg12 : memref<!tpu.dma_semaphore, #tpu.memory_space<semaphore_mem>>) src(%dma_wait3A_17 : memref<6400xi32, #tpu.memory_space<hbm>>) dst(%arg8 : memref<6400xi32, #tpu.memory_space<vmem>>)
      %scan3A = arith.constant 0 : i32
      %scan3A_18 = arith.constant 0 : i32
      %scan3A_19 = arith.constant 2 : i32
      %scan3A_20 = arith.addi %scan3A_18, %scan3A_19 : i32
      %scan3A_21 = arith.constant 1 : i32
      scf.for %scan3A_227 = %scan3A_18 to %scan3A_20 step %scan3A_21  : i32 {
        %mul3A_228 = arith.constant 3200 : i32
        %mul3A_229 = arith.muli %scan3A_227, %mul3A_228 : i32
        %broadcast_in_dim3A = arith.constant 0.000000e+00 : f32
        %broadcast_in_dim3A_230 = vector.broadcast %broadcast_in_dim3A : f32 to vector<16xf32>
        %scan3A_231 = arith.constant 0 : i32
        %scan3A_232 = arith.constant 25 : i32
        %scan3A_233 = arith.addi %scan3A_231, %scan3A_232 : i32
        %scan3A_234 = arith.constant 1 : i32
        %scan3A_235 = scf.for %scan3A_244 = %scan3A_231 to %scan3A_233 step %scan3A_234 iter_args(%scan3A_245 = %broadcast_in_dim3A_230) -> (vector<16xf32>)  : i32 {
          %mul3A_246 = arith.constant 8 : i32
          %mul3A_247 = arith.muli %scan3A_244, %mul3A_246 : i32
          %add3A_248 = arith.addi %mul3A_229, %mul3A_247 : i32
          %add3A_249 = arith.constant 0 : i32
          %add3A_250 = arith.addi %add3A_248, %add3A_249 : i32
          %add3A_251 = vector.broadcast %add3A_250 : i32 to vector<16xi32>
          %add3A_252 = arith.addi %mul3A_16, %add3A_251 : vector<16xi32>
          %gather3A = tpu.vector_load_idx %arg8[%add3A_252] : memref<6400xi32, #tpu.memory_space<vmem>>[vector<16xi32>], vector<16xi32>,
          %gather3A_253 = tpu.vector_load_idx %run_scoped3A[%gather3A] : memref<100000xf32, #tpu.memory_space<vmem>>[vector<16xi32>], vector<16xf32>,
          %add3A_254 = arith.addf %scan3A_245, %gather3A_253 : vector<16xf32>
          %add3A_255 = arith.constant 1 : i32
          %add3A_256 = arith.addi %add3A_248, %add3A_255 : i32
          %add3A_257 = vector.broadcast %add3A_256 : i32 to vector<16xi32>
          %add3A_258 = arith.addi %mul3A_16, %add3A_257 : vector<16xi32>
          %gather3A_259 = tpu.vector_load_idx %arg8[%add3A_258] : memref<6400xi32, #tpu.memory_space<vmem>>[vector<16xi32>], vector<16xi32>,
          %gather3A_260 = tpu.vector_load_idx %run_scoped3A[%gather3A_259] : memref<100000xf32, #tpu.memory_space<vmem>>[vector<16xi32>], vector<16xf32>,
          %add3A_261 = arith.addf %add3A_254, %gather3A_260 : vector<16xf32>
          %add3A_262 = arith.constant 2 : i32
          %add3A_263 = arith.addi %add3A_248, %add3A_262 : i32
          %add3A_264 = vector.broadcast %add3A_263 : i32 to vector<16xi32>
          %add3A_265 = arith.addi %mul3A_16, %add3A_264 : vector<16xi32>
          %gather3A_266 = tpu.vector_load_idx %arg8[%add3A_265] : memref<6400xi32, #tpu.memory_space<vmem>>[vector<16xi32>], vector<16xi32>,
          %gather3A_267 = tpu.vector_load_idx %run_scoped3A[%gather3A_266] : memref<100000xf32, #tpu.memory_space<vmem>>[vector<16xi32>], vector<16xf32>,
          %add3A_268 = arith.addf %add3A_261, %gather3A_267 : vector<16xf32>
          %add3A_269 = arith.constant 3 : i32
          %add3A_270 = arith.addi %add3A_248, %add3A_269 : i32
          %add3A_271 = vector.broadcast %add3A_270 : i32 to vector<16xi32>
          %add3A_272 = arith.addi %mul3A_16, %add3A_271 : vector<16xi32>
          %gather3A_273 = tpu.vector_load_idx %arg8[%add3A_272] : memref<6400xi32, #tpu.memory_space<vmem>>[vector<16xi32>], vector<16xi32>,
          %gather3A_274 = tpu.vector_load_idx %run_scoped3A[%gather3A_273] : memref<100000xf32, #tpu.memory_space<vmem>>[vector<16xi32>], vector<16xf32>,
          %add3A_275 = arith.addf %add3A_268, %gather3A_274 : vector<16xf32>
          %add3A_276 = arith.constant 4 : i32
          %add3A_277 = arith.addi %add3A_248, %add3A_276 : i32
          %add3A_278 = vector.broadcast %add3A_277 : i32 to vector<16xi32>
          %add3A_279 = arith.addi %mul3A_16, %add3A_278 : vector<16xi32>
          %gather3A_280 = tpu.vector_load_idx %arg8[%add3A_279] : memref<6400xi32, #tpu.memory_space<vmem>>[vector<16xi32>], vector<16xi32>,
          %gather3A_281 = tpu.vector_load_idx %run_scoped3A[%gather3A_280] : memref<100000xf32, #tpu.memory_space<vmem>>[vector<16xi32>], vector<16xf32>,
          %add3A_282 = arith.addf %add3A_275, %gather3A_281 : vector<16xf32>
          %add3A_283 = arith.constant 5 : i32
          %add3A_284 = arith.addi %add3A_248, %add3A_283 : i32
          %add3A_285 = vector.broadcast %add3A_284 : i32 to vector<16xi32>
          %add3A_286 = arith.addi %mul3A_16, %add3A_285 : vector<16xi32>
          %gather3A_287 = tpu.vector_load_idx %arg8[%add3A_286] : memref<6400xi32, #tpu.memory_space<vmem>>[vector<16xi32>], vector<16xi32>,
          %gather3A_288 = tpu.vector_load_idx %run_scoped3A[%gather3A_287] : memref<100000xf32, #tpu.memory_space<vmem>>[vector<16xi32>], vector<16xf32>,
          %add3A_289 = arith.addf %add3A_282, %gather3A_288 : vector<16xf32>
          %add3A_290 = arith.constant 6 : i32
          %add3A_291 = arith.addi %add3A_248, %add3A_290 : i32
          %add3A_292 = vector.broadcast %add3A_291 : i32 to vector<16xi32>
          %add3A_293 = arith.addi %mul3A_16, %add3A_292 : vector<16xi32>
          %gather3A_294 = tpu.vector_load_idx %arg8[%add3A_293] : memref<6400xi32, #tpu.memory_space<vmem>>[vector<16xi32>], vector<16xi32>,
          %gather3A_295 = tpu.vector_load_idx %run_scoped3A[%gather3A_294] : memref<100000xf32, #tpu.memory_space<vmem>>[vector<16xi32>], vector<16xf32>,
          %add3A_296 = arith.addf %add3A_289, %gather3A_295 : vector<16xf32>
          %add3A_297 = arith.constant 7 : i32
          %add3A_298 = arith.addi %add3A_248, %add3A_297 : i32
          %add3A_299 = vector.broadcast %add3A_298 : i32 to vector<16xi32>
          %add3A_300 = arith.addi %mul3A_16, %add3A_299 : vector<16xi32>
          %gather3A_301 = tpu.vector_load_idx %arg8[%add3A_300] : memref<6400xi32, #tpu.memory_space<vmem>>[vector<16xi32>], vector<16xi32>,
          %gather3A_302 = tpu.vector_load_idx %run_scoped3A[%gather3A_301] : memref<100000xf32, #tpu.memory_space<vmem>>[vector<16xi32>], vector<16xf32>,
          %add3A_303 = arith.addf %add3A_296, %gather3A_302 : vector<16xf32>
          scf.yield %add3A_303 : vector<16xf32>
        }
        %scan3A_236 = arith.constant 25 : i32
        %get3A = arith.constant 0 : index
        %get3A_237 = tpu.vector_load %arg11[%get3A] {strides = array<i32>} : memref<16xf32, #tpu.memory_space<vmem>>, vector<16xf32>,
        %add3A_238 = arith.addf %scan3A_235, %get3A_237 : vector<16xf32>
        %add3A_239 = arith.constant 0 : i32
        %add3A_240 = arith.addi %add3A_239, %scan3A_227 : i32
        %mul3A_241 = arith.constant 16 : i32
        %mul3A_242 = arith.muli %add3A_240, %mul3A_241 : i32
        %swap3A = arith.index_cast %mul3A_242 : i32 to index
        %swap3A_243 = tpu.vector_load %arg10[%swap3A] {strides = array<i32>} : memref<512xf32, #tpu.memory_space<vmem>>, vector<16xf32>,
        tpu.vector_store %arg10[%swap3A], %add3A_238 {strides = array<i32>} : memref<512xf32, #tpu.memory_space<vmem>>, vector<16xf32>,
      }
      %scan3A_22 = arith.constant 2 : i32
      %add3A_23 = arith.constant 64 : i32
      %add3A_24 = arith.addi %mul3A_2, %add3A_23 : i32
      %mul3A_25 = arith.constant 200 : i32
      %mul3A_26 = arith.muli %add3A_24, %mul3A_25 : i32
      %dma_start3A_27 = tpu.memref_slice %arg2[%mul3A_26] : memref<3276800xi32, #tpu.memory_space<hbm>> -> memref<6400xi32, #tpu.memory_space<hbm>>
      %dma_start3A_28 = tpu.memref_slice %arg2[%mul3A_26] : memref<3276800xi32, #tpu.memory_space<hbm>> -> memref<6400xi32, #tpu.memory_space<hbm>>
      tpu.enqueue_dma source(%dma_start3A_28 : memref<6400xi32, #tpu.memory_space<hbm>>) target(%arg8 : memref<6400xi32, #tpu.memory_space<vmem>>) target_semaphore(%arg12 : memref<!tpu.dma_semaphore, #tpu.memory_space<semaphore_mem>>)
      %dma_wait3A_29 = tpu.memref_slice %arg2[%mul3A_11] : memref<3276800xi32, #tpu.memory_space<hbm>> -> memref<6400xi32, #tpu.memory_space<hbm>>
      %dma_wait3A_30 = tpu.memref_slice %arg2[%mul3A_11] : memref<3276800xi32, #tpu.memory_space<hbm>> -> memref<6400xi32, #tpu.memory_space<hbm>>
      tpu.wait_dma2 semaphore(%arg13 : memref<!tpu.dma_semaphore, #tpu.memory_space<semaphore_mem>>) src(%dma_wait3A_30 : memref<6400xi32, #tpu.memory_space<hbm>>) dst(%arg9 : memref<6400xi32, #tpu.memory_space<vmem>>)
      %scan3A_31 = arith.constant 0 : i32
      %scan3A_32 = arith.constant 0 : i32
      %scan3A_33 = arith.constant 2 : i32
      %scan3A_34 = arith.addi %scan3A_32, %scan3A_33 : i32
      %scan3A_35 = arith.constant 1 : i32
      scf.for %scan3A_227 = %scan3A_32 to %scan3A_34 step %scan3A_35  : i32 {
        %mul3A_228 = arith.constant 3200 : i32
        %mul3A_229 = arith.muli %scan3A_227, %mul3A_228 : i32
        %broadcast_in_dim3A = arith.constant 0.000000e+00 : f32
        %broadcast_in_dim3A_230 = vector.broadcast %broadcast_in_dim3A : f32 to vector<16xf32>
        %scan3A_231 = arith.constant 0 : i32
        %scan3A_232 = arith.constant 25 : i32
        %scan3A_233 = arith.addi %scan3A_231, %scan3A_232 : i32
        %scan3A_234 = arith.constant 1 : i32
        %scan3A_235 = scf.for %scan3A_244 = %scan3A_231 to %scan3A_233 step %scan3A_234 iter_args(%scan3A_245 = %broadcast_in_dim3A_230) -> (vector<16xf32>)  : i32 {
          %mul3A_246 = arith.constant 8 : i32
          %mul3A_247 = arith.muli %scan3A_244, %mul3A_246 : i32
          %add3A_248 = arith.addi %mul3A_229, %mul3A_247 : i32
          %add3A_249 = arith.constant 0 : i32
          %add3A_250 = arith.addi %add3A_248, %add3A_249 : i32
          %add3A_251 = vector.broadcast %add3A_250 : i32 to vector<16xi32>
          %add3A_252 = arith.addi %mul3A_16, %add3A_251 : vector<16xi32>
          %gather3A = tpu.vector_load_idx %arg9[%add3A_252] : memref<6400xi32, #tpu.memory_space<vmem>>[vector<16xi32>], vector<16xi32>,
          %gather3A_253 = tpu.vector_load_idx %run_scoped3A[%gather3A] : memref<100000xf32, #tpu.memory_space<vmem>>[vector<16xi32>], vector<16xf32>,
          %add3A_254 = arith.addf %scan3A_245, %gather3A_253 : vector<16xf32>
          %add3A_255 = arith.constant 1 : i32
          %add3A_256 = arith.addi %add3A_248, %add3A_255 : i32
          %add3A_257 = vector.broadcast %add3A_256 : i32 to vector<16xi32>
          %add3A_258 = arith.addi %mul3A_16, %add3A_257 : vector<16xi32>
          %gather3A_259 = tpu.vector_load_idx %arg9[%add3A_258] : memref<6400xi32, #tpu.memory_space<vmem>>[vector<16xi32>], vector<16xi32>,
          %gather3A_260 = tpu.vector_load_idx %run_scoped3A[%gather3A_259] : memref<100000xf32, #tpu.memory_space<vmem>>[vector<16xi32>], vector<16xf32>,
          %add3A_261 = arith.addf %add3A_254, %gather3A_260 : vector<16xf32>
          %add3A_262 = arith.constant 2 : i32
          %add3A_263 = arith.addi %add3A_248, %add3A_262 : i32
          %add3A_264 = vector.broadcast %add3A_263 : i32 to vector<16xi32>
          %add3A_265 = arith.addi %mul3A_16, %add3A_264 : vector<16xi32>
          %gather3A_266 = tpu.vector_load_idx %arg9[%add3A_265] : memref<6400xi32, #tpu.memory_space<vmem>>[vector<16xi32>], vector<16xi32>,
          %gather3A_267 = tpu.vector_load_idx %run_scoped3A[%gather3A_266] : memref<100000xf32, #tpu.memory_space<vmem>>[vector<16xi32>], vector<16xf32>,
          %add3A_268 = arith.addf %add3A_261, %gather3A_267 : vector<16xf32>
          %add3A_269 = arith.constant 3 : i32
          %add3A_270 = arith.addi %add3A_248, %add3A_269 : i32
          %add3A_271 = vector.broadcast %add3A_270 : i32 to vector<16xi32>
          %add3A_272 = arith.addi %mul3A_16, %add3A_271 : vector<16xi32>
          %gather3A_273 = tpu.vector_load_idx %arg9[%add3A_272] : memref<6400xi32, #tpu.memory_space<vmem>>[vector<16xi32>], vector<16xi32>,
          %gather3A_274 = tpu.vector_load_idx %run_scoped3A[%gather3A_273] : memref<100000xf32, #tpu.memory_space<vmem>>[vector<16xi32>], vector<16xf32>,
          %add3A_275 = arith.addf %add3A_268, %gather3A_274 : vector<16xf32>
          %add3A_276 = arith.constant 4 : i32
          %add3A_277 = arith.addi %add3A_248, %add3A_276 : i32
          %add3A_278 = vector.broadcast %add3A_277 : i32 to vector<16xi32>
          %add3A_279 = arith.addi %mul3A_16, %add3A_278 : vector<16xi32>
          %gather3A_280 = tpu.vector_load_idx %arg9[%add3A_279] : memref<6400xi32, #tpu.memory_space<vmem>>[vector<16xi32>], vector<16xi32>,
          %gather3A_281 = tpu.vector_load_idx %run_scoped3A[%gather3A_280] : memref<100000xf32, #tpu.memory_space<vmem>>[vector<16xi32>], vector<16xf32>,
          %add3A_282 = arith.addf %add3A_275, %gather3A_281 : vector<16xf32>
          %add3A_283 = arith.constant 5 : i32
          %add3A_284 = arith.addi %add3A_248, %add3A_283 : i32
          %add3A_285 = vector.broadcast %add3A_284 : i32 to vector<16xi32>
          %add3A_286 = arith.addi %mul3A_16, %add3A_285 : vector<16xi32>
          %gather3A_287 = tpu.vector_load_idx %arg9[%add3A_286] : memref<6400xi32, #tpu.memory_space<vmem>>[vector<16xi32>], vector<16xi32>,
          %gather3A_288 = tpu.vector_load_idx %run_scoped3A[%gather3A_287] : memref<100000xf32, #tpu.memory_space<vmem>>[vector<16xi32>], vector<16xf32>,
          %add3A_289 = arith.addf %add3A_282, %gather3A_288 : vector<16xf32>
          %add3A_290 = arith.constant 6 : i32
          %add3A_291 = arith.addi %add3A_248, %add3A_290 : i32
          %add3A_292 = vector.broadcast %add3A_291 : i32 to vector<16xi32>
          %add3A_293 = arith.addi %mul3A_16, %add3A_292 : vector<16xi32>
          %gather3A_294 = tpu.vector_load_idx %arg9[%add3A_293] : memref<6400xi32, #tpu.memory_space<vmem>>[vector<16xi32>], vector<16xi32>,
          %gather3A_295 = tpu.vector_load_idx %run_scoped3A[%gather3A_294] : memref<100000xf32, #tpu.memory_space<vmem>>[vector<16xi32>], vector<16xf32>,
          %add3A_296 = arith.addf %add3A_289, %gather3A_295 : vector<16xf32>
          %add3A_297 = arith.constant 7 : i32
          %add3A_298 = arith.addi %add3A_248, %add3A_297 : i32
          %add3A_299 = vector.broadcast %add3A_298 : i32 to vector<16xi32>
          %add3A_300 = arith.addi %mul3A_16, %add3A_299 : vector<16xi32>
          %gather3A_301 = tpu.vector_load_idx %arg9[%add3A_300] : memref<6400xi32, #tpu.memory_space<vmem>>[vector<16xi32>], vector<16xi32>,
          %gather3A_302 = tpu.vector_load_idx %run_scoped3A[%gather3A_301] : memref<100000xf32, #tpu.memory_space<vmem>>[vector<16xi32>], vector<16xf32>,
          %add3A_303 = arith.addf %add3A_296, %gather3A_302 : vector<16xf32>
          scf.yield %add3A_303 : vector<16xf32>
        }
        %scan3A_236 = arith.constant 25 : i32
        %get3A = arith.constant 0 : index
        %get3A_237 = tpu.vector_load %arg11[%get3A] {strides = array<i32>} : memref<16xf32, #tpu.memory_space<vmem>>, vector<16xf32>,
        %add3A_238 = arith.addf %scan3A_235, %get3A_237 : vector<16xf32>
        %add3A_239 = arith.constant 2 : i32
        %add3A_240 = arith.addi %add3A_239, %scan3A_227 : i32
        %mul3A_241 = arith.constant 16 : i32
        %mul3A_242 = arith.muli %add3A_240, %mul3A_241 : i32
        %swap3A = arith.index_cast %mul3A_242 : i32 to index
        %swap3A_243 = tpu.vector_load %arg10[%swap3A] {strides = array<i32>} : memref<512xf32, #tpu.memory_space<vmem>>, vector<16xf32>,
        tpu.vector_store %arg10[%swap3A], %add3A_238 {strides = array<i32>} : memref<512xf32, #tpu.memory_space<vmem>>, vector<16xf32>,
      }
      %scan3A_36 = arith.constant 2 : i32
      %add3A_37 = arith.constant 96 : i32
      %add3A_38 = arith.addi %mul3A_2, %add3A_37 : i32
      %mul3A_39 = arith.constant 200 : i32
      %mul3A_40 = arith.muli %add3A_38, %mul3A_39 : i32
      %dma_start3A_41 = tpu.memref_slice %arg2[%mul3A_40] : memref<3276800xi32, #tpu.memory_space<hbm>> -> memref<6400xi32, #tpu.memory_space<hbm>>
      %dma_start3A_42 = tpu.memref_slice %arg2[%mul3A_40] : memref<3276800xi32, #tpu.memory_space<hbm>> -> memref<6400xi32, #tpu.memory_space<hbm>>
      tpu.enqueue_dma source(%dma_start3A_42 : memref<6400xi32, #tpu.memory_space<hbm>>) target(%arg9 : memref<6400xi32, #tpu.memory_space<vmem>>) target_semaphore(%arg13 : memref<!tpu.dma_semaphore, #tpu.memory_space<semaphore_mem>>)
      %dma_wait3A_43 = tpu.memref_slice %arg2[%mul3A_26] : memref<3276800xi32, #tpu.memory_space<hbm>> -> memref<6400xi32, #tpu.memory_space<hbm>>
      %dma_wait3A_44 = tpu.memref_slice %arg2[%mul3A_26] : memref<3276800xi32, #tpu.memory_space<hbm>> -> memref<6400xi32, #tpu.memory_space<hbm>>
      tpu.wait_dma2 semaphore(%arg12 : memref<!tpu.dma_semaphore, #tpu.memory_space<semaphore_mem>>) src(%dma_wait3A_44 : memref<6400xi32, #tpu.memory_space<hbm>>) dst(%arg8 : memref<6400xi32, #tpu.memory_space<vmem>>)
      %scan3A_45 = arith.constant 0 : i32
      %scan3A_46 = arith.constant 0 : i32
      %scan3A_47 = arith.constant 2 : i32
      %scan3A_48 = arith.addi %scan3A_46, %scan3A_47 : i32
      %scan3A_49 = arith.constant 1 : i32
      scf.for %scan3A_227 = %scan3A_46 to %scan3A_48 step %scan3A_49  : i32 {
        %mul3A_228 = arith.constant 3200 : i32
        %mul3A_229 = arith.muli %scan3A_227, %mul3A_228 : i32
        %broadcast_in_dim3A = arith.constant 0.000000e+00 : f32
        %broadcast_in_dim3A_230 = vector.broadcast %broadcast_in_dim3A : f32 to vector<16xf32>
        %scan3A_231 = arith.constant 0 : i32
        %scan3A_232 = arith.constant 25 : i32
        %scan3A_233 = arith.addi %scan3A_231, %scan3A_232 : i32
        %scan3A_234 = arith.constant 1 : i32
        %scan3A_235 = scf.for %scan3A_244 = %scan3A_231 to %scan3A_233 step %scan3A_234 iter_args(%scan3A_245 = %broadcast_in_dim3A_230) -> (vector<16xf32>)  : i32 {
          %mul3A_246 = arith.constant 8 : i32
          %mul3A_247 = arith.muli %scan3A_244, %mul3A_246 : i32
          %add3A_248 = arith.addi %mul3A_229, %mul3A_247 : i32
          %add3A_249 = arith.constant 0 : i32
          %add3A_250 = arith.addi %add3A_248, %add3A_249 : i32
          %add3A_251 = vector.broadcast %add3A_250 : i32 to vector<16xi32>
          %add3A_252 = arith.addi %mul3A_16, %add3A_251 : vector<16xi32>
          %gather3A = tpu.vector_load_idx %arg8[%add3A_252] : memref<6400xi32, #tpu.memory_space<vmem>>[vector<16xi32>], vector<16xi32>,
          %gather3A_253 = tpu.vector_load_idx %run_scoped3A[%gather3A] : memref<100000xf32, #tpu.memory_space<vmem>>[vector<16xi32>], vector<16xf32>,
          %add3A_254 = arith.addf %scan3A_245, %gather3A_253 : vector<16xf32>
          %add3A_255 = arith.constant 1 : i32
          %add3A_256 = arith.addi %add3A_248, %add3A_255 : i32
          %add3A_257 = vector.broadcast %add3A_256 : i32 to vector<16xi32>
          %add3A_258 = arith.addi %mul3A_16, %add3A_257 : vector<16xi32>
          %gather3A_259 = tpu.vector_load_idx %arg8[%add3A_258] : memref<6400xi32, #tpu.memory_space<vmem>>[vector<16xi32>], vector<16xi32>,
          %gather3A_260 = tpu.vector_load_idx %run_scoped3A[%gather3A_259] : memref<100000xf32, #tpu.memory_space<vmem>>[vector<16xi32>], vector<16xf32>,
          %add3A_261 = arith.addf %add3A_254, %gather3A_260 : vector<16xf32>
          %add3A_262 = arith.constant 2 : i32
          %add3A_263 = arith.addi %add3A_248, %add3A_262 : i32
          %add3A_264 = vector.broadcast %add3A_263 : i32 to vector<16xi32>
          %add3A_265 = arith.addi %mul3A_16, %add3A_264 : vector<16xi32>
          %gather3A_266 = tpu.vector_load_idx %arg8[%add3A_265] : memref<6400xi32, #tpu.memory_space<vmem>>[vector<16xi32>], vector<16xi32>,
          %gather3A_267 = tpu.vector_load_idx %run_scoped3A[%gather3A_266] : memref<100000xf32, #tpu.memory_space<vmem>>[vector<16xi32>], vector<16xf32>,
          %add3A_268 = arith.addf %add3A_261, %gather3A_267 : vector<16xf32>
          %add3A_269 = arith.constant 3 : i32
          %add3A_270 = arith.addi %add3A_248, %add3A_269 : i32
          %add3A_271 = vector.broadcast %add3A_270 : i32 to vector<16xi32>
          %add3A_272 = arith.addi %mul3A_16, %add3A_271 : vector<16xi32>
          %gather3A_273 = tpu.vector_load_idx %arg8[%add3A_272] : memref<6400xi32, #tpu.memory_space<vmem>>[vector<16xi32>], vector<16xi32>,
          %gather3A_274 = tpu.vector_load_idx %run_scoped3A[%gather3A_273] : memref<100000xf32, #tpu.memory_space<vmem>>[vector<16xi32>], vector<16xf32>,
          %add3A_275 = arith.addf %add3A_268, %gather3A_274 : vector<16xf32>
          %add3A_276 = arith.constant 4 : i32
          %add3A_277 = arith.addi %add3A_248, %add3A_276 : i32
          %add3A_278 = vector.broadcast %add3A_277 : i32 to vector<16xi32>
          %add3A_279 = arith.addi %mul3A_16, %add3A_278 : vector<16xi32>
          %gather3A_280 = tpu.vector_load_idx %arg8[%add3A_279] : memref<6400xi32, #tpu.memory_space<vmem>>[vector<16xi32>], vector<16xi32>,
          %gather3A_281 = tpu.vector_load_idx %run_scoped3A[%gather3A_280] : memref<100000xf32, #tpu.memory_space<vmem>>[vector<16xi32>], vector<16xf32>,
          %add3A_282 = arith.addf %add3A_275, %gather3A_281 : vector<16xf32>
          %add3A_283 = arith.constant 5 : i32
          %add3A_284 = arith.addi %add3A_248, %add3A_283 : i32
          %add3A_285 = vector.broadcast %add3A_284 : i32 to vector<16xi32>
          %add3A_286 = arith.addi %mul3A_16, %add3A_285 : vector<16xi32>
          %gather3A_287 = tpu.vector_load_idx %arg8[%add3A_286] : memref<6400xi32, #tpu.memory_space<vmem>>[vector<16xi32>], vector<16xi32>,
          %gather3A_288 = tpu.vector_load_idx %run_scoped3A[%gather3A_287] : memref<100000xf32, #tpu.memory_space<vmem>>[vector<16xi32>], vector<16xf32>,
          %add3A_289 = arith.addf %add3A_282, %gather3A_288 : vector<16xf32>
          %add3A_290 = arith.constant 6 : i32
          %add3A_291 = arith.addi %add3A_248, %add3A_290 : i32
          %add3A_292 = vector.broadcast %add3A_291 : i32 to vector<16xi32>
          %add3A_293 = arith.addi %mul3A_16, %add3A_292 : vector<16xi32>
          %gather3A_294 = tpu.vector_load_idx %arg8[%add3A_293] : memref<6400xi32, #tpu.memory_space<vmem>>[vector<16xi32>], vector<16xi32>,
          %gather3A_295 = tpu.vector_load_idx %run_scoped3A[%gather3A_294] : memref<100000xf32, #tpu.memory_space<vmem>>[vector<16xi32>], vector<16xf32>,
          %add3A_296 = arith.addf %add3A_289, %gather3A_295 : vector<16xf32>
          %add3A_297 = arith.constant 7 : i32
          %add3A_298 = arith.addi %add3A_248, %add3A_297 : i32
          %add3A_299 = vector.broadcast %add3A_298 : i32 to vector<16xi32>
          %add3A_300 = arith.addi %mul3A_16, %add3A_299 : vector<16xi32>
          %gather3A_301 = tpu.vector_load_idx %arg8[%add3A_300] : memref<6400xi32, #tpu.memory_space<vmem>>[vector<16xi32>], vector<16xi32>,
          %gather3A_302 = tpu.vector_load_idx %run_scoped3A[%gather3A_301] : memref<100000xf32, #tpu.memory_space<vmem>>[vector<16xi32>], vector<16xf32>,
          %add3A_303 = arith.addf %add3A_296, %gather3A_302 : vector<16xf32>
          scf.yield %add3A_303 : vector<16xf32>
        }
        %scan3A_236 = arith.constant 25 : i32
        %get3A = arith.constant 0 : index
        %get3A_237 = tpu.vector_load %arg11[%get3A] {strides = array<i32>} : memref<16xf32, #tpu.memory_space<vmem>>, vector<16xf32>,
        %add3A_238 = arith.addf %scan3A_235, %get3A_237 : vector<16xf32>
        %add3A_239 = arith.constant 4 : i32
        %add3A_240 = arith.addi %add3A_239, %scan3A_227 : i32
        %mul3A_241 = arith.constant 16 : i32
        %mul3A_242 = arith.muli %add3A_240, %mul3A_241 : i32
        %swap3A = arith.index_cast %mul3A_242 : i32 to index
        %swap3A_243 = tpu.vector_load %arg10[%swap3A] {strides = array<i32>} : memref<512xf32, #tpu.memory_space<vmem>>, vector<16xf32>,
        tpu.vector_store %arg10[%swap3A], %add3A_238 {strides = array<i32>} : memref<512xf32, #tpu.memory_space<vmem>>, vector<16xf32>,
      }
      %scan3A_50 = arith.constant 2 : i32
      %add3A_51 = arith.constant 128 : i32
      %add3A_52 = arith.addi %mul3A_2, %add3A_51 : i32
      %mul3A_53 = arith.constant 200 : i32
      %mul3A_54 = arith.muli %add3A_52, %mul3A_53 : i32
      %dma_start3A_55 = tpu.memref_slice %arg2[%mul3A_54] : memref<3276800xi32, #tpu.memory_space<hbm>> -> memref<6400xi32, #tpu.memory_space<hbm>>
      %dma_start3A_56 = tpu.memref_slice %arg2[%mul3A_54] : memref<3276800xi32, #tpu.memory_space<hbm>> -> memref<6400xi32, #tpu.memory_space<hbm>>
      tpu.enqueue_dma source(%dma_start3A_56 : memref<6400xi32, #tpu.memory_space<hbm>>) target(%arg8 : memref<6400xi32, #tpu.memory_space<vmem>>) target_semaphore(%arg12 : memref<!tpu.dma_semaphore, #tpu.memory_space<semaphore_mem>>)
      %dma_wait3A_57 = tpu.memref_slice %arg2[%mul3A_40] : memref<3276800xi32, #tpu.memory_space<hbm>> -> memref<6400xi32, #tpu.memory_space<hbm>>
      %dma_wait3A_58 = tpu.memref_slice %arg2[%mul3A_40] : memref<3276800xi32, #tpu.memory_space<hbm>> -> memref<6400xi32, #tpu.memory_space<hbm>>
      tpu.wait_dma2 semaphore(%arg13 : memref<!tpu.dma_semaphore, #tpu.memory_space<semaphore_mem>>) src(%dma_wait3A_58 : memref<6400xi32, #tpu.memory_space<hbm>>) dst(%arg9 : memref<6400xi32, #tpu.memory_space<vmem>>)
      %scan3A_59 = arith.constant 0 : i32
      %scan3A_60 = arith.constant 0 : i32
      %scan3A_61 = arith.constant 2 : i32
      %scan3A_62 = arith.addi %scan3A_60, %scan3A_61 : i32
      %scan3A_63 = arith.constant 1 : i32
      scf.for %scan3A_227 = %scan3A_60 to %scan3A_62 step %scan3A_63  : i32 {
        %mul3A_228 = arith.constant 3200 : i32
        %mul3A_229 = arith.muli %scan3A_227, %mul3A_228 : i32
        %broadcast_in_dim3A = arith.constant 0.000000e+00 : f32
        %broadcast_in_dim3A_230 = vector.broadcast %broadcast_in_dim3A : f32 to vector<16xf32>
        %scan3A_231 = arith.constant 0 : i32
        %scan3A_232 = arith.constant 25 : i32
        %scan3A_233 = arith.addi %scan3A_231, %scan3A_232 : i32
        %scan3A_234 = arith.constant 1 : i32
        %scan3A_235 = scf.for %scan3A_244 = %scan3A_231 to %scan3A_233 step %scan3A_234 iter_args(%scan3A_245 = %broadcast_in_dim3A_230) -> (vector<16xf32>)  : i32 {
          %mul3A_246 = arith.constant 8 : i32
          %mul3A_247 = arith.muli %scan3A_244, %mul3A_246 : i32
          %add3A_248 = arith.addi %mul3A_229, %mul3A_247 : i32
          %add3A_249 = arith.constant 0 : i32
          %add3A_250 = arith.addi %add3A_248, %add3A_249 : i32
          %add3A_251 = vector.broadcast %add3A_250 : i32 to vector<16xi32>
          %add3A_252 = arith.addi %mul3A_16, %add3A_251 : vector<16xi32>
          %gather3A = tpu.vector_load_idx %arg9[%add3A_252] : memref<6400xi32, #tpu.memory_space<vmem>>[vector<16xi32>], vector<16xi32>,
          %gather3A_253 = tpu.vector_load_idx %run_scoped3A[%gather3A] : memref<100000xf32, #tpu.memory_space<vmem>>[vector<16xi32>], vector<16xf32>,
          %add3A_254 = arith.addf %scan3A_245, %gather3A_253 : vector<16xf32>
          %add3A_255 = arith.constant 1 : i32
          %add3A_256 = arith.addi %add3A_248, %add3A_255 : i32
          %add3A_257 = vector.broadcast %add3A_256 : i32 to vector<16xi32>
          %add3A_258 = arith.addi %mul3A_16, %add3A_257 : vector<16xi32>
          %gather3A_259 = tpu.vector_load_idx %arg9[%add3A_258] : memref<6400xi32, #tpu.memory_space<vmem>>[vector<16xi32>], vector<16xi32>,
          %gather3A_260 = tpu.vector_load_idx %run_scoped3A[%gather3A_259] : memref<100000xf32, #tpu.memory_space<vmem>>[vector<16xi32>], vector<16xf32>,
          %add3A_261 = arith.addf %add3A_254, %gather3A_260 : vector<16xf32>
          %add3A_262 = arith.constant 2 : i32
          %add3A_263 = arith.addi %add3A_248, %add3A_262 : i32
          %add3A_264 = vector.broadcast %add3A_263 : i32 to vector<16xi32>
          %add3A_265 = arith.addi %mul3A_16, %add3A_264 : vector<16xi32>
          %gather3A_266 = tpu.vector_load_idx %arg9[%add3A_265] : memref<6400xi32, #tpu.memory_space<vmem>>[vector<16xi32>], vector<16xi32>,
          %gather3A_267 = tpu.vector_load_idx %run_scoped3A[%gather3A_266] : memref<100000xf32, #tpu.memory_space<vmem>>[vector<16xi32>], vector<16xf32>,
          %add3A_268 = arith.addf %add3A_261, %gather3A_267 : vector<16xf32>
          %add3A_269 = arith.constant 3 : i32
          %add3A_270 = arith.addi %add3A_248, %add3A_269 : i32
          %add3A_271 = vector.broadcast %add3A_270 : i32 to vector<16xi32>
          %add3A_272 = arith.addi %mul3A_16, %add3A_271 : vector<16xi32>
          %gather3A_273 = tpu.vector_load_idx %arg9[%add3A_272] : memref<6400xi32, #tpu.memory_space<vmem>>[vector<16xi32>], vector<16xi32>,
          %gather3A_274 = tpu.vector_load_idx %run_scoped3A[%gather3A_273] : memref<100000xf32, #tpu.memory_space<vmem>>[vector<16xi32>], vector<16xf32>,
          %add3A_275 = arith.addf %add3A_268, %gather3A_274 : vector<16xf32>
          %add3A_276 = arith.constant 4 : i32
          %add3A_277 = arith.addi %add3A_248, %add3A_276 : i32
          %add3A_278 = vector.broadcast %add3A_277 : i32 to vector<16xi32>
          %add3A_279 = arith.addi %mul3A_16, %add3A_278 : vector<16xi32>
          %gather3A_280 = tpu.vector_load_idx %arg9[%add3A_279] : memref<6400xi32, #tpu.memory_space<vmem>>[vector<16xi32>], vector<16xi32>,
          %gather3A_281 = tpu.vector_load_idx %run_scoped3A[%gather3A_280] : memref<100000xf32, #tpu.memory_space<vmem>>[vector<16xi32>], vector<16xf32>,
          %add3A_282 = arith.addf %add3A_275, %gather3A_281 : vector<16xf32>
          %add3A_283 = arith.constant 5 : i32
          %add3A_284 = arith.addi %add3A_248, %add3A_283 : i32
          %add3A_285 = vector.broadcast %add3A_284 : i32 to vector<16xi32>
          %add3A_286 = arith.addi %mul3A_16, %add3A_285 : vector<16xi32>
          %gather3A_287 = tpu.vector_load_idx %arg9[%add3A_286] : memref<6400xi32, #tpu.memory_space<vmem>>[vector<16xi32>], vector<16xi32>,
          %gather3A_288 = tpu.vector_load_idx %run_scoped3A[%gather3A_287] : memref<100000xf32, #tpu.memory_space<vmem>>[vector<16xi32>], vector<16xf32>,
          %add3A_289 = arith.addf %add3A_282, %gather3A_288 : vector<16xf32>
          %add3A_290 = arith.constant 6 : i32
          %add3A_291 = arith.addi %add3A_248, %add3A_290 : i32
          %add3A_292 = vector.broadcast %add3A_291 : i32 to vector<16xi32>
          %add3A_293 = arith.addi %mul3A_16, %add3A_292 : vector<16xi32>
          %gather3A_294 = tpu.vector_load_idx %arg9[%add3A_293] : memref<6400xi32, #tpu.memory_space<vmem>>[vector<16xi32>], vector<16xi32>,
          %gather3A_295 = tpu.vector_load_idx %run_scoped3A[%gather3A_294] : memref<100000xf32, #tpu.memory_space<vmem>>[vector<16xi32>], vector<16xf32>,
          %add3A_296 = arith.addf %add3A_289, %gather3A_295 : vector<16xf32>
          %add3A_297 = arith.constant 7 : i32
          %add3A_298 = arith.addi %add3A_248, %add3A_297 : i32
          %add3A_299 = vector.broadcast %add3A_298 : i32 to vector<16xi32>
          %add3A_300 = arith.addi %mul3A_16, %add3A_299 : vector<16xi32>
          %gather3A_301 = tpu.vector_load_idx %arg9[%add3A_300] : memref<6400xi32, #tpu.memory_space<vmem>>[vector<16xi32>], vector<16xi32>,
          %gather3A_302 = tpu.vector_load_idx %run_scoped3A[%gather3A_301] : memref<100000xf32, #tpu.memory_space<vmem>>[vector<16xi32>], vector<16xf32>,
          %add3A_303 = arith.addf %add3A_296, %gather3A_302 : vector<16xf32>
          scf.yield %add3A_303 : vector<16xf32>
        }
        %scan3A_236 = arith.constant 25 : i32
        %get3A = arith.constant 0 : index
        %get3A_237 = tpu.vector_load %arg11[%get3A] {strides = array<i32>} : memref<16xf32, #tpu.memory_space<vmem>>, vector<16xf32>,
        %add3A_238 = arith.addf %scan3A_235, %get3A_237 : vector<16xf32>
        %add3A_239 = arith.constant 6 : i32
        %add3A_240 = arith.addi %add3A_239, %scan3A_227 : i32
        %mul3A_241 = arith.constant 16 : i32
        %mul3A_242 = arith.muli %add3A_240, %mul3A_241 : i32
        %swap3A = arith.index_cast %mul3A_242 : i32 to index
        %swap3A_243 = tpu.vector_load %arg10[%swap3A] {strides = array<i32>} : memref<512xf32, #tpu.memory_space<vmem>>, vector<16xf32>,
        tpu.vector_store %arg10[%swap3A], %add3A_238 {strides = array<i32>} : memref<512xf32, #tpu.memory_space<vmem>>, vector<16xf32>,
      }
      %scan3A_64 = arith.constant 2 : i32
      %add3A_65 = arith.constant 160 : i32
      %add3A_66 = arith.addi %mul3A_2, %add3A_65 : i32
      %mul3A_67 = arith.constant 200 : i32
      %mul3A_68 = arith.muli %add3A_66, %mul3A_67 : i32
      %dma_start3A_69 = tpu.memref_slice %arg2[%mul3A_68] : memref<3276800xi32, #tpu.memory_space<hbm>> -> memref<6400xi32, #tpu.memory_space<hbm>>
      %dma_start3A_70 = tpu.memref_slice %arg2[%mul3A_68] : memref<3276800xi32, #tpu.memory_space<hbm>> -> memref<6400xi32, #tpu.memory_space<hbm>>
      tpu.enqueue_dma source(%dma_start3A_70 : memref<6400xi32, #tpu.memory_space<hbm>>) target(%arg9 : memref<6400xi32, #tpu.memory_space<vmem>>) target_semaphore(%arg13 : memref<!tpu.dma_semaphore, #tpu.memory_space<semaphore_mem>>)
      %dma_wait3A_71 = tpu.memref_slice %arg2[%mul3A_54] : memref<3276800xi32, #tpu.memory_space<hbm>> -> memref<6400xi32, #tpu.memory_space<hbm>>
      %dma_wait3A_72 = tpu.memref_slice %arg2[%mul3A_54] : memref<3276800xi32, #tpu.memory_space<hbm>> -> memref<6400xi32, #tpu.memory_space<hbm>>
      tpu.wait_dma2 semaphore(%arg12 : memref<!tpu.dma_semaphore, #tpu.memory_space<semaphore_mem>>) src(%dma_wait3A_72 : memref<6400xi32, #tpu.memory_space<hbm>>) dst(%arg8 : memref<6400xi32, #tpu.memory_space<vmem>>)
      %scan3A_73 = arith.constant 0 : i32
      %scan3A_74 = arith.constant 0 : i32
      %scan3A_75 = arith.constant 2 : i32
      %scan3A_76 = arith.addi %scan3A_74, %scan3A_75 : i32
      %scan3A_77 = arith.constant 1 : i32
      scf.for %scan3A_227 = %scan3A_74 to %scan3A_76 step %scan3A_77  : i32 {
        %mul3A_228 = arith.constant 3200 : i32
        %mul3A_229 = arith.muli %scan3A_227, %mul3A_228 : i32
        %broadcast_in_dim3A = arith.constant 0.000000e+00 : f32
        %broadcast_in_dim3A_230 = vector.broadcast %broadcast_in_dim3A : f32 to vector<16xf32>
        %scan3A_231 = arith.constant 0 : i32
        %scan3A_232 = arith.constant 25 : i32
        %scan3A_233 = arith.addi %scan3A_231, %scan3A_232 : i32
        %scan3A_234 = arith.constant 1 : i32
        %scan3A_235 = scf.for %scan3A_244 = %scan3A_231 to %scan3A_233 step %scan3A_234 iter_args(%scan3A_245 = %broadcast_in_dim3A_230) -> (vector<16xf32>)  : i32 {
          %mul3A_246 = arith.constant 8 : i32
          %mul3A_247 = arith.muli %scan3A_244, %mul3A_246 : i32
          %add3A_248 = arith.addi %mul3A_229, %mul3A_247 : i32
          %add3A_249 = arith.constant 0 : i32
          %add3A_250 = arith.addi %add3A_248, %add3A_249 : i32
          %add3A_251 = vector.broadcast %add3A_250 : i32 to vector<16xi32>
          %add3A_252 = arith.addi %mul3A_16, %add3A_251 : vector<16xi32>
          %gather3A = tpu.vector_load_idx %arg8[%add3A_252] : memref<6400xi32, #tpu.memory_space<vmem>>[vector<16xi32>], vector<16xi32>,
          %gather3A_253 = tpu.vector_load_idx %run_scoped3A[%gather3A] : memref<100000xf32, #tpu.memory_space<vmem>>[vector<16xi32>], vector<16xf32>,
          %add3A_254 = arith.addf %scan3A_245, %gather3A_253 : vector<16xf32>
          %add3A_255 = arith.constant 1 : i32
          %add3A_256 = arith.addi %add3A_248, %add3A_255 : i32
          %add3A_257 = vector.broadcast %add3A_256 : i32 to vector<16xi32>
          %add3A_258 = arith.addi %mul3A_16, %add3A_257 : vector<16xi32>
          %gather3A_259 = tpu.vector_load_idx %arg8[%add3A_258] : memref<6400xi32, #tpu.memory_space<vmem>>[vector<16xi32>], vector<16xi32>,
          %gather3A_260 = tpu.vector_load_idx %run_scoped3A[%gather3A_259] : memref<100000xf32, #tpu.memory_space<vmem>>[vector<16xi32>], vector<16xf32>,
          %add3A_261 = arith.addf %add3A_254, %gather3A_260 : vector<16xf32>
          %add3A_262 = arith.constant 2 : i32
          %add3A_263 = arith.addi %add3A_248, %add3A_262 : i32
          %add3A_264 = vector.broadcast %add3A_263 : i32 to vector<16xi32>
          %add3A_265 = arith.addi %mul3A_16, %add3A_264 : vector<16xi32>
          %gather3A_266 = tpu.vector_load_idx %arg8[%add3A_265] : memref<6400xi32, #tpu.memory_space<vmem>>[vector<16xi32>], vector<16xi32>,
          %gather3A_267 = tpu.vector_load_idx %run_scoped3A[%gather3A_266] : memref<100000xf32, #tpu.memory_space<vmem>>[vector<16xi32>], vector<16xf32>,
          %add3A_268 = arith.addf %add3A_261, %gather3A_267 : vector<16xf32>
          %add3A_269 = arith.constant 3 : i32
          %add3A_270 = arith.addi %add3A_248, %add3A_269 : i32
          %add3A_271 = vector.broadcast %add3A_270 : i32 to vector<16xi32>
          %add3A_272 = arith.addi %mul3A_16, %add3A_271 : vector<16xi32>
          %gather3A_273 = tpu.vector_load_idx %arg8[%add3A_272] : memref<6400xi32, #tpu.memory_space<vmem>>[vector<16xi32>], vector<16xi32>,
          %gather3A_274 = tpu.vector_load_idx %run_scoped3A[%gather3A_273] : memref<100000xf32, #tpu.memory_space<vmem>>[vector<16xi32>], vector<16xf32>,
          %add3A_275 = arith.addf %add3A_268, %gather3A_274 : vector<16xf32>
          %add3A_276 = arith.constant 4 : i32
          %add3A_277 = arith.addi %add3A_248, %add3A_276 : i32
          %add3A_278 = vector.broadcast %add3A_277 : i32 to vector<16xi32>
          %add3A_279 = arith.addi %mul3A_16, %add3A_278 : vector<16xi32>
          %gather3A_280 = tpu.vector_load_idx %arg8[%add3A_279] : memref<6400xi32, #tpu.memory_space<vmem>>[vector<16xi32>], vector<16xi32>,
          %gather3A_281 = tpu.vector_load_idx %run_scoped3A[%gather3A_280] : memref<100000xf32, #tpu.memory_space<vmem>>[vector<16xi32>], vector<16xf32>,
          %add3A_282 = arith.addf %add3A_275, %gather3A_281 : vector<16xf32>
          %add3A_283 = arith.constant 5 : i32
          %add3A_284 = arith.addi %add3A_248, %add3A_283 : i32
          %add3A_285 = vector.broadcast %add3A_284 : i32 to vector<16xi32>
          %add3A_286 = arith.addi %mul3A_16, %add3A_285 : vector<16xi32>
          %gather3A_287 = tpu.vector_load_idx %arg8[%add3A_286] : memref<6400xi32, #tpu.memory_space<vmem>>[vector<16xi32>], vector<16xi32>,
          %gather3A_288 = tpu.vector_load_idx %run_scoped3A[%gather3A_287] : memref<100000xf32, #tpu.memory_space<vmem>>[vector<16xi32>], vector<16xf32>,
          %add3A_289 = arith.addf %add3A_282, %gather3A_288 : vector<16xf32>
          %add3A_290 = arith.constant 6 : i32
          %add3A_291 = arith.addi %add3A_248, %add3A_290 : i32
          %add3A_292 = vector.broadcast %add3A_291 : i32 to vector<16xi32>
          %add3A_293 = arith.addi %mul3A_16, %add3A_292 : vector<16xi32>
          %gather3A_294 = tpu.vector_load_idx %arg8[%add3A_293] : memref<6400xi32, #tpu.memory_space<vmem>>[vector<16xi32>], vector<16xi32>,
          %gather3A_295 = tpu.vector_load_idx %run_scoped3A[%gather3A_294] : memref<100000xf32, #tpu.memory_space<vmem>>[vector<16xi32>], vector<16xf32>,
          %add3A_296 = arith.addf %add3A_289, %gather3A_295 : vector<16xf32>
          %add3A_297 = arith.constant 7 : i32
          %add3A_298 = arith.addi %add3A_248, %add3A_297 : i32
          %add3A_299 = vector.broadcast %add3A_298 : i32 to vector<16xi32>
          %add3A_300 = arith.addi %mul3A_16, %add3A_299 : vector<16xi32>
          %gather3A_301 = tpu.vector_load_idx %arg8[%add3A_300] : memref<6400xi32, #tpu.memory_space<vmem>>[vector<16xi32>], vector<16xi32>,
          %gather3A_302 = tpu.vector_load_idx %run_scoped3A[%gather3A_301] : memref<100000xf32, #tpu.memory_space<vmem>>[vector<16xi32>], vector<16xf32>,
          %add3A_303 = arith.addf %add3A_296, %gather3A_302 : vector<16xf32>
          scf.yield %add3A_303 : vector<16xf32>
        }
        %scan3A_236 = arith.constant 25 : i32
        %get3A = arith.constant 0 : index
        %get3A_237 = tpu.vector_load %arg11[%get3A] {strides = array<i32>} : memref<16xf32, #tpu.memory_space<vmem>>, vector<16xf32>,
        %add3A_238 = arith.addf %scan3A_235, %get3A_237 : vector<16xf32>
        %add3A_239 = arith.constant 8 : i32
        %add3A_240 = arith.addi %add3A_239, %scan3A_227 : i32
        %mul3A_241 = arith.constant 16 : i32
        %mul3A_242 = arith.muli %add3A_240, %mul3A_241 : i32
        %swap3A = arith.index_cast %mul3A_242 : i32 to index
        %swap3A_243 = tpu.vector_load %arg10[%swap3A] {strides = array<i32>} : memref<512xf32, #tpu.memory_space<vmem>>, vector<16xf32>,
        tpu.vector_store %arg10[%swap3A], %add3A_238 {strides = array<i32>} : memref<512xf32, #tpu.memory_space<vmem>>, vector<16xf32>,
      }
      %scan3A_78 = arith.constant 2 : i32
      %add3A_79 = arith.constant 192 : i32
      %add3A_80 = arith.addi %mul3A_2, %add3A_79 : i32
      %mul3A_81 = arith.constant 200 : i32
      %mul3A_82 = arith.muli %add3A_80, %mul3A_81 : i32
      %dma_start3A_83 = tpu.memref_slice %arg2[%mul3A_82] : memref<3276800xi32, #tpu.memory_space<hbm>> -> memref<6400xi32, #tpu.memory_space<hbm>>
      %dma_start3A_84 = tpu.memref_slice %arg2[%mul3A_82] : memref<3276800xi32, #tpu.memory_space<hbm>> -> memref<6400xi32, #tpu.memory_space<hbm>>
      tpu.enqueue_dma source(%dma_start3A_84 : memref<6400xi32, #tpu.memory_space<hbm>>) target(%arg8 : memref<6400xi32, #tpu.memory_space<vmem>>) target_semaphore(%arg12 : memref<!tpu.dma_semaphore, #tpu.memory_space<semaphore_mem>>)
      %dma_wait3A_85 = tpu.memref_slice %arg2[%mul3A_68] : memref<3276800xi32, #tpu.memory_space<hbm>> -> memref<6400xi32, #tpu.memory_space<hbm>>
      %dma_wait3A_86 = tpu.memref_slice %arg2[%mul3A_68] : memref<3276800xi32, #tpu.memory_space<hbm>> -> memref<6400xi32, #tpu.memory_space<hbm>>
      tpu.wait_dma2 semaphore(%arg13 : memref<!tpu.dma_semaphore, #tpu.memory_space<semaphore_mem>>) src(%dma_wait3A_86 : memref<6400xi32, #tpu.memory_space<hbm>>) dst(%arg9 : memref<6400xi32, #tpu.memory_space<vmem>>)
      %scan3A_87 = arith.constant 0 : i32
      %scan3A_88 = arith.constant 0 : i32
      %scan3A_89 = arith.constant 2 : i32
      %scan3A_90 = arith.addi %scan3A_88, %scan3A_89 : i32
      %scan3A_91 = arith.constant 1 : i32
      scf.for %scan3A_227 = %scan3A_88 to %scan3A_90 step %scan3A_91  : i32 {
        %mul3A_228 = arith.constant 3200 : i32
        %mul3A_229 = arith.muli %scan3A_227, %mul3A_228 : i32
        %broadcast_in_dim3A = arith.constant 0.000000e+00 : f32
        %broadcast_in_dim3A_230 = vector.broadcast %broadcast_in_dim3A : f32 to vector<16xf32>
        %scan3A_231 = arith.constant 0 : i32
        %scan3A_232 = arith.constant 25 : i32
        %scan3A_233 = arith.addi %scan3A_231, %scan3A_232 : i32
        %scan3A_234 = arith.constant 1 : i32
        %scan3A_235 = scf.for %scan3A_244 = %scan3A_231 to %scan3A_233 step %scan3A_234 iter_args(%scan3A_245 = %broadcast_in_dim3A_230) -> (vector<16xf32>)  : i32 {
          %mul3A_246 = arith.constant 8 : i32
          %mul3A_247 = arith.muli %scan3A_244, %mul3A_246 : i32
          %add3A_248 = arith.addi %mul3A_229, %mul3A_247 : i32
          %add3A_249 = arith.constant 0 : i32
          %add3A_250 = arith.addi %add3A_248, %add3A_249 : i32
          %add3A_251 = vector.broadcast %add3A_250 : i32 to vector<16xi32>
          %add3A_252 = arith.addi %mul3A_16, %add3A_251 : vector<16xi32>
          %gather3A = tpu.vector_load_idx %arg9[%add3A_252] : memref<6400xi32, #tpu.memory_space<vmem>>[vector<16xi32>], vector<16xi32>,
          %gather3A_253 = tpu.vector_load_idx %run_scoped3A[%gather3A] : memref<100000xf32, #tpu.memory_space<vmem>>[vector<16xi32>], vector<16xf32>,
          %add3A_254 = arith.addf %scan3A_245, %gather3A_253 : vector<16xf32>
          %add3A_255 = arith.constant 1 : i32
          %add3A_256 = arith.addi %add3A_248, %add3A_255 : i32
          %add3A_257 = vector.broadcast %add3A_256 : i32 to vector<16xi32>
          %add3A_258 = arith.addi %mul3A_16, %add3A_257 : vector<16xi32>
          %gather3A_259 = tpu.vector_load_idx %arg9[%add3A_258] : memref<6400xi32, #tpu.memory_space<vmem>>[vector<16xi32>], vector<16xi32>,
          %gather3A_260 = tpu.vector_load_idx %run_scoped3A[%gather3A_259] : memref<100000xf32, #tpu.memory_space<vmem>>[vector<16xi32>], vector<16xf32>,
          %add3A_261 = arith.addf %add3A_254, %gather3A_260 : vector<16xf32>
          %add3A_262 = arith.constant 2 : i32
          %add3A_263 = arith.addi %add3A_248, %add3A_262 : i32
          %add3A_264 = vector.broadcast %add3A_263 : i32 to vector<16xi32>
          %add3A_265 = arith.addi %mul3A_16, %add3A_264 : vector<16xi32>
          %gather3A_266 = tpu.vector_load_idx %arg9[%add3A_265] : memref<6400xi32, #tpu.memory_space<vmem>>[vector<16xi32>], vector<16xi32>,
          %gather3A_267 = tpu.vector_load_idx %run_scoped3A[%gather3A_266] : memref<100000xf32, #tpu.memory_space<vmem>>[vector<16xi32>], vector<16xf32>,
          %add3A_268 = arith.addf %add3A_261, %gather3A_267 : vector<16xf32>
          %add3A_269 = arith.constant 3 : i32
          %add3A_270 = arith.addi %add3A_248, %add3A_269 : i32
          %add3A_271 = vector.broadcast %add3A_270 : i32 to vector<16xi32>
          %add3A_272 = arith.addi %mul3A_16, %add3A_271 : vector<16xi32>
          %gather3A_273 = tpu.vector_load_idx %arg9[%add3A_272] : memref<6400xi32, #tpu.memory_space<vmem>>[vector<16xi32>], vector<16xi32>,
          %gather3A_274 = tpu.vector_load_idx %run_scoped3A[%gather3A_273] : memref<100000xf32, #tpu.memory_space<vmem>>[vector<16xi32>], vector<16xf32>,
          %add3A_275 = arith.addf %add3A_268, %gather3A_274 : vector<16xf32>
          %add3A_276 = arith.constant 4 : i32
          %add3A_277 = arith.addi %add3A_248, %add3A_276 : i32
          %add3A_278 = vector.broadcast %add3A_277 : i32 to vector<16xi32>
          %add3A_279 = arith.addi %mul3A_16, %add3A_278 : vector<16xi32>
          %gather3A_280 = tpu.vector_load_idx %arg9[%add3A_279] : memref<6400xi32, #tpu.memory_space<vmem>>[vector<16xi32>], vector<16xi32>,
          %gather3A_281 = tpu.vector_load_idx %run_scoped3A[%gather3A_280] : memref<100000xf32, #tpu.memory_space<vmem>>[vector<16xi32>], vector<16xf32>,
          %add3A_282 = arith.addf %add3A_275, %gather3A_281 : vector<16xf32>
          %add3A_283 = arith.constant 5 : i32
          %add3A_284 = arith.addi %add3A_248, %add3A_283 : i32
          %add3A_285 = vector.broadcast %add3A_284 : i32 to vector<16xi32>
          %add3A_286 = arith.addi %mul3A_16, %add3A_285 : vector<16xi32>
          %gather3A_287 = tpu.vector_load_idx %arg9[%add3A_286] : memref<6400xi32, #tpu.memory_space<vmem>>[vector<16xi32>], vector<16xi32>,
          %gather3A_288 = tpu.vector_load_idx %run_scoped3A[%gather3A_287] : memref<100000xf32, #tpu.memory_space<vmem>>[vector<16xi32>], vector<16xf32>,
          %add3A_289 = arith.addf %add3A_282, %gather3A_288 : vector<16xf32>
          %add3A_290 = arith.constant 6 : i32
          %add3A_291 = arith.addi %add3A_248, %add3A_290 : i32
          %add3A_292 = vector.broadcast %add3A_291 : i32 to vector<16xi32>
          %add3A_293 = arith.addi %mul3A_16, %add3A_292 : vector<16xi32>
          %gather3A_294 = tpu.vector_load_idx %arg9[%add3A_293] : memref<6400xi32, #tpu.memory_space<vmem>>[vector<16xi32>], vector<16xi32>,
          %gather3A_295 = tpu.vector_load_idx %run_scoped3A[%gather3A_294] : memref<100000xf32, #tpu.memory_space<vmem>>[vector<16xi32>], vector<16xf32>,
          %add3A_296 = arith.addf %add3A_289, %gather3A_295 : vector<16xf32>
          %add3A_297 = arith.constant 7 : i32
          %add3A_298 = arith.addi %add3A_248, %add3A_297 : i32
          %add3A_299 = vector.broadcast %add3A_298 : i32 to vector<16xi32>
          %add3A_300 = arith.addi %mul3A_16, %add3A_299 : vector<16xi32>
          %gather3A_301 = tpu.vector_load_idx %arg9[%add3A_300] : memref<6400xi32, #tpu.memory_space<vmem>>[vector<16xi32>], vector<16xi32>,
          %gather3A_302 = tpu.vector_load_idx %run_scoped3A[%gather3A_301] : memref<100000xf32, #tpu.memory_space<vmem>>[vector<16xi32>], vector<16xf32>,
          %add3A_303 = arith.addf %add3A_296, %gather3A_302 : vector<16xf32>
          scf.yield %add3A_303 : vector<16xf32>
        }
        %scan3A_236 = arith.constant 25 : i32
        %get3A = arith.constant 0 : index
        %get3A_237 = tpu.vector_load %arg11[%get3A] {strides = array<i32>} : memref<16xf32, #tpu.memory_space<vmem>>, vector<16xf32>,
        %add3A_238 = arith.addf %scan3A_235, %get3A_237 : vector<16xf32>
        %add3A_239 = arith.constant 10 : i32
        %add3A_240 = arith.addi %add3A_239, %scan3A_227 : i32
        %mul3A_241 = arith.constant 16 : i32
        %mul3A_242 = arith.muli %add3A_240, %mul3A_241 : i32
        %swap3A = arith.index_cast %mul3A_242 : i32 to index
        %swap3A_243 = tpu.vector_load %arg10[%swap3A] {strides = array<i32>} : memref<512xf32, #tpu.memory_space<vmem>>, vector<16xf32>,
        tpu.vector_store %arg10[%swap3A], %add3A_238 {strides = array<i32>} : memref<512xf32, #tpu.memory_space<vmem>>, vector<16xf32>,
      }
      %scan3A_92 = arith.constant 2 : i32
      %add3A_93 = arith.constant 224 : i32
      %add3A_94 = arith.addi %mul3A_2, %add3A_93 : i32
      %mul3A_95 = arith.constant 200 : i32
      %mul3A_96 = arith.muli %add3A_94, %mul3A_95 : i32
      %dma_start3A_97 = tpu.memref_slice %arg2[%mul3A_96] : memref<3276800xi32, #tpu.memory_space<hbm>> -> memref<6400xi32, #tpu.memory_space<hbm>>
      %dma_start3A_98 = tpu.memref_slice %arg2[%mul3A_96] : memref<3276800xi32, #tpu.memory_space<hbm>> -> memref<6400xi32, #tpu.memory_space<hbm>>
      tpu.enqueue_dma source(%dma_start3A_98 : memref<6400xi32, #tpu.memory_space<hbm>>) target(%arg9 : memref<6400xi32, #tpu.memory_space<vmem>>) target_semaphore(%arg13 : memref<!tpu.dma_semaphore, #tpu.memory_space<semaphore_mem>>)
      %dma_wait3A_99 = tpu.memref_slice %arg2[%mul3A_82] : memref<3276800xi32, #tpu.memory_space<hbm>> -> memref<6400xi32, #tpu.memory_space<hbm>>
      %dma_wait3A_100 = tpu.memref_slice %arg2[%mul3A_82] : memref<3276800xi32, #tpu.memory_space<hbm>> -> memref<6400xi32, #tpu.memory_space<hbm>>
      tpu.wait_dma2 semaphore(%arg12 : memref<!tpu.dma_semaphore, #tpu.memory_space<semaphore_mem>>) src(%dma_wait3A_100 : memref<6400xi32, #tpu.memory_space<hbm>>) dst(%arg8 : memref<6400xi32, #tpu.memory_space<vmem>>)
      %scan3A_101 = arith.constant 0 : i32
      %scan3A_102 = arith.constant 0 : i32
      %scan3A_103 = arith.constant 2 : i32
      %scan3A_104 = arith.addi %scan3A_102, %scan3A_103 : i32
      %scan3A_105 = arith.constant 1 : i32
      scf.for %scan3A_227 = %scan3A_102 to %scan3A_104 step %scan3A_105  : i32 {
        %mul3A_228 = arith.constant 3200 : i32
        %mul3A_229 = arith.muli %scan3A_227, %mul3A_228 : i32
        %broadcast_in_dim3A = arith.constant 0.000000e+00 : f32
        %broadcast_in_dim3A_230 = vector.broadcast %broadcast_in_dim3A : f32 to vector<16xf32>
        %scan3A_231 = arith.constant 0 : i32
        %scan3A_232 = arith.constant 25 : i32
        %scan3A_233 = arith.addi %scan3A_231, %scan3A_232 : i32
        %scan3A_234 = arith.constant 1 : i32
        %scan3A_235 = scf.for %scan3A_244 = %scan3A_231 to %scan3A_233 step %scan3A_234 iter_args(%scan3A_245 = %broadcast_in_dim3A_230) -> (vector<16xf32>)  : i32 {
          %mul3A_246 = arith.constant 8 : i32
          %mul3A_247 = arith.muli %scan3A_244, %mul3A_246 : i32
          %add3A_248 = arith.addi %mul3A_229, %mul3A_247 : i32
          %add3A_249 = arith.constant 0 : i32
          %add3A_250 = arith.addi %add3A_248, %add3A_249 : i32
          %add3A_251 = vector.broadcast %add3A_250 : i32 to vector<16xi32>
          %add3A_252 = arith.addi %mul3A_16, %add3A_251 : vector<16xi32>
          %gather3A = tpu.vector_load_idx %arg8[%add3A_252] : memref<6400xi32, #tpu.memory_space<vmem>>[vector<16xi32>], vector<16xi32>,
          %gather3A_253 = tpu.vector_load_idx %run_scoped3A[%gather3A] : memref<100000xf32, #tpu.memory_space<vmem>>[vector<16xi32>], vector<16xf32>,
          %add3A_254 = arith.addf %scan3A_245, %gather3A_253 : vector<16xf32>
          %add3A_255 = arith.constant 1 : i32
          %add3A_256 = arith.addi %add3A_248, %add3A_255 : i32
          %add3A_257 = vector.broadcast %add3A_256 : i32 to vector<16xi32>
          %add3A_258 = arith.addi %mul3A_16, %add3A_257 : vector<16xi32>
          %gather3A_259 = tpu.vector_load_idx %arg8[%add3A_258] : memref<6400xi32, #tpu.memory_space<vmem>>[vector<16xi32>], vector<16xi32>,
          %gather3A_260 = tpu.vector_load_idx %run_scoped3A[%gather3A_259] : memref<100000xf32, #tpu.memory_space<vmem>>[vector<16xi32>], vector<16xf32>,
          %add3A_261 = arith.addf %add3A_254, %gather3A_260 : vector<16xf32>
          %add3A_262 = arith.constant 2 : i32
          %add3A_263 = arith.addi %add3A_248, %add3A_262 : i32
          %add3A_264 = vector.broadcast %add3A_263 : i32 to vector<16xi32>
          %add3A_265 = arith.addi %mul3A_16, %add3A_264 : vector<16xi32>
          %gather3A_266 = tpu.vector_load_idx %arg8[%add3A_265] : memref<6400xi32, #tpu.memory_space<vmem>>[vector<16xi32>], vector<16xi32>,
          %gather3A_267 = tpu.vector_load_idx %run_scoped3A[%gather3A_266] : memref<100000xf32, #tpu.memory_space<vmem>>[vector<16xi32>], vector<16xf32>,
          %add3A_268 = arith.addf %add3A_261, %gather3A_267 : vector<16xf32>
          %add3A_269 = arith.constant 3 : i32
          %add3A_270 = arith.addi %add3A_248, %add3A_269 : i32
          %add3A_271 = vector.broadcast %add3A_270 : i32 to vector<16xi32>
          %add3A_272 = arith.addi %mul3A_16, %add3A_271 : vector<16xi32>
          %gather3A_273 = tpu.vector_load_idx %arg8[%add3A_272] : memref<6400xi32, #tpu.memory_space<vmem>>[vector<16xi32>], vector<16xi32>,
          %gather3A_274 = tpu.vector_load_idx %run_scoped3A[%gather3A_273] : memref<100000xf32, #tpu.memory_space<vmem>>[vector<16xi32>], vector<16xf32>,
          %add3A_275 = arith.addf %add3A_268, %gather3A_274 : vector<16xf32>
          %add3A_276 = arith.constant 4 : i32
          %add3A_277 = arith.addi %add3A_248, %add3A_276 : i32
          %add3A_278 = vector.broadcast %add3A_277 : i32 to vector<16xi32>
          %add3A_279 = arith.addi %mul3A_16, %add3A_278 : vector<16xi32>
          %gather3A_280 = tpu.vector_load_idx %arg8[%add3A_279] : memref<6400xi32, #tpu.memory_space<vmem>>[vector<16xi32>], vector<16xi32>,
          %gather3A_281 = tpu.vector_load_idx %run_scoped3A[%gather3A_280] : memref<100000xf32, #tpu.memory_space<vmem>>[vector<16xi32>], vector<16xf32>,
          %add3A_282 = arith.addf %add3A_275, %gather3A_281 : vector<16xf32>
          %add3A_283 = arith.constant 5 : i32
          %add3A_284 = arith.addi %add3A_248, %add3A_283 : i32
          %add3A_285 = vector.broadcast %add3A_284 : i32 to vector<16xi32>
          %add3A_286 = arith.addi %mul3A_16, %add3A_285 : vector<16xi32>
          %gather3A_287 = tpu.vector_load_idx %arg8[%add3A_286] : memref<6400xi32, #tpu.memory_space<vmem>>[vector<16xi32>], vector<16xi32>,
          %gather3A_288 = tpu.vector_load_idx %run_scoped3A[%gather3A_287] : memref<100000xf32, #tpu.memory_space<vmem>>[vector<16xi32>], vector<16xf32>,
          %add3A_289 = arith.addf %add3A_282, %gather3A_288 : vector<16xf32>
          %add3A_290 = arith.constant 6 : i32
          %add3A_291 = arith.addi %add3A_248, %add3A_290 : i32
          %add3A_292 = vector.broadcast %add3A_291 : i32 to vector<16xi32>
          %add3A_293 = arith.addi %mul3A_16, %add3A_292 : vector<16xi32>
          %gather3A_294 = tpu.vector_load_idx %arg8[%add3A_293] : memref<6400xi32, #tpu.memory_space<vmem>>[vector<16xi32>], vector<16xi32>,
          %gather3A_295 = tpu.vector_load_idx %run_scoped3A[%gather3A_294] : memref<100000xf32, #tpu.memory_space<vmem>>[vector<16xi32>], vector<16xf32>,
          %add3A_296 = arith.addf %add3A_289, %gather3A_295 : vector<16xf32>
          %add3A_297 = arith.constant 7 : i32
          %add3A_298 = arith.addi %add3A_248, %add3A_297 : i32
          %add3A_299 = vector.broadcast %add3A_298 : i32 to vector<16xi32>
          %add3A_300 = arith.addi %mul3A_16, %add3A_299 : vector<16xi32>
          %gather3A_301 = tpu.vector_load_idx %arg8[%add3A_300] : memref<6400xi32, #tpu.memory_space<vmem>>[vector<16xi32>], vector<16xi32>,
          %gather3A_302 = tpu.vector_load_idx %run_scoped3A[%gather3A_301] : memref<100000xf32, #tpu.memory_space<vmem>>[vector<16xi32>], vector<16xf32>,
          %add3A_303 = arith.addf %add3A_296, %gather3A_302 : vector<16xf32>
          scf.yield %add3A_303 : vector<16xf32>
        }
        %scan3A_236 = arith.constant 25 : i32
        %get3A = arith.constant 0 : index
        %get3A_237 = tpu.vector_load %arg11[%get3A] {strides = array<i32>} : memref<16xf32, #tpu.memory_space<vmem>>, vector<16xf32>,
        %add3A_238 = arith.addf %scan3A_235, %get3A_237 : vector<16xf32>
        %add3A_239 = arith.constant 12 : i32
        %add3A_240 = arith.addi %add3A_239, %scan3A_227 : i32
        %mul3A_241 = arith.constant 16 : i32
        %mul3A_242 = arith.muli %add3A_240, %mul3A_241 : i32
        %swap3A = arith.index_cast %mul3A_242 : i32 to index
        %swap3A_243 = tpu.vector_load %arg10[%swap3A] {strides = array<i32>} : memref<512xf32, #tpu.memory_space<vmem>>, vector<16xf32>,
        tpu.vector_store %arg10[%swap3A], %add3A_238 {strides = array<i32>} : memref<512xf32, #tpu.memory_space<vmem>>, vector<16xf32>,
      }
      %scan3A_106 = arith.constant 2 : i32
      %add3A_107 = arith.constant 256 : i32
      %add3A_108 = arith.addi %mul3A_2, %add3A_107 : i32
      %mul3A_109 = arith.constant 200 : i32
      %mul3A_110 = arith.muli %add3A_108, %mul3A_109 : i32
      %dma_start3A_111 = tpu.memref_slice %arg2[%mul3A_110] : memref<3276800xi32, #tpu.memory_space<hbm>> -> memref<6400xi32, #tpu.memory_space<hbm>>
      %dma_start3A_112 = tpu.memref_slice %arg2[%mul3A_110] : memref<3276800xi32, #tpu.memory_space<hbm>> -> memref<6400xi32, #tpu.memory_space<hbm>>
      tpu.enqueue_dma source(%dma_start3A_112 : memref<6400xi32, #tpu.memory_space<hbm>>) target(%arg8 : memref<6400xi32, #tpu.memory_space<vmem>>) target_semaphore(%arg12 : memref<!tpu.dma_semaphore, #tpu.memory_space<semaphore_mem>>)
      %dma_wait3A_113 = tpu.memref_slice %arg2[%mul3A_96] : memref<3276800xi32, #tpu.memory_space<hbm>> -> memref<6400xi32, #tpu.memory_space<hbm>>
      %dma_wait3A_114 = tpu.memref_slice %arg2[%mul3A_96] : memref<3276800xi32, #tpu.memory_space<hbm>> -> memref<6400xi32, #tpu.memory_space<hbm>>
      tpu.wait_dma2 semaphore(%arg13 : memref<!tpu.dma_semaphore, #tpu.memory_space<semaphore_mem>>) src(%dma_wait3A_114 : memref<6400xi32, #tpu.memory_space<hbm>>) dst(%arg9 : memref<6400xi32, #tpu.memory_space<vmem>>)
      %scan3A_115 = arith.constant 0 : i32
      %scan3A_116 = arith.constant 0 : i32
      %scan3A_117 = arith.constant 2 : i32
      %scan3A_118 = arith.addi %scan3A_116, %scan3A_117 : i32
      %scan3A_119 = arith.constant 1 : i32
      scf.for %scan3A_227 = %scan3A_116 to %scan3A_118 step %scan3A_119  : i32 {
        %mul3A_228 = arith.constant 3200 : i32
        %mul3A_229 = arith.muli %scan3A_227, %mul3A_228 : i32
        %broadcast_in_dim3A = arith.constant 0.000000e+00 : f32
        %broadcast_in_dim3A_230 = vector.broadcast %broadcast_in_dim3A : f32 to vector<16xf32>
        %scan3A_231 = arith.constant 0 : i32
        %scan3A_232 = arith.constant 25 : i32
        %scan3A_233 = arith.addi %scan3A_231, %scan3A_232 : i32
        %scan3A_234 = arith.constant 1 : i32
        %scan3A_235 = scf.for %scan3A_244 = %scan3A_231 to %scan3A_233 step %scan3A_234 iter_args(%scan3A_245 = %broadcast_in_dim3A_230) -> (vector<16xf32>)  : i32 {
          %mul3A_246 = arith.constant 8 : i32
          %mul3A_247 = arith.muli %scan3A_244, %mul3A_246 : i32
          %add3A_248 = arith.addi %mul3A_229, %mul3A_247 : i32
          %add3A_249 = arith.constant 0 : i32
          %add3A_250 = arith.addi %add3A_248, %add3A_249 : i32
          %add3A_251 = vector.broadcast %add3A_250 : i32 to vector<16xi32>
          %add3A_252 = arith.addi %mul3A_16, %add3A_251 : vector<16xi32>
          %gather3A = tpu.vector_load_idx %arg9[%add3A_252] : memref<6400xi32, #tpu.memory_space<vmem>>[vector<16xi32>], vector<16xi32>,
          %gather3A_253 = tpu.vector_load_idx %run_scoped3A[%gather3A] : memref<100000xf32, #tpu.memory_space<vmem>>[vector<16xi32>], vector<16xf32>,
          %add3A_254 = arith.addf %scan3A_245, %gather3A_253 : vector<16xf32>
          %add3A_255 = arith.constant 1 : i32
          %add3A_256 = arith.addi %add3A_248, %add3A_255 : i32
          %add3A_257 = vector.broadcast %add3A_256 : i32 to vector<16xi32>
          %add3A_258 = arith.addi %mul3A_16, %add3A_257 : vector<16xi32>
          %gather3A_259 = tpu.vector_load_idx %arg9[%add3A_258] : memref<6400xi32, #tpu.memory_space<vmem>>[vector<16xi32>], vector<16xi32>,
          %gather3A_260 = tpu.vector_load_idx %run_scoped3A[%gather3A_259] : memref<100000xf32, #tpu.memory_space<vmem>>[vector<16xi32>], vector<16xf32>,
          %add3A_261 = arith.addf %add3A_254, %gather3A_260 : vector<16xf32>
          %add3A_262 = arith.constant 2 : i32
          %add3A_263 = arith.addi %add3A_248, %add3A_262 : i32
          %add3A_264 = vector.broadcast %add3A_263 : i32 to vector<16xi32>
          %add3A_265 = arith.addi %mul3A_16, %add3A_264 : vector<16xi32>
          %gather3A_266 = tpu.vector_load_idx %arg9[%add3A_265] : memref<6400xi32, #tpu.memory_space<vmem>>[vector<16xi32>], vector<16xi32>,
          %gather3A_267 = tpu.vector_load_idx %run_scoped3A[%gather3A_266] : memref<100000xf32, #tpu.memory_space<vmem>>[vector<16xi32>], vector<16xf32>,
          %add3A_268 = arith.addf %add3A_261, %gather3A_267 : vector<16xf32>
          %add3A_269 = arith.constant 3 : i32
          %add3A_270 = arith.addi %add3A_248, %add3A_269 : i32
          %add3A_271 = vector.broadcast %add3A_270 : i32 to vector<16xi32>
          %add3A_272 = arith.addi %mul3A_16, %add3A_271 : vector<16xi32>
          %gather3A_273 = tpu.vector_load_idx %arg9[%add3A_272] : memref<6400xi32, #tpu.memory_space<vmem>>[vector<16xi32>], vector<16xi32>,
          %gather3A_274 = tpu.vector_load_idx %run_scoped3A[%gather3A_273] : memref<100000xf32, #tpu.memory_space<vmem>>[vector<16xi32>], vector<16xf32>,
          %add3A_275 = arith.addf %add3A_268, %gather3A_274 : vector<16xf32>
          %add3A_276 = arith.constant 4 : i32
          %add3A_277 = arith.addi %add3A_248, %add3A_276 : i32
          %add3A_278 = vector.broadcast %add3A_277 : i32 to vector<16xi32>
          %add3A_279 = arith.addi %mul3A_16, %add3A_278 : vector<16xi32>
          %gather3A_280 = tpu.vector_load_idx %arg9[%add3A_279] : memref<6400xi32, #tpu.memory_space<vmem>>[vector<16xi32>], vector<16xi32>,
          %gather3A_281 = tpu.vector_load_idx %run_scoped3A[%gather3A_280] : memref<100000xf32, #tpu.memory_space<vmem>>[vector<16xi32>], vector<16xf32>,
          %add3A_282 = arith.addf %add3A_275, %gather3A_281 : vector<16xf32>
          %add3A_283 = arith.constant 5 : i32
          %add3A_284 = arith.addi %add3A_248, %add3A_283 : i32
          %add3A_285 = vector.broadcast %add3A_284 : i32 to vector<16xi32>
          %add3A_286 = arith.addi %mul3A_16, %add3A_285 : vector<16xi32>
          %gather3A_287 = tpu.vector_load_idx %arg9[%add3A_286] : memref<6400xi32, #tpu.memory_space<vmem>>[vector<16xi32>], vector<16xi32>,
          %gather3A_288 = tpu.vector_load_idx %run_scoped3A[%gather3A_287] : memref<100000xf32, #tpu.memory_space<vmem>>[vector<16xi32>], vector<16xf32>,
          %add3A_289 = arith.addf %add3A_282, %gather3A_288 : vector<16xf32>
          %add3A_290 = arith.constant 6 : i32
          %add3A_291 = arith.addi %add3A_248, %add3A_290 : i32
          %add3A_292 = vector.broadcast %add3A_291 : i32 to vector<16xi32>
          %add3A_293 = arith.addi %mul3A_16, %add3A_292 : vector<16xi32>
          %gather3A_294 = tpu.vector_load_idx %arg9[%add3A_293] : memref<6400xi32, #tpu.memory_space<vmem>>[vector<16xi32>], vector<16xi32>,
          %gather3A_295 = tpu.vector_load_idx %run_scoped3A[%gather3A_294] : memref<100000xf32, #tpu.memory_space<vmem>>[vector<16xi32>], vector<16xf32>,
          %add3A_296 = arith.addf %add3A_289, %gather3A_295 : vector<16xf32>
          %add3A_297 = arith.constant 7 : i32
          %add3A_298 = arith.addi %add3A_248, %add3A_297 : i32
          %add3A_299 = vector.broadcast %add3A_298 : i32 to vector<16xi32>
          %add3A_300 = arith.addi %mul3A_16, %add3A_299 : vector<16xi32>
          %gather3A_301 = tpu.vector_load_idx %arg9[%add3A_300] : memref<6400xi32, #tpu.memory_space<vmem>>[vector<16xi32>], vector<16xi32>,
          %gather3A_302 = tpu.vector_load_idx %run_scoped3A[%gather3A_301] : memref<100000xf32, #tpu.memory_space<vmem>>[vector<16xi32>], vector<16xf32>,
          %add3A_303 = arith.addf %add3A_296, %gather3A_302 : vector<16xf32>
          scf.yield %add3A_303 : vector<16xf32>
        }
        %scan3A_236 = arith.constant 25 : i32
        %get3A = arith.constant 0 : index
        %get3A_237 = tpu.vector_load %arg11[%get3A] {strides = array<i32>} : memref<16xf32, #tpu.memory_space<vmem>>, vector<16xf32>,
        %add3A_238 = arith.addf %scan3A_235, %get3A_237 : vector<16xf32>
        %add3A_239 = arith.constant 14 : i32
        %add3A_240 = arith.addi %add3A_239, %scan3A_227 : i32
        %mul3A_241 = arith.constant 16 : i32
        %mul3A_242 = arith.muli %add3A_240, %mul3A_241 : i32
        %swap3A = arith.index_cast %mul3A_242 : i32 to index
        %swap3A_243 = tpu.vector_load %arg10[%swap3A] {strides = array<i32>} : memref<512xf32, #tpu.memory_space<vmem>>, vector<16xf32>,
        tpu.vector_store %arg10[%swap3A], %add3A_238 {strides = array<i32>} : memref<512xf32, #tpu.memory_space<vmem>>, vector<16xf32>,
      }
      %scan3A_120 = arith.constant 2 : i32
      %add3A_121 = arith.constant 288 : i32
      %add3A_122 = arith.addi %mul3A_2, %add3A_121 : i32
      %mul3A_123 = arith.constant 200 : i32
      %mul3A_124 = arith.muli %add3A_122, %mul3A_123 : i32
      %dma_start3A_125 = tpu.memref_slice %arg2[%mul3A_124] : memref<3276800xi32, #tpu.memory_space<hbm>> -> memref<6400xi32, #tpu.memory_space<hbm>>
      %dma_start3A_126 = tpu.memref_slice %arg2[%mul3A_124] : memref<3276800xi32, #tpu.memory_space<hbm>> -> memref<6400xi32, #tpu.memory_space<hbm>>
      tpu.enqueue_dma source(%dma_start3A_126 : memref<6400xi32, #tpu.memory_space<hbm>>) target(%arg9 : memref<6400xi32, #tpu.memory_space<vmem>>) target_semaphore(%arg13 : memref<!tpu.dma_semaphore, #tpu.memory_space<semaphore_mem>>)
      %dma_wait3A_127 = tpu.memref_slice %arg2[%mul3A_110] : memref<3276800xi32, #tpu.memory_space<hbm>> -> memref<6400xi32, #tpu.memory_space<hbm>>
      %dma_wait3A_128 = tpu.memref_slice %arg2[%mul3A_110] : memref<3276800xi32, #tpu.memory_space<hbm>> -> memref<6400xi32, #tpu.memory_space<hbm>>
      tpu.wait_dma2 semaphore(%arg12 : memref<!tpu.dma_semaphore, #tpu.memory_space<semaphore_mem>>) src(%dma_wait3A_128 : memref<6400xi32, #tpu.memory_space<hbm>>) dst(%arg8 : memref<6400xi32, #tpu.memory_space<vmem>>)
      %scan3A_129 = arith.constant 0 : i32
      %scan3A_130 = arith.constant 0 : i32
      %scan3A_131 = arith.constant 2 : i32
      %scan3A_132 = arith.addi %scan3A_130, %scan3A_131 : i32
      %scan3A_133 = arith.constant 1 : i32
      scf.for %scan3A_227 = %scan3A_130 to %scan3A_132 step %scan3A_133  : i32 {
        %mul3A_228 = arith.constant 3200 : i32
        %mul3A_229 = arith.muli %scan3A_227, %mul3A_228 : i32
        %broadcast_in_dim3A = arith.constant 0.000000e+00 : f32
        %broadcast_in_dim3A_230 = vector.broadcast %broadcast_in_dim3A : f32 to vector<16xf32>
        %scan3A_231 = arith.constant 0 : i32
        %scan3A_232 = arith.constant 25 : i32
        %scan3A_233 = arith.addi %scan3A_231, %scan3A_232 : i32
        %scan3A_234 = arith.constant 1 : i32
        %scan3A_235 = scf.for %scan3A_244 = %scan3A_231 to %scan3A_233 step %scan3A_234 iter_args(%scan3A_245 = %broadcast_in_dim3A_230) -> (vector<16xf32>)  : i32 {
          %mul3A_246 = arith.constant 8 : i32
          %mul3A_247 = arith.muli %scan3A_244, %mul3A_246 : i32
          %add3A_248 = arith.addi %mul3A_229, %mul3A_247 : i32
          %add3A_249 = arith.constant 0 : i32
          %add3A_250 = arith.addi %add3A_248, %add3A_249 : i32
          %add3A_251 = vector.broadcast %add3A_250 : i32 to vector<16xi32>
          %add3A_252 = arith.addi %mul3A_16, %add3A_251 : vector<16xi32>
          %gather3A = tpu.vector_load_idx %arg8[%add3A_252] : memref<6400xi32, #tpu.memory_space<vmem>>[vector<16xi32>], vector<16xi32>,
          %gather3A_253 = tpu.vector_load_idx %run_scoped3A[%gather3A] : memref<100000xf32, #tpu.memory_space<vmem>>[vector<16xi32>], vector<16xf32>,
          %add3A_254 = arith.addf %scan3A_245, %gather3A_253 : vector<16xf32>
          %add3A_255 = arith.constant 1 : i32
          %add3A_256 = arith.addi %add3A_248, %add3A_255 : i32
          %add3A_257 = vector.broadcast %add3A_256 : i32 to vector<16xi32>
          %add3A_258 = arith.addi %mul3A_16, %add3A_257 : vector<16xi32>
          %gather3A_259 = tpu.vector_load_idx %arg8[%add3A_258] : memref<6400xi32, #tpu.memory_space<vmem>>[vector<16xi32>], vector<16xi32>,
          %gather3A_260 = tpu.vector_load_idx %run_scoped3A[%gather3A_259] : memref<100000xf32, #tpu.memory_space<vmem>>[vector<16xi32>], vector<16xf32>,
          %add3A_261 = arith.addf %add3A_254, %gather3A_260 : vector<16xf32>
          %add3A_262 = arith.constant 2 : i32
          %add3A_263 = arith.addi %add3A_248, %add3A_262 : i32
          %add3A_264 = vector.broadcast %add3A_263 : i32 to vector<16xi32>
          %add3A_265 = arith.addi %mul3A_16, %add3A_264 : vector<16xi32>
          %gather3A_266 = tpu.vector_load_idx %arg8[%add3A_265] : memref<6400xi32, #tpu.memory_space<vmem>>[vector<16xi32>], vector<16xi32>,
          %gather3A_267 = tpu.vector_load_idx %run_scoped3A[%gather3A_266] : memref<100000xf32, #tpu.memory_space<vmem>>[vector<16xi32>], vector<16xf32>,
          %add3A_268 = arith.addf %add3A_261, %gather3A_267 : vector<16xf32>
          %add3A_269 = arith.constant 3 : i32
          %add3A_270 = arith.addi %add3A_248, %add3A_269 : i32
          %add3A_271 = vector.broadcast %add3A_270 : i32 to vector<16xi32>
          %add3A_272 = arith.addi %mul3A_16, %add3A_271 : vector<16xi32>
          %gather3A_273 = tpu.vector_load_idx %arg8[%add3A_272] : memref<6400xi32, #tpu.memory_space<vmem>>[vector<16xi32>], vector<16xi32>,
          %gather3A_274 = tpu.vector_load_idx %run_scoped3A[%gather3A_273] : memref<100000xf32, #tpu.memory_space<vmem>>[vector<16xi32>], vector<16xf32>,
          %add3A_275 = arith.addf %add3A_268, %gather3A_274 : vector<16xf32>
          %add3A_276 = arith.constant 4 : i32
          %add3A_277 = arith.addi %add3A_248, %add3A_276 : i32
          %add3A_278 = vector.broadcast %add3A_277 : i32 to vector<16xi32>
          %add3A_279 = arith.addi %mul3A_16, %add3A_278 : vector<16xi32>
          %gather3A_280 = tpu.vector_load_idx %arg8[%add3A_279] : memref<6400xi32, #tpu.memory_space<vmem>>[vector<16xi32>], vector<16xi32>,
          %gather3A_281 = tpu.vector_load_idx %run_scoped3A[%gather3A_280] : memref<100000xf32, #tpu.memory_space<vmem>>[vector<16xi32>], vector<16xf32>,
          %add3A_282 = arith.addf %add3A_275, %gather3A_281 : vector<16xf32>
          %add3A_283 = arith.constant 5 : i32
          %add3A_284 = arith.addi %add3A_248, %add3A_283 : i32
          %add3A_285 = vector.broadcast %add3A_284 : i32 to vector<16xi32>
          %add3A_286 = arith.addi %mul3A_16, %add3A_285 : vector<16xi32>
          %gather3A_287 = tpu.vector_load_idx %arg8[%add3A_286] : memref<6400xi32, #tpu.memory_space<vmem>>[vector<16xi32>], vector<16xi32>,
          %gather3A_288 = tpu.vector_load_idx %run_scoped3A[%gather3A_287] : memref<100000xf32, #tpu.memory_space<vmem>>[vector<16xi32>], vector<16xf32>,
          %add3A_289 = arith.addf %add3A_282, %gather3A_288 : vector<16xf32>
          %add3A_290 = arith.constant 6 : i32
          %add3A_291 = arith.addi %add3A_248, %add3A_290 : i32
          %add3A_292 = vector.broadcast %add3A_291 : i32 to vector<16xi32>
          %add3A_293 = arith.addi %mul3A_16, %add3A_292 : vector<16xi32>
          %gather3A_294 = tpu.vector_load_idx %arg8[%add3A_293] : memref<6400xi32, #tpu.memory_space<vmem>>[vector<16xi32>], vector<16xi32>,
          %gather3A_295 = tpu.vector_load_idx %run_scoped3A[%gather3A_294] : memref<100000xf32, #tpu.memory_space<vmem>>[vector<16xi32>], vector<16xf32>,
          %add3A_296 = arith.addf %add3A_289, %gather3A_295 : vector<16xf32>
          %add3A_297 = arith.constant 7 : i32
          %add3A_298 = arith.addi %add3A_248, %add3A_297 : i32
          %add3A_299 = vector.broadcast %add3A_298 : i32 to vector<16xi32>
          %add3A_300 = arith.addi %mul3A_16, %add3A_299 : vector<16xi32>
          %gather3A_301 = tpu.vector_load_idx %arg8[%add3A_300] : memref<6400xi32, #tpu.memory_space<vmem>>[vector<16xi32>], vector<16xi32>,
          %gather3A_302 = tpu.vector_load_idx %run_scoped3A[%gather3A_301] : memref<100000xf32, #tpu.memory_space<vmem>>[vector<16xi32>], vector<16xf32>,
          %add3A_303 = arith.addf %add3A_296, %gather3A_302 : vector<16xf32>
          scf.yield %add3A_303 : vector<16xf32>
        }
        %scan3A_236 = arith.constant 25 : i32
        %get3A = arith.constant 0 : index
        %get3A_237 = tpu.vector_load %arg11[%get3A] {strides = array<i32>} : memref<16xf32, #tpu.memory_space<vmem>>, vector<16xf32>,
        %add3A_238 = arith.addf %scan3A_235, %get3A_237 : vector<16xf32>
        %add3A_239 = arith.constant 16 : i32
        %add3A_240 = arith.addi %add3A_239, %scan3A_227 : i32
        %mul3A_241 = arith.constant 16 : i32
        %mul3A_242 = arith.muli %add3A_240, %mul3A_241 : i32
        %swap3A = arith.index_cast %mul3A_242 : i32 to index
        %swap3A_243 = tpu.vector_load %arg10[%swap3A] {strides = array<i32>} : memref<512xf32, #tpu.memory_space<vmem>>, vector<16xf32>,
        tpu.vector_store %arg10[%swap3A], %add3A_238 {strides = array<i32>} : memref<512xf32, #tpu.memory_space<vmem>>, vector<16xf32>,
      }
      %scan3A_134 = arith.constant 2 : i32
      %add3A_135 = arith.constant 320 : i32
      %add3A_136 = arith.addi %mul3A_2, %add3A_135 : i32
      %mul3A_137 = arith.constant 200 : i32
      %mul3A_138 = arith.muli %add3A_136, %mul3A_137 : i32
      %dma_start3A_139 = tpu.memref_slice %arg2[%mul3A_138] : memref<3276800xi32, #tpu.memory_space<hbm>> -> memref<6400xi32, #tpu.memory_space<hbm>>
      %dma_start3A_140 = tpu.memref_slice %arg2[%mul3A_138] : memref<3276800xi32, #tpu.memory_space<hbm>> -> memref<6400xi32, #tpu.memory_space<hbm>>
      tpu.enqueue_dma source(%dma_start3A_140 : memref<6400xi32, #tpu.memory_space<hbm>>) target(%arg8 : memref<6400xi32, #tpu.memory_space<vmem>>) target_semaphore(%arg12 : memref<!tpu.dma_semaphore, #tpu.memory_space<semaphore_mem>>)
      %dma_wait3A_141 = tpu.memref_slice %arg2[%mul3A_124] : memref<3276800xi32, #tpu.memory_space<hbm>> -> memref<6400xi32, #tpu.memory_space<hbm>>
      %dma_wait3A_142 = tpu.memref_slice %arg2[%mul3A_124] : memref<3276800xi32, #tpu.memory_space<hbm>> -> memref<6400xi32, #tpu.memory_space<hbm>>
      tpu.wait_dma2 semaphore(%arg13 : memref<!tpu.dma_semaphore, #tpu.memory_space<semaphore_mem>>) src(%dma_wait3A_142 : memref<6400xi32, #tpu.memory_space<hbm>>) dst(%arg9 : memref<6400xi32, #tpu.memory_space<vmem>>)
      %scan3A_143 = arith.constant 0 : i32
      %scan3A_144 = arith.constant 0 : i32
      %scan3A_145 = arith.constant 2 : i32
      %scan3A_146 = arith.addi %scan3A_144, %scan3A_145 : i32
      %scan3A_147 = arith.constant 1 : i32
      scf.for %scan3A_227 = %scan3A_144 to %scan3A_146 step %scan3A_147  : i32 {
        %mul3A_228 = arith.constant 3200 : i32
        %mul3A_229 = arith.muli %scan3A_227, %mul3A_228 : i32
        %broadcast_in_dim3A = arith.constant 0.000000e+00 : f32
        %broadcast_in_dim3A_230 = vector.broadcast %broadcast_in_dim3A : f32 to vector<16xf32>
        %scan3A_231 = arith.constant 0 : i32
        %scan3A_232 = arith.constant 25 : i32
        %scan3A_233 = arith.addi %scan3A_231, %scan3A_232 : i32
        %scan3A_234 = arith.constant 1 : i32
        %scan3A_235 = scf.for %scan3A_244 = %scan3A_231 to %scan3A_233 step %scan3A_234 iter_args(%scan3A_245 = %broadcast_in_dim3A_230) -> (vector<16xf32>)  : i32 {
          %mul3A_246 = arith.constant 8 : i32
          %mul3A_247 = arith.muli %scan3A_244, %mul3A_246 : i32
          %add3A_248 = arith.addi %mul3A_229, %mul3A_247 : i32
          %add3A_249 = arith.constant 0 : i32
          %add3A_250 = arith.addi %add3A_248, %add3A_249 : i32
          %add3A_251 = vector.broadcast %add3A_250 : i32 to vector<16xi32>
          %add3A_252 = arith.addi %mul3A_16, %add3A_251 : vector<16xi32>
          %gather3A = tpu.vector_load_idx %arg9[%add3A_252] : memref<6400xi32, #tpu.memory_space<vmem>>[vector<16xi32>], vector<16xi32>,
          %gather3A_253 = tpu.vector_load_idx %run_scoped3A[%gather3A] : memref<100000xf32, #tpu.memory_space<vmem>>[vector<16xi32>], vector<16xf32>,
          %add3A_254 = arith.addf %scan3A_245, %gather3A_253 : vector<16xf32>
          %add3A_255 = arith.constant 1 : i32
          %add3A_256 = arith.addi %add3A_248, %add3A_255 : i32
          %add3A_257 = vector.broadcast %add3A_256 : i32 to vector<16xi32>
          %add3A_258 = arith.addi %mul3A_16, %add3A_257 : vector<16xi32>
          %gather3A_259 = tpu.vector_load_idx %arg9[%add3A_258] : memref<6400xi32, #tpu.memory_space<vmem>>[vector<16xi32>], vector<16xi32>,
          %gather3A_260 = tpu.vector_load_idx %run_scoped3A[%gather3A_259] : memref<100000xf32, #tpu.memory_space<vmem>>[vector<16xi32>], vector<16xf32>,
          %add3A_261 = arith.addf %add3A_254, %gather3A_260 : vector<16xf32>
          %add3A_262 = arith.constant 2 : i32
          %add3A_263 = arith.addi %add3A_248, %add3A_262 : i32
          %add3A_264 = vector.broadcast %add3A_263 : i32 to vector<16xi32>
          %add3A_265 = arith.addi %mul3A_16, %add3A_264 : vector<16xi32>
          %gather3A_266 = tpu.vector_load_idx %arg9[%add3A_265] : memref<6400xi32, #tpu.memory_space<vmem>>[vector<16xi32>], vector<16xi32>,
          %gather3A_267 = tpu.vector_load_idx %run_scoped3A[%gather3A_266] : memref<100000xf32, #tpu.memory_space<vmem>>[vector<16xi32>], vector<16xf32>,
          %add3A_268 = arith.addf %add3A_261, %gather3A_267 : vector<16xf32>
          %add3A_269 = arith.constant 3 : i32
          %add3A_270 = arith.addi %add3A_248, %add3A_269 : i32
          %add3A_271 = vector.broadcast %add3A_270 : i32 to vector<16xi32>
          %add3A_272 = arith.addi %mul3A_16, %add3A_271 : vector<16xi32>
          %gather3A_273 = tpu.vector_load_idx %arg9[%add3A_272] : memref<6400xi32, #tpu.memory_space<vmem>>[vector<16xi32>], vector<16xi32>,
          %gather3A_274 = tpu.vector_load_idx %run_scoped3A[%gather3A_273] : memref<100000xf32, #tpu.memory_space<vmem>>[vector<16xi32>], vector<16xf32>,
          %add3A_275 = arith.addf %add3A_268, %gather3A_274 : vector<16xf32>
          %add3A_276 = arith.constant 4 : i32
          %add3A_277 = arith.addi %add3A_248, %add3A_276 : i32
          %add3A_278 = vector.broadcast %add3A_277 : i32 to vector<16xi32>
          %add3A_279 = arith.addi %mul3A_16, %add3A_278 : vector<16xi32>
          %gather3A_280 = tpu.vector_load_idx %arg9[%add3A_279] : memref<6400xi32, #tpu.memory_space<vmem>>[vector<16xi32>], vector<16xi32>,
          %gather3A_281 = tpu.vector_load_idx %run_scoped3A[%gather3A_280] : memref<100000xf32, #tpu.memory_space<vmem>>[vector<16xi32>], vector<16xf32>,
          %add3A_282 = arith.addf %add3A_275, %gather3A_281 : vector<16xf32>
          %add3A_283 = arith.constant 5 : i32
          %add3A_284 = arith.addi %add3A_248, %add3A_283 : i32
          %add3A_285 = vector.broadcast %add3A_284 : i32 to vector<16xi32>
          %add3A_286 = arith.addi %mul3A_16, %add3A_285 : vector<16xi32>
          %gather3A_287 = tpu.vector_load_idx %arg9[%add3A_286] : memref<6400xi32, #tpu.memory_space<vmem>>[vector<16xi32>], vector<16xi32>,
          %gather3A_288 = tpu.vector_load_idx %run_scoped3A[%gather3A_287] : memref<100000xf32, #tpu.memory_space<vmem>>[vector<16xi32>], vector<16xf32>,
          %add3A_289 = arith.addf %add3A_282, %gather3A_288 : vector<16xf32>
          %add3A_290 = arith.constant 6 : i32
          %add3A_291 = arith.addi %add3A_248, %add3A_290 : i32
          %add3A_292 = vector.broadcast %add3A_291 : i32 to vector<16xi32>
          %add3A_293 = arith.addi %mul3A_16, %add3A_292 : vector<16xi32>
          %gather3A_294 = tpu.vector_load_idx %arg9[%add3A_293] : memref<6400xi32, #tpu.memory_space<vmem>>[vector<16xi32>], vector<16xi32>,
          %gather3A_295 = tpu.vector_load_idx %run_scoped3A[%gather3A_294] : memref<100000xf32, #tpu.memory_space<vmem>>[vector<16xi32>], vector<16xf32>,
          %add3A_296 = arith.addf %add3A_289, %gather3A_295 : vector<16xf32>
          %add3A_297 = arith.constant 7 : i32
          %add3A_298 = arith.addi %add3A_248, %add3A_297 : i32
          %add3A_299 = vector.broadcast %add3A_298 : i32 to vector<16xi32>
          %add3A_300 = arith.addi %mul3A_16, %add3A_299 : vector<16xi32>
          %gather3A_301 = tpu.vector_load_idx %arg9[%add3A_300] : memref<6400xi32, #tpu.memory_space<vmem>>[vector<16xi32>], vector<16xi32>,
          %gather3A_302 = tpu.vector_load_idx %run_scoped3A[%gather3A_301] : memref<100000xf32, #tpu.memory_space<vmem>>[vector<16xi32>], vector<16xf32>,
          %add3A_303 = arith.addf %add3A_296, %gather3A_302 : vector<16xf32>
          scf.yield %add3A_303 : vector<16xf32>
        }
        %scan3A_236 = arith.constant 25 : i32
        %get3A = arith.constant 0 : index
        %get3A_237 = tpu.vector_load %arg11[%get3A] {strides = array<i32>} : memref<16xf32, #tpu.memory_space<vmem>>, vector<16xf32>,
        %add3A_238 = arith.addf %scan3A_235, %get3A_237 : vector<16xf32>
        %add3A_239 = arith.constant 18 : i32
        %add3A_240 = arith.addi %add3A_239, %scan3A_227 : i32
        %mul3A_241 = arith.constant 16 : i32
        %mul3A_242 = arith.muli %add3A_240, %mul3A_241 : i32
        %swap3A = arith.index_cast %mul3A_242 : i32 to index
        %swap3A_243 = tpu.vector_load %arg10[%swap3A] {strides = array<i32>} : memref<512xf32, #tpu.memory_space<vmem>>, vector<16xf32>,
        tpu.vector_store %arg10[%swap3A], %add3A_238 {strides = array<i32>} : memref<512xf32, #tpu.memory_space<vmem>>, vector<16xf32>,
      }
      %scan3A_148 = arith.constant 2 : i32
      %add3A_149 = arith.constant 352 : i32
      %add3A_150 = arith.addi %mul3A_2, %add3A_149 : i32
      %mul3A_151 = arith.constant 200 : i32
      %mul3A_152 = arith.muli %add3A_150, %mul3A_151 : i32
      %dma_start3A_153 = tpu.memref_slice %arg2[%mul3A_152] : memref<3276800xi32, #tpu.memory_space<hbm>> -> memref<6400xi32, #tpu.memory_space<hbm>>
      %dma_start3A_154 = tpu.memref_slice %arg2[%mul3A_152] : memref<3276800xi32, #tpu.memory_space<hbm>> -> memref<6400xi32, #tpu.memory_space<hbm>>
      tpu.enqueue_dma source(%dma_start3A_154 : memref<6400xi32, #tpu.memory_space<hbm>>) target(%arg9 : memref<6400xi32, #tpu.memory_space<vmem>>) target_semaphore(%arg13 : memref<!tpu.dma_semaphore, #tpu.memory_space<semaphore_mem>>)
      %dma_wait3A_155 = tpu.memref_slice %arg2[%mul3A_138] : memref<3276800xi32, #tpu.memory_space<hbm>> -> memref<6400xi32, #tpu.memory_space<hbm>>
      %dma_wait3A_156 = tpu.memref_slice %arg2[%mul3A_138] : memref<3276800xi32, #tpu.memory_space<hbm>> -> memref<6400xi32, #tpu.memory_space<hbm>>
      tpu.wait_dma2 semaphore(%arg12 : memref<!tpu.dma_semaphore, #tpu.memory_space<semaphore_mem>>) src(%dma_wait3A_156 : memref<6400xi32, #tpu.memory_space<hbm>>) dst(%arg8 : memref<6400xi32, #tpu.memory_space<vmem>>)
      %scan3A_157 = arith.constant 0 : i32
      %scan3A_158 = arith.constant 0 : i32
      %scan3A_159 = arith.constant 2 : i32
      %scan3A_160 = arith.addi %scan3A_158, %scan3A_159 : i32
      %scan3A_161 = arith.constant 1 : i32
      scf.for %scan3A_227 = %scan3A_158 to %scan3A_160 step %scan3A_161  : i32 {
        %mul3A_228 = arith.constant 3200 : i32
        %mul3A_229 = arith.muli %scan3A_227, %mul3A_228 : i32
        %broadcast_in_dim3A = arith.constant 0.000000e+00 : f32
        %broadcast_in_dim3A_230 = vector.broadcast %broadcast_in_dim3A : f32 to vector<16xf32>
        %scan3A_231 = arith.constant 0 : i32
        %scan3A_232 = arith.constant 25 : i32
        %scan3A_233 = arith.addi %scan3A_231, %scan3A_232 : i32
        %scan3A_234 = arith.constant 1 : i32
        %scan3A_235 = scf.for %scan3A_244 = %scan3A_231 to %scan3A_233 step %scan3A_234 iter_args(%scan3A_245 = %broadcast_in_dim3A_230) -> (vector<16xf32>)  : i32 {
          %mul3A_246 = arith.constant 8 : i32
          %mul3A_247 = arith.muli %scan3A_244, %mul3A_246 : i32
          %add3A_248 = arith.addi %mul3A_229, %mul3A_247 : i32
          %add3A_249 = arith.constant 0 : i32
          %add3A_250 = arith.addi %add3A_248, %add3A_249 : i32
          %add3A_251 = vector.broadcast %add3A_250 : i32 to vector<16xi32>
          %add3A_252 = arith.addi %mul3A_16, %add3A_251 : vector<16xi32>
          %gather3A = tpu.vector_load_idx %arg8[%add3A_252] : memref<6400xi32, #tpu.memory_space<vmem>>[vector<16xi32>], vector<16xi32>,
          %gather3A_253 = tpu.vector_load_idx %run_scoped3A[%gather3A] : memref<100000xf32, #tpu.memory_space<vmem>>[vector<16xi32>], vector<16xf32>,
          %add3A_254 = arith.addf %scan3A_245, %gather3A_253 : vector<16xf32>
          %add3A_255 = arith.constant 1 : i32
          %add3A_256 = arith.addi %add3A_248, %add3A_255 : i32
          %add3A_257 = vector.broadcast %add3A_256 : i32 to vector<16xi32>
          %add3A_258 = arith.addi %mul3A_16, %add3A_257 : vector<16xi32>
          %gather3A_259 = tpu.vector_load_idx %arg8[%add3A_258] : memref<6400xi32, #tpu.memory_space<vmem>>[vector<16xi32>], vector<16xi32>,
          %gather3A_260 = tpu.vector_load_idx %run_scoped3A[%gather3A_259] : memref<100000xf32, #tpu.memory_space<vmem>>[vector<16xi32>], vector<16xf32>,
          %add3A_261 = arith.addf %add3A_254, %gather3A_260 : vector<16xf32>
          %add3A_262 = arith.constant 2 : i32
          %add3A_263 = arith.addi %add3A_248, %add3A_262 : i32
          %add3A_264 = vector.broadcast %add3A_263 : i32 to vector<16xi32>
          %add3A_265 = arith.addi %mul3A_16, %add3A_264 : vector<16xi32>
          %gather3A_266 = tpu.vector_load_idx %arg8[%add3A_265] : memref<6400xi32, #tpu.memory_space<vmem>>[vector<16xi32>], vector<16xi32>,
          %gather3A_267 = tpu.vector_load_idx %run_scoped3A[%gather3A_266] : memref<100000xf32, #tpu.memory_space<vmem>>[vector<16xi32>], vector<16xf32>,
          %add3A_268 = arith.addf %add3A_261, %gather3A_267 : vector<16xf32>
          %add3A_269 = arith.constant 3 : i32
          %add3A_270 = arith.addi %add3A_248, %add3A_269 : i32
          %add3A_271 = vector.broadcast %add3A_270 : i32 to vector<16xi32>
          %add3A_272 = arith.addi %mul3A_16, %add3A_271 : vector<16xi32>
          %gather3A_273 = tpu.vector_load_idx %arg8[%add3A_272] : memref<6400xi32, #tpu.memory_space<vmem>>[vector<16xi32>], vector<16xi32>,
          %gather3A_274 = tpu.vector_load_idx %run_scoped3A[%gather3A_273] : memref<100000xf32, #tpu.memory_space<vmem>>[vector<16xi32>], vector<16xf32>,
          %add3A_275 = arith.addf %add3A_268, %gather3A_274 : vector<16xf32>
          %add3A_276 = arith.constant 4 : i32
          %add3A_277 = arith.addi %add3A_248, %add3A_276 : i32
          %add3A_278 = vector.broadcast %add3A_277 : i32 to vector<16xi32>
          %add3A_279 = arith.addi %mul3A_16, %add3A_278 : vector<16xi32>
          %gather3A_280 = tpu.vector_load_idx %arg8[%add3A_279] : memref<6400xi32, #tpu.memory_space<vmem>>[vector<16xi32>], vector<16xi32>,
          %gather3A_281 = tpu.vector_load_idx %run_scoped3A[%gather3A_280] : memref<100000xf32, #tpu.memory_space<vmem>>[vector<16xi32>], vector<16xf32>,
          %add3A_282 = arith.addf %add3A_275, %gather3A_281 : vector<16xf32>
          %add3A_283 = arith.constant 5 : i32
          %add3A_284 = arith.addi %add3A_248, %add3A_283 : i32
          %add3A_285 = vector.broadcast %add3A_284 : i32 to vector<16xi32>
          %add3A_286 = arith.addi %mul3A_16, %add3A_285 : vector<16xi32>
          %gather3A_287 = tpu.vector_load_idx %arg8[%add3A_286] : memref<6400xi32, #tpu.memory_space<vmem>>[vector<16xi32>], vector<16xi32>,
          %gather3A_288 = tpu.vector_load_idx %run_scoped3A[%gather3A_287] : memref<100000xf32, #tpu.memory_space<vmem>>[vector<16xi32>], vector<16xf32>,
          %add3A_289 = arith.addf %add3A_282, %gather3A_288 : vector<16xf32>
          %add3A_290 = arith.constant 6 : i32
          %add3A_291 = arith.addi %add3A_248, %add3A_290 : i32
          %add3A_292 = vector.broadcast %add3A_291 : i32 to vector<16xi32>
          %add3A_293 = arith.addi %mul3A_16, %add3A_292 : vector<16xi32>
          %gather3A_294 = tpu.vector_load_idx %arg8[%add3A_293] : memref<6400xi32, #tpu.memory_space<vmem>>[vector<16xi32>], vector<16xi32>,
          %gather3A_295 = tpu.vector_load_idx %run_scoped3A[%gather3A_294] : memref<100000xf32, #tpu.memory_space<vmem>>[vector<16xi32>], vector<16xf32>,
          %add3A_296 = arith.addf %add3A_289, %gather3A_295 : vector<16xf32>
          %add3A_297 = arith.constant 7 : i32
          %add3A_298 = arith.addi %add3A_248, %add3A_297 : i32
          %add3A_299 = vector.broadcast %add3A_298 : i32 to vector<16xi32>
          %add3A_300 = arith.addi %mul3A_16, %add3A_299 : vector<16xi32>
          %gather3A_301 = tpu.vector_load_idx %arg8[%add3A_300] : memref<6400xi32, #tpu.memory_space<vmem>>[vector<16xi32>], vector<16xi32>,
          %gather3A_302 = tpu.vector_load_idx %run_scoped3A[%gather3A_301] : memref<100000xf32, #tpu.memory_space<vmem>>[vector<16xi32>], vector<16xf32>,
          %add3A_303 = arith.addf %add3A_296, %gather3A_302 : vector<16xf32>
          scf.yield %add3A_303 : vector<16xf32>
        }
        %scan3A_236 = arith.constant 25 : i32
        %get3A = arith.constant 0 : index
        %get3A_237 = tpu.vector_load %arg11[%get3A] {strides = array<i32>} : memref<16xf32, #tpu.memory_space<vmem>>, vector<16xf32>,
        %add3A_238 = arith.addf %scan3A_235, %get3A_237 : vector<16xf32>
        %add3A_239 = arith.constant 20 : i32
        %add3A_240 = arith.addi %add3A_239, %scan3A_227 : i32
        %mul3A_241 = arith.constant 16 : i32
        %mul3A_242 = arith.muli %add3A_240, %mul3A_241 : i32
        %swap3A = arith.index_cast %mul3A_242 : i32 to index
        %swap3A_243 = tpu.vector_load %arg10[%swap3A] {strides = array<i32>} : memref<512xf32, #tpu.memory_space<vmem>>, vector<16xf32>,
        tpu.vector_store %arg10[%swap3A], %add3A_238 {strides = array<i32>} : memref<512xf32, #tpu.memory_space<vmem>>, vector<16xf32>,
      }
      %scan3A_162 = arith.constant 2 : i32
      %add3A_163 = arith.constant 384 : i32
      %add3A_164 = arith.addi %mul3A_2, %add3A_163 : i32
      %mul3A_165 = arith.constant 200 : i32
      %mul3A_166 = arith.muli %add3A_164, %mul3A_165 : i32
      %dma_start3A_167 = tpu.memref_slice %arg2[%mul3A_166] : memref<3276800xi32, #tpu.memory_space<hbm>> -> memref<6400xi32, #tpu.memory_space<hbm>>
      %dma_start3A_168 = tpu.memref_slice %arg2[%mul3A_166] : memref<3276800xi32, #tpu.memory_space<hbm>> -> memref<6400xi32, #tpu.memory_space<hbm>>
      tpu.enqueue_dma source(%dma_start3A_168 : memref<6400xi32, #tpu.memory_space<hbm>>) target(%arg8 : memref<6400xi32, #tpu.memory_space<vmem>>) target_semaphore(%arg12 : memref<!tpu.dma_semaphore, #tpu.memory_space<semaphore_mem>>)
      %dma_wait3A_169 = tpu.memref_slice %arg2[%mul3A_152] : memref<3276800xi32, #tpu.memory_space<hbm>> -> memref<6400xi32, #tpu.memory_space<hbm>>
      %dma_wait3A_170 = tpu.memref_slice %arg2[%mul3A_152] : memref<3276800xi32, #tpu.memory_space<hbm>> -> memref<6400xi32, #tpu.memory_space<hbm>>
      tpu.wait_dma2 semaphore(%arg13 : memref<!tpu.dma_semaphore, #tpu.memory_space<semaphore_mem>>) src(%dma_wait3A_170 : memref<6400xi32, #tpu.memory_space<hbm>>) dst(%arg9 : memref<6400xi32, #tpu.memory_space<vmem>>)
      %scan3A_171 = arith.constant 0 : i32
      %scan3A_172 = arith.constant 0 : i32
      %scan3A_173 = arith.constant 2 : i32
      %scan3A_174 = arith.addi %scan3A_172, %scan3A_173 : i32
      %scan3A_175 = arith.constant 1 : i32
      scf.for %scan3A_227 = %scan3A_172 to %scan3A_174 step %scan3A_175  : i32 {
        %mul3A_228 = arith.constant 3200 : i32
        %mul3A_229 = arith.muli %scan3A_227, %mul3A_228 : i32
        %broadcast_in_dim3A = arith.constant 0.000000e+00 : f32
        %broadcast_in_dim3A_230 = vector.broadcast %broadcast_in_dim3A : f32 to vector<16xf32>
        %scan3A_231 = arith.constant 0 : i32
        %scan3A_232 = arith.constant 25 : i32
        %scan3A_233 = arith.addi %scan3A_231, %scan3A_232 : i32
        %scan3A_234 = arith.constant 1 : i32
        %scan3A_235 = scf.for %scan3A_244 = %scan3A_231 to %scan3A_233 step %scan3A_234 iter_args(%scan3A_245 = %broadcast_in_dim3A_230) -> (vector<16xf32>)  : i32 {
          %mul3A_246 = arith.constant 8 : i32
          %mul3A_247 = arith.muli %scan3A_244, %mul3A_246 : i32
          %add3A_248 = arith.addi %mul3A_229, %mul3A_247 : i32
          %add3A_249 = arith.constant 0 : i32
          %add3A_250 = arith.addi %add3A_248, %add3A_249 : i32
          %add3A_251 = vector.broadcast %add3A_250 : i32 to vector<16xi32>
          %add3A_252 = arith.addi %mul3A_16, %add3A_251 : vector<16xi32>
          %gather3A = tpu.vector_load_idx %arg9[%add3A_252] : memref<6400xi32, #tpu.memory_space<vmem>>[vector<16xi32>], vector<16xi32>,
          %gather3A_253 = tpu.vector_load_idx %run_scoped3A[%gather3A] : memref<100000xf32, #tpu.memory_space<vmem>>[vector<16xi32>], vector<16xf32>,
          %add3A_254 = arith.addf %scan3A_245, %gather3A_253 : vector<16xf32>
          %add3A_255 = arith.constant 1 : i32
          %add3A_256 = arith.addi %add3A_248, %add3A_255 : i32
          %add3A_257 = vector.broadcast %add3A_256 : i32 to vector<16xi32>
          %add3A_258 = arith.addi %mul3A_16, %add3A_257 : vector<16xi32>
          %gather3A_259 = tpu.vector_load_idx %arg9[%add3A_258] : memref<6400xi32, #tpu.memory_space<vmem>>[vector<16xi32>], vector<16xi32>,
          %gather3A_260 = tpu.vector_load_idx %run_scoped3A[%gather3A_259] : memref<100000xf32, #tpu.memory_space<vmem>>[vector<16xi32>], vector<16xf32>,
          %add3A_261 = arith.addf %add3A_254, %gather3A_260 : vector<16xf32>
          %add3A_262 = arith.constant 2 : i32
          %add3A_263 = arith.addi %add3A_248, %add3A_262 : i32
          %add3A_264 = vector.broadcast %add3A_263 : i32 to vector<16xi32>
          %add3A_265 = arith.addi %mul3A_16, %add3A_264 : vector<16xi32>
          %gather3A_266 = tpu.vector_load_idx %arg9[%add3A_265] : memref<6400xi32, #tpu.memory_space<vmem>>[vector<16xi32>], vector<16xi32>,
          %gather3A_267 = tpu.vector_load_idx %run_scoped3A[%gather3A_266] : memref<100000xf32, #tpu.memory_space<vmem>>[vector<16xi32>], vector<16xf32>,
          %add3A_268 = arith.addf %add3A_261, %gather3A_267 : vector<16xf32>
          %add3A_269 = arith.constant 3 : i32
          %add3A_270 = arith.addi %add3A_248, %add3A_269 : i32
          %add3A_271 = vector.broadcast %add3A_270 : i32 to vector<16xi32>
          %add3A_272 = arith.addi %mul3A_16, %add3A_271 : vector<16xi32>
          %gather3A_273 = tpu.vector_load_idx %arg9[%add3A_272] : memref<6400xi32, #tpu.memory_space<vmem>>[vector<16xi32>], vector<16xi32>,
          %gather3A_274 = tpu.vector_load_idx %run_scoped3A[%gather3A_273] : memref<100000xf32, #tpu.memory_space<vmem>>[vector<16xi32>], vector<16xf32>,
          %add3A_275 = arith.addf %add3A_268, %gather3A_274 : vector<16xf32>
          %add3A_276 = arith.constant 4 : i32
          %add3A_277 = arith.addi %add3A_248, %add3A_276 : i32
          %add3A_278 = vector.broadcast %add3A_277 : i32 to vector<16xi32>
          %add3A_279 = arith.addi %mul3A_16, %add3A_278 : vector<16xi32>
          %gather3A_280 = tpu.vector_load_idx %arg9[%add3A_279] : memref<6400xi32, #tpu.memory_space<vmem>>[vector<16xi32>], vector<16xi32>,
          %gather3A_281 = tpu.vector_load_idx %run_scoped3A[%gather3A_280] : memref<100000xf32, #tpu.memory_space<vmem>>[vector<16xi32>], vector<16xf32>,
          %add3A_282 = arith.addf %add3A_275, %gather3A_281 : vector<16xf32>
          %add3A_283 = arith.constant 5 : i32
          %add3A_284 = arith.addi %add3A_248, %add3A_283 : i32
          %add3A_285 = vector.broadcast %add3A_284 : i32 to vector<16xi32>
          %add3A_286 = arith.addi %mul3A_16, %add3A_285 : vector<16xi32>
          %gather3A_287 = tpu.vector_load_idx %arg9[%add3A_286] : memref<6400xi32, #tpu.memory_space<vmem>>[vector<16xi32>], vector<16xi32>,
          %gather3A_288 = tpu.vector_load_idx %run_scoped3A[%gather3A_287] : memref<100000xf32, #tpu.memory_space<vmem>>[vector<16xi32>], vector<16xf32>,
          %add3A_289 = arith.addf %add3A_282, %gather3A_288 : vector<16xf32>
          %add3A_290 = arith.constant 6 : i32
          %add3A_291 = arith.addi %add3A_248, %add3A_290 : i32
          %add3A_292 = vector.broadcast %add3A_291 : i32 to vector<16xi32>
          %add3A_293 = arith.addi %mul3A_16, %add3A_292 : vector<16xi32>
          %gather3A_294 = tpu.vector_load_idx %arg9[%add3A_293] : memref<6400xi32, #tpu.memory_space<vmem>>[vector<16xi32>], vector<16xi32>,
          %gather3A_295 = tpu.vector_load_idx %run_scoped3A[%gather3A_294] : memref<100000xf32, #tpu.memory_space<vmem>>[vector<16xi32>], vector<16xf32>,
          %add3A_296 = arith.addf %add3A_289, %gather3A_295 : vector<16xf32>
          %add3A_297 = arith.constant 7 : i32
          %add3A_298 = arith.addi %add3A_248, %add3A_297 : i32
          %add3A_299 = vector.broadcast %add3A_298 : i32 to vector<16xi32>
          %add3A_300 = arith.addi %mul3A_16, %add3A_299 : vector<16xi32>
          %gather3A_301 = tpu.vector_load_idx %arg9[%add3A_300] : memref<6400xi32, #tpu.memory_space<vmem>>[vector<16xi32>], vector<16xi32>,
          %gather3A_302 = tpu.vector_load_idx %run_scoped3A[%gather3A_301] : memref<100000xf32, #tpu.memory_space<vmem>>[vector<16xi32>], vector<16xf32>,
          %add3A_303 = arith.addf %add3A_296, %gather3A_302 : vector<16xf32>
          scf.yield %add3A_303 : vector<16xf32>
        }
        %scan3A_236 = arith.constant 25 : i32
        %get3A = arith.constant 0 : index
        %get3A_237 = tpu.vector_load %arg11[%get3A] {strides = array<i32>} : memref<16xf32, #tpu.memory_space<vmem>>, vector<16xf32>,
        %add3A_238 = arith.addf %scan3A_235, %get3A_237 : vector<16xf32>
        %add3A_239 = arith.constant 22 : i32
        %add3A_240 = arith.addi %add3A_239, %scan3A_227 : i32
        %mul3A_241 = arith.constant 16 : i32
        %mul3A_242 = arith.muli %add3A_240, %mul3A_241 : i32
        %swap3A = arith.index_cast %mul3A_242 : i32 to index
        %swap3A_243 = tpu.vector_load %arg10[%swap3A] {strides = array<i32>} : memref<512xf32, #tpu.memory_space<vmem>>, vector<16xf32>,
        tpu.vector_store %arg10[%swap3A], %add3A_238 {strides = array<i32>} : memref<512xf32, #tpu.memory_space<vmem>>, vector<16xf32>,
      }
      %scan3A_176 = arith.constant 2 : i32
      %add3A_177 = arith.constant 416 : i32
      %add3A_178 = arith.addi %mul3A_2, %add3A_177 : i32
      %mul3A_179 = arith.constant 200 : i32
      %mul3A_180 = arith.muli %add3A_178, %mul3A_179 : i32
      %dma_start3A_181 = tpu.memref_slice %arg2[%mul3A_180] : memref<3276800xi32, #tpu.memory_space<hbm>> -> memref<6400xi32, #tpu.memory_space<hbm>>
      %dma_start3A_182 = tpu.memref_slice %arg2[%mul3A_180] : memref<3276800xi32, #tpu.memory_space<hbm>> -> memref<6400xi32, #tpu.memory_space<hbm>>
      tpu.enqueue_dma source(%dma_start3A_182 : memref<6400xi32, #tpu.memory_space<hbm>>) target(%arg9 : memref<6400xi32, #tpu.memory_space<vmem>>) target_semaphore(%arg13 : memref<!tpu.dma_semaphore, #tpu.memory_space<semaphore_mem>>)
      %dma_wait3A_183 = tpu.memref_slice %arg2[%mul3A_166] : memref<3276800xi32, #tpu.memory_space<hbm>> -> memref<6400xi32, #tpu.memory_space<hbm>>
      %dma_wait3A_184 = tpu.memref_slice %arg2[%mul3A_166] : memref<3276800xi32, #tpu.memory_space<hbm>> -> memref<6400xi32, #tpu.memory_space<hbm>>
      tpu.wait_dma2 semaphore(%arg12 : memref<!tpu.dma_semaphore, #tpu.memory_space<semaphore_mem>>) src(%dma_wait3A_184 : memref<6400xi32, #tpu.memory_space<hbm>>) dst(%arg8 : memref<6400xi32, #tpu.memory_space<vmem>>)
      %scan3A_185 = arith.constant 0 : i32
      %scan3A_186 = arith.constant 0 : i32
      %scan3A_187 = arith.constant 2 : i32
      %scan3A_188 = arith.addi %scan3A_186, %scan3A_187 : i32
      %scan3A_189 = arith.constant 1 : i32
      scf.for %scan3A_227 = %scan3A_186 to %scan3A_188 step %scan3A_189  : i32 {
        %mul3A_228 = arith.constant 3200 : i32
        %mul3A_229 = arith.muli %scan3A_227, %mul3A_228 : i32
        %broadcast_in_dim3A = arith.constant 0.000000e+00 : f32
        %broadcast_in_dim3A_230 = vector.broadcast %broadcast_in_dim3A : f32 to vector<16xf32>
        %scan3A_231 = arith.constant 0 : i32
        %scan3A_232 = arith.constant 25 : i32
        %scan3A_233 = arith.addi %scan3A_231, %scan3A_232 : i32
        %scan3A_234 = arith.constant 1 : i32
        %scan3A_235 = scf.for %scan3A_244 = %scan3A_231 to %scan3A_233 step %scan3A_234 iter_args(%scan3A_245 = %broadcast_in_dim3A_230) -> (vector<16xf32>)  : i32 {
          %mul3A_246 = arith.constant 8 : i32
          %mul3A_247 = arith.muli %scan3A_244, %mul3A_246 : i32
          %add3A_248 = arith.addi %mul3A_229, %mul3A_247 : i32
          %add3A_249 = arith.constant 0 : i32
          %add3A_250 = arith.addi %add3A_248, %add3A_249 : i32
          %add3A_251 = vector.broadcast %add3A_250 : i32 to vector<16xi32>
          %add3A_252 = arith.addi %mul3A_16, %add3A_251 : vector<16xi32>
          %gather3A = tpu.vector_load_idx %arg8[%add3A_252] : memref<6400xi32, #tpu.memory_space<vmem>>[vector<16xi32>], vector<16xi32>,
          %gather3A_253 = tpu.vector_load_idx %run_scoped3A[%gather3A] : memref<100000xf32, #tpu.memory_space<vmem>>[vector<16xi32>], vector<16xf32>,
          %add3A_254 = arith.addf %scan3A_245, %gather3A_253 : vector<16xf32>
          %add3A_255 = arith.constant 1 : i32
          %add3A_256 = arith.addi %add3A_248, %add3A_255 : i32
          %add3A_257 = vector.broadcast %add3A_256 : i32 to vector<16xi32>
          %add3A_258 = arith.addi %mul3A_16, %add3A_257 : vector<16xi32>
          %gather3A_259 = tpu.vector_load_idx %arg8[%add3A_258] : memref<6400xi32, #tpu.memory_space<vmem>>[vector<16xi32>], vector<16xi32>,
          %gather3A_260 = tpu.vector_load_idx %run_scoped3A[%gather3A_259] : memref<100000xf32, #tpu.memory_space<vmem>>[vector<16xi32>], vector<16xf32>,
          %add3A_261 = arith.addf %add3A_254, %gather3A_260 : vector<16xf32>
          %add3A_262 = arith.constant 2 : i32
          %add3A_263 = arith.addi %add3A_248, %add3A_262 : i32
          %add3A_264 = vector.broadcast %add3A_263 : i32 to vector<16xi32>
          %add3A_265 = arith.addi %mul3A_16, %add3A_264 : vector<16xi32>
          %gather3A_266 = tpu.vector_load_idx %arg8[%add3A_265] : memref<6400xi32, #tpu.memory_space<vmem>>[vector<16xi32>], vector<16xi32>,
          %gather3A_267 = tpu.vector_load_idx %run_scoped3A[%gather3A_266] : memref<100000xf32, #tpu.memory_space<vmem>>[vector<16xi32>], vector<16xf32>,
          %add3A_268 = arith.addf %add3A_261, %gather3A_267 : vector<16xf32>
          %add3A_269 = arith.constant 3 : i32
          %add3A_270 = arith.addi %add3A_248, %add3A_269 : i32
          %add3A_271 = vector.broadcast %add3A_270 : i32 to vector<16xi32>
          %add3A_272 = arith.addi %mul3A_16, %add3A_271 : vector<16xi32>
          %gather3A_273 = tpu.vector_load_idx %arg8[%add3A_272] : memref<6400xi32, #tpu.memory_space<vmem>>[vector<16xi32>], vector<16xi32>,
          %gather3A_274 = tpu.vector_load_idx %run_scoped3A[%gather3A_273] : memref<100000xf32, #tpu.memory_space<vmem>>[vector<16xi32>], vector<16xf32>,
          %add3A_275 = arith.addf %add3A_268, %gather3A_274 : vector<16xf32>
          %add3A_276 = arith.constant 4 : i32
          %add3A_277 = arith.addi %add3A_248, %add3A_276 : i32
          %add3A_278 = vector.broadcast %add3A_277 : i32 to vector<16xi32>
          %add3A_279 = arith.addi %mul3A_16, %add3A_278 : vector<16xi32>
          %gather3A_280 = tpu.vector_load_idx %arg8[%add3A_279] : memref<6400xi32, #tpu.memory_space<vmem>>[vector<16xi32>], vector<16xi32>,
          %gather3A_281 = tpu.vector_load_idx %run_scoped3A[%gather3A_280] : memref<100000xf32, #tpu.memory_space<vmem>>[vector<16xi32>], vector<16xf32>,
          %add3A_282 = arith.addf %add3A_275, %gather3A_281 : vector<16xf32>
          %add3A_283 = arith.constant 5 : i32
          %add3A_284 = arith.addi %add3A_248, %add3A_283 : i32
          %add3A_285 = vector.broadcast %add3A_284 : i32 to vector<16xi32>
          %add3A_286 = arith.addi %mul3A_16, %add3A_285 : vector<16xi32>
          %gather3A_287 = tpu.vector_load_idx %arg8[%add3A_286] : memref<6400xi32, #tpu.memory_space<vmem>>[vector<16xi32>], vector<16xi32>,
          %gather3A_288 = tpu.vector_load_idx %run_scoped3A[%gather3A_287] : memref<100000xf32, #tpu.memory_space<vmem>>[vector<16xi32>], vector<16xf32>,
          %add3A_289 = arith.addf %add3A_282, %gather3A_288 : vector<16xf32>
          %add3A_290 = arith.constant 6 : i32
          %add3A_291 = arith.addi %add3A_248, %add3A_290 : i32
          %add3A_292 = vector.broadcast %add3A_291 : i32 to vector<16xi32>
          %add3A_293 = arith.addi %mul3A_16, %add3A_292 : vector<16xi32>
          %gather3A_294 = tpu.vector_load_idx %arg8[%add3A_293] : memref<6400xi32, #tpu.memory_space<vmem>>[vector<16xi32>], vector<16xi32>,
          %gather3A_295 = tpu.vector_load_idx %run_scoped3A[%gather3A_294] : memref<100000xf32, #tpu.memory_space<vmem>>[vector<16xi32>], vector<16xf32>,
          %add3A_296 = arith.addf %add3A_289, %gather3A_295 : vector<16xf32>
          %add3A_297 = arith.constant 7 : i32
          %add3A_298 = arith.addi %add3A_248, %add3A_297 : i32
          %add3A_299 = vector.broadcast %add3A_298 : i32 to vector<16xi32>
          %add3A_300 = arith.addi %mul3A_16, %add3A_299 : vector<16xi32>
          %gather3A_301 = tpu.vector_load_idx %arg8[%add3A_300] : memref<6400xi32, #tpu.memory_space<vmem>>[vector<16xi32>], vector<16xi32>,
          %gather3A_302 = tpu.vector_load_idx %run_scoped3A[%gather3A_301] : memref<100000xf32, #tpu.memory_space<vmem>>[vector<16xi32>], vector<16xf32>,
          %add3A_303 = arith.addf %add3A_296, %gather3A_302 : vector<16xf32>
          scf.yield %add3A_303 : vector<16xf32>
        }
        %scan3A_236 = arith.constant 25 : i32
        %get3A = arith.constant 0 : index
        %get3A_237 = tpu.vector_load %arg11[%get3A] {strides = array<i32>} : memref<16xf32, #tpu.memory_space<vmem>>, vector<16xf32>,
        %add3A_238 = arith.addf %scan3A_235, %get3A_237 : vector<16xf32>
        %add3A_239 = arith.constant 24 : i32
        %add3A_240 = arith.addi %add3A_239, %scan3A_227 : i32
        %mul3A_241 = arith.constant 16 : i32
        %mul3A_242 = arith.muli %add3A_240, %mul3A_241 : i32
        %swap3A = arith.index_cast %mul3A_242 : i32 to index
        %swap3A_243 = tpu.vector_load %arg10[%swap3A] {strides = array<i32>} : memref<512xf32, #tpu.memory_space<vmem>>, vector<16xf32>,
        tpu.vector_store %arg10[%swap3A], %add3A_238 {strides = array<i32>} : memref<512xf32, #tpu.memory_space<vmem>>, vector<16xf32>,
      }
      %scan3A_190 = arith.constant 2 : i32
      %add3A_191 = arith.constant 448 : i32
      %add3A_192 = arith.addi %mul3A_2, %add3A_191 : i32
      %mul3A_193 = arith.constant 200 : i32
      %mul3A_194 = arith.muli %add3A_192, %mul3A_193 : i32
      %dma_start3A_195 = tpu.memref_slice %arg2[%mul3A_194] : memref<3276800xi32, #tpu.memory_space<hbm>> -> memref<6400xi32, #tpu.memory_space<hbm>>
      %dma_start3A_196 = tpu.memref_slice %arg2[%mul3A_194] : memref<3276800xi32, #tpu.memory_space<hbm>> -> memref<6400xi32, #tpu.memory_space<hbm>>
      tpu.enqueue_dma source(%dma_start3A_196 : memref<6400xi32, #tpu.memory_space<hbm>>) target(%arg8 : memref<6400xi32, #tpu.memory_space<vmem>>) target_semaphore(%arg12 : memref<!tpu.dma_semaphore, #tpu.memory_space<semaphore_mem>>)
      %dma_wait3A_197 = tpu.memref_slice %arg2[%mul3A_180] : memref<3276800xi32, #tpu.memory_space<hbm>> -> memref<6400xi32, #tpu.memory_space<hbm>>
      %dma_wait3A_198 = tpu.memref_slice %arg2[%mul3A_180] : memref<3276800xi32, #tpu.memory_space<hbm>> -> memref<6400xi32, #tpu.memory_space<hbm>>
      tpu.wait_dma2 semaphore(%arg13 : memref<!tpu.dma_semaphore, #tpu.memory_space<semaphore_mem>>) src(%dma_wait3A_198 : memref<6400xi32, #tpu.memory_space<hbm>>) dst(%arg9 : memref<6400xi32, #tpu.memory_space<vmem>>)
      %scan3A_199 = arith.constant 0 : i32
      %scan3A_200 = arith.constant 0 : i32
      %scan3A_201 = arith.constant 2 : i32
      %scan3A_202 = arith.addi %scan3A_200, %scan3A_201 : i32
      %scan3A_203 = arith.constant 1 : i32
      scf.for %scan3A_227 = %scan3A_200 to %scan3A_202 step %scan3A_203  : i32 {
        %mul3A_228 = arith.constant 3200 : i32
        %mul3A_229 = arith.muli %scan3A_227, %mul3A_228 : i32
        %broadcast_in_dim3A = arith.constant 0.000000e+00 : f32
        %broadcast_in_dim3A_230 = vector.broadcast %broadcast_in_dim3A : f32 to vector<16xf32>
        %scan3A_231 = arith.constant 0 : i32
        %scan3A_232 = arith.constant 25 : i32
        %scan3A_233 = arith.addi %scan3A_231, %scan3A_232 : i32
        %scan3A_234 = arith.constant 1 : i32
        %scan3A_235 = scf.for %scan3A_244 = %scan3A_231 to %scan3A_233 step %scan3A_234 iter_args(%scan3A_245 = %broadcast_in_dim3A_230) -> (vector<16xf32>)  : i32 {
          %mul3A_246 = arith.constant 8 : i32
          %mul3A_247 = arith.muli %scan3A_244, %mul3A_246 : i32
          %add3A_248 = arith.addi %mul3A_229, %mul3A_247 : i32
          %add3A_249 = arith.constant 0 : i32
          %add3A_250 = arith.addi %add3A_248, %add3A_249 : i32
          %add3A_251 = vector.broadcast %add3A_250 : i32 to vector<16xi32>
          %add3A_252 = arith.addi %mul3A_16, %add3A_251 : vector<16xi32>
          %gather3A = tpu.vector_load_idx %arg9[%add3A_252] : memref<6400xi32, #tpu.memory_space<vmem>>[vector<16xi32>], vector<16xi32>,
          %gather3A_253 = tpu.vector_load_idx %run_scoped3A[%gather3A] : memref<100000xf32, #tpu.memory_space<vmem>>[vector<16xi32>], vector<16xf32>,
          %add3A_254 = arith.addf %scan3A_245, %gather3A_253 : vector<16xf32>
          %add3A_255 = arith.constant 1 : i32
          %add3A_256 = arith.addi %add3A_248, %add3A_255 : i32
          %add3A_257 = vector.broadcast %add3A_256 : i32 to vector<16xi32>
          %add3A_258 = arith.addi %mul3A_16, %add3A_257 : vector<16xi32>
          %gather3A_259 = tpu.vector_load_idx %arg9[%add3A_258] : memref<6400xi32, #tpu.memory_space<vmem>>[vector<16xi32>], vector<16xi32>,
          %gather3A_260 = tpu.vector_load_idx %run_scoped3A[%gather3A_259] : memref<100000xf32, #tpu.memory_space<vmem>>[vector<16xi32>], vector<16xf32>,
          %add3A_261 = arith.addf %add3A_254, %gather3A_260 : vector<16xf32>
          %add3A_262 = arith.constant 2 : i32
          %add3A_263 = arith.addi %add3A_248, %add3A_262 : i32
          %add3A_264 = vector.broadcast %add3A_263 : i32 to vector<16xi32>
          %add3A_265 = arith.addi %mul3A_16, %add3A_264 : vector<16xi32>
          %gather3A_266 = tpu.vector_load_idx %arg9[%add3A_265] : memref<6400xi32, #tpu.memory_space<vmem>>[vector<16xi32>], vector<16xi32>,
          %gather3A_267 = tpu.vector_load_idx %run_scoped3A[%gather3A_266] : memref<100000xf32, #tpu.memory_space<vmem>>[vector<16xi32>], vector<16xf32>,
          %add3A_268 = arith.addf %add3A_261, %gather3A_267 : vector<16xf32>
          %add3A_269 = arith.constant 3 : i32
          %add3A_270 = arith.addi %add3A_248, %add3A_269 : i32
          %add3A_271 = vector.broadcast %add3A_270 : i32 to vector<16xi32>
          %add3A_272 = arith.addi %mul3A_16, %add3A_271 : vector<16xi32>
          %gather3A_273 = tpu.vector_load_idx %arg9[%add3A_272] : memref<6400xi32, #tpu.memory_space<vmem>>[vector<16xi32>], vector<16xi32>,
          %gather3A_274 = tpu.vector_load_idx %run_scoped3A[%gather3A_273] : memref<100000xf32, #tpu.memory_space<vmem>>[vector<16xi32>], vector<16xf32>,
          %add3A_275 = arith.addf %add3A_268, %gather3A_274 : vector<16xf32>
          %add3A_276 = arith.constant 4 : i32
          %add3A_277 = arith.addi %add3A_248, %add3A_276 : i32
          %add3A_278 = vector.broadcast %add3A_277 : i32 to vector<16xi32>
          %add3A_279 = arith.addi %mul3A_16, %add3A_278 : vector<16xi32>
          %gather3A_280 = tpu.vector_load_idx %arg9[%add3A_279] : memref<6400xi32, #tpu.memory_space<vmem>>[vector<16xi32>], vector<16xi32>,
          %gather3A_281 = tpu.vector_load_idx %run_scoped3A[%gather3A_280] : memref<100000xf32, #tpu.memory_space<vmem>>[vector<16xi32>], vector<16xf32>,
          %add3A_282 = arith.addf %add3A_275, %gather3A_281 : vector<16xf32>
          %add3A_283 = arith.constant 5 : i32
          %add3A_284 = arith.addi %add3A_248, %add3A_283 : i32
          %add3A_285 = vector.broadcast %add3A_284 : i32 to vector<16xi32>
          %add3A_286 = arith.addi %mul3A_16, %add3A_285 : vector<16xi32>
          %gather3A_287 = tpu.vector_load_idx %arg9[%add3A_286] : memref<6400xi32, #tpu.memory_space<vmem>>[vector<16xi32>], vector<16xi32>,
          %gather3A_288 = tpu.vector_load_idx %run_scoped3A[%gather3A_287] : memref<100000xf32, #tpu.memory_space<vmem>>[vector<16xi32>], vector<16xf32>,
          %add3A_289 = arith.addf %add3A_282, %gather3A_288 : vector<16xf32>
          %add3A_290 = arith.constant 6 : i32
          %add3A_291 = arith.addi %add3A_248, %add3A_290 : i32
          %add3A_292 = vector.broadcast %add3A_291 : i32 to vector<16xi32>
          %add3A_293 = arith.addi %mul3A_16, %add3A_292 : vector<16xi32>
          %gather3A_294 = tpu.vector_load_idx %arg9[%add3A_293] : memref<6400xi32, #tpu.memory_space<vmem>>[vector<16xi32>], vector<16xi32>,
          %gather3A_295 = tpu.vector_load_idx %run_scoped3A[%gather3A_294] : memref<100000xf32, #tpu.memory_space<vmem>>[vector<16xi32>], vector<16xf32>,
          %add3A_296 = arith.addf %add3A_289, %gather3A_295 : vector<16xf32>
          %add3A_297 = arith.constant 7 : i32
          %add3A_298 = arith.addi %add3A_248, %add3A_297 : i32
          %add3A_299 = vector.broadcast %add3A_298 : i32 to vector<16xi32>
          %add3A_300 = arith.addi %mul3A_16, %add3A_299 : vector<16xi32>
          %gather3A_301 = tpu.vector_load_idx %arg9[%add3A_300] : memref<6400xi32, #tpu.memory_space<vmem>>[vector<16xi32>], vector<16xi32>,
          %gather3A_302 = tpu.vector_load_idx %run_scoped3A[%gather3A_301] : memref<100000xf32, #tpu.memory_space<vmem>>[vector<16xi32>], vector<16xf32>,
          %add3A_303 = arith.addf %add3A_296, %gather3A_302 : vector<16xf32>
          scf.yield %add3A_303 : vector<16xf32>
        }
        %scan3A_236 = arith.constant 25 : i32
        %get3A = arith.constant 0 : index
        %get3A_237 = tpu.vector_load %arg11[%get3A] {strides = array<i32>} : memref<16xf32, #tpu.memory_space<vmem>>, vector<16xf32>,
        %add3A_238 = arith.addf %scan3A_235, %get3A_237 : vector<16xf32>
        %add3A_239 = arith.constant 26 : i32
        %add3A_240 = arith.addi %add3A_239, %scan3A_227 : i32
        %mul3A_241 = arith.constant 16 : i32
        %mul3A_242 = arith.muli %add3A_240, %mul3A_241 : i32
        %swap3A = arith.index_cast %mul3A_242 : i32 to index
        %swap3A_243 = tpu.vector_load %arg10[%swap3A] {strides = array<i32>} : memref<512xf32, #tpu.memory_space<vmem>>, vector<16xf32>,
        tpu.vector_store %arg10[%swap3A], %add3A_238 {strides = array<i32>} : memref<512xf32, #tpu.memory_space<vmem>>, vector<16xf32>,
      }
      %scan3A_204 = arith.constant 2 : i32
      %add3A_205 = arith.constant 480 : i32
      %add3A_206 = arith.addi %mul3A_2, %add3A_205 : i32
      %mul3A_207 = arith.constant 200 : i32
      %mul3A_208 = arith.muli %add3A_206, %mul3A_207 : i32
      %dma_start3A_209 = tpu.memref_slice %arg2[%mul3A_208] : memref<3276800xi32, #tpu.memory_space<hbm>> -> memref<6400xi32, #tpu.memory_space<hbm>>
      %dma_start3A_210 = tpu.memref_slice %arg2[%mul3A_208] : memref<3276800xi32, #tpu.memory_space<hbm>> -> memref<6400xi32, #tpu.memory_space<hbm>>
      tpu.enqueue_dma source(%dma_start3A_210 : memref<6400xi32, #tpu.memory_space<hbm>>) target(%arg9 : memref<6400xi32, #tpu.memory_space<vmem>>) target_semaphore(%arg13 : memref<!tpu.dma_semaphore, #tpu.memory_space<semaphore_mem>>)
      %dma_wait3A_211 = tpu.memref_slice %arg2[%mul3A_194] : memref<3276800xi32, #tpu.memory_space<hbm>> -> memref<6400xi32, #tpu.memory_space<hbm>>
      %dma_wait3A_212 = tpu.memref_slice %arg2[%mul3A_194] : memref<3276800xi32, #tpu.memory_space<hbm>> -> memref<6400xi32, #tpu.memory_space<hbm>>
      tpu.wait_dma2 semaphore(%arg12 : memref<!tpu.dma_semaphore, #tpu.memory_space<semaphore_mem>>) src(%dma_wait3A_212 : memref<6400xi32, #tpu.memory_space<hbm>>) dst(%arg8 : memref<6400xi32, #tpu.memory_space<vmem>>)
      %scan3A_213 = arith.constant 0 : i32
      %scan3A_214 = arith.constant 0 : i32
      %scan3A_215 = arith.constant 2 : i32
      %scan3A_216 = arith.addi %scan3A_214, %scan3A_215 : i32
      %scan3A_217 = arith.constant 1 : i32
      scf.for %scan3A_227 = %scan3A_214 to %scan3A_216 step %scan3A_217  : i32 {
        %mul3A_228 = arith.constant 3200 : i32
        %mul3A_229 = arith.muli %scan3A_227, %mul3A_228 : i32
        %broadcast_in_dim3A = arith.constant 0.000000e+00 : f32
        %broadcast_in_dim3A_230 = vector.broadcast %broadcast_in_dim3A : f32 to vector<16xf32>
        %scan3A_231 = arith.constant 0 : i32
        %scan3A_232 = arith.constant 25 : i32
        %scan3A_233 = arith.addi %scan3A_231, %scan3A_232 : i32
        %scan3A_234 = arith.constant 1 : i32
        %scan3A_235 = scf.for %scan3A_244 = %scan3A_231 to %scan3A_233 step %scan3A_234 iter_args(%scan3A_245 = %broadcast_in_dim3A_230) -> (vector<16xf32>)  : i32 {
          %mul3A_246 = arith.constant 8 : i32
          %mul3A_247 = arith.muli %scan3A_244, %mul3A_246 : i32
          %add3A_248 = arith.addi %mul3A_229, %mul3A_247 : i32
          %add3A_249 = arith.constant 0 : i32
          %add3A_250 = arith.addi %add3A_248, %add3A_249 : i32
          %add3A_251 = vector.broadcast %add3A_250 : i32 to vector<16xi32>
          %add3A_252 = arith.addi %mul3A_16, %add3A_251 : vector<16xi32>
          %gather3A = tpu.vector_load_idx %arg8[%add3A_252] : memref<6400xi32, #tpu.memory_space<vmem>>[vector<16xi32>], vector<16xi32>,
          %gather3A_253 = tpu.vector_load_idx %run_scoped3A[%gather3A] : memref<100000xf32, #tpu.memory_space<vmem>>[vector<16xi32>], vector<16xf32>,
          %add3A_254 = arith.addf %scan3A_245, %gather3A_253 : vector<16xf32>
          %add3A_255 = arith.constant 1 : i32
          %add3A_256 = arith.addi %add3A_248, %add3A_255 : i32
          %add3A_257 = vector.broadcast %add3A_256 : i32 to vector<16xi32>
          %add3A_258 = arith.addi %mul3A_16, %add3A_257 : vector<16xi32>
          %gather3A_259 = tpu.vector_load_idx %arg8[%add3A_258] : memref<6400xi32, #tpu.memory_space<vmem>>[vector<16xi32>], vector<16xi32>,
          %gather3A_260 = tpu.vector_load_idx %run_scoped3A[%gather3A_259] : memref<100000xf32, #tpu.memory_space<vmem>>[vector<16xi32>], vector<16xf32>,
          %add3A_261 = arith.addf %add3A_254, %gather3A_260 : vector<16xf32>
          %add3A_262 = arith.constant 2 : i32
          %add3A_263 = arith.addi %add3A_248, %add3A_262 : i32
          %add3A_264 = vector.broadcast %add3A_263 : i32 to vector<16xi32>
          %add3A_265 = arith.addi %mul3A_16, %add3A_264 : vector<16xi32>
          %gather3A_266 = tpu.vector_load_idx %arg8[%add3A_265] : memref<6400xi32, #tpu.memory_space<vmem>>[vector<16xi32>], vector<16xi32>,
          %gather3A_267 = tpu.vector_load_idx %run_scoped3A[%gather3A_266] : memref<100000xf32, #tpu.memory_space<vmem>>[vector<16xi32>], vector<16xf32>,
          %add3A_268 = arith.addf %add3A_261, %gather3A_267 : vector<16xf32>
          %add3A_269 = arith.constant 3 : i32
          %add3A_270 = arith.addi %add3A_248, %add3A_269 : i32
          %add3A_271 = vector.broadcast %add3A_270 : i32 to vector<16xi32>
          %add3A_272 = arith.addi %mul3A_16, %add3A_271 : vector<16xi32>
          %gather3A_273 = tpu.vector_load_idx %arg8[%add3A_272] : memref<6400xi32, #tpu.memory_space<vmem>>[vector<16xi32>], vector<16xi32>,
          %gather3A_274 = tpu.vector_load_idx %run_scoped3A[%gather3A_273] : memref<100000xf32, #tpu.memory_space<vmem>>[vector<16xi32>], vector<16xf32>,
          %add3A_275 = arith.addf %add3A_268, %gather3A_274 : vector<16xf32>
          %add3A_276 = arith.constant 4 : i32
          %add3A_277 = arith.addi %add3A_248, %add3A_276 : i32
          %add3A_278 = vector.broadcast %add3A_277 : i32 to vector<16xi32>
          %add3A_279 = arith.addi %mul3A_16, %add3A_278 : vector<16xi32>
          %gather3A_280 = tpu.vector_load_idx %arg8[%add3A_279] : memref<6400xi32, #tpu.memory_space<vmem>>[vector<16xi32>], vector<16xi32>,
          %gather3A_281 = tpu.vector_load_idx %run_scoped3A[%gather3A_280] : memref<100000xf32, #tpu.memory_space<vmem>>[vector<16xi32>], vector<16xf32>,
          %add3A_282 = arith.addf %add3A_275, %gather3A_281 : vector<16xf32>
          %add3A_283 = arith.constant 5 : i32
          %add3A_284 = arith.addi %add3A_248, %add3A_283 : i32
          %add3A_285 = vector.broadcast %add3A_284 : i32 to vector<16xi32>
          %add3A_286 = arith.addi %mul3A_16, %add3A_285 : vector<16xi32>
          %gather3A_287 = tpu.vector_load_idx %arg8[%add3A_286] : memref<6400xi32, #tpu.memory_space<vmem>>[vector<16xi32>], vector<16xi32>,
          %gather3A_288 = tpu.vector_load_idx %run_scoped3A[%gather3A_287] : memref<100000xf32, #tpu.memory_space<vmem>>[vector<16xi32>], vector<16xf32>,
          %add3A_289 = arith.addf %add3A_282, %gather3A_288 : vector<16xf32>
          %add3A_290 = arith.constant 6 : i32
          %add3A_291 = arith.addi %add3A_248, %add3A_290 : i32
          %add3A_292 = vector.broadcast %add3A_291 : i32 to vector<16xi32>
          %add3A_293 = arith.addi %mul3A_16, %add3A_292 : vector<16xi32>
          %gather3A_294 = tpu.vector_load_idx %arg8[%add3A_293] : memref<6400xi32, #tpu.memory_space<vmem>>[vector<16xi32>], vector<16xi32>,
          %gather3A_295 = tpu.vector_load_idx %run_scoped3A[%gather3A_294] : memref<100000xf32, #tpu.memory_space<vmem>>[vector<16xi32>], vector<16xf32>,
          %add3A_296 = arith.addf %add3A_289, %gather3A_295 : vector<16xf32>
          %add3A_297 = arith.constant 7 : i32
          %add3A_298 = arith.addi %add3A_248, %add3A_297 : i32
          %add3A_299 = vector.broadcast %add3A_298 : i32 to vector<16xi32>
          %add3A_300 = arith.addi %mul3A_16, %add3A_299 : vector<16xi32>
          %gather3A_301 = tpu.vector_load_idx %arg8[%add3A_300] : memref<6400xi32, #tpu.memory_space<vmem>>[vector<16xi32>], vector<16xi32>,
          %gather3A_302 = tpu.vector_load_idx %run_scoped3A[%gather3A_301] : memref<100000xf32, #tpu.memory_space<vmem>>[vector<16xi32>], vector<16xf32>,
          %add3A_303 = arith.addf %add3A_296, %gather3A_302 : vector<16xf32>
          scf.yield %add3A_303 : vector<16xf32>
        }
        %scan3A_236 = arith.constant 25 : i32
        %get3A = arith.constant 0 : index
        %get3A_237 = tpu.vector_load %arg11[%get3A] {strides = array<i32>} : memref<16xf32, #tpu.memory_space<vmem>>, vector<16xf32>,
        %add3A_238 = arith.addf %scan3A_235, %get3A_237 : vector<16xf32>
        %add3A_239 = arith.constant 28 : i32
        %add3A_240 = arith.addi %add3A_239, %scan3A_227 : i32
        %mul3A_241 = arith.constant 16 : i32
        %mul3A_242 = arith.muli %add3A_240, %mul3A_241 : i32
        %swap3A = arith.index_cast %mul3A_242 : i32 to index
        %swap3A_243 = tpu.vector_load %arg10[%swap3A] {strides = array<i32>} : memref<512xf32, #tpu.memory_space<vmem>>, vector<16xf32>,
        tpu.vector_store %arg10[%swap3A], %add3A_238 {strides = array<i32>} : memref<512xf32, #tpu.memory_space<vmem>>, vector<16xf32>,
      }
      %scan3A_218 = arith.constant 2 : i32
      %dma_wait3A_219 = tpu.memref_slice %arg2[%mul3A_208] : memref<3276800xi32, #tpu.memory_space<hbm>> -> memref<6400xi32, #tpu.memory_space<hbm>>
      %dma_wait3A_220 = tpu.memref_slice %arg2[%mul3A_208] : memref<3276800xi32, #tpu.memory_space<hbm>> -> memref<6400xi32, #tpu.memory_space<hbm>>
      tpu.wait_dma2 semaphore(%arg13 : memref<!tpu.dma_semaphore, #tpu.memory_space<semaphore_mem>>) src(%dma_wait3A_220 : memref<6400xi32, #tpu.memory_space<hbm>>) dst(%arg9 : memref<6400xi32, #tpu.memory_space<vmem>>)
      %scan3A_221 = arith.constant 0 : i32
      %scan3A_222 = arith.constant 0 : i32
      %scan3A_223 = arith.constant 2 : i32
      %scan3A_224 = arith.addi %scan3A_222, %scan3A_223 : i32
      %scan3A_225 = arith.constant 1 : i32
      scf.for %scan3A_227 = %scan3A_222 to %scan3A_224 step %scan3A_225  : i32 {
        %mul3A_228 = arith.constant 3200 : i32
        %mul3A_229 = arith.muli %scan3A_227, %mul3A_228 : i32
        %broadcast_in_dim3A = arith.constant 0.000000e+00 : f32
        %broadcast_in_dim3A_230 = vector.broadcast %broadcast_in_dim3A : f32 to vector<16xf32>
        %scan3A_231 = arith.constant 0 : i32
        %scan3A_232 = arith.constant 25 : i32
        %scan3A_233 = arith.addi %scan3A_231, %scan3A_232 : i32
        %scan3A_234 = arith.constant 1 : i32
        %scan3A_235 = scf.for %scan3A_244 = %scan3A_231 to %scan3A_233 step %scan3A_234 iter_args(%scan3A_245 = %broadcast_in_dim3A_230) -> (vector<16xf32>)  : i32 {
          %mul3A_246 = arith.constant 8 : i32
          %mul3A_247 = arith.muli %scan3A_244, %mul3A_246 : i32
          %add3A_248 = arith.addi %mul3A_229, %mul3A_247 : i32
          %add3A_249 = arith.constant 0 : i32
          %add3A_250 = arith.addi %add3A_248, %add3A_249 : i32
          %add3A_251 = vector.broadcast %add3A_250 : i32 to vector<16xi32>
          %add3A_252 = arith.addi %mul3A_16, %add3A_251 : vector<16xi32>
          %gather3A = tpu.vector_load_idx %arg9[%add3A_252] : memref<6400xi32, #tpu.memory_space<vmem>>[vector<16xi32>], vector<16xi32>,
          %gather3A_253 = tpu.vector_load_idx %run_scoped3A[%gather3A] : memref<100000xf32, #tpu.memory_space<vmem>>[vector<16xi32>], vector<16xf32>,
          %add3A_254 = arith.addf %scan3A_245, %gather3A_253 : vector<16xf32>
          %add3A_255 = arith.constant 1 : i32
          %add3A_256 = arith.addi %add3A_248, %add3A_255 : i32
          %add3A_257 = vector.broadcast %add3A_256 : i32 to vector<16xi32>
          %add3A_258 = arith.addi %mul3A_16, %add3A_257 : vector<16xi32>
          %gather3A_259 = tpu.vector_load_idx %arg9[%add3A_258] : memref<6400xi32, #tpu.memory_space<vmem>>[vector<16xi32>], vector<16xi32>,
          %gather3A_260 = tpu.vector_load_idx %run_scoped3A[%gather3A_259] : memref<100000xf32, #tpu.memory_space<vmem>>[vector<16xi32>], vector<16xf32>,
          %add3A_261 = arith.addf %add3A_254, %gather3A_260 : vector<16xf32>
          %add3A_262 = arith.constant 2 : i32
          %add3A_263 = arith.addi %add3A_248, %add3A_262 : i32
          %add3A_264 = vector.broadcast %add3A_263 : i32 to vector<16xi32>
          %add3A_265 = arith.addi %mul3A_16, %add3A_264 : vector<16xi32>
          %gather3A_266 = tpu.vector_load_idx %arg9[%add3A_265] : memref<6400xi32, #tpu.memory_space<vmem>>[vector<16xi32>], vector<16xi32>,
          %gather3A_267 = tpu.vector_load_idx %run_scoped3A[%gather3A_266] : memref<100000xf32, #tpu.memory_space<vmem>>[vector<16xi32>], vector<16xf32>,
          %add3A_268 = arith.addf %add3A_261, %gather3A_267 : vector<16xf32>
          %add3A_269 = arith.constant 3 : i32
          %add3A_270 = arith.addi %add3A_248, %add3A_269 : i32
          %add3A_271 = vector.broadcast %add3A_270 : i32 to vector<16xi32>
          %add3A_272 = arith.addi %mul3A_16, %add3A_271 : vector<16xi32>
          %gather3A_273 = tpu.vector_load_idx %arg9[%add3A_272] : memref<6400xi32, #tpu.memory_space<vmem>>[vector<16xi32>], vector<16xi32>,
          %gather3A_274 = tpu.vector_load_idx %run_scoped3A[%gather3A_273] : memref<100000xf32, #tpu.memory_space<vmem>>[vector<16xi32>], vector<16xf32>,
          %add3A_275 = arith.addf %add3A_268, %gather3A_274 : vector<16xf32>
          %add3A_276 = arith.constant 4 : i32
          %add3A_277 = arith.addi %add3A_248, %add3A_276 : i32
          %add3A_278 = vector.broadcast %add3A_277 : i32 to vector<16xi32>
          %add3A_279 = arith.addi %mul3A_16, %add3A_278 : vector<16xi32>
          %gather3A_280 = tpu.vector_load_idx %arg9[%add3A_279] : memref<6400xi32, #tpu.memory_space<vmem>>[vector<16xi32>], vector<16xi32>,
          %gather3A_281 = tpu.vector_load_idx %run_scoped3A[%gather3A_280] : memref<100000xf32, #tpu.memory_space<vmem>>[vector<16xi32>], vector<16xf32>,
          %add3A_282 = arith.addf %add3A_275, %gather3A_281 : vector<16xf32>
          %add3A_283 = arith.constant 5 : i32
          %add3A_284 = arith.addi %add3A_248, %add3A_283 : i32
          %add3A_285 = vector.broadcast %add3A_284 : i32 to vector<16xi32>
          %add3A_286 = arith.addi %mul3A_16, %add3A_285 : vector<16xi32>
          %gather3A_287 = tpu.vector_load_idx %arg9[%add3A_286] : memref<6400xi32, #tpu.memory_space<vmem>>[vector<16xi32>], vector<16xi32>,
          %gather3A_288 = tpu.vector_load_idx %run_scoped3A[%gather3A_287] : memref<100000xf32, #tpu.memory_space<vmem>>[vector<16xi32>], vector<16xf32>,
          %add3A_289 = arith.addf %add3A_282, %gather3A_288 : vector<16xf32>
          %add3A_290 = arith.constant 6 : i32
          %add3A_291 = arith.addi %add3A_248, %add3A_290 : i32
          %add3A_292 = vector.broadcast %add3A_291 : i32 to vector<16xi32>
          %add3A_293 = arith.addi %mul3A_16, %add3A_292 : vector<16xi32>
          %gather3A_294 = tpu.vector_load_idx %arg9[%add3A_293] : memref<6400xi32, #tpu.memory_space<vmem>>[vector<16xi32>], vector<16xi32>,
          %gather3A_295 = tpu.vector_load_idx %run_scoped3A[%gather3A_294] : memref<100000xf32, #tpu.memory_space<vmem>>[vector<16xi32>], vector<16xf32>,
          %add3A_296 = arith.addf %add3A_289, %gather3A_295 : vector<16xf32>
          %add3A_297 = arith.constant 7 : i32
          %add3A_298 = arith.addi %add3A_248, %add3A_297 : i32
          %add3A_299 = vector.broadcast %add3A_298 : i32 to vector<16xi32>
          %add3A_300 = arith.addi %mul3A_16, %add3A_299 : vector<16xi32>
          %gather3A_301 = tpu.vector_load_idx %arg9[%add3A_300] : memref<6400xi32, #tpu.memory_space<vmem>>[vector<16xi32>], vector<16xi32>,
          %gather3A_302 = tpu.vector_load_idx %run_scoped3A[%gather3A_301] : memref<100000xf32, #tpu.memory_space<vmem>>[vector<16xi32>], vector<16xf32>,
          %add3A_303 = arith.addf %add3A_296, %gather3A_302 : vector<16xf32>
          scf.yield %add3A_303 : vector<16xf32>
        }
        %scan3A_236 = arith.constant 25 : i32
        %get3A = arith.constant 0 : index
        %get3A_237 = tpu.vector_load %arg11[%get3A] {strides = array<i32>} : memref<16xf32, #tpu.memory_space<vmem>>, vector<16xf32>,
        %add3A_238 = arith.addf %scan3A_235, %get3A_237 : vector<16xf32>
        %add3A_239 = arith.constant 30 : i32
        %add3A_240 = arith.addi %add3A_239, %scan3A_227 : i32
        %mul3A_241 = arith.constant 16 : i32
        %mul3A_242 = arith.muli %add3A_240, %mul3A_241 : i32
        %swap3A = arith.index_cast %mul3A_242 : i32 to index
        %swap3A_243 = tpu.vector_load %arg10[%swap3A] {strides = array<i32>} : memref<512xf32, #tpu.memory_space<vmem>>, vector<16xf32>,
        tpu.vector_store %arg10[%swap3A], %add3A_238 {strides = array<i32>} : memref<512xf32, #tpu.memory_space<vmem>>, vector<16xf32>,
      }
      %scan3A_226 = arith.constant 2 : i32
      "tpu.region"() ({
        %run_scoped3A_227 = tpu.sem_alloc : memref<!tpu.dma_semaphore, #tpu.memory_space<semaphore_mem>>
        %dma_start3A_228 = tpu.memref_slice %arg6[%mul3A_2] : memref<16384xf32, #tpu.memory_space<hbm>> -> memref<512xf32, #tpu.memory_space<hbm>>
        %dma_start3A_229 = tpu.memref_slice %arg6[%mul3A_2] : memref<16384xf32, #tpu.memory_space<hbm>> -> memref<512xf32, #tpu.memory_space<hbm>>
        tpu.enqueue_dma source(%arg10 : memref<512xf32, #tpu.memory_space<vmem>>) target(%dma_start3A_229 : memref<512xf32, #tpu.memory_space<hbm>>) target_semaphore(%run_scoped3A_227 : memref<!tpu.dma_semaphore, #tpu.memory_space<semaphore_mem>>)
        %dma_wait3A_230 = tpu.memref_slice %arg6[%mul3A_2] : memref<16384xf32, #tpu.memory_space<hbm>> -> memref<512xf32, #tpu.memory_space<hbm>>
        %dma_wait3A_231 = tpu.memref_slice %arg6[%mul3A_2] : memref<16384xf32, #tpu.memory_space<hbm>> -> memref<512xf32, #tpu.memory_space<hbm>>
        tpu.wait_dma2 semaphore(%run_scoped3A_227 : memref<!tpu.dma_semaphore, #tpu.memory_space<semaphore_mem>>) src(%arg10 : memref<512xf32, #tpu.memory_space<vmem>>) dst(%dma_wait3A_231 : memref<512xf32, #tpu.memory_space<hbm>>)
        tpu.yield
      }) : () -> ()
      tpu.yield
    }) : () -> ()
    return
  }
}

</mosaic_0001>

<sc_bundles>
// kernel: kernel.3.cloned.1.call-start
scs
__scs_entry_jumppad:
0x0: {  	(pc) =	sbr.rel $0x88, $3  }
0x1: {  	(tag) =	ssettag $0x0;
	lr =	simm.s32 $0x1  }
0x2: {  	[smem:$0x3F9D] =	sst lr;
	_ =	strace $0xD0000000  }
0x3: {  	_ = 	snop  }
0x4: {  	_ = 	snop  }
0x5: {  	_ = 	snop  }
0x6: {  	_ = 	snop  }
0x7: {  	_ = 	snop  }
__scs_overlays_trampoline_lowered:
0x8: {  	[smem:$0x3FAC] =	sst s0  }
0x9: {  	[smem:$0x3FAD] =	sst s1  }
0xa: {  	[smem:$0x3FAE] =	sst s2  }
0xb: {  	[smem:$0x3FAF] =	sst s3  }
0xc: {  	[smem:$0x3FB0] =	sst s4  }
0xd: {  	[smem:$0x3FB1] =	sst s5  }
0xe: {  	[smem:$0x3FB2] =	sst s6  }
0xf: {  	[smem:$0x3FB3] =	sst s7  }
0x10: {  	[smem:$0x3FB4] =	sst s8  }
0x11: {  	[smem:$0x3FB5] =	sst s9;
	s0 =	simm.s32 @!p0 $0x0  }
0x12: {  	s1 =	sld [smem:$0x3F9B];
	s0 =	simm.s32 @p0 $0x1  }
0x13: {  	[smem:$0x3FB6] =	sst s0;
	s0 =	simm.s32 @!p1 $0x0  }
0x14: {  	s2 =	sld [smem:$0x3F9A];
	s0 =	simm.s32 @p1 $0x1  }
0x15: {  	[smem:$0x3FB7] =	sst s0;
	s0 =	simm.s32 @!p2 $0x0  }
0x16: {  	s3 =	sld [smem:$0x3FDB];
	s0 =	simm.s32 @p2 $0x1  }
0x17: {  	s4 =	simm.s32 $0x1BF5;
	[smem:$0x3FB9] =	sst s0  }
0x18: {  	s0 =	sld [smem:$0x3F9C];
	_ =	swait.ge [sflag:s4], $0x0  }
0x19: {  	s7 =	sld [smem:$0x3F9D]  }
0x1a: {  	s8 =	sadd.s32 $0xFFFFE003, lr  }
0x1b: {  	s9 =	sadd.s32 $0xFFFFFEF7, lr;
	s5 =	simm.s32 $0xFFFFFFFF;
	p2 =	slt.u32 s8, $0xFFFFF086  }
0x1c: {  	p1 =	slt.u32 s9, $0xF7A;
	s5 =	simm.s32 @!p2 $0x0  }
0x1d: {  	s5 =	simm.s32 @p1 $0x1;
	p0 =	seq.s32 s7, s2  }
0x1e: {  	s7 =	smul.u32 @!p0 $0xF7A, s2;
	p2 =	seq.s32 @!p0 s5, $0x0  }
0x1f: {  	s9 =	smul.u32 $0xF7A, s1;
	s8 =	simm.s32 @!p0 $0x1BF5;
	p2 =	por !p2, p0  }
0x20: {  	[sflag:s8] =	ssyncset.s32 @!p0 $0xFFFFF086;
	s6 =	sadd.s32 @!p0 s3, s7;
	s7 =	simm.s32 @!p0 $0x108  }
0x21: {  	s3 =	sadd.s32 s3, s9;
	s6 =	sadd.s32 @!p0 $0x88, s6;
	s7 =	simm.s32 @p2 $0x1082  }
0x22: {  	[simem:s7], [sflag:s8] =	dma.local @!p0 [hbm:s6], $0xF7A  }
0x23: {  	s9 =	sor.u32 $0xD0000000, s2;
	s6 =	simm.s32 $0x108;
	_ =	swait.ge @!p0 [sflag:s8], $0x0  }
0x24: {  	s3 =	sadd.s32 $0x88, s3;
	s6 =	simm.s32 @!p1 $0x1082;
	[sflag:s4] =	ssyncset.s32 $0xFFFFF086  }
0x25: {  	[simem:s6], [sflag:s4] =	dma.local [hbm:s3], $0xF7A  }
0x26: {  	[smem:$0x3F9D] =	sst s1;
	(tag) =	ssettag s2;
	_ =	strace s9  }
0x27: {  	s1 =	sld [smem:$0x3FAD]  }
0x28: {  	s2 =	sld [smem:$0x3FAE]  }
0x29: {  	s4 =	sld [smem:$0x3FB0]  }
0x2a: {  	p0 =	seq.s32 s5, $0x0;
	s5 =	sld [smem:$0x3FB1]  }
0x2b: {  	s6 =	sld [smem:$0x3FB2]  }
0x2c: {  	s7 =	sld [smem:$0x3FB3]  }
0x2d: {  	s3 =	simm.s32 $0x108;
	s8 =	sld [smem:$0x3FB4]  }
0x2e: {  	s3 =	simm.s32 @!p0 $0x1082;
	s9 =	sld [smem:$0x3FB5]  }
0x2f: {  	lr =	sadd.s32 s0, s3;
	s0 =	sld [smem:$0x3FAC]  }
0x30: {  	s3 =	sld [smem:$0x3FAF]  }
0x31: {  	[smem:$0x3FB8] =	sst s10  }
0x32: {  	s10 =	sld [smem:$0x3FB6];
	_ =	sdelay $0x3  }
0x33: {  	p0 =	seq.s32 s10, $0x1;
	s10 =	sld [smem:$0x3FB8];
	_ =	sdelay $0x3  }
0x34: {  	[smem:$0x3FB8] =	sst s10  }
0x35: {  	s10 =	sld [smem:$0x3FB7];
	_ =	sdelay $0x3  }
0x36: {  	p1 =	seq.s32 s10, $0x1;
	s10 =	sld [smem:$0x3FB8];
	_ =	sdelay $0x3  }
0x37: {  	[smem:$0x3FB8] =	sst s10  }
0x38: {  	s10 =	sld [smem:$0x3FB9]  }
0x39: {  	_ = 	snop;
	(pc) =	sbr.ind lr, $3  }
0x3a: {  	_ = 	snop  }
0x3b: {  	_ = 	snop  }
0x3c: {  	p2 =	seq.s32 s10, $0x1;
	s10 =	sld [smem:$0x3FB8]  }
0x3d: {  	_ =	shalt  }
0x3e: {  	_ =	shalt  }
0x3f: {  	_ =	shalt  }
0x40: {  	_ =	shalt  }
0x41: {  	_ =	shalt  }
0x42: {  	_ =	shalt  }
0x43: {  	_ =	shalt  }
0x44: {  	_ =	shalt  }
0x45: {  	_ =	shalt  }
0x46: {  	_ =	shalt  }
0x47: {  	_ =	shalt  }
0x48: {  	_ =	shalt  }
0x49: {  	_ =	shalt  }
0x4a: {  	_ =	shalt  }
0x4b: {  	_ =	shalt  }
0x4c: {  	_ =	shalt  }
0x4d: {  	_ =	shalt  }
0x4e: {  	_ =	shalt  }
0x4f: {  	_ =	shalt  }
0x50: {  	_ =	shalt  }
0x51: {  	_ =	shalt  }
0x52: {  	_ =	shalt  }
0x53: {  	_ =	shalt  }
0x54: {  	_ =	shalt  }
0x55: {  	_ =	shalt  }
0x56: {  	_ =	shalt  }
0x57: {  	_ =	shalt  }
0x58: {  	_ =	shalt  }
0x59: {  	_ =	shalt  }
0x5a: {  	_ =	shalt  }
0x5b: {  	_ =	shalt  }
0x5c: {  	_ =	shalt  }
0x5d: {  	_ =	shalt  }
0x5e: {  	_ =	shalt  }
0x5f: {  	_ =	shalt  }
0x60: {  	_ =	shalt  }
0x61: {  	_ =	shalt  }
0x62: {  	_ =	shalt  }
0x63: {  	_ =	shalt  }
0x64: {  	_ =	shalt  }
0x65: {  	_ =	shalt  }
0x66: {  	_ =	shalt  }
0x67: {  	_ =	shalt  }
0x68: {  	_ =	shalt  }
0x69: {  	_ =	shalt  }
0x6a: {  	_ =	shalt  }
0x6b: {  	_ =	shalt  }
0x6c: {  	_ =	shalt  }
0x6d: {  	_ =	shalt  }
0x6e: {  	_ =	shalt  }
0x6f: {  	_ =	shalt  }
0x70: {  	_ =	shalt  }
0x71: {  	_ =	shalt  }
0x72: {  	_ =	shalt  }
0x73: {  	_ =	shalt  }
0x74: {  	_ =	shalt  }
0x75: {  	_ =	shalt  }
0x76: {  	_ =	shalt  }
0x77: {  	_ =	shalt  }
0x78: {  	_ =	shalt  }
0x79: {  	_ =	shalt  }
0x7a: {  	_ =	shalt  }
0x7b: {  	_ =	shalt  }
0x7c: {  	_ =	shalt  }
0x7d: {  	_ =	shalt  }
0x7e: {  	_ =	shalt  }
0x7f: {  	_ =	shalt  }
0x80: {  	_ =	shalt  }
0x81: {  	_ =	shalt  }
0x82: {  	_ =	shalt  }
0x83: {  	_ =	shalt  }
0x84: {  	_ =	shalt  }
0x85: {  	_ =	shalt  }
0x86: {  	_ =	shalt  }
0x87: {  	_ =	shalt  }
.Lfunc_end0:
.L_simem_size_0:
called_computation_lowered:
.L_overlay_start_0:
0x88: {  	s2 =	sld [smem:$0x3FD9]  }
0x89: {  	s3 =	sld [smem:$0x3FFE];
	_ =	sdelay $0x1  }
0x8a: {  	s1 =	srdreg.scid  }
0x8b: {  	s0 =	sand.u32 $0x1, s1  }
0x8c: {  	s17 =	sshll.u32 s0, $0xA;
	s2 =	sadd.s32 s3, s2  }
0x8d: {  	s2 =	sadd.s32 s2, s17  }
0x8e: {  	[smem:$0x3FC4] =	sst s2  }
0x8f: {  	_ = 	snop  }
0x90: {  	s2 =	sld [smem:$0x3FC6]  }
0x91: {  	s18 =	sld [smem:$0x3FD0];
	(tm) =	ssettm $0x1  }
0x92: {  	s4 =	sld [smem:$0x3FFB];
	_ =	sdelay $0x3  }
0x93: {  	_ =	strace s4  }
0x94: {  	s4 =	sld [smem:$0x3FFC];
	_ =	sdelay $0x3  }
0x95: {  	_ =	strace s4  }
0x96: {  	s4 =	sld [smem:$0x3FFD];
	_ =	sdelay $0x3  }
0x97: {  	_ =	strace s4  }
0x98: {  	_ =	strace $0x8FFFFFFF  }
0x99: {  	s19 =	sld [smem:$0x3FDB];
	_ =	sdelay $0x1  }
0x9a: {  	s5 =	simm.s32 $_scs_section_size  }
0x9b: {  	s6 =	simm.s32 $_size__tile_overlayer_lowered;
	s7 =	simm.s32 $_tile_overlayer_lowered  }
0x9c: {  	s22 =	simm.s32 $0x1BFF;
	s21 =	sshll.u32 s7, $0x1;
	s4 =	sadd.s32 s5, s19  }
0x9d: {  	s8 =	simm.s32 $0x0;
	s20 =	sshll.u32 s6, $0x1;
	s6 =	sadd.s32 s21, s4  }
0x9e: {  	[timem:s8], [sflag:s22] =	dma.local [hbm:s6], s20  }
0x9f: {  	_ =	swait.ge [sflag:s22], s20  }
0xa0: {  	s5 =	ssub.s32 $0x0, s20;
	[sflag:s22] =	ssyncset.done $0x0  }
0xa1: {  	[sflag:s22] =	ssyncadd.s32 s5;
	_ =	sdelay $0x1  }
0xa2: {  	s23 =	simm.s32 $0x1B8B  }
0xa3: {  	_ =	swait.ge [sflag:s23], $0x1  }
0xa4: {  	[sflag:s23] =	ssyncset.done $0x0  }
0xa5: {  	s25 =	simm.s32 $0x1B8E;
	s24 =	sld [smem:$0x3FFE];
	[sflag:s23] =	ssyncadd.s32 $0xFFFFFFFF  }
0xa6: {  	s26 =	simm.s32 $execute0_lowered;
	[smem:$0x3FD2] =	sst s25  }
0xa7: {  	s6 =	sshll.u32 s26, $0x1;
	_ =	strace $0x80000046;
	[dreg:$0x1] =	wrdreg $0xFFFFFFFF  }
0xa8: {  	s28 =	simm.s32 $_size_execute0_lowered;
	s4 =	sadd.s32 s4, s6;
	[dreg:$0x0] =	wrdreg $0x0  }
0xa9: {  	s6 =	sshll.u32 s28, $0x1;
	[dreg:$0x2] =	wrdreg s4  }
0xaa: {  	[dreg:$0x3] =	wrdreg s6  }
0xab: {  	[dreg:$0x4] =	wrdreg $0xC0  }
0xac: {  	_ =	task [dreg:s8], $0x5FFFF  }
0xad: {  	[dreg:$0x1] =	wrdreg $0xFFFFFFFF  }
0xae: {  	[dreg:$0x0] =	wrdreg $0x60  }
0xaf: {  	[dreg:$0x2] =	wrdreg s24  }
0xb0: {  	[dreg:$0x3] =	wrdreg s2  }
0xb1: {  	[dreg:$0x4] =	wrdreg s18  }
0xb2: {  	[dreg:$0x5] =	wrdreg $0x0  }
0xb3: {  	[dreg:$0x6] =	wrdreg $0x9  }
0xb4: {  	_ =	task.clear_ibuf [dreg:s8], $0x7FFFF;
	_ =	strace $0x90000046  }
0xb5: {  	s29 =	simm.s32 $0x9;
	_ =	strace $0x80000048  }
0xb6: {  	_ =	swait.ge [sflag:s29], $0x1  }
0xb7: {  	[sflag:s29] =	ssyncadd.s32 $0xFFFFFFFF  }
0xb8: {  	_ =	strace $0x90000048  }
0xb9: {  	_ =	sfence  }
0xba: {  	s30 =	sld [smem:$0x0];
	_ =	sdelay $0x2  }
0xbb: {  	s31 =	sshll.u32 s1, $0xD;
	s1 =	sshrl.u32 s1, $0x2  }
0xbc: {  	s3 =	sand.u32 $0x4000, s31;
	s1 =	sadd.s32 s1, s30  }
0xbd: {  	s0 =	sor.u32 s3, s0;
	s1 =	sshll.u32 s1, $0x11  }
0xbe: {  	s0 =	sor.u32 s1, s0  }
0xbf: {  	s0 =	sadd.s32 $0x8F2B, s0  }
0xc0: {  	[sflag:s0] =	ssyncadd.remote.s32 $0x1  }
0xc1: {  	_ =	sfence.sel $0xFFFF  }
0xc2: {  	[dreg:$0x0] =	wrdreg $0xFFFFFFFF;
	(pc) =	sbr.abs _section_cstart, $3  }
0xc3: {  	[dreg:$0x1] =	wrdreg $0xFFFFFFFF  }
0xc4: {  	_ =	task.clear_ibuf [dreg:s8], $0x2FFFF;
	_ =	strace $0x9FFFFFFF  }
0xc5: {  	(tm) =	ssettm $0x7FFFFFFF  }
tec
execute0_lowered:
.L_overlay_start_1:
0x0: {  	(tag) =	ssettag $0x1  }
0x1: {  	s0 =	rddreg [dreg:$0x0]  }
0x2: {  	s1 =	rddreg [dreg:$0x1]  }
0x3: {  	s2 =	rddreg [dreg:$0x2]  }
0x4: {  	s10 =	rddreg [dreg:$0x3];
	s3 =	simm.s32 $0x0;
	s4 =	srdreg.scid  }
0x5: {  	s8 =	stileid.u32;
	s28 =	simm.s32 $0x3170;
	s30 =	simm.s32 $0x4  }
0x6: {  	s31 =	simm.s32 $0x4CF0;
	s29 =	simm.s32 $0x3;
	[smem:$0x7FF] =	sst s3  }
0x7: {  	s4 =	sand.u32 $0x1, s4;
	s5 =	sshll.u32 s8, $0x1;
	s6 =	sadd.s32 $0x200, s0  }
0x8: {  	s7 =	sadd.s32 $0x64200, s0;
	s0 =	sadd.s32 $0x65C00, s0;
	s20 =	smul.u32 $0x1870, s8  }
0x9: {  	_ =	strace $0x80000047;
	s5 =	sor.u32 s4, s5;
	[dreg:$0x5] =	wrdreg s7  }
0xa: {  	[dreg:$0x6] =	wrdreg s0;
	s19 =	ssub.s32 $0x2, s4;
	s18 =	smul.u32 $0x19000, s5  }
0xb: {  	s21 =	sshrl.u32 s19, $0x1;
	s9 =	smul.u32 $0x3200, s5;
	s4 =	smin.u32 s20, $0x16E30  }
0xc: {  	s26 =	sshll.u32 s5, $0x6;
	s5 =	simm.s32 $0x0;
	s0 =	ssub.s32 s19, s21  }
0xd: {  	s23 =	sshrl.u32 s4, $0x3;
	s24 =	sadd.s32 s4, s10;
	s4 =	simm.s32 $0x2  }
0xe: {  	s7 =	sshrl.u32 s18, $0x3;
	s1 =	sadd.s32 s1, s23;
	[dreg:$0xa] =	wrdreg s24  }
0xf: {  	s7 =	sadd.s32 s6, s7;
	s6 =	sadd.s32 s6, s9;
	[dreg:$0x9] =	wrdreg s1  }
0x10: {  	s1 =	simm.s32 $0x5;
	[dreg:$0x7] =	wrdreg s6;
	s22 =	sadd.s32 $0x320, s7  }
0x11: {  	s25 =	sadd.s32 $0x640, s7;
	s11 =	sadd.s32 $0x960, s7;
	s12 =	sadd.s32 $0xC80, s7  }
0x12: {  	s13 =	sadd.s32 $0xFA0, s7;
	s14 =	sadd.s32 $0x12C0, s7;
	s15 =	sadd.s32 $0x15E0, s7  }
0x13: {  	s16 =	sadd.s32 $0x1900, s7;
	s17 =	sadd.s32 $0x1C20, s7;
	s18 =	sadd.s32 $0x1F40, s7  }
0x14: {  	s19 =	sadd.s32 $0x2260, s7;
	s20 =	sadd.s32 $0x2580, s7;
	s21 =	sadd.s32 $0x28A0, s7  }
0x15: {  	s23 =	sadd.s32 $0x2BC0, s7;
	s24 =	sadd.s32 $0x2EE0, s7;
	[dreg:$0x8] =	wrdreg s22  }
0x16: {  	v0 =	vlaneseq.u32;
	[dreg:$0xb] =	wrdreg s25;
	s22 =	sadd.s32 s2, s26;
	s25 =	smax.u32 s0, $0x1  }
0x17: {  	v0 =	vmul.u32 $0xC8, v0;
	s26 =	simm.s32 $0x1870;
	s0 =	simm.s32 $0x6;
	s2 =	simm.s32 $0x1  }
.LBB2_1:
0x18: {  	s6 =	rddreg [dreg:$0x7]  }
0x19: {  	[tilespmem:s26], [sflag:$0x1] =	stream.linear.gather [hbm4b:s6+s3], $0x1900, $0x38;
	[tilespmem:$0x1D3F0] =	vst v63  }
0x1a: {  	s8 =	rddreg [dreg:$0x8]  }
0x1b: {  	[tilespmem:s28], [sflag:$0x2] =	stream.linear.gather [hbm4b:s8+s3], $0x1900, $0x38;
	[tilespmem:$0x1D3F0] =	vst v63  }
0x1c: {  	s9 =	rddreg [dreg:$0x6];
	s7 =	simm.s32 $0x4C70  }
0x1d: {  	[tilespmem:s7], [sflag:$0x4] =	stream.linear.gather [hbm4b:s9+s3], $0x80, $0x38;
	[tilespmem:$0x1D3F0] =	vst v63  }
0x1e: {  	_ =	swait.ge [sflag:s30], $0x80  }
0x1f: {  	[sflag:s30] =	ssyncset.done $0x0  }
0x20: {  	s10 =	rddreg [dreg:$0x5];
	[sflag:s30] =	ssyncadd.s32 $0xFFFFFF80  }
0x21: {  	[tilespmem:s31], [sflag:$0x4] =	stream.linear.gather [hbm4b:s10+s3], $0xC380, $0x38;
	[tilespmem:$0x1D3F0] =	vst v63  }
0x22: {  	s8 =	simm.s32 $0x11070;
	s7 =	rddreg [dreg:$0x9]  }
0x23: {  	[tilespmem:s8], [sflag:$0x5] =	stream.linear.gather [hbm4b:s7+s3], $0x1870, $0x38;
	[tilespmem:$0x1D3F0] =	vst v63  }
0x24: {  	_ =	swait.ge [sflag:s30], $0xC380  }
0x25: {  	[sflag:s30] =	ssyncset.done $0x0  }
0x26: {  	[sflag:s30] =	ssyncadd.s32 $0xFFFF3C80  }
0x27: {  	_ =	swait.ge [sflag:s1], $0x1870  }
0x28: {  	[sflag:s1] =	ssyncset.done $0x0  }
0x29: {  	s9 =	simm.s32 $0x11090;
	[sflag:s1] =	ssyncadd.s32 $0xFFFFE790  }
0x2a: {  	v1 =	vld [tilespmem:s9+$0x10];
	_ =	sdelay $0x1  }
0x2b: {  	v3 =	vld [tilespmem:s9+$0xFFFFFFE0]  }
0x2c: {  	v4 =	vld [tilespmem:s9+$0xFFFFFFF0]  }
0x2d: {  	s10 =	simm.s32 $0x110D0;
	v5 =	vld [tilespmem:s9+$0x0]  }
0x2e: {  	v8 =	vld [tilespmem:s10+$0x10]  }
0x2f: {  	v2 =	vld [tilespmem:s10+$0xFFFFFFF0]  }
0x30: {  	v7 =	vld [tilespmem:s10+$0xFFFFFFE0]  }
0x31: {  	v9 =	vld.idx.msk [tilespmem:v1+s31+$0x0], $0xffff  }
0x32: {  	v1 =	vld [tilespmem:s10+$0x0]  }
0x33: {  	v6 =	vld.idx.msk [tilespmem:v3+s31+$0x0], $0xffff  }
0x34: {  	v4 =	vld.idx.msk [tilespmem:v4+s31+$0x0], $0xffff  }
0x35: {  	s6 =	simm.s32 $0x12910;
	v5 =	vld.idx.msk [tilespmem:v5+s31+$0x0], $0xffff  }
0x36: {  	s7 =	simm.s32 $0x4;
	s8 =	simm.s32 $0x11110;
	v3 =	vld.idx.msk [tilespmem:v8+s31+$0x0], $0xffff;
	[tilespmem:s6+$0x10] =	vst v9  }
.LBB2_2:
0x37: {  	v8 =	vld [tilespmem:s8+$0x10];
	s7 =	sadd.s32 $0x4, s7  }
0x38: {  	v9 =	vld [tilespmem:s8+$0xFFFFFFF0];
	p0 =	slt.u32 s7, $0x180;
	[tilespmem:s6+$0xFFFFFFE0] =	vst v6  }
0x39: {  	v10 =	vld [tilespmem:s8+$0x0];
	[tilespmem:s6+$0xFFFFFFF0] =	vst v4  }
0x3a: {  	v11 =	vld [tilespmem:s8+$0xFFFFFFE0];
	[tilespmem:s6+$0x0] =	vst v5  }
.Ltmp0:
0x3b: {  	s6 =	sadd.s32 $0x40, s6;
	v6 =	vld.idx.msk [tilespmem:v7+s31+$0x0], $0xffff;
	(pc) =	sbr.rel @p0 .LBB2_2-.Ltmp0, $4  }
0x3c: {  	v4 =	vld.idx.msk [tilespmem:v2+s31+$0x0], $0xffff;
	[tilespmem:s6+$0x10] =	vst v3  }
0x3d: {  	v5 =	vld.idx.msk [tilespmem:v1+s31+$0x0], $0xffff;
	v2 =	vmov v9  }
0x3e: {  	v1 =	vmov v10  }
0x3f: {  	s8 =	sadd.s32 $0x40, s8;
	v3 =	vld.idx.msk [tilespmem:v8+s31+$0x0], $0xffff;
	v7 =	vmov v11  }
0x40: {  	v8 =	vld [tilespmem:$0x128B0]  }
0x41: {  	v9 =	vld [tilespmem:$0x128C0]  }
0x42: {  	v10 =	vld [tilespmem:$0x128D0];
	_ =	sdelay $0x2  }
0x43: {  	v7 =	vld.idx.msk [tilespmem:v7+s31+$0x0], $0xffff  }
0x44: {  	[tilespmem:s6+$0xFFFFFFE0] =	vst v6;
	v2 =	vld.idx.msk [tilespmem:v2+s31+$0x0], $0xffff  }
0x45: {  	v1 =	vld.idx.msk [tilespmem:v1+s31+$0x0], $0xffff;
	[tilespmem:s6+$0xFFFFFFF0] =	vst v4  }
0x46: {  	s8 =	sadd.s32 $0x40, s6;
	[tilespmem:s6+$0x0] =	vst v5;
	v62 =	vld.idx.msk [tilespmem:v8+s31+$0x0], $0xffff  }
0x47: {  	[tilespmem:s8+$0x10] =	vst v3;
	v3 =	vld.idx.msk [tilespmem:v9+s31+$0x0], $0xffff  }
0x48: {  	[tilespmem:s8+$0xFFFFFFE0] =	vst v7;
	v63 =	vld.idx.msk [tilespmem:v10+s31+$0x0], $0xffff  }
0x49: {  	[tilespmem:s8+$0xFFFFFFF0] =	vst v2  }
0x4a: {  	[tilespmem:s8+$0x0] =	vst v1  }
0x4b: {  	[tilespmem:$0x14130] =	vst v62  }
0x4c: {  	[tilespmem:$0x14140] =	vst v3  }
0x4d: {  	s9 =	rddreg [dreg:$0xa];
	s7 =	simm.s32 $0x128F0;
	[tilespmem:$0x14150] =	vst v63  }
0x4e: {  	[spmem:s9] =	stream.linear.scatter [tilespmem:s7], [sflag:$0x6], $0x1870, $0x38;
	[tilespmem:$0x1D3F0] =	vst v63  }
0x4f: {  	_ =	swait.ge [sflag:s0], $0x1870  }
0x50: {  	[sflag:s0] =	ssyncset.done $0x0  }
0x51: {  	[sflag:s0] =	ssyncadd.s32 $0xFFFFE790  }
0x52: {  	[bflag:$0x0] =	sbarrier.arrive $0xFFFF  }
0x53: {  	s10 =	rddreg [dreg:$0x3]  }
0x54: {  	[tilespmem:s31], [sflag:$0x3] =	stream.linear.gather [spmem:s10], $0x18700, $0x38;
	[tilespmem:$0x1D3F0] =	vst v63  }
0x55: {  	_ =	swait.ge [sflag:s29], $0x18700  }
0x56: {  	[sflag:s29] =	ssyncset.done $0x0  }
0x57: {  	[sflag:s29] =	ssyncadd.s32 $0xFFFE7900  }
0x58: {  	_ =	swait.ge [sflag:s2], $0x1900  }
0x59: {  	[sflag:s2] =	ssyncset.done $0x0  }
0x5a: {  	p1 =	por $0x1, $0x1;
	s6 =	simm.s32 $0x0;
	[sflag:s2] =	ssyncadd.s32 $0xFFFFE700  }
.LBB2_4:
0x5b: {  	s7 =	smul.u32 $0xC80, s6;
	_ =	sdelay $0x1  }
0x5c: {  	s8 =	sadd.s32 $0x0, s7  }
0x5d: {  	v1 =	vadd.s32 s8, v0  }
0x5e: {  	s9 =	sadd.s32 $0x1, s8  }
0x5f: {  	v2 =	vadd.s32 s9, v0  }
0x60: {  	s10 =	sadd.s32 $0x2, s8  }
0x61: {  	v3 =	vadd.s32 s10, v0;
	s10 =	sadd.s32 $0x3, s8  }
0x62: {  	v4 =	vadd.s32 s10, v0;
	s10 =	sadd.s32 $0x4, s8;
	v1 =	vld.idx.msk [tilespmem:v1+s26+$0x0], $0xffff  }
0x63: {  	v5 =	vadd.s32 s10, v0;
	s10 =	sadd.s32 $0x5, s8  }
0x64: {  	v6 =	vadd.s32 s10, v0;
	v2 =	vld.idx.msk [tilespmem:v2+s26+$0x0], $0xffff  }
0x65: {  	s10 =	sadd.s32 $0x6, s8  }
0x66: {  	v7 =	vadd.s32 s10, v0;
	v3 =	vld.idx.msk [tilespmem:v3+s26+$0x0], $0xffff  }
0x67: {  	s8 =	sadd.s32 $0x7, s8;
	v4 =	vld.idx.msk [tilespmem:v4+s26+$0x0], $0xffff  }
0x68: {  	v8 =	vadd.s32 s8, v0;
	v5 =	vld.idx.msk [tilespmem:v5+s26+$0x0], $0xffff  }
0x69: {  	s8 =	sadd.s32 $0x8, s7;
	v6 =	vld.idx.msk [tilespmem:v6+s26+$0x0], $0xffff  }
0x6a: {  	v9 =	vadd.s32 s8, v0;
	v1 =	vld.idx.msk [tilespmem:v1+s31+$0x0], $0xffff  }
0x6b: {  	s10 =	sadd.s32 $0x1, s8;
	v7 =	vld.idx.msk [tilespmem:v7+s26+$0x0], $0xffff  }
0x6c: {  	v10 =	vadd.s32 s10, v0;
	v2 =	vld.idx.msk [tilespmem:v2+s31+$0x0], $0xffff  }
0x6d: {  	v8 =	vld.idx.msk [tilespmem:v8+s26+$0x0], $0xffff  }
0x6e: {  	v11 =	vimm.f32 $0.0e+00;
	v3 =	vld.idx.msk [tilespmem:v3+s31+$0x0], $0xffff  }
0x6f: {  	s10 =	sadd.s32 $0x2, s8;
	v9 =	vld.idx.msk [tilespmem:v9+s26+$0x0], $0xffff;
	v1 =	vadd.f32 v1, v11  }
0x70: {  	v12 =	vadd.s32 s10, v0;
	s10 =	sadd.s32 $0x3, s8;
	v4 =	vld.idx.msk [tilespmem:v4+s31+$0x0], $0xffff  }
0x71: {  	v13 =	vld.idx.msk [tilespmem:v10+s26+$0x0], $0xffff;
	v11 =	vadd.s32 s10, v0;
	v1 =	vadd.f32 v2, v1  }
0x72: {  	v5 =	vld.idx.msk [tilespmem:v5+s31+$0x0], $0xffff  }
0x73: {  	v14 =	vld.idx.msk [tilespmem:v6+s31+$0x0], $0xffff;
	s10 =	sadd.s32 $0x4, s8;
	v1 =	vadd.f32 v3, v1  }
0x74: {  	v15 =	vld.idx.msk [tilespmem:v7+s31+$0x0], $0xffff;
	v10 =	vadd.s32 s10, v0  }
0x75: {  	s10 =	sadd.s32 $0x5, s8;
	v3 =	vld.idx.msk [tilespmem:v12+s26+$0x0], $0xffff;
	v1 =	vadd.f32 v4, v1  }
0x76: {  	v63 =	vadd.s32 s10, v0;
	s10 =	sadd.s32 $0x6, s8;
	v2 =	vld.idx.msk [tilespmem:v11+s26+$0x0], $0xffff  }
0x77: {  	v4 =	vadd.f32 v5, v1;
	v5 =	vld.idx.msk [tilespmem:v9+s31+$0x0], $0xffff;
	v9 =	vadd.s32 s10, v0  }
0x78: {  	v6 =	vld.idx.msk [tilespmem:v8+s31+$0x0], $0xffff;
	s10 =	sadd.s32 $0x7, s8  }
0x79: {  	v1 =	vld.idx.msk [tilespmem:v10+s26+$0x0], $0xffff;
	v10 =	vadd.s32 s10, v0;
	v11 =	vadd.f32 v14, v4  }
0x7a: {  	v7 =	vld.idx.msk [tilespmem:v13+s31+$0x0], $0xffff;
	s8 =	sadd.s32 $0x10, s7  }
0x7b: {  	p0 =	por p1, p1;
	s9 =	simm.s32 $0x18;
	v8 =	vadd.s32 s8, v0;
	v4 =	vld.idx.msk [tilespmem:v63+s26+$0x0], $0xffff;
	v11 =	vadd.f32 v15, v11  }
.LBB2_5:
0x7c: {  	p1 =	sne.s32 s9, $0xC0;
	s10 =	sadd.s32 $0x1, s8;
	v9 =	vld.idx.msk [tilespmem:v9+s26+$0x0], $0xffff  }
0x7d: {  	v12 =	vadd.s32 s10, v0;
	v3 =	vld.idx.msk [tilespmem:v3+s31+$0x0], $0xffff;
	v6 =	vadd.f32 v6, v11  }
0x7e: {  	s10 =	sadd.s32 $0x2, s8;
	v10 =	vld.idx.msk [tilespmem:v10+s26+$0x0], $0xffff  }
0x7f: {  	v11 =	vadd.s32 s10, v0;
	v5 =	vadd.f32 v5, v6;
	v2 =	vld.idx.msk [tilespmem:v2+s31+$0x0], $0xffff  }
0x80: {  	s10 =	sadd.s32 $0x3, s8;
	v8 =	vld.idx.msk [tilespmem:v8+s26+$0x0], $0xffff  }
0x81: {  	v6 =	vadd.s32 s10, v0;
	v5 =	vadd.f32 v7, v5;
	v1 =	vld.idx.msk [tilespmem:v1+s31+$0x0], $0xffff  }
0x82: {  	s10 =	sadd.s32 $0x4, s8;
	v7 =	vld.idx.msk [tilespmem:v12+s26+$0x0], $0xffff  }
0x83: {  	v12 =	vadd.s32 s10, v0;
	v5 =	vadd.f32 v3, v5;
	v4 =	vld.idx.msk [tilespmem:v4+s31+$0x0], $0xffff  }
0x84: {  	s10 =	sadd.s32 $0x5, s8;
	v3 =	vld.idx.msk [tilespmem:v11+s26+$0x0], $0xffff  }
0x85: {  	v11 =	vadd.s32 s10, v0;
	v5 =	vadd.f32 v2, v5;
	v13 =	vld.idx.msk [tilespmem:v9+s31+$0x0], $0xffff  }
0x86: {  	s10 =	sadd.s32 $0x6, s8;
	v2 =	vld.idx.msk [tilespmem:v6+s26+$0x0], $0xffff  }
.Ltmp1:
0x87: {  	v9 =	vadd.s32 s10, v0;
	v14 =	vadd.f32 v1, v5;
	v6 =	vld.idx.msk [tilespmem:v10+s31+$0x0], $0xffff;
	(pc) =	sbr.rel @p1 .LBB2_5-.Ltmp1, $4  }
0x88: {  	s8 =	sadd.s32 $0x7, s8;
	v1 =	vld.idx.msk [tilespmem:v12+s26+$0x0], $0xffff  }
0x89: {  	v10 =	vadd.s32 s8, v0;
	v5 =	vld.idx.msk [tilespmem:v8+s31+$0x0], $0xffff;
	v12 =	vadd.f32 v4, v14  }
0x8a: {  	s8 =	sadd.s32 s9, s7;
	v4 =	vld.idx.msk [tilespmem:v11+s26+$0x0], $0xffff  }
0x8b: {  	s9 =	sadd.s32 $0x8, s9;
	v8 =	vadd.s32 s8, v0;
	v7 =	vld.idx.msk [tilespmem:v7+s31+$0x0], $0xffff;
	v11 =	vadd.f32 v13, v12  }
0x8c: {  	_ =	sdelay $0x3  }
0x8d: {  	v9 =	vld.idx.msk [tilespmem:v9+s26+$0x0], $0xffff;
	v6 =	vadd.f32 v6, v11  }
0x8e: {  	s7 =	sadd.s32 $0x1, s8;
	v3 =	vld.idx.msk [tilespmem:v3+s31+$0x0], $0xffff  }
0x8f: {  	s9 =	sadd.s32 $0x2, s8;
	v10 =	vld.idx.msk [tilespmem:v10+s26+$0x0], $0xffff;
	v55 =	vadd.s32 s7, v0;
	v5 =	vadd.f32 v5, v6  }
0x90: {  	v2 =	vld.idx.msk [tilespmem:v2+s31+$0x0], $0xffff;
	v56 =	vadd.s32 s9, v0  }
0x91: {  	v8 =	vld.idx.msk [tilespmem:v8+s26+$0x0], $0xffff;
	s10 =	sadd.s32 $0x3, s8;
	v5 =	vadd.f32 v7, v5  }
0x92: {  	v57 =	vadd.s32 s10, v0;
	v1 =	vld.idx.msk [tilespmem:v1+s31+$0x0], $0xffff  }
0x93: {  	s9 =	sadd.s32 $0x4, s8;
	v4 =	vld.idx.msk [tilespmem:v4+s31+$0x0], $0xffff;
	v3 =	vadd.f32 v3, v5  }
0x94: {  	v58 =	vadd.s32 s9, v0;
	v11 =	vld.idx.msk [tilespmem:v55+s26+$0x0], $0xffff  }
0x95: {  	s10 =	sadd.s32 $0x5, s8;
	v6 =	vld.idx.msk [tilespmem:v56+s26+$0x0], $0xffff;
	v2 =	vadd.f32 v2, v3  }
0x96: {  	v9 =	vld.idx.msk [tilespmem:v9+s31+$0x0], $0xffff;
	v3 =	vadd.s32 s10, v0  }
0x97: {  	v7 =	vld.idx.msk [tilespmem:v57+s26+$0x0], $0xffff;
	v1 =	vadd.f32 v1, v2  }
0x98: {  	s9 =	sadd.s32 $0x6, s8;
	v10 =	vld.idx.msk [tilespmem:v10+s31+$0x0], $0xffff  }
0x99: {  	v5 =	vld.idx.msk [tilespmem:v58+s26+$0x0], $0xffff;
	v2 =	vadd.s32 s9, v0;
	v1 =	vadd.f32 v4, v1  }
0x9a: {  	v59 =	vld.idx.msk [tilespmem:v8+s31+$0x0], $0xffff;
	s10 =	sadd.s32 $0x7, s8  }
0x9b: {  	v60 =	vadd.s32 s10, v0;
	v3 =	vld.idx.msk [tilespmem:v3+s26+$0x0], $0xffff;
	v1 =	vadd.f32 v9, v1  }
0x9c: {  	v61 =	vld.idx.msk [tilespmem:v11+s31+$0x0], $0xffff  }
0x9d: {  	v6 =	vld.idx.msk [tilespmem:v6+s31+$0x0], $0xffff;
	v1 =	vadd.f32 v10, v1  }
0x9e: {  	v2 =	vld.idx.msk [tilespmem:v2+s26+$0x0], $0xffff  }
0x9f: {  	v62 =	vld.idx.msk [tilespmem:v7+s31+$0x0], $0xffff;
	v1 =	vadd.f32 v59, v1  }
0xa0: {  	v8 =	vld.idx.msk [tilespmem:v60+s26+$0x0], $0xffff  }
0xa1: {  	v1 =	vadd.f32 v61, v1  }
0xa2: {  	v5 =	vld.idx.msk [tilespmem:v5+s31+$0x0], $0xffff  }
0xa3: {  	v1 =	vadd.f32 v6, v1  }
0xa4: {  	v3 =	vld.idx.msk [tilespmem:v3+s31+$0x0], $0xffff  }
0xa5: {  	v1 =	vadd.f32 v62, v1  }
0xa6: {  	v2 =	vld.idx.msk [tilespmem:v2+s31+$0x0], $0xffff  }
0xa7: {  	v1 =	vadd.f32 v5, v1  }
0xa8: {  	v63 =	vld.idx.msk [tilespmem:v8+s31+$0x0], $0xffff  }
0xa9: {  	v1 =	vadd.f32 v3, v1  }
0xaa: {  	v3 =	vld [tilespmem:$0x4C70]  }
0xab: {  	v1 =	vadd.f32 v2, v1;
	_ =	sdelay $0x1  }
.Ltmp2:
0xac: {  	v1 =	vadd.f32 v63, v1;
	(pc) =	sbr.rel @p0 .LBB2_4-.Ltmp2, $4  }
0xad: {  	_ = 	snop  }
0xae: {  	s6 =	sshll.u32 s6, $0x4;
	v1 =	vadd.f32 v3, v1  }
0xaf: {  	s6 =	sand.u32 $0x3FFFFFF0, s6  }
0xb0: {  	p1 =	por $0x0, $0x0;
	[tilespmem:s6+$0x4A70] =	vst v1;
	s6 =	simm.s32 $0x1  }
0xb1: {  	s6 =	simm.s32 $0x0;
	s7 =	rddreg [dreg:$0xb]  }
0xb2: {  	[tilespmem:s26], [sflag:$0x1] =	stream.linear.gather [hbm4b:s7+s6], $0x1900, $0x38;
	[tilespmem:$0x1D3F0] =	vst v63  }
0xb3: {  	_ =	swait.ge [sflag:s4], $0x1900  }
0xb4: {  	[sflag:s4] =	ssyncset.done $0x0  }
0xb5: {  	p1 =	por $0x1, $0x1;
	[sflag:s4] =	ssyncadd.s32 $0xFFFFE700  }
.LBB2_8:
0xb6: {  	s7 =	smul.u32 $0xC80, s6;
	_ =	sdelay $0x1  }
0xb7: {  	s8 =	sadd.s32 $0x0, s7  }
0xb8: {  	v1 =	vadd.s32 s8, v0  }
0xb9: {  	s9 =	sadd.s32 $0x1, s8  }
0xba: {  	v2 =	vadd.s32 s9, v0  }
0xbb: {  	s10 =	sadd.s32 $0x2, s8  }
0xbc: {  	v3 =	vadd.s32 s10, v0;
	s10 =	sadd.s32 $0x3, s8  }
0xbd: {  	v4 =	vadd.s32 s10, v0;
	s10 =	sadd.s32 $0x4, s8;
	v1 =	vld.idx.msk [tilespmem:v1+s28+$0x0], $0xffff  }
0xbe: {  	v5 =	vadd.s32 s10, v0;
	s10 =	sadd.s32 $0x5, s8  }
0xbf: {  	v6 =	vadd.s32 s10, v0;
	v2 =	vld.idx.msk [tilespmem:v2+s28+$0x0], $0xffff  }
0xc0: {  	s10 =	sadd.s32 $0x6, s8  }
0xc1: {  	v7 =	vadd.s32 s10, v0;
	v3 =	vld.idx.msk [tilespmem:v3+s28+$0x0], $0xffff  }
0xc2: {  	s8 =	sadd.s32 $0x7, s8;
	v4 =	vld.idx.msk [tilespmem:v4+s28+$0x0], $0xffff  }
0xc3: {  	v8 =	vadd.s32 s8, v0;
	v5 =	vld.idx.msk [tilespmem:v5+s28+$0x0], $0xffff  }
0xc4: {  	s8 =	sadd.s32 $0x8, s7;
	v6 =	vld.idx.msk [tilespmem:v6+s28+$0x0], $0xffff  }
0xc5: {  	v9 =	vadd.s32 s8, v0;
	v1 =	vld.idx.msk [tilespmem:v1+s31+$0x0], $0xffff  }
0xc6: {  	s10 =	sadd.s32 $0x1, s8;
	v7 =	vld.idx.msk [tilespmem:v7+s28+$0x0], $0xffff  }
0xc7: {  	v10 =	vadd.s32 s10, v0;
	v2 =	vld.idx.msk [tilespmem:v2+s31+$0x0], $0xffff  }
0xc8: {  	v8 =	vld.idx.msk [tilespmem:v8+s28+$0x0], $0xffff  }
0xc9: {  	v11 =	vimm.f32 $0.0e+00;
	v3 =	vld.idx.msk [tilespmem:v3+s31+$0x0], $0xffff  }
0xca: {  	s10 =	sadd.s32 $0x2, s8;
	v9 =	vld.idx.msk [tilespmem:v9+s28+$0x0], $0xffff;
	v1 =	vadd.f32 v1, v11  }
0xcb: {  	v12 =	vadd.s32 s10, v0;
	s10 =	sadd.s32 $0x3, s8;
	v4 =	vld.idx.msk [tilespmem:v4+s31+$0x0], $0xffff  }
0xcc: {  	v13 =	vld.idx.msk [tilespmem:v10+s28+$0x0], $0xffff;
	v11 =	vadd.s32 s10, v0;
	v1 =	vadd.f32 v2, v1  }
0xcd: {  	v5 =	vld.idx.msk [tilespmem:v5+s31+$0x0], $0xffff  }
0xce: {  	v14 =	vld.idx.msk [tilespmem:v6+s31+$0x0], $0xffff;
	s10 =	sadd.s32 $0x4, s8;
	v1 =	vadd.f32 v3, v1  }
0xcf: {  	v15 =	vld.idx.msk [tilespmem:v7+s31+$0x0], $0xffff;
	v10 =	vadd.s32 s10, v0  }
0xd0: {  	s10 =	sadd.s32 $0x5, s8;
	v3 =	vld.idx.msk [tilespmem:v12+s28+$0x0], $0xffff;
	v1 =	vadd.f32 v4, v1  }
0xd1: {  	v63 =	vadd.s32 s10, v0;
	s10 =	sadd.s32 $0x6, s8;
	v2 =	vld.idx.msk [tilespmem:v11+s28+$0x0], $0xffff  }
0xd2: {  	v4 =	vadd.f32 v5, v1;
	v5 =	vld.idx.msk [tilespmem:v9+s31+$0x0], $0xffff;
	v9 =	vadd.s32 s10, v0  }
0xd3: {  	v6 =	vld.idx.msk [tilespmem:v8+s31+$0x0], $0xffff;
	s10 =	sadd.s32 $0x7, s8  }
0xd4: {  	v1 =	vld.idx.msk [tilespmem:v10+s28+$0x0], $0xffff;
	v10 =	vadd.s32 s10, v0;
	v11 =	vadd.f32 v14, v4  }
0xd5: {  	v7 =	vld.idx.msk [tilespmem:v13+s31+$0x0], $0xffff;
	s8 =	sadd.s32 $0x10, s7  }
0xd6: {  	p0 =	por p1, p1;
	s9 =	simm.s32 $0x18;
	v8 =	vadd.s32 s8, v0;
	v4 =	vld.idx.msk [tilespmem:v63+s28+$0x0], $0xffff;
	v11 =	vadd.f32 v15, v11  }
.LBB2_9:
0xd7: {  	p1 =	sne.s32 s9, $0xC0;
	s10 =	sadd.s32 $0x1, s8;
	v9 =	vld.idx.msk [tilespmem:v9+s28+$0x0], $0xffff  }
0xd8: {  	v12 =	vadd.s32 s10, v0;
	v3 =	vld.idx.msk [tilespmem:v3+s31+$0x0], $0xffff;
	v6 =	vadd.f32 v6, v11  }
0xd9: {  	s10 =	sadd.s32 $0x2, s8;
	v10 =	vld.idx.msk [tilespmem:v10+s28+$0x0], $0xffff  }
0xda: {  	v11 =	vadd.s32 s10, v0;
	v5 =	vadd.f32 v5, v6;
	v2 =	vld.idx.msk [tilespmem:v2+s31+$0x0], $0xffff  }
0xdb: {  	s10 =	sadd.s32 $0x3, s8;
	v8 =	vld.idx.msk [tilespmem:v8+s28+$0x0], $0xffff  }
0xdc: {  	v6 =	vadd.s32 s10, v0;
	v5 =	vadd.f32 v7, v5;
	v1 =	vld.idx.msk [tilespmem:v1+s31+$0x0], $0xffff  }
0xdd: {  	s10 =	sadd.s32 $0x4, s8;
	v7 =	vld.idx.msk [tilespmem:v12+s28+$0x0], $0xffff  }
0xde: {  	v12 =	vadd.s32 s10, v0;
	v5 =	vadd.f32 v3, v5;
	v4 =	vld.idx.msk [tilespmem:v4+s31+$0x0], $0xffff  }
0xdf: {  	s10 =	sadd.s32 $0x5, s8;
	v3 =	vld.idx.msk [tilespmem:v11+s28+$0x0], $0xffff  }
0xe0: {  	v11 =	vadd.s32 s10, v0;
	v5 =	vadd.f32 v2, v5;
	v13 =	vld.idx.msk [tilespmem:v9+s31+$0x0], $0xffff  }
0xe1: {  	s10 =	sadd.s32 $0x6, s8;
	v2 =	vld.idx.msk [tilespmem:v6+s28+$0x0], $0xffff  }
.Ltmp3:
0xe2: {  	v9 =	vadd.s32 s10, v0;
	v14 =	vadd.f32 v1, v5;
	v6 =	vld.idx.msk [tilespmem:v10+s31+$0x0], $0xffff;
	(pc) =	sbr.rel @p1 .LBB2_9-.Ltmp3, $4  }
0xe3: {  	s8 =	sadd.s32 $0x7, s8;
	v1 =	vld.idx.msk [tilespmem:v12+s28+$0x0], $0xffff  }
0xe4: {  	v10 =	vadd.s32 s8, v0;
	v5 =	vld.idx.msk [tilespmem:v8+s31+$0x0], $0xffff;
	v12 =	vadd.f32 v4, v14  }
0xe5: {  	s8 =	sadd.s32 s9, s7;
	v4 =	vld.idx.msk [tilespmem:v11+s28+$0x0], $0xffff  }
0xe6: {  	s9 =	sadd.s32 $0x8, s9;
	v8 =	vadd.s32 s8, v0;
	v7 =	vld.idx.msk [tilespmem:v7+s31+$0x0], $0xffff;
	v11 =	vadd.f32 v13, v12  }
0xe7: {  	_ =	sdelay $0x3  }
0xe8: {  	v9 =	vld.idx.msk [tilespmem:v9+s28+$0x0], $0xffff;
	v6 =	vadd.f32 v6, v11  }
0xe9: {  	s7 =	sadd.s32 $0x1, s8;
	v3 =	vld.idx.msk [tilespmem:v3+s31+$0x0], $0xffff  }
0xea: {  	s9 =	sadd.s32 $0x2, s8;
	v10 =	vld.idx.msk [tilespmem:v10+s28+$0x0], $0xffff;
	v55 =	vadd.s32 s7, v0;
	v5 =	vadd.f32 v5, v6  }
0xeb: {  	v2 =	vld.idx.msk [tilespmem:v2+s31+$0x0], $0xffff;
	v56 =	vadd.s32 s9, v0  }
0xec: {  	v8 =	vld.idx.msk [tilespmem:v8+s28+$0x0], $0xffff;
	s10 =	sadd.s32 $0x3, s8;
	v5 =	vadd.f32 v7, v5  }
0xed: {  	v57 =	vadd.s32 s10, v0;
	v1 =	vld.idx.msk [tilespmem:v1+s31+$0x0], $0xffff  }
0xee: {  	s9 =	sadd.s32 $0x4, s8;
	v4 =	vld.idx.msk [tilespmem:v4+s31+$0x0], $0xffff;
	v3 =	vadd.f32 v3, v5  }
0xef: {  	v58 =	vadd.s32 s9, v0;
	v11 =	vld.idx.msk [tilespmem:v55+s28+$0x0], $0xffff  }
0xf0: {  	s10 =	sadd.s32 $0x5, s8;
	v6 =	vld.idx.msk [tilespmem:v56+s28+$0x0], $0xffff;
	v2 =	vadd.f32 v2, v3  }
0xf1: {  	v9 =	vld.idx.msk [tilespmem:v9+s31+$0x0], $0xffff;
	v3 =	vadd.s32 s10, v0  }
0xf2: {  	v7 =	vld.idx.msk [tilespmem:v57+s28+$0x0], $0xffff;
	v1 =	vadd.f32 v1, v2  }
0xf3: {  	s9 =	sadd.s32 $0x6, s8;
	v10 =	vld.idx.msk [tilespmem:v10+s31+$0x0], $0xffff  }
0xf4: {  	v5 =	vld.idx.msk [tilespmem:v58+s28+$0x0], $0xffff;
	v2 =	vadd.s32 s9, v0;
	v1 =	vadd.f32 v4, v1  }
0xf5: {  	v59 =	vld.idx.msk [tilespmem:v8+s31+$0x0], $0xffff;
	s10 =	sadd.s32 $0x7, s8  }
0xf6: {  	v60 =	vadd.s32 s10, v0;
	v3 =	vld.idx.msk [tilespmem:v3+s28+$0x0], $0xffff;
	v1 =	vadd.f32 v9, v1  }
0xf7: {  	v61 =	vld.idx.msk [tilespmem:v11+s31+$0x0], $0xffff  }
0xf8: {  	v6 =	vld.idx.msk [tilespmem:v6+s31+$0x0], $0xffff;
	v1 =	vadd.f32 v10, v1  }
0xf9: {  	v2 =	vld.idx.msk [tilespmem:v2+s28+$0x0], $0xffff  }
0xfa: {  	v62 =	vld.idx.msk [tilespmem:v7+s31+$0x0], $0xffff;
	v1 =	vadd.f32 v59, v1  }
0xfb: {  	v8 =	vld.idx.msk [tilespmem:v60+s28+$0x0], $0xffff  }
0xfc: {  	v1 =	vadd.f32 v61, v1  }
0xfd: {  	v5 =	vld.idx.msk [tilespmem:v5+s31+$0x0], $0xffff  }
0xfe: {  	v1 =	vadd.f32 v6, v1  }
0xff: {  	v3 =	vld.idx.msk [tilespmem:v3+s31+$0x0], $0xffff  }
0x100: {  	v1 =	vadd.f32 v62, v1  }
0x101: {  	v2 =	vld.idx.msk [tilespmem:v2+s31+$0x0], $0xffff  }
0x102: {  	v1 =	vadd.f32 v5, v1  }
0x103: {  	v63 =	vld.idx.msk [tilespmem:v8+s31+$0x0], $0xffff  }
0x104: {  	v1 =	vadd.f32 v3, v1  }
0x105: {  	v3 =	vld [tilespmem:$0x4C70]  }
0x106: {  	v1 =	vadd.f32 v2, v1;
	_ =	sdelay $0x1  }
.Ltmp4:
0x107: {  	v1 =	vadd.f32 v63, v1;
	(pc) =	sbr.rel @p0 .LBB2_8-.Ltmp4, $4  }
0x108: {  	_ = 	snop  }
0x109: {  	s6 =	sshll.u32 s6, $0x4;
	v1 =	vadd.f32 v3, v1  }
0x10a: {  	s6 =	sand.u32 $0x3FFFFFF0, s6  }
0x10b: {  	p1 =	por $0x0, $0x0;
	[tilespmem:s6+$0x4A90] =	vst v1;
	s6 =	simm.s32 $0x1  }
0x10c: {  	s6 =	simm.s32 $0x0  }
0x10d: {  	[tilespmem:s28], [sflag:$0x2] =	stream.linear.gather [hbm4b:s11+s6], $0x1900, $0x38;
	[tilespmem:$0x1D3F0] =	vst v63  }
0x10e: {  	_ =	swait.ge [sflag:s2], $0x1900  }
0x10f: {  	[sflag:s2] =	ssyncset.done $0x0  }
0x110: {  	p1 =	por $0x1, $0x1;
	[sflag:s2] =	ssyncadd.s32 $0xFFFFE700  }
.LBB2_12:
0x111: {  	s7 =	smul.u32 $0xC80, s6;
	_ =	sdelay $0x1  }
0x112: {  	s8 =	sadd.s32 $0x0, s7  }
0x113: {  	v1 =	vadd.s32 s8, v0  }
0x114: {  	s9 =	sadd.s32 $0x1, s8  }
0x115: {  	v2 =	vadd.s32 s9, v0  }
0x116: {  	s10 =	sadd.s32 $0x2, s8  }
0x117: {  	v3 =	vadd.s32 s10, v0;
	s10 =	sadd.s32 $0x3, s8  }
0x118: {  	v4 =	vadd.s32 s10, v0;
	s10 =	sadd.s32 $0x4, s8;
	v1 =	vld.idx.msk [tilespmem:v1+s26+$0x0], $0xffff  }
0x119: {  	v5 =	vadd.s32 s10, v0;
	s10 =	sadd.s32 $0x5, s8  }
0x11a: {  	v6 =	vadd.s32 s10, v0;
	v2 =	vld.idx.msk [tilespmem:v2+s26+$0x0], $0xffff  }
0x11b: {  	s10 =	sadd.s32 $0x6, s8  }
0x11c: {  	v7 =	vadd.s32 s10, v0;
	v3 =	vld.idx.msk [tilespmem:v3+s26+$0x0], $0xffff  }
0x11d: {  	s8 =	sadd.s32 $0x7, s8;
	v4 =	vld.idx.msk [tilespmem:v4+s26+$0x0], $0xffff  }
0x11e: {  	v8 =	vadd.s32 s8, v0;
	v5 =	vld.idx.msk [tilespmem:v5+s26+$0x0], $0xffff  }
0x11f: {  	s8 =	sadd.s32 $0x8, s7;
	v6 =	vld.idx.msk [tilespmem:v6+s26+$0x0], $0xffff  }
0x120: {  	v9 =	vadd.s32 s8, v0;
	v1 =	vld.idx.msk [tilespmem:v1+s31+$0x0], $0xffff  }
0x121: {  	s10 =	sadd.s32 $0x1, s8;
	v7 =	vld.idx.msk [tilespmem:v7+s26+$0x0], $0xffff  }
0x122: {  	v10 =	vadd.s32 s10, v0;
	v2 =	vld.idx.msk [tilespmem:v2+s31+$0x0], $0xffff  }
0x123: {  	v8 =	vld.idx.msk [tilespmem:v8+s26+$0x0], $0xffff  }
0x124: {  	v11 =	vimm.f32 $0.0e+00;
	v3 =	vld.idx.msk [tilespmem:v3+s31+$0x0], $0xffff  }
0x125: {  	s10 =	sadd.s32 $0x2, s8;
	v9 =	vld.idx.msk [tilespmem:v9+s26+$0x0], $0xffff;
	v1 =	vadd.f32 v1, v11  }
0x126: {  	v12 =	vadd.s32 s10, v0;
	s10 =	sadd.s32 $0x3, s8;
	v4 =	vld.idx.msk [tilespmem:v4+s31+$0x0], $0xffff  }
0x127: {  	v13 =	vld.idx.msk [tilespmem:v10+s26+$0x0], $0xffff;
	v11 =	vadd.s32 s10, v0;
	v1 =	vadd.f32 v2, v1  }
0x128: {  	v5 =	vld.idx.msk [tilespmem:v5+s31+$0x0], $0xffff  }
0x129: {  	v14 =	vld.idx.msk [tilespmem:v6+s31+$0x0], $0xffff;
	s10 =	sadd.s32 $0x4, s8;
	v1 =	vadd.f32 v3, v1  }
0x12a: {  	v15 =	vld.idx.msk [tilespmem:v7+s31+$0x0], $0xffff;
	v10 =	vadd.s32 s10, v0  }
0x12b: {  	s10 =	sadd.s32 $0x5, s8;
	v3 =	vld.idx.msk [tilespmem:v12+s26+$0x0], $0xffff;
	v1 =	vadd.f32 v4, v1  }
0x12c: {  	v63 =	vadd.s32 s10, v0;
	s10 =	sadd.s32 $0x6, s8;
	v2 =	vld.idx.msk [tilespmem:v11+s26+$0x0], $0xffff  }
0x12d: {  	v4 =	vadd.f32 v5, v1;
	v5 =	vld.idx.msk [tilespmem:v9+s31+$0x0], $0xffff;
	v9 =	vadd.s32 s10, v0  }
0x12e: {  	v6 =	vld.idx.msk [tilespmem:v8+s31+$0x0], $0xffff;
	s10 =	sadd.s32 $0x7, s8  }
0x12f: {  	v1 =	vld.idx.msk [tilespmem:v10+s26+$0x0], $0xffff;
	v10 =	vadd.s32 s10, v0;
	v11 =	vadd.f32 v14, v4  }
0x130: {  	v7 =	vld.idx.msk [tilespmem:v13+s31+$0x0], $0xffff;
	s8 =	sadd.s32 $0x10, s7  }
0x131: {  	p0 =	por p1, p1;
	s9 =	simm.s32 $0x18;
	v8 =	vadd.s32 s8, v0;
	v4 =	vld.idx.msk [tilespmem:v63+s26+$0x0], $0xffff;
	v11 =	vadd.f32 v15, v11  }
.LBB2_13:
0x132: {  	p1 =	sne.s32 s9, $0xC0;
	s10 =	sadd.s32 $0x1, s8;
	v9 =	vld.idx.msk [tilespmem:v9+s26+$0x0], $0xffff  }
0x133: {  	v12 =	vadd.s32 s10, v0;
	v3 =	vld.idx.msk [tilespmem:v3+s31+$0x0], $0xffff;
	v6 =	vadd.f32 v6, v11  }
0x134: {  	s10 =	sadd.s32 $0x2, s8;
	v10 =	vld.idx.msk [tilespmem:v10+s26+$0x0], $0xffff  }
0x135: {  	v11 =	vadd.s32 s10, v0;
	v5 =	vadd.f32 v5, v6;
	v2 =	vld.idx.msk [tilespmem:v2+s31+$0x0], $0xffff  }
0x136: {  	s10 =	sadd.s32 $0x3, s8;
	v8 =	vld.idx.msk [tilespmem:v8+s26+$0x0], $0xffff  }
0x137: {  	v6 =	vadd.s32 s10, v0;
	v5 =	vadd.f32 v7, v5;
	v1 =	vld.idx.msk [tilespmem:v1+s31+$0x0], $0xffff  }
0x138: {  	s10 =	sadd.s32 $0x4, s8;
	v7 =	vld.idx.msk [tilespmem:v12+s26+$0x0], $0xffff  }
0x139: {  	v12 =	vadd.s32 s10, v0;
	v5 =	vadd.f32 v3, v5;
	v4 =	vld.idx.msk [tilespmem:v4+s31+$0x0], $0xffff  }
0x13a: {  	s10 =	sadd.s32 $0x5, s8;
	v3 =	vld.idx.msk [tilespmem:v11+s26+$0x0], $0xffff  }
0x13b: {  	v11 =	vadd.s32 s10, v0;
	v5 =	vadd.f32 v2, v5;
	v13 =	vld.idx.msk [tilespmem:v9+s31+$0x0], $0xffff  }
0x13c: {  	s10 =	sadd.s32 $0x6, s8;
	v2 =	vld.idx.msk [tilespmem:v6+s26+$0x0], $0xffff  }
.Ltmp5:
0x13d: {  	v9 =	vadd.s32 s10, v0;
	v14 =	vadd.f32 v1, v5;
	v6 =	vld.idx.msk [tilespmem:v10+s31+$0x0], $0xffff;
	(pc) =	sbr.rel @p1 .LBB2_13-.Ltmp5, $4  }
0x13e: {  	s8 =	sadd.s32 $0x7, s8;
	v1 =	vld.idx.msk [tilespmem:v12+s26+$0x0], $0xffff  }
0x13f: {  	v10 =	vadd.s32 s8, v0;
	v5 =	vld.idx.msk [tilespmem:v8+s31+$0x0], $0xffff;
	v12 =	vadd.f32 v4, v14  }
0x140: {  	s8 =	sadd.s32 s9, s7;
	v4 =	vld.idx.msk [tilespmem:v11+s26+$0x0], $0xffff  }
0x141: {  	s9 =	sadd.s32 $0x8, s9;
	v8 =	vadd.s32 s8, v0;
	v7 =	vld.idx.msk [tilespmem:v7+s31+$0x0], $0xffff;
	v11 =	vadd.f32 v13, v12  }
0x142: {  	_ =	sdelay $0x3  }
0x143: {  	v9 =	vld.idx.msk [tilespmem:v9+s26+$0x0], $0xffff;
	v6 =	vadd.f32 v6, v11  }
0x144: {  	s7 =	sadd.s32 $0x1, s8;
	v3 =	vld.idx.msk [tilespmem:v3+s31+$0x0], $0xffff  }
0x145: {  	s9 =	sadd.s32 $0x2, s8;
	v10 =	vld.idx.msk [tilespmem:v10+s26+$0x0], $0xffff;
	v55 =	vadd.s32 s7, v0;
	v5 =	vadd.f32 v5, v6  }
0x146: {  	v2 =	vld.idx.msk [tilespmem:v2+s31+$0x0], $0xffff;
	v56 =	vadd.s32 s9, v0  }
0x147: {  	v8 =	vld.idx.msk [tilespmem:v8+s26+$0x0], $0xffff;
	s10 =	sadd.s32 $0x3, s8;
	v5 =	vadd.f32 v7, v5  }
0x148: {  	v57 =	vadd.s32 s10, v0;
	v1 =	vld.idx.msk [tilespmem:v1+s31+$0x0], $0xffff  }
0x149: {  	s9 =	sadd.s32 $0x4, s8;
	v4 =	vld.idx.msk [tilespmem:v4+s31+$0x0], $0xffff;
	v3 =	vadd.f32 v3, v5  }
0x14a: {  	v58 =	vadd.s32 s9, v0;
	v11 =	vld.idx.msk [tilespmem:v55+s26+$0x0], $0xffff  }
0x14b: {  	s10 =	sadd.s32 $0x5, s8;
	v6 =	vld.idx.msk [tilespmem:v56+s26+$0x0], $0xffff;
	v2 =	vadd.f32 v2, v3  }
0x14c: {  	v9 =	vld.idx.msk [tilespmem:v9+s31+$0x0], $0xffff;
	v3 =	vadd.s32 s10, v0  }
0x14d: {  	v7 =	vld.idx.msk [tilespmem:v57+s26+$0x0], $0xffff;
	v1 =	vadd.f32 v1, v2  }
0x14e: {  	s9 =	sadd.s32 $0x6, s8;
	v10 =	vld.idx.msk [tilespmem:v10+s31+$0x0], $0xffff  }
0x14f: {  	v5 =	vld.idx.msk [tilespmem:v58+s26+$0x0], $0xffff;
	v2 =	vadd.s32 s9, v0;
	v1 =	vadd.f32 v4, v1  }
0x150: {  	v59 =	vld.idx.msk [tilespmem:v8+s31+$0x0], $0xffff;
	s10 =	sadd.s32 $0x7, s8  }
0x151: {  	v60 =	vadd.s32 s10, v0;
	v3 =	vld.idx.msk [tilespmem:v3+s26+$0x0], $0xffff;
	v1 =	vadd.f32 v9, v1  }
0x152: {  	v61 =	vld.idx.msk [tilespmem:v11+s31+$0x0], $0xffff  }
0x153: {  	v6 =	vld.idx.msk [tilespmem:v6+s31+$0x0], $0xffff;
	v1 =	vadd.f32 v10, v1  }
0x154: {  	v2 =	vld.idx.msk [tilespmem:v2+s26+$0x0], $0xffff  }
0x155: {  	v62 =	vld.idx.msk [tilespmem:v7+s31+$0x0], $0xffff;
	v1 =	vadd.f32 v59, v1  }
0x156: {  	v8 =	vld.idx.msk [tilespmem:v60+s26+$0x0], $0xffff  }
0x157: {  	v1 =	vadd.f32 v61, v1  }
0x158: {  	v5 =	vld.idx.msk [tilespmem:v5+s31+$0x0], $0xffff  }
0x159: {  	v1 =	vadd.f32 v6, v1  }
0x15a: {  	v3 =	vld.idx.msk [tilespmem:v3+s31+$0x0], $0xffff  }
0x15b: {  	v1 =	vadd.f32 v62, v1  }
0x15c: {  	v2 =	vld.idx.msk [tilespmem:v2+s31+$0x0], $0xffff  }
0x15d: {  	v1 =	vadd.f32 v5, v1  }
0x15e: {  	v63 =	vld.idx.msk [tilespmem:v8+s31+$0x0], $0xffff  }
0x15f: {  	v1 =	vadd.f32 v3, v1  }
0x160: {  	v3 =	vld [tilespmem:$0x4C70]  }
0x161: {  	v1 =	vadd.f32 v2, v1;
	_ =	sdelay $0x1  }
.Ltmp6:
0x162: {  	v1 =	vadd.f32 v63, v1;
	(pc) =	sbr.rel @p0 .LBB2_12-.Ltmp6, $4  }
0x163: {  	_ = 	snop  }
0x164: {  	s6 =	sshll.u32 s6, $0x4;
	v1 =	vadd.f32 v3, v1  }
0x165: {  	s6 =	sand.u32 $0x3FFFFFF0, s6  }
0x166: {  	p1 =	por $0x0, $0x0;
	[tilespmem:s6+$0x4AB0] =	vst v1;
	s6 =	simm.s32 $0x1  }
0x167: {  	s6 =	simm.s32 $0x0  }
0x168: {  	[tilespmem:s26], [sflag:$0x1] =	stream.linear.gather [hbm4b:s12+s6], $0x1900, $0x38;
	[tilespmem:$0x1D3F0] =	vst v63  }
0x169: {  	_ =	swait.ge [sflag:s4], $0x1900  }
0x16a: {  	[sflag:s4] =	ssyncset.done $0x0  }
0x16b: {  	p1 =	por $0x1, $0x1;
	[sflag:s4] =	ssyncadd.s32 $0xFFFFE700  }
.LBB2_16:
0x16c: {  	s7 =	smul.u32 $0xC80, s6;
	_ =	sdelay $0x1  }
0x16d: {  	s8 =	sadd.s32 $0x0, s7  }
0x16e: {  	v1 =	vadd.s32 s8, v0  }
0x16f: {  	s9 =	sadd.s32 $0x1, s8  }
0x170: {  	v2 =	vadd.s32 s9, v0  }
0x171: {  	s10 =	sadd.s32 $0x2, s8  }
0x172: {  	v3 =	vadd.s32 s10, v0;
	s10 =	sadd.s32 $0x3, s8  }
0x173: {  	v4 =	vadd.s32 s10, v0;
	s10 =	sadd.s32 $0x4, s8;
	v1 =	vld.idx.msk [tilespmem:v1+s28+$0x0], $0xffff  }
0x174: {  	v5 =	vadd.s32 s10, v0;
	s10 =	sadd.s32 $0x5, s8  }
0x175: {  	v6 =	vadd.s32 s10, v0;
	v2 =	vld.idx.msk [tilespmem:v2+s28+$0x0], $0xffff  }
0x176: {  	s10 =	sadd.s32 $0x6, s8  }
0x177: {  	v7 =	vadd.s32 s10, v0;
	v3 =	vld.idx.msk [tilespmem:v3+s28+$0x0], $0xffff  }
0x178: {  	s8 =	sadd.s32 $0x7, s8;
	v4 =	vld.idx.msk [tilespmem:v4+s28+$0x0], $0xffff  }
0x179: {  	v8 =	vadd.s32 s8, v0;
	v5 =	vld.idx.msk [tilespmem:v5+s28+$0x0], $0xffff  }
0x17a: {  	s8 =	sadd.s32 $0x8, s7;
	v6 =	vld.idx.msk [tilespmem:v6+s28+$0x0], $0xffff  }
0x17b: {  	v9 =	vadd.s32 s8, v0;
	v1 =	vld.idx.msk [tilespmem:v1+s31+$0x0], $0xffff  }
0x17c: {  	s10 =	sadd.s32 $0x1, s8;
	v7 =	vld.idx.msk [tilespmem:v7+s28+$0x0], $0xffff  }
0x17d: {  	v10 =	vadd.s32 s10, v0;
	v2 =	vld.idx.msk [tilespmem:v2+s31+$0x0], $0xffff  }
0x17e: {  	v8 =	vld.idx.msk [tilespmem:v8+s28+$0x0], $0xffff  }
0x17f: {  	v11 =	vimm.f32 $0.0e+00;
	v3 =	vld.idx.msk [tilespmem:v3+s31+$0x0], $0xffff  }
0x180: {  	s10 =	sadd.s32 $0x2, s8;
	v9 =	vld.idx.msk [tilespmem:v9+s28+$0x0], $0xffff;
	v1 =	vadd.f32 v1, v11  }
0x181: {  	v12 =	vadd.s32 s10, v0;
	s10 =	sadd.s32 $0x3, s8;
	v4 =	vld.idx.msk [tilespmem:v4+s31+$0x0], $0xffff  }
0x182: {  	v13 =	vld.idx.msk [tilespmem:v10+s28+$0x0], $0xffff;
	v11 =	vadd.s32 s10, v0;
	v1 =	vadd.f32 v2, v1  }
0x183: {  	v5 =	vld.idx.msk [tilespmem:v5+s31+$0x0], $0xffff  }
0x184: {  	v14 =	vld.idx.msk [tilespmem:v6+s31+$0x0], $0xffff;
	s10 =	sadd.s32 $0x4, s8;
	v1 =	vadd.f32 v3, v1  }
0x185: {  	v15 =	vld.idx.msk [tilespmem:v7+s31+$0x0], $0xffff;
	v10 =	vadd.s32 s10, v0  }
0x186: {  	s10 =	sadd.s32 $0x5, s8;
	v3 =	vld.idx.msk [tilespmem:v12+s28+$0x0], $0xffff;
	v1 =	vadd.f32 v4, v1  }
0x187: {  	v63 =	vadd.s32 s10, v0;
	s10 =	sadd.s32 $0x6, s8;
	v2 =	vld.idx.msk [tilespmem:v11+s28+$0x0], $0xffff  }
0x188: {  	v4 =	vadd.f32 v5, v1;
	v5 =	vld.idx.msk [tilespmem:v9+s31+$0x0], $0xffff;
	v9 =	vadd.s32 s10, v0  }
0x189: {  	v6 =	vld.idx.msk [tilespmem:v8+s31+$0x0], $0xffff;
	s10 =	sadd.s32 $0x7, s8  }
0x18a: {  	v1 =	vld.idx.msk [tilespmem:v10+s28+$0x0], $0xffff;
	v10 =	vadd.s32 s10, v0;
	v11 =	vadd.f32 v14, v4  }
0x18b: {  	v7 =	vld.idx.msk [tilespmem:v13+s31+$0x0], $0xffff;
	s8 =	sadd.s32 $0x10, s7  }
0x18c: {  	p0 =	por p1, p1;
	s9 =	simm.s32 $0x18;
	v8 =	vadd.s32 s8, v0;
	v4 =	vld.idx.msk [tilespmem:v63+s28+$0x0], $0xffff;
	v11 =	vadd.f32 v15, v11  }
.LBB2_17:
0x18d: {  	p1 =	sne.s32 s9, $0xC0;
	s10 =	sadd.s32 $0x1, s8;
	v9 =	vld.idx.msk [tilespmem:v9+s28+$0x0], $0xffff  }
0x18e: {  	v12 =	vadd.s32 s10, v0;
	v3 =	vld.idx.msk [tilespmem:v3+s31+$0x0], $0xffff;
	v6 =	vadd.f32 v6, v11  }
0x18f: {  	s10 =	sadd.s32 $0x2, s8;
	v10 =	vld.idx.msk [tilespmem:v10+s28+$0x0], $0xffff  }
0x190: {  	v11 =	vadd.s32 s10, v0;
	v5 =	vadd.f32 v5, v6;
	v2 =	vld.idx.msk [tilespmem:v2+s31+$0x0], $0xffff  }
0x191: {  	s10 =	sadd.s32 $0x3, s8;
	v8 =	vld.idx.msk [tilespmem:v8+s28+$0x0], $0xffff  }
0x192: {  	v6 =	vadd.s32 s10, v0;
	v5 =	vadd.f32 v7, v5;
	v1 =	vld.idx.msk [tilespmem:v1+s31+$0x0], $0xffff  }
0x193: {  	s10 =	sadd.s32 $0x4, s8;
	v7 =	vld.idx.msk [tilespmem:v12+s28+$0x0], $0xffff  }
0x194: {  	v12 =	vadd.s32 s10, v0;
	v5 =	vadd.f32 v3, v5;
	v4 =	vld.idx.msk [tilespmem:v4+s31+$0x0], $0xffff  }
0x195: {  	s10 =	sadd.s32 $0x5, s8;
	v3 =	vld.idx.msk [tilespmem:v11+s28+$0x0], $0xffff  }
0x196: {  	v11 =	vadd.s32 s10, v0;
	v5 =	vadd.f32 v2, v5;
	v13 =	vld.idx.msk [tilespmem:v9+s31+$0x0], $0xffff  }
0x197: {  	s10 =	sadd.s32 $0x6, s8;
	v2 =	vld.idx.msk [tilespmem:v6+s28+$0x0], $0xffff  }
.Ltmp7:
0x198: {  	v9 =	vadd.s32 s10, v0;
	v14 =	vadd.f32 v1, v5;
	v6 =	vld.idx.msk [tilespmem:v10+s31+$0x0], $0xffff;
	(pc) =	sbr.rel @p1 .LBB2_17-.Ltmp7, $4  }
0x199: {  	s8 =	sadd.s32 $0x7, s8;
	v1 =	vld.idx.msk [tilespmem:v12+s28+$0x0], $0xffff  }
0x19a: {  	v10 =	vadd.s32 s8, v0;
	v5 =	vld.idx.msk [tilespmem:v8+s31+$0x0], $0xffff;
	v12 =	vadd.f32 v4, v14  }
0x19b: {  	s8 =	sadd.s32 s9, s7;
	v4 =	vld.idx.msk [tilespmem:v11+s28+$0x0], $0xffff  }
0x19c: {  	s9 =	sadd.s32 $0x8, s9;
	v8 =	vadd.s32 s8, v0;
	v7 =	vld.idx.msk [tilespmem:v7+s31+$0x0], $0xffff;
	v11 =	vadd.f32 v13, v12  }
0x19d: {  	_ =	sdelay $0x3  }
0x19e: {  	v9 =	vld.idx.msk [tilespmem:v9+s28+$0x0], $0xffff;
	v6 =	vadd.f32 v6, v11  }
0x19f: {  	s7 =	sadd.s32 $0x1, s8;
	v3 =	vld.idx.msk [tilespmem:v3+s31+$0x0], $0xffff  }
0x1a0: {  	s9 =	sadd.s32 $0x2, s8;
	v10 =	vld.idx.msk [tilespmem:v10+s28+$0x0], $0xffff;
	v55 =	vadd.s32 s7, v0;
	v5 =	vadd.f32 v5, v6  }
0x1a1: {  	v2 =	vld.idx.msk [tilespmem:v2+s31+$0x0], $0xffff;
	v56 =	vadd.s32 s9, v0  }
0x1a2: {  	v8 =	vld.idx.msk [tilespmem:v8+s28+$0x0], $0xffff;
	s10 =	sadd.s32 $0x3, s8;
	v5 =	vadd.f32 v7, v5  }
0x1a3: {  	v57 =	vadd.s32 s10, v0;
	v1 =	vld.idx.msk [tilespmem:v1+s31+$0x0], $0xffff  }
0x1a4: {  	s9 =	sadd.s32 $0x4, s8;
	v4 =	vld.idx.msk [tilespmem:v4+s31+$0x0], $0xffff;
	v3 =	vadd.f32 v3, v5  }
0x1a5: {  	v58 =	vadd.s32 s9, v0;
	v11 =	vld.idx.msk [tilespmem:v55+s28+$0x0], $0xffff  }
0x1a6: {  	s10 =	sadd.s32 $0x5, s8;
	v6 =	vld.idx.msk [tilespmem:v56+s28+$0x0], $0xffff;
	v2 =	vadd.f32 v2, v3  }
0x1a7: {  	v9 =	vld.idx.msk [tilespmem:v9+s31+$0x0], $0xffff;
	v3 =	vadd.s32 s10, v0  }
0x1a8: {  	v7 =	vld.idx.msk [tilespmem:v57+s28+$0x0], $0xffff;
	v1 =	vadd.f32 v1, v2  }
0x1a9: {  	s9 =	sadd.s32 $0x6, s8;
	v10 =	vld.idx.msk [tilespmem:v10+s31+$0x0], $0xffff  }
0x1aa: {  	v5 =	vld.idx.msk [tilespmem:v58+s28+$0x0], $0xffff;
	v2 =	vadd.s32 s9, v0;
	v1 =	vadd.f32 v4, v1  }
0x1ab: {  	v59 =	vld.idx.msk [tilespmem:v8+s31+$0x0], $0xffff;
	s10 =	sadd.s32 $0x7, s8  }
0x1ac: {  	v60 =	vadd.s32 s10, v0;
	v3 =	vld.idx.msk [tilespmem:v3+s28+$0x0], $0xffff;
	v1 =	vadd.f32 v9, v1  }
0x1ad: {  	v61 =	vld.idx.msk [tilespmem:v11+s31+$0x0], $0xffff  }
0x1ae: {  	v6 =	vld.idx.msk [tilespmem:v6+s31+$0x0], $0xffff;
	v1 =	vadd.f32 v10, v1  }
0x1af: {  	v2 =	vld.idx.msk [tilespmem:v2+s28+$0x0], $0xffff  }
0x1b0: {  	v62 =	vld.idx.msk [tilespmem:v7+s31+$0x0], $0xffff;
	v1 =	vadd.f32 v59, v1  }
0x1b1: {  	v8 =	vld.idx.msk [tilespmem:v60+s28+$0x0], $0xffff  }
0x1b2: {  	v1 =	vadd.f32 v61, v1  }
0x1b3: {  	v5 =	vld.idx.msk [tilespmem:v5+s31+$0x0], $0xffff  }
0x1b4: {  	v1 =	vadd.f32 v6, v1  }
0x1b5: {  	v3 =	vld.idx.msk [tilespmem:v3+s31+$0x0], $0xffff  }
0x1b6: {  	v1 =	vadd.f32 v62, v1  }
0x1b7: {  	v2 =	vld.idx.msk [tilespmem:v2+s31+$0x0], $0xffff  }
0x1b8: {  	v1 =	vadd.f32 v5, v1  }
0x1b9: {  	v63 =	vld.idx.msk [tilespmem:v8+s31+$0x0], $0xffff  }
0x1ba: {  	v1 =	vadd.f32 v3, v1  }
0x1bb: {  	v3 =	vld [tilespmem:$0x4C70]  }
0x1bc: {  	v1 =	vadd.f32 v2, v1;
	_ =	sdelay $0x1  }
.Ltmp8:
0x1bd: {  	v1 =	vadd.f32 v63, v1;
	(pc) =	sbr.rel @p0 .LBB2_16-.Ltmp8, $4  }
0x1be: {  	_ = 	snop  }
0x1bf: {  	s6 =	sshll.u32 s6, $0x4;
	v1 =	vadd.f32 v3, v1  }
0x1c0: {  	s6 =	sand.u32 $0x3FFFFFF0, s6  }
0x1c1: {  	p1 =	por $0x0, $0x0;
	[tilespmem:s6+$0x4AD0] =	vst v1;
	s6 =	simm.s32 $0x1  }
0x1c2: {  	s6 =	simm.s32 $0x0  }
0x1c3: {  	[tilespmem:s28], [sflag:$0x2] =	stream.linear.gather [hbm4b:s13+s6], $0x1900, $0x38;
	[tilespmem:$0x1D3F0] =	vst v63  }
0x1c4: {  	_ =	swait.ge [sflag:s2], $0x1900  }
0x1c5: {  	[sflag:s2] =	ssyncset.done $0x0  }
0x1c6: {  	p1 =	por $0x1, $0x1;
	[sflag:s2] =	ssyncadd.s32 $0xFFFFE700  }
.LBB2_20:
0x1c7: {  	s7 =	smul.u32 $0xC80, s6;
	_ =	sdelay $0x1  }
0x1c8: {  	s8 =	sadd.s32 $0x0, s7  }
0x1c9: {  	v1 =	vadd.s32 s8, v0  }
0x1ca: {  	s9 =	sadd.s32 $0x1, s8  }
0x1cb: {  	v2 =	vadd.s32 s9, v0  }
0x1cc: {  	s10 =	sadd.s32 $0x2, s8  }
0x1cd: {  	v3 =	vadd.s32 s10, v0;
	s10 =	sadd.s32 $0x3, s8  }
0x1ce: {  	v4 =	vadd.s32 s10, v0;
	s10 =	sadd.s32 $0x4, s8;
	v1 =	vld.idx.msk [tilespmem:v1+s26+$0x0], $0xffff  }
0x1cf: {  	v5 =	vadd.s32 s10, v0;
	s10 =	sadd.s32 $0x5, s8  }
0x1d0: {  	v6 =	vadd.s32 s10, v0;
	v2 =	vld.idx.msk [tilespmem:v2+s26+$0x0], $0xffff  }
0x1d1: {  	s10 =	sadd.s32 $0x6, s8  }
0x1d2: {  	v7 =	vadd.s32 s10, v0;
	v3 =	vld.idx.msk [tilespmem:v3+s26+$0x0], $0xffff  }
0x1d3: {  	s8 =	sadd.s32 $0x7, s8;
	v4 =	vld.idx.msk [tilespmem:v4+s26+$0x0], $0xffff  }
0x1d4: {  	v8 =	vadd.s32 s8, v0;
	v5 =	vld.idx.msk [tilespmem:v5+s26+$0x0], $0xffff  }
0x1d5: {  	s8 =	sadd.s32 $0x8, s7;
	v6 =	vld.idx.msk [tilespmem:v6+s26+$0x0], $0xffff  }
0x1d6: {  	v9 =	vadd.s32 s8, v0;
	v1 =	vld.idx.msk [tilespmem:v1+s31+$0x0], $0xffff  }
0x1d7: {  	s10 =	sadd.s32 $0x1, s8;
	v7 =	vld.idx.msk [tilespmem:v7+s26+$0x0], $0xffff  }
0x1d8: {  	v10 =	vadd.s32 s10, v0;
	v2 =	vld.idx.msk [tilespmem:v2+s31+$0x0], $0xffff  }
0x1d9: {  	v8 =	vld.idx.msk [tilespmem:v8+s26+$0x0], $0xffff  }
0x1da: {  	v11 =	vimm.f32 $0.0e+00;
	v3 =	vld.idx.msk [tilespmem:v3+s31+$0x0], $0xffff  }
0x1db: {  	s10 =	sadd.s32 $0x2, s8;
	v9 =	vld.idx.msk [tilespmem:v9+s26+$0x0], $0xffff;
	v1 =	vadd.f32 v1, v11  }
0x1dc: {  	v12 =	vadd.s32 s10, v0;
	s10 =	sadd.s32 $0x3, s8;
	v4 =	vld.idx.msk [tilespmem:v4+s31+$0x0], $0xffff  }
0x1dd: {  	v13 =	vld.idx.msk [tilespmem:v10+s26+$0x0], $0xffff;
	v11 =	vadd.s32 s10, v0;
	v1 =	vadd.f32 v2, v1  }
0x1de: {  	v5 =	vld.idx.msk [tilespmem:v5+s31+$0x0], $0xffff  }
0x1df: {  	v14 =	vld.idx.msk [tilespmem:v6+s31+$0x0], $0xffff;
	s10 =	sadd.s32 $0x4, s8;
	v1 =	vadd.f32 v3, v1  }
0x1e0: {  	v15 =	vld.idx.msk [tilespmem:v7+s31+$0x0], $0xffff;
	v10 =	vadd.s32 s10, v0  }
0x1e1: {  	s10 =	sadd.s32 $0x5, s8;
	v3 =	vld.idx.msk [tilespmem:v12+s26+$0x0], $0xffff;
	v1 =	vadd.f32 v4, v1  }
0x1e2: {  	v63 =	vadd.s32 s10, v0;
	s10 =	sadd.s32 $0x6, s8;
	v2 =	vld.idx.msk [tilespmem:v11+s26+$0x0], $0xffff  }
0x1e3: {  	v4 =	vadd.f32 v5, v1;
	v5 =	vld.idx.msk [tilespmem:v9+s31+$0x0], $0xffff;
	v9 =	vadd.s32 s10, v0  }
0x1e4: {  	v6 =	vld.idx.msk [tilespmem:v8+s31+$0x0], $0xffff;
	s10 =	sadd.s32 $0x7, s8  }
0x1e5: {  	v1 =	vld.idx.msk [tilespmem:v10+s26+$0x0], $0xffff;
	v10 =	vadd.s32 s10, v0;
	v11 =	vadd.f32 v14, v4  }
0x1e6: {  	v7 =	vld.idx.msk [tilespmem:v13+s31+$0x0], $0xffff;
	s8 =	sadd.s32 $0x10, s7  }
0x1e7: {  	p0 =	por p1, p1;
	s9 =	simm.s32 $0x18;
	v8 =	vadd.s32 s8, v0;
	v4 =	vld.idx.msk [tilespmem:v63+s26+$0x0], $0xffff;
	v11 =	vadd.f32 v15, v11  }
.LBB2_21:
0x1e8: {  	p1 =	sne.s32 s9, $0xC0;
	s10 =	sadd.s32 $0x1, s8;
	v9 =	vld.idx.msk [tilespmem:v9+s26+$0x0], $0xffff  }
0x1e9: {  	v12 =	vadd.s32 s10, v0;
	v3 =	vld.idx.msk [tilespmem:v3+s31+$0x0], $0xffff;
	v6 =	vadd.f32 v6, v11  }
0x1ea: {  	s10 =	sadd.s32 $0x2, s8;
	v10 =	vld.idx.msk [tilespmem:v10+s26+$0x0], $0xffff  }
0x1eb: {  	v11 =	vadd.s32 s10, v0;
	v5 =	vadd.f32 v5, v6;
	v2 =	vld.idx.msk [tilespmem:v2+s31+$0x0], $0xffff  }
0x1ec: {  	s10 =	sadd.s32 $0x3, s8;
	v8 =	vld.idx.msk [tilespmem:v8+s26+$0x0], $0xffff  }
0x1ed: {  	v6 =	vadd.s32 s10, v0;
	v5 =	vadd.f32 v7, v5;
	v1 =	vld.idx.msk [tilespmem:v1+s31+$0x0], $0xffff  }
0x1ee: {  	s10 =	sadd.s32 $0x4, s8;
	v7 =	vld.idx.msk [tilespmem:v12+s26+$0x0], $0xffff  }
0x1ef: {  	v12 =	vadd.s32 s10, v0;
	v5 =	vadd.f32 v3, v5;
	v4 =	vld.idx.msk [tilespmem:v4+s31+$0x0], $0xffff  }
0x1f0: {  	s10 =	sadd.s32 $0x5, s8;
	v3 =	vld.idx.msk [tilespmem:v11+s26+$0x0], $0xffff  }
0x1f1: {  	v11 =	vadd.s32 s10, v0;
	v5 =	vadd.f32 v2, v5;
	v13 =	vld.idx.msk [tilespmem:v9+s31+$0x0], $0xffff  }
0x1f2: {  	s10 =	sadd.s32 $0x6, s8;
	v2 =	vld.idx.msk [tilespmem:v6+s26+$0x0], $0xffff  }
.Ltmp9:
0x1f3: {  	v9 =	vadd.s32 s10, v0;
	v14 =	vadd.f32 v1, v5;
	v6 =	vld.idx.msk [tilespmem:v10+s31+$0x0], $0xffff;
	(pc) =	sbr.rel @p1 .LBB2_21-.Ltmp9, $4  }
0x1f4: {  	s8 =	sadd.s32 $0x7, s8;
	v1 =	vld.idx.msk [tilespmem:v12+s26+$0x0], $0xffff  }
0x1f5: {  	v10 =	vadd.s32 s8, v0;
	v5 =	vld.idx.msk [tilespmem:v8+s31+$0x0], $0xffff;
	v12 =	vadd.f32 v4, v14  }
0x1f6: {  	s8 =	sadd.s32 s9, s7;
	v4 =	vld.idx.msk [tilespmem:v11+s26+$0x0], $0xffff  }
0x1f7: {  	s9 =	sadd.s32 $0x8, s9;
	v8 =	vadd.s32 s8, v0;
	v7 =	vld.idx.msk [tilespmem:v7+s31+$0x0], $0xffff;
	v11 =	vadd.f32 v13, v12  }
0x1f8: {  	_ =	sdelay $0x3  }
0x1f9: {  	v9 =	vld.idx.msk [tilespmem:v9+s26+$0x0], $0xffff;
	v6 =	vadd.f32 v6, v11  }
0x1fa: {  	s7 =	sadd.s32 $0x1, s8;
	v3 =	vld.idx.msk [tilespmem:v3+s31+$0x0], $0xffff  }
0x1fb: {  	s9 =	sadd.s32 $0x2, s8;
	v10 =	vld.idx.msk [tilespmem:v10+s26+$0x0], $0xffff;
	v55 =	vadd.s32 s7, v0;
	v5 =	vadd.f32 v5, v6  }
0x1fc: {  	v2 =	vld.idx.msk [tilespmem:v2+s31+$0x0], $0xffff;
	v56 =	vadd.s32 s9, v0  }
0x1fd: {  	v8 =	vld.idx.msk [tilespmem:v8+s26+$0x0], $0xffff;
	s10 =	sadd.s32 $0x3, s8;
	v5 =	vadd.f32 v7, v5  }
0x1fe: {  	v57 =	vadd.s32 s10, v0;
	v1 =	vld.idx.msk [tilespmem:v1+s31+$0x0], $0xffff  }
0x1ff: {  	s9 =	sadd.s32 $0x4, s8;
	v4 =	vld.idx.msk [tilespmem:v4+s31+$0x0], $0xffff;
	v3 =	vadd.f32 v3, v5  }
0x200: {  	v58 =	vadd.s32 s9, v0;
	v11 =	vld.idx.msk [tilespmem:v55+s26+$0x0], $0xffff  }
0x201: {  	s10 =	sadd.s32 $0x5, s8;
	v6 =	vld.idx.msk [tilespmem:v56+s26+$0x0], $0xffff;
	v2 =	vadd.f32 v2, v3  }
0x202: {  	v9 =	vld.idx.msk [tilespmem:v9+s31+$0x0], $0xffff;
	v3 =	vadd.s32 s10, v0  }
0x203: {  	v7 =	vld.idx.msk [tilespmem:v57+s26+$0x0], $0xffff;
	v1 =	vadd.f32 v1, v2  }
0x204: {  	s9 =	sadd.s32 $0x6, s8;
	v10 =	vld.idx.msk [tilespmem:v10+s31+$0x0], $0xffff  }
0x205: {  	v5 =	vld.idx.msk [tilespmem:v58+s26+$0x0], $0xffff;
	v2 =	vadd.s32 s9, v0;
	v1 =	vadd.f32 v4, v1  }
0x206: {  	v59 =	vld.idx.msk [tilespmem:v8+s31+$0x0], $0xffff;
	s10 =	sadd.s32 $0x7, s8  }
0x207: {  	v60 =	vadd.s32 s10, v0;
	v3 =	vld.idx.msk [tilespmem:v3+s26+$0x0], $0xffff;
	v1 =	vadd.f32 v9, v1  }
0x208: {  	v61 =	vld.idx.msk [tilespmem:v11+s31+$0x0], $0xffff  }
0x209: {  	v6 =	vld.idx.msk [tilespmem:v6+s31+$0x0], $0xffff;
	v1 =	vadd.f32 v10, v1  }
0x20a: {  	v2 =	vld.idx.msk [tilespmem:v2+s26+$0x0], $0xffff  }
0x20b: {  	v62 =	vld.idx.msk [tilespmem:v7+s31+$0x0], $0xffff;
	v1 =	vadd.f32 v59, v1  }
0x20c: {  	v8 =	vld.idx.msk [tilespmem:v60+s26+$0x0], $0xffff  }
0x20d: {  	v1 =	vadd.f32 v61, v1  }
0x20e: {  	v5 =	vld.idx.msk [tilespmem:v5+s31+$0x0], $0xffff  }
0x20f: {  	v1 =	vadd.f32 v6, v1  }
0x210: {  	v3 =	vld.idx.msk [tilespmem:v3+s31+$0x0], $0xffff  }
0x211: {  	v1 =	vadd.f32 v62, v1  }
0x212: {  	v2 =	vld.idx.msk [tilespmem:v2+s31+$0x0], $0xffff  }
0x213: {  	v1 =	vadd.f32 v5, v1  }
0x214: {  	v63 =	vld.idx.msk [tilespmem:v8+s31+$0x0], $0xffff  }
0x215: {  	v1 =	vadd.f32 v3, v1  }
0x216: {  	v3 =	vld [tilespmem:$0x4C70]  }
0x217: {  	v1 =	vadd.f32 v2, v1;
	_ =	sdelay $0x1  }
.Ltmp10:
0x218: {  	v1 =	vadd.f32 v63, v1;
	(pc) =	sbr.rel @p0 .LBB2_20-.Ltmp10, $4  }
0x219: {  	_ = 	snop  }
0x21a: {  	s6 =	sshll.u32 s6, $0x4;
	v1 =	vadd.f32 v3, v1  }
0x21b: {  	s6 =	sand.u32 $0x3FFFFFF0, s6  }
0x21c: {  	p1 =	por $0x0, $0x0;
	[tilespmem:s6+$0x4AF0] =	vst v1;
	s6 =	simm.s32 $0x1  }
0x21d: {  	s6 =	simm.s32 $0x0  }
0x21e: {  	[tilespmem:s26], [sflag:$0x1] =	stream.linear.gather [hbm4b:s14+s6], $0x1900, $0x38;
	[tilespmem:$0x1D3F0] =	vst v63  }
0x21f: {  	_ =	swait.ge [sflag:s4], $0x1900  }
0x220: {  	[sflag:s4] =	ssyncset.done $0x0  }
0x221: {  	p1 =	por $0x1, $0x1;
	[sflag:s4] =	ssyncadd.s32 $0xFFFFE700  }
.LBB2_24:
0x222: {  	s7 =	smul.u32 $0xC80, s6;
	_ =	sdelay $0x1  }
0x223: {  	s8 =	sadd.s32 $0x0, s7  }
0x224: {  	v1 =	vadd.s32 s8, v0  }
0x225: {  	s9 =	sadd.s32 $0x1, s8  }
0x226: {  	v2 =	vadd.s32 s9, v0  }
0x227: {  	s10 =	sadd.s32 $0x2, s8  }
0x228: {  	v3 =	vadd.s32 s10, v0;
	s10 =	sadd.s32 $0x3, s8  }
0x229: {  	v4 =	vadd.s32 s10, v0;
	s10 =	sadd.s32 $0x4, s8;
	v1 =	vld.idx.msk [tilespmem:v1+s28+$0x0], $0xffff  }
0x22a: {  	v5 =	vadd.s32 s10, v0;
	s10 =	sadd.s32 $0x5, s8  }
0x22b: {  	v6 =	vadd.s32 s10, v0;
	v2 =	vld.idx.msk [tilespmem:v2+s28+$0x0], $0xffff  }
0x22c: {  	s10 =	sadd.s32 $0x6, s8  }
0x22d: {  	v7 =	vadd.s32 s10, v0;
	v3 =	vld.idx.msk [tilespmem:v3+s28+$0x0], $0xffff  }
0x22e: {  	s8 =	sadd.s32 $0x7, s8;
	v4 =	vld.idx.msk [tilespmem:v4+s28+$0x0], $0xffff  }
0x22f: {  	v8 =	vadd.s32 s8, v0;
	v5 =	vld.idx.msk [tilespmem:v5+s28+$0x0], $0xffff  }
0x230: {  	s8 =	sadd.s32 $0x8, s7;
	v6 =	vld.idx.msk [tilespmem:v6+s28+$0x0], $0xffff  }
0x231: {  	v9 =	vadd.s32 s8, v0;
	v1 =	vld.idx.msk [tilespmem:v1+s31+$0x0], $0xffff  }
0x232: {  	s10 =	sadd.s32 $0x1, s8;
	v7 =	vld.idx.msk [tilespmem:v7+s28+$0x0], $0xffff  }
0x233: {  	v10 =	vadd.s32 s10, v0;
	v2 =	vld.idx.msk [tilespmem:v2+s31+$0x0], $0xffff  }
0x234: {  	v8 =	vld.idx.msk [tilespmem:v8+s28+$0x0], $0xffff  }
0x235: {  	v11 =	vimm.f32 $0.0e+00;
	v3 =	vld.idx.msk [tilespmem:v3+s31+$0x0], $0xffff  }
0x236: {  	s10 =	sadd.s32 $0x2, s8;
	v9 =	vld.idx.msk [tilespmem:v9+s28+$0x0], $0xffff;
	v1 =	vadd.f32 v1, v11  }
0x237: {  	v12 =	vadd.s32 s10, v0;
	s10 =	sadd.s32 $0x3, s8;
	v4 =	vld.idx.msk [tilespmem:v4+s31+$0x0], $0xffff  }
0x238: {  	v13 =	vld.idx.msk [tilespmem:v10+s28+$0x0], $0xffff;
	v11 =	vadd.s32 s10, v0;
	v1 =	vadd.f32 v2, v1  }
0x239: {  	v5 =	vld.idx.msk [tilespmem:v5+s31+$0x0], $0xffff  }
0x23a: {  	v14 =	vld.idx.msk [tilespmem:v6+s31+$0x0], $0xffff;
	s10 =	sadd.s32 $0x4, s8;
	v1 =	vadd.f32 v3, v1  }
0x23b: {  	v15 =	vld.idx.msk [tilespmem:v7+s31+$0x0], $0xffff;
	v10 =	vadd.s32 s10, v0  }
0x23c: {  	s10 =	sadd.s32 $0x5, s8;
	v3 =	vld.idx.msk [tilespmem:v12+s28+$0x0], $0xffff;
	v1 =	vadd.f32 v4, v1  }
0x23d: {  	v63 =	vadd.s32 s10, v0;
	s10 =	sadd.s32 $0x6, s8;
	v2 =	vld.idx.msk [tilespmem:v11+s28+$0x0], $0xffff  }
0x23e: {  	v4 =	vadd.f32 v5, v1;
	v5 =	vld.idx.msk [tilespmem:v9+s31+$0x0], $0xffff;
	v9 =	vadd.s32 s10, v0  }
0x23f: {  	v6 =	vld.idx.msk [tilespmem:v8+s31+$0x0], $0xffff;
	s10 =	sadd.s32 $0x7, s8  }
0x240: {  	v1 =	vld.idx.msk [tilespmem:v10+s28+$0x0], $0xffff;
	v10 =	vadd.s32 s10, v0;
	v11 =	vadd.f32 v14, v4  }
0x241: {  	v7 =	vld.idx.msk [tilespmem:v13+s31+$0x0], $0xffff;
	s8 =	sadd.s32 $0x10, s7  }
0x242: {  	p0 =	por p1, p1;
	s9 =	simm.s32 $0x18;
	v8 =	vadd.s32 s8, v0;
	v4 =	vld.idx.msk [tilespmem:v63+s28+$0x0], $0xffff;
	v11 =	vadd.f32 v15, v11  }
.LBB2_25:
0x243: {  	p1 =	sne.s32 s9, $0xC0;
	s10 =	sadd.s32 $0x1, s8;
	v9 =	vld.idx.msk [tilespmem:v9+s28+$0x0], $0xffff  }
0x244: {  	v12 =	vadd.s32 s10, v0;
	v3 =	vld.idx.msk [tilespmem:v3+s31+$0x0], $0xffff;
	v6 =	vadd.f32 v6, v11  }
0x245: {  	s10 =	sadd.s32 $0x2, s8;
	v10 =	vld.idx.msk [tilespmem:v10+s28+$0x0], $0xffff  }
0x246: {  	v11 =	vadd.s32 s10, v0;
	v5 =	vadd.f32 v5, v6;
	v2 =	vld.idx.msk [tilespmem:v2+s31+$0x0], $0xffff  }
0x247: {  	s10 =	sadd.s32 $0x3, s8;
	v8 =	vld.idx.msk [tilespmem:v8+s28+$0x0], $0xffff  }
0x248: {  	v6 =	vadd.s32 s10, v0;
	v5 =	vadd.f32 v7, v5;
	v1 =	vld.idx.msk [tilespmem:v1+s31+$0x0], $0xffff  }
0x249: {  	s10 =	sadd.s32 $0x4, s8;
	v7 =	vld.idx.msk [tilespmem:v12+s28+$0x0], $0xffff  }
0x24a: {  	v12 =	vadd.s32 s10, v0;
	v5 =	vadd.f32 v3, v5;
	v4 =	vld.idx.msk [tilespmem:v4+s31+$0x0], $0xffff  }
0x24b: {  	s10 =	sadd.s32 $0x5, s8;
	v3 =	vld.idx.msk [tilespmem:v11+s28+$0x0], $0xffff  }
0x24c: {  	v11 =	vadd.s32 s10, v0;
	v5 =	vadd.f32 v2, v5;
	v13 =	vld.idx.msk [tilespmem:v9+s31+$0x0], $0xffff  }
0x24d: {  	s10 =	sadd.s32 $0x6, s8;
	v2 =	vld.idx.msk [tilespmem:v6+s28+$0x0], $0xffff  }
.Ltmp11:
0x24e: {  	v9 =	vadd.s32 s10, v0;
	v14 =	vadd.f32 v1, v5;
	v6 =	vld.idx.msk [tilespmem:v10+s31+$0x0], $0xffff;
	(pc) =	sbr.rel @p1 .LBB2_25-.Ltmp11, $4  }
0x24f: {  	s8 =	sadd.s32 $0x7, s8;
	v1 =	vld.idx.msk [tilespmem:v12+s28+$0x0], $0xffff  }
0x250: {  	v10 =	vadd.s32 s8, v0;
	v5 =	vld.idx.msk [tilespmem:v8+s31+$0x0], $0xffff;
	v12 =	vadd.f32 v4, v14  }
0x251: {  	s8 =	sadd.s32 s9, s7;
	v4 =	vld.idx.msk [tilespmem:v11+s28+$0x0], $0xffff  }
0x252: {  	s9 =	sadd.s32 $0x8, s9;
	v8 =	vadd.s32 s8, v0;
	v7 =	vld.idx.msk [tilespmem:v7+s31+$0x0], $0xffff;
	v11 =	vadd.f32 v13, v12  }
0x253: {  	_ =	sdelay $0x3  }
0x254: {  	v9 =	vld.idx.msk [tilespmem:v9+s28+$0x0], $0xffff;
	v6 =	vadd.f32 v6, v11  }
0x255: {  	s7 =	sadd.s32 $0x1, s8;
	v3 =	vld.idx.msk [tilespmem:v3+s31+$0x0], $0xffff  }
0x256: {  	s9 =	sadd.s32 $0x2, s8;
	v10 =	vld.idx.msk [tilespmem:v10+s28+$0x0], $0xffff;
	v55 =	vadd.s32 s7, v0;
	v5 =	vadd.f32 v5, v6  }
0x257: {  	v2 =	vld.idx.msk [tilespmem:v2+s31+$0x0], $0xffff;
	v56 =	vadd.s32 s9, v0  }
0x258: {  	v8 =	vld.idx.msk [tilespmem:v8+s28+$0x0], $0xffff;
	s10 =	sadd.s32 $0x3, s8;
	v5 =	vadd.f32 v7, v5  }
0x259: {  	v57 =	vadd.s32 s10, v0;
	v1 =	vld.idx.msk [tilespmem:v1+s31+$0x0], $0xffff  }
0x25a: {  	s9 =	sadd.s32 $0x4, s8;
	v4 =	vld.idx.msk [tilespmem:v4+s31+$0x0], $0xffff;
	v3 =	vadd.f32 v3, v5  }
0x25b: {  	v58 =	vadd.s32 s9, v0;
	v11 =	vld.idx.msk [tilespmem:v55+s28+$0x0], $0xffff  }
0x25c: {  	s10 =	sadd.s32 $0x5, s8;
	v6 =	vld.idx.msk [tilespmem:v56+s28+$0x0], $0xffff;
	v2 =	vadd.f32 v2, v3  }
0x25d: {  	v9 =	vld.idx.msk [tilespmem:v9+s31+$0x0], $0xffff;
	v3 =	vadd.s32 s10, v0  }
0x25e: {  	v7 =	vld.idx.msk [tilespmem:v57+s28+$0x0], $0xffff;
	v1 =	vadd.f32 v1, v2  }
0x25f: {  	s9 =	sadd.s32 $0x6, s8;
	v10 =	vld.idx.msk [tilespmem:v10+s31+$0x0], $0xffff  }
0x260: {  	v5 =	vld.idx.msk [tilespmem:v58+s28+$0x0], $0xffff;
	v2 =	vadd.s32 s9, v0;
	v1 =	vadd.f32 v4, v1  }
0x261: {  	v59 =	vld.idx.msk [tilespmem:v8+s31+$0x0], $0xffff;
	s10 =	sadd.s32 $0x7, s8  }
0x262: {  	v60 =	vadd.s32 s10, v0;
	v3 =	vld.idx.msk [tilespmem:v3+s28+$0x0], $0xffff;
	v1 =	vadd.f32 v9, v1  }
0x263: {  	v61 =	vld.idx.msk [tilespmem:v11+s31+$0x0], $0xffff  }
0x264: {  	v6 =	vld.idx.msk [tilespmem:v6+s31+$0x0], $0xffff;
	v1 =	vadd.f32 v10, v1  }
0x265: {  	v2 =	vld.idx.msk [tilespmem:v2+s28+$0x0], $0xffff  }
0x266: {  	v62 =	vld.idx.msk [tilespmem:v7+s31+$0x0], $0xffff;
	v1 =	vadd.f32 v59, v1  }
0x267: {  	v8 =	vld.idx.msk [tilespmem:v60+s28+$0x0], $0xffff  }
0x268: {  	v1 =	vadd.f32 v61, v1  }
0x269: {  	v5 =	vld.idx.msk [tilespmem:v5+s31+$0x0], $0xffff  }
0x26a: {  	v1 =	vadd.f32 v6, v1  }
0x26b: {  	v3 =	vld.idx.msk [tilespmem:v3+s31+$0x0], $0xffff  }
0x26c: {  	v1 =	vadd.f32 v62, v1  }
0x26d: {  	v2 =	vld.idx.msk [tilespmem:v2+s31+$0x0], $0xffff  }
0x26e: {  	v1 =	vadd.f32 v5, v1  }
0x26f: {  	v63 =	vld.idx.msk [tilespmem:v8+s31+$0x0], $0xffff  }
0x270: {  	v1 =	vadd.f32 v3, v1  }
0x271: {  	v3 =	vld [tilespmem:$0x4C70]  }
0x272: {  	v1 =	vadd.f32 v2, v1;
	_ =	sdelay $0x1  }
.Ltmp12:
0x273: {  	v1 =	vadd.f32 v63, v1;
	(pc) =	sbr.rel @p0 .LBB2_24-.Ltmp12, $4  }
0x274: {  	_ = 	snop  }
0x275: {  	s6 =	sshll.u32 s6, $0x4;
	v1 =	vadd.f32 v3, v1  }
0x276: {  	s6 =	sand.u32 $0x3FFFFFF0, s6  }
0x277: {  	p1 =	por $0x0, $0x0;
	[tilespmem:s6+$0x4B10] =	vst v1;
	s6 =	simm.s32 $0x1  }
0x278: {  	s6 =	simm.s32 $0x0  }
0x279: {  	[tilespmem:s28], [sflag:$0x2] =	stream.linear.gather [hbm4b:s15+s6], $0x1900, $0x38;
	[tilespmem:$0x1D3F0] =	vst v63  }
0x27a: {  	_ =	swait.ge [sflag:s2], $0x1900  }
0x27b: {  	[sflag:s2] =	ssyncset.done $0x0  }
0x27c: {  	p1 =	por $0x1, $0x1;
	[sflag:s2] =	ssyncadd.s32 $0xFFFFE700  }
.LBB2_28:
0x27d: {  	s7 =	smul.u32 $0xC80, s6;
	_ =	sdelay $0x1  }
0x27e: {  	s8 =	sadd.s32 $0x0, s7  }
0x27f: {  	v1 =	vadd.s32 s8, v0  }
0x280: {  	s9 =	sadd.s32 $0x1, s8  }
0x281: {  	v2 =	vadd.s32 s9, v0  }
0x282: {  	s10 =	sadd.s32 $0x2, s8  }
0x283: {  	v3 =	vadd.s32 s10, v0;
	s10 =	sadd.s32 $0x3, s8  }
0x284: {  	v4 =	vadd.s32 s10, v0;
	s10 =	sadd.s32 $0x4, s8;
	v1 =	vld.idx.msk [tilespmem:v1+s26+$0x0], $0xffff  }
0x285: {  	v5 =	vadd.s32 s10, v0;
	s10 =	sadd.s32 $0x5, s8  }
0x286: {  	v6 =	vadd.s32 s10, v0;
	v2 =	vld.idx.msk [tilespmem:v2+s26+$0x0], $0xffff  }
0x287: {  	s10 =	sadd.s32 $0x6, s8  }
0x288: {  	v7 =	vadd.s32 s10, v0;
	v3 =	vld.idx.msk [tilespmem:v3+s26+$0x0], $0xffff  }
0x289: {  	s8 =	sadd.s32 $0x7, s8;
	v4 =	vld.idx.msk [tilespmem:v4+s26+$0x0], $0xffff  }
0x28a: {  	v8 =	vadd.s32 s8, v0;
	v5 =	vld.idx.msk [tilespmem:v5+s26+$0x0], $0xffff  }
0x28b: {  	s8 =	sadd.s32 $0x8, s7;
	v6 =	vld.idx.msk [tilespmem:v6+s26+$0x0], $0xffff  }
0x28c: {  	v9 =	vadd.s32 s8, v0;
	v1 =	vld.idx.msk [tilespmem:v1+s31+$0x0], $0xffff  }
0x28d: {  	s10 =	sadd.s32 $0x1, s8;
	v7 =	vld.idx.msk [tilespmem:v7+s26+$0x0], $0xffff  }
0x28e: {  	v10 =	vadd.s32 s10, v0;
	v2 =	vld.idx.msk [tilespmem:v2+s31+$0x0], $0xffff  }
0x28f: {  	v8 =	vld.idx.msk [tilespmem:v8+s26+$0x0], $0xffff  }
0x290: {  	v11 =	vimm.f32 $0.0e+00;
	v3 =	vld.idx.msk [tilespmem:v3+s31+$0x0], $0xffff  }
0x291: {  	s10 =	sadd.s32 $0x2, s8;
	v9 =	vld.idx.msk [tilespmem:v9+s26+$0x0], $0xffff;
	v1 =	vadd.f32 v1, v11  }
0x292: {  	v12 =	vadd.s32 s10, v0;
	s10 =	sadd.s32 $0x3, s8;
	v4 =	vld.idx.msk [tilespmem:v4+s31+$0x0], $0xffff  }
0x293: {  	v13 =	vld.idx.msk [tilespmem:v10+s26+$0x0], $0xffff;
	v11 =	vadd.s32 s10, v0;
	v1 =	vadd.f32 v2, v1  }
0x294: {  	v5 =	vld.idx.msk [tilespmem:v5+s31+$0x0], $0xffff  }
0x295: {  	v14 =	vld.idx.msk [tilespmem:v6+s31+$0x0], $0xffff;
	s10 =	sadd.s32 $0x4, s8;
	v1 =	vadd.f32 v3, v1  }
0x296: {  	v15 =	vld.idx.msk [tilespmem:v7+s31+$0x0], $0xffff;
	v10 =	vadd.s32 s10, v0  }
0x297: {  	s10 =	sadd.s32 $0x5, s8;
	v3 =	vld.idx.msk [tilespmem:v12+s26+$0x0], $0xffff;
	v1 =	vadd.f32 v4, v1  }
0x298: {  	v63 =	vadd.s32 s10, v0;
	s10 =	sadd.s32 $0x6, s8;
	v2 =	vld.idx.msk [tilespmem:v11+s26+$0x0], $0xffff  }
0x299: {  	v4 =	vadd.f32 v5, v1;
	v5 =	vld.idx.msk [tilespmem:v9+s31+$0x0], $0xffff;
	v9 =	vadd.s32 s10, v0  }
0x29a: {  	v6 =	vld.idx.msk [tilespmem:v8+s31+$0x0], $0xffff;
	s10 =	sadd.s32 $0x7, s8  }
0x29b: {  	v1 =	vld.idx.msk [tilespmem:v10+s26+$0x0], $0xffff;
	v10 =	vadd.s32 s10, v0;
	v11 =	vadd.f32 v14, v4  }
0x29c: {  	v7 =	vld.idx.msk [tilespmem:v13+s31+$0x0], $0xffff;
	s8 =	sadd.s32 $0x10, s7  }
0x29d: {  	p0 =	por p1, p1;
	s9 =	simm.s32 $0x18;
	v8 =	vadd.s32 s8, v0;
	v4 =	vld.idx.msk [tilespmem:v63+s26+$0x0], $0xffff;
	v11 =	vadd.f32 v15, v11  }
.LBB2_29:
0x29e: {  	p1 =	sne.s32 s9, $0xC0;
	s10 =	sadd.s32 $0x1, s8;
	v9 =	vld.idx.msk [tilespmem:v9+s26+$0x0], $0xffff  }
0x29f: {  	v12 =	vadd.s32 s10, v0;
	v3 =	vld.idx.msk [tilespmem:v3+s31+$0x0], $0xffff;
	v6 =	vadd.f32 v6, v11  }
0x2a0: {  	s10 =	sadd.s32 $0x2, s8;
	v10 =	vld.idx.msk [tilespmem:v10+s26+$0x0], $0xffff  }
0x2a1: {  	v11 =	vadd.s32 s10, v0;
	v5 =	vadd.f32 v5, v6;
	v2 =	vld.idx.msk [tilespmem:v2+s31+$0x0], $0xffff  }
0x2a2: {  	s10 =	sadd.s32 $0x3, s8;
	v8 =	vld.idx.msk [tilespmem:v8+s26+$0x0], $0xffff  }
0x2a3: {  	v6 =	vadd.s32 s10, v0;
	v5 =	vadd.f32 v7, v5;
	v1 =	vld.idx.msk [tilespmem:v1+s31+$0x0], $0xffff  }
0x2a4: {  	s10 =	sadd.s32 $0x4, s8;
	v7 =	vld.idx.msk [tilespmem:v12+s26+$0x0], $0xffff  }
0x2a5: {  	v12 =	vadd.s32 s10, v0;
	v5 =	vadd.f32 v3, v5;
	v4 =	vld.idx.msk [tilespmem:v4+s31+$0x0], $0xffff  }
0x2a6: {  	s10 =	sadd.s32 $0x5, s8;
	v3 =	vld.idx.msk [tilespmem:v11+s26+$0x0], $0xffff  }
0x2a7: {  	v11 =	vadd.s32 s10, v0;
	v5 =	vadd.f32 v2, v5;
	v13 =	vld.idx.msk [tilespmem:v9+s31+$0x0], $0xffff  }
0x2a8: {  	s10 =	sadd.s32 $0x6, s8;
	v2 =	vld.idx.msk [tilespmem:v6+s26+$0x0], $0xffff  }
.Ltmp13:
0x2a9: {  	v9 =	vadd.s32 s10, v0;
	v14 =	vadd.f32 v1, v5;
	v6 =	vld.idx.msk [tilespmem:v10+s31+$0x0], $0xffff;
	(pc) =	sbr.rel @p1 .LBB2_29-.Ltmp13, $4  }
0x2aa: {  	s8 =	sadd.s32 $0x7, s8;
	v1 =	vld.idx.msk [tilespmem:v12+s26+$0x0], $0xffff  }
0x2ab: {  	v10 =	vadd.s32 s8, v0;
	v5 =	vld.idx.msk [tilespmem:v8+s31+$0x0], $0xffff;
	v12 =	vadd.f32 v4, v14  }
0x2ac: {  	s8 =	sadd.s32 s9, s7;
	v4 =	vld.idx.msk [tilespmem:v11+s26+$0x0], $0xffff  }
0x2ad: {  	s9 =	sadd.s32 $0x8, s9;
	v8 =	vadd.s32 s8, v0;
	v7 =	vld.idx.msk [tilespmem:v7+s31+$0x0], $0xffff;
	v11 =	vadd.f32 v13, v12  }
0x2ae: {  	_ =	sdelay $0x3  }
0x2af: {  	v9 =	vld.idx.msk [tilespmem:v9+s26+$0x0], $0xffff;
	v6 =	vadd.f32 v6, v11  }
0x2b0: {  	s7 =	sadd.s32 $0x1, s8;
	v3 =	vld.idx.msk [tilespmem:v3+s31+$0x0], $0xffff  }
0x2b1: {  	s9 =	sadd.s32 $0x2, s8;
	v10 =	vld.idx.msk [tilespmem:v10+s26+$0x0], $0xffff;
	v55 =	vadd.s32 s7, v0;
	v5 =	vadd.f32 v5, v6  }
0x2b2: {  	v2 =	vld.idx.msk [tilespmem:v2+s31+$0x0], $0xffff;
	v56 =	vadd.s32 s9, v0  }
0x2b3: {  	v8 =	vld.idx.msk [tilespmem:v8+s26+$0x0], $0xffff;
	s10 =	sadd.s32 $0x3, s8;
	v5 =	vadd.f32 v7, v5  }
0x2b4: {  	v57 =	vadd.s32 s10, v0;
	v1 =	vld.idx.msk [tilespmem:v1+s31+$0x0], $0xffff  }
0x2b5: {  	s9 =	sadd.s32 $0x4, s8;
	v4 =	vld.idx.msk [tilespmem:v4+s31+$0x0], $0xffff;
	v3 =	vadd.f32 v3, v5  }
0x2b6: {  	v58 =	vadd.s32 s9, v0;
	v11 =	vld.idx.msk [tilespmem:v55+s26+$0x0], $0xffff  }
0x2b7: {  	s10 =	sadd.s32 $0x5, s8;
	v6 =	vld.idx.msk [tilespmem:v56+s26+$0x0], $0xffff;
	v2 =	vadd.f32 v2, v3  }
0x2b8: {  	v9 =	vld.idx.msk [tilespmem:v9+s31+$0x0], $0xffff;
	v3 =	vadd.s32 s10, v0  }
0x2b9: {  	v7 =	vld.idx.msk [tilespmem:v57+s26+$0x0], $0xffff;
	v1 =	vadd.f32 v1, v2  }
0x2ba: {  	s9 =	sadd.s32 $0x6, s8;
	v10 =	vld.idx.msk [tilespmem:v10+s31+$0x0], $0xffff  }
0x2bb: {  	v5 =	vld.idx.msk [tilespmem:v58+s26+$0x0], $0xffff;
	v2 =	vadd.s32 s9, v0;
	v1 =	vadd.f32 v4, v1  }
0x2bc: {  	v59 =	vld.idx.msk [tilespmem:v8+s31+$0x0], $0xffff;
	s10 =	sadd.s32 $0x7, s8  }
0x2bd: {  	v60 =	vadd.s32 s10, v0;
	v3 =	vld.idx.msk [tilespmem:v3+s26+$0x0], $0xffff;
	v1 =	vadd.f32 v9, v1  }
0x2be: {  	v61 =	vld.idx.msk [tilespmem:v11+s31+$0x0], $0xffff  }
0x2bf: {  	v6 =	vld.idx.msk [tilespmem:v6+s31+$0x0], $0xffff;
	v1 =	vadd.f32 v10, v1  }
0x2c0: {  	v2 =	vld.idx.msk [tilespmem:v2+s26+$0x0], $0xffff  }
0x2c1: {  	v62 =	vld.idx.msk [tilespmem:v7+s31+$0x0], $0xffff;
	v1 =	vadd.f32 v59, v1  }
0x2c2: {  	v8 =	vld.idx.msk [tilespmem:v60+s26+$0x0], $0xffff  }
0x2c3: {  	v1 =	vadd.f32 v61, v1  }
0x2c4: {  	v5 =	vld.idx.msk [tilespmem:v5+s31+$0x0], $0xffff  }
0x2c5: {  	v1 =	vadd.f32 v6, v1  }
0x2c6: {  	v3 =	vld.idx.msk [tilespmem:v3+s31+$0x0], $0xffff  }
0x2c7: {  	v1 =	vadd.f32 v62, v1  }
0x2c8: {  	v2 =	vld.idx.msk [tilespmem:v2+s31+$0x0], $0xffff  }
0x2c9: {  	v1 =	vadd.f32 v5, v1  }
0x2ca: {  	v63 =	vld.idx.msk [tilespmem:v8+s31+$0x0], $0xffff  }
0x2cb: {  	v1 =	vadd.f32 v3, v1  }
0x2cc: {  	v3 =	vld [tilespmem:$0x4C70]  }
0x2cd: {  	v1 =	vadd.f32 v2, v1;
	_ =	sdelay $0x1  }
.Ltmp14:
0x2ce: {  	v1 =	vadd.f32 v63, v1;
	(pc) =	sbr.rel @p0 .LBB2_28-.Ltmp14, $4  }
0x2cf: {  	_ = 	snop  }
0x2d0: {  	s6 =	sshll.u32 s6, $0x4;
	v1 =	vadd.f32 v3, v1  }
0x2d1: {  	s6 =	sand.u32 $0x3FFFFFF0, s6  }
0x2d2: {  	p1 =	por $0x0, $0x0;
	[tilespmem:s6+$0x4B30] =	vst v1;
	s6 =	simm.s32 $0x1  }
0x2d3: {  	s6 =	simm.s32 $0x0  }
0x2d4: {  	[tilespmem:s26], [sflag:$0x1] =	stream.linear.gather [hbm4b:s16+s6], $0x1900, $0x38;
	[tilespmem:$0x1D3F0] =	vst v63  }
0x2d5: {  	_ =	swait.ge [sflag:s4], $0x1900  }
0x2d6: {  	[sflag:s4] =	ssyncset.done $0x0  }
0x2d7: {  	p1 =	por $0x1, $0x1;
	[sflag:s4] =	ssyncadd.s32 $0xFFFFE700  }
.LBB2_32:
0x2d8: {  	s7 =	smul.u32 $0xC80, s6;
	_ =	sdelay $0x1  }
0x2d9: {  	s8 =	sadd.s32 $0x0, s7  }
0x2da: {  	v1 =	vadd.s32 s8, v0  }
0x2db: {  	s9 =	sadd.s32 $0x1, s8  }
0x2dc: {  	v2 =	vadd.s32 s9, v0  }
0x2dd: {  	s10 =	sadd.s32 $0x2, s8  }
0x2de: {  	v3 =	vadd.s32 s10, v0;
	s10 =	sadd.s32 $0x3, s8  }
0x2df: {  	v4 =	vadd.s32 s10, v0;
	s10 =	sadd.s32 $0x4, s8;
	v1 =	vld.idx.msk [tilespmem:v1+s28+$0x0], $0xffff  }
0x2e0: {  	v5 =	vadd.s32 s10, v0;
	s10 =	sadd.s32 $0x5, s8  }
0x2e1: {  	v6 =	vadd.s32 s10, v0;
	v2 =	vld.idx.msk [tilespmem:v2+s28+$0x0], $0xffff  }
0x2e2: {  	s10 =	sadd.s32 $0x6, s8  }
0x2e3: {  	v7 =	vadd.s32 s10, v0;
	v3 =	vld.idx.msk [tilespmem:v3+s28+$0x0], $0xffff  }
0x2e4: {  	s8 =	sadd.s32 $0x7, s8;
	v4 =	vld.idx.msk [tilespmem:v4+s28+$0x0], $0xffff  }
0x2e5: {  	v8 =	vadd.s32 s8, v0;
	v5 =	vld.idx.msk [tilespmem:v5+s28+$0x0], $0xffff  }
0x2e6: {  	s8 =	sadd.s32 $0x8, s7;
	v6 =	vld.idx.msk [tilespmem:v6+s28+$0x0], $0xffff  }
0x2e7: {  	v9 =	vadd.s32 s8, v0;
	v1 =	vld.idx.msk [tilespmem:v1+s31+$0x0], $0xffff  }
0x2e8: {  	s10 =	sadd.s32 $0x1, s8;
	v7 =	vld.idx.msk [tilespmem:v7+s28+$0x0], $0xffff  }
0x2e9: {  	v10 =	vadd.s32 s10, v0;
	v2 =	vld.idx.msk [tilespmem:v2+s31+$0x0], $0xffff  }
0x2ea: {  	v8 =	vld.idx.msk [tilespmem:v8+s28+$0x0], $0xffff  }
0x2eb: {  	v11 =	vimm.f32 $0.0e+00;
	v3 =	vld.idx.msk [tilespmem:v3+s31+$0x0], $0xffff  }
0x2ec: {  	s10 =	sadd.s32 $0x2, s8;
	v9 =	vld.idx.msk [tilespmem:v9+s28+$0x0], $0xffff;
	v1 =	vadd.f32 v1, v11  }
0x2ed: {  	v12 =	vadd.s32 s10, v0;
	s10 =	sadd.s32 $0x3, s8;
	v4 =	vld.idx.msk [tilespmem:v4+s31+$0x0], $0xffff  }
0x2ee: {  	v13 =	vld.idx.msk [tilespmem:v10+s28+$0x0], $0xffff;
	v11 =	vadd.s32 s10, v0;
	v1 =	vadd.f32 v2, v1  }
0x2ef: {  	v5 =	vld.idx.msk [tilespmem:v5+s31+$0x0], $0xffff  }
0x2f0: {  	v14 =	vld.idx.msk [tilespmem:v6+s31+$0x0], $0xffff;
	s10 =	sadd.s32 $0x4, s8;
	v1 =	vadd.f32 v3, v1  }
0x2f1: {  	v15 =	vld.idx.msk [tilespmem:v7+s31+$0x0], $0xffff;
	v10 =	vadd.s32 s10, v0  }
0x2f2: {  	s10 =	sadd.s32 $0x5, s8;
	v3 =	vld.idx.msk [tilespmem:v12+s28+$0x0], $0xffff;
	v1 =	vadd.f32 v4, v1  }
0x2f3: {  	v63 =	vadd.s32 s10, v0;
	s10 =	sadd.s32 $0x6, s8;
	v2 =	vld.idx.msk [tilespmem:v11+s28+$0x0], $0xffff  }
0x2f4: {  	v4 =	vadd.f32 v5, v1;
	v5 =	vld.idx.msk [tilespmem:v9+s31+$0x0], $0xffff;
	v9 =	vadd.s32 s10, v0  }
0x2f5: {  	v6 =	vld.idx.msk [tilespmem:v8+s31+$0x0], $0xffff;
	s10 =	sadd.s32 $0x7, s8  }
0x2f6: {  	v1 =	vld.idx.msk [tilespmem:v10+s28+$0x0], $0xffff;
	v10 =	vadd.s32 s10, v0;
	v11 =	vadd.f32 v14, v4  }
0x2f7: {  	v7 =	vld.idx.msk [tilespmem:v13+s31+$0x0], $0xffff;
	s8 =	sadd.s32 $0x10, s7  }
0x2f8: {  	p0 =	por p1, p1;
	s9 =	simm.s32 $0x18;
	v8 =	vadd.s32 s8, v0;
	v4 =	vld.idx.msk [tilespmem:v63+s28+$0x0], $0xffff;
	v11 =	vadd.f32 v15, v11  }
.LBB2_33:
0x2f9: {  	p1 =	sne.s32 s9, $0xC0;
	s10 =	sadd.s32 $0x1, s8;
	v9 =	vld.idx.msk [tilespmem:v9+s28+$0x0], $0xffff  }
0x2fa: {  	v12 =	vadd.s32 s10, v0;
	v3 =	vld.idx.msk [tilespmem:v3+s31+$0x0], $0xffff;
	v6 =	vadd.f32 v6, v11  }
0x2fb: {  	s10 =	sadd.s32 $0x2, s8;
	v10 =	vld.idx.msk [tilespmem:v10+s28+$0x0], $0xffff  }
0x2fc: {  	v11 =	vadd.s32 s10, v0;
	v5 =	vadd.f32 v5, v6;
	v2 =	vld.idx.msk [tilespmem:v2+s31+$0x0], $0xffff  }
0x2fd: {  	s10 =	sadd.s32 $0x3, s8;
	v8 =	vld.idx.msk [tilespmem:v8+s28+$0x0], $0xffff  }
0x2fe: {  	v6 =	vadd.s32 s10, v0;
	v5 =	vadd.f32 v7, v5;
	v1 =	vld.idx.msk [tilespmem:v1+s31+$0x0], $0xffff  }
0x2ff: {  	s10 =	sadd.s32 $0x4, s8;
	v7 =	vld.idx.msk [tilespmem:v12+s28+$0x0], $0xffff  }
0x300: {  	v12 =	vadd.s32 s10, v0;
	v5 =	vadd.f32 v3, v5;
	v4 =	vld.idx.msk [tilespmem:v4+s31+$0x0], $0xffff  }
0x301: {  	s10 =	sadd.s32 $0x5, s8;
	v3 =	vld.idx.msk [tilespmem:v11+s28+$0x0], $0xffff  }
0x302: {  	v11 =	vadd.s32 s10, v0;
	v5 =	vadd.f32 v2, v5;
	v13 =	vld.idx.msk [tilespmem:v9+s31+$0x0], $0xffff  }
0x303: {  	s10 =	sadd.s32 $0x6, s8;
	v2 =	vld.idx.msk [tilespmem:v6+s28+$0x0], $0xffff  }
.Ltmp15:
0x304: {  	v9 =	vadd.s32 s10, v0;
	v14 =	vadd.f32 v1, v5;
	v6 =	vld.idx.msk [tilespmem:v10+s31+$0x0], $0xffff;
	(pc) =	sbr.rel @p1 .LBB2_33-.Ltmp15, $4  }
0x305: {  	s8 =	sadd.s32 $0x7, s8;
	v1 =	vld.idx.msk [tilespmem:v12+s28+$0x0], $0xffff  }
0x306: {  	v10 =	vadd.s32 s8, v0;
	v5 =	vld.idx.msk [tilespmem:v8+s31+$0x0], $0xffff;
	v12 =	vadd.f32 v4, v14  }
0x307: {  	s8 =	sadd.s32 s9, s7;
	v4 =	vld.idx.msk [tilespmem:v11+s28+$0x0], $0xffff  }
0x308: {  	s9 =	sadd.s32 $0x8, s9;
	v8 =	vadd.s32 s8, v0;
	v7 =	vld.idx.msk [tilespmem:v7+s31+$0x0], $0xffff;
	v11 =	vadd.f32 v13, v12  }
0x309: {  	_ =	sdelay $0x3  }
0x30a: {  	v9 =	vld.idx.msk [tilespmem:v9+s28+$0x0], $0xffff;
	v6 =	vadd.f32 v6, v11  }
0x30b: {  	s7 =	sadd.s32 $0x1, s8;
	v3 =	vld.idx.msk [tilespmem:v3+s31+$0x0], $0xffff  }
0x30c: {  	s9 =	sadd.s32 $0x2, s8;
	v10 =	vld.idx.msk [tilespmem:v10+s28+$0x0], $0xffff;
	v55 =	vadd.s32 s7, v0;
	v5 =	vadd.f32 v5, v6  }
0x30d: {  	v2 =	vld.idx.msk [tilespmem:v2+s31+$0x0], $0xffff;
	v56 =	vadd.s32 s9, v0  }
0x30e: {  	v8 =	vld.idx.msk [tilespmem:v8+s28+$0x0], $0xffff;
	s10 =	sadd.s32 $0x3, s8;
	v5 =	vadd.f32 v7, v5  }
0x30f: {  	v57 =	vadd.s32 s10, v0;
	v1 =	vld.idx.msk [tilespmem:v1+s31+$0x0], $0xffff  }
0x310: {  	s9 =	sadd.s32 $0x4, s8;
	v4 =	vld.idx.msk [tilespmem:v4+s31+$0x0], $0xffff;
	v3 =	vadd.f32 v3, v5  }
0x311: {  	v58 =	vadd.s32 s9, v0;
	v11 =	vld.idx.msk [tilespmem:v55+s28+$0x0], $0xffff  }
0x312: {  	s10 =	sadd.s32 $0x5, s8;
	v6 =	vld.idx.msk [tilespmem:v56+s28+$0x0], $0xffff;
	v2 =	vadd.f32 v2, v3  }
0x313: {  	v9 =	vld.idx.msk [tilespmem:v9+s31+$0x0], $0xffff;
	v3 =	vadd.s32 s10, v0  }
0x314: {  	v7 =	vld.idx.msk [tilespmem:v57+s28+$0x0], $0xffff;
	v1 =	vadd.f32 v1, v2  }
0x315: {  	s9 =	sadd.s32 $0x6, s8;
	v10 =	vld.idx.msk [tilespmem:v10+s31+$0x0], $0xffff  }
0x316: {  	v5 =	vld.idx.msk [tilespmem:v58+s28+$0x0], $0xffff;
	v2 =	vadd.s32 s9, v0;
	v1 =	vadd.f32 v4, v1  }
0x317: {  	v59 =	vld.idx.msk [tilespmem:v8+s31+$0x0], $0xffff;
	s10 =	sadd.s32 $0x7, s8  }
0x318: {  	v60 =	vadd.s32 s10, v0;
	v3 =	vld.idx.msk [tilespmem:v3+s28+$0x0], $0xffff;
	v1 =	vadd.f32 v9, v1  }
0x319: {  	v61 =	vld.idx.msk [tilespmem:v11+s31+$0x0], $0xffff  }
0x31a: {  	v6 =	vld.idx.msk [tilespmem:v6+s31+$0x0], $0xffff;
	v1 =	vadd.f32 v10, v1  }
0x31b: {  	v2 =	vld.idx.msk [tilespmem:v2+s28+$0x0], $0xffff  }
0x31c: {  	v62 =	vld.idx.msk [tilespmem:v7+s31+$0x0], $0xffff;
	v1 =	vadd.f32 v59, v1  }
0x31d: {  	v8 =	vld.idx.msk [tilespmem:v60+s28+$0x0], $0xffff  }
0x31e: {  	v1 =	vadd.f32 v61, v1  }
0x31f: {  	v5 =	vld.idx.msk [tilespmem:v5+s31+$0x0], $0xffff  }
0x320: {  	v1 =	vadd.f32 v6, v1  }
0x321: {  	v3 =	vld.idx.msk [tilespmem:v3+s31+$0x0], $0xffff  }
0x322: {  	v1 =	vadd.f32 v62, v1  }
0x323: {  	v2 =	vld.idx.msk [tilespmem:v2+s31+$0x0], $0xffff  }
0x324: {  	v1 =	vadd.f32 v5, v1  }
0x325: {  	v63 =	vld.idx.msk [tilespmem:v8+s31+$0x0], $0xffff  }
0x326: {  	v1 =	vadd.f32 v3, v1  }
0x327: {  	v3 =	vld [tilespmem:$0x4C70]  }
0x328: {  	v1 =	vadd.f32 v2, v1;
	_ =	sdelay $0x1  }
.Ltmp16:
0x329: {  	v1 =	vadd.f32 v63, v1;
	(pc) =	sbr.rel @p0 .LBB2_32-.Ltmp16, $4  }
0x32a: {  	_ = 	snop  }
0x32b: {  	s6 =	sshll.u32 s6, $0x4;
	v1 =	vadd.f32 v3, v1  }
0x32c: {  	s6 =	sand.u32 $0x3FFFFFF0, s6  }
0x32d: {  	p1 =	por $0x0, $0x0;
	[tilespmem:s6+$0x4B50] =	vst v1;
	s6 =	simm.s32 $0x1  }
0x32e: {  	s6 =	simm.s32 $0x0  }
0x32f: {  	[tilespmem:s28], [sflag:$0x2] =	stream.linear.gather [hbm4b:s17+s6], $0x1900, $0x38;
	[tilespmem:$0x1D3F0] =	vst v63  }
0x330: {  	_ =	swait.ge [sflag:s2], $0x1900  }
0x331: {  	[sflag:s2] =	ssyncset.done $0x0  }
0x332: {  	p1 =	por $0x1, $0x1;
	[sflag:s2] =	ssyncadd.s32 $0xFFFFE700  }
.LBB2_36:
0x333: {  	s7 =	smul.u32 $0xC80, s6;
	_ =	sdelay $0x1  }
0x334: {  	s8 =	sadd.s32 $0x0, s7  }
0x335: {  	v1 =	vadd.s32 s8, v0  }
0x336: {  	s9 =	sadd.s32 $0x1, s8  }
0x337: {  	v2 =	vadd.s32 s9, v0  }
0x338: {  	s10 =	sadd.s32 $0x2, s8  }
0x339: {  	v3 =	vadd.s32 s10, v0;
	s10 =	sadd.s32 $0x3, s8  }
0x33a: {  	v4 =	vadd.s32 s10, v0;
	s10 =	sadd.s32 $0x4, s8;
	v1 =	vld.idx.msk [tilespmem:v1+s26+$0x0], $0xffff  }
0x33b: {  	v5 =	vadd.s32 s10, v0;
	s10 =	sadd.s32 $0x5, s8  }
0x33c: {  	v6 =	vadd.s32 s10, v0;
	v2 =	vld.idx.msk [tilespmem:v2+s26+$0x0], $0xffff  }
0x33d: {  	s10 =	sadd.s32 $0x6, s8  }
0x33e: {  	v7 =	vadd.s32 s10, v0;
	v3 =	vld.idx.msk [tilespmem:v3+s26+$0x0], $0xffff  }
0x33f: {  	s8 =	sadd.s32 $0x7, s8;
	v4 =	vld.idx.msk [tilespmem:v4+s26+$0x0], $0xffff  }
0x340: {  	v8 =	vadd.s32 s8, v0;
	v5 =	vld.idx.msk [tilespmem:v5+s26+$0x0], $0xffff  }
0x341: {  	s8 =	sadd.s32 $0x8, s7;
	v6 =	vld.idx.msk [tilespmem:v6+s26+$0x0], $0xffff  }
0x342: {  	v9 =	vadd.s32 s8, v0;
	v1 =	vld.idx.msk [tilespmem:v1+s31+$0x0], $0xffff  }
0x343: {  	s10 =	sadd.s32 $0x1, s8;
	v7 =	vld.idx.msk [tilespmem:v7+s26+$0x0], $0xffff  }
0x344: {  	v10 =	vadd.s32 s10, v0;
	v2 =	vld.idx.msk [tilespmem:v2+s31+$0x0], $0xffff  }
0x345: {  	v8 =	vld.idx.msk [tilespmem:v8+s26+$0x0], $0xffff  }
0x346: {  	v11 =	vimm.f32 $0.0e+00;
	v3 =	vld.idx.msk [tilespmem:v3+s31+$0x0], $0xffff  }
0x347: {  	s10 =	sadd.s32 $0x2, s8;
	v9 =	vld.idx.msk [tilespmem:v9+s26+$0x0], $0xffff;
	v1 =	vadd.f32 v1, v11  }
0x348: {  	v12 =	vadd.s32 s10, v0;
	s10 =	sadd.s32 $0x3, s8;
	v4 =	vld.idx.msk [tilespmem:v4+s31+$0x0], $0xffff  }
0x349: {  	v13 =	vld.idx.msk [tilespmem:v10+s26+$0x0], $0xffff;
	v11 =	vadd.s32 s10, v0;
	v1 =	vadd.f32 v2, v1  }
0x34a: {  	v5 =	vld.idx.msk [tilespmem:v5+s31+$0x0], $0xffff  }
0x34b: {  	v14 =	vld.idx.msk [tilespmem:v6+s31+$0x0], $0xffff;
	s10 =	sadd.s32 $0x4, s8;
	v1 =	vadd.f32 v3, v1  }
0x34c: {  	v15 =	vld.idx.msk [tilespmem:v7+s31+$0x0], $0xffff;
	v10 =	vadd.s32 s10, v0  }
0x34d: {  	s10 =	sadd.s32 $0x5, s8;
	v3 =	vld.idx.msk [tilespmem:v12+s26+$0x0], $0xffff;
	v1 =	vadd.f32 v4, v1  }
0x34e: {  	v63 =	vadd.s32 s10, v0;
	s10 =	sadd.s32 $0x6, s8;
	v2 =	vld.idx.msk [tilespmem:v11+s26+$0x0], $0xffff  }
0x34f: {  	v4 =	vadd.f32 v5, v1;
	v5 =	vld.idx.msk [tilespmem:v9+s31+$0x0], $0xffff;
	v9 =	vadd.s32 s10, v0  }
0x350: {  	v6 =	vld.idx.msk [tilespmem:v8+s31+$0x0], $0xffff;
	s10 =	sadd.s32 $0x7, s8  }
0x351: {  	v1 =	vld.idx.msk [tilespmem:v10+s26+$0x0], $0xffff;
	v10 =	vadd.s32 s10, v0;
	v11 =	vadd.f32 v14, v4  }
0x352: {  	v7 =	vld.idx.msk [tilespmem:v13+s31+$0x0], $0xffff;
	s8 =	sadd.s32 $0x10, s7  }
0x353: {  	p0 =	por p1, p1;
	s9 =	simm.s32 $0x18;
	v8 =	vadd.s32 s8, v0;
	v4 =	vld.idx.msk [tilespmem:v63+s26+$0x0], $0xffff;
	v11 =	vadd.f32 v15, v11  }
.LBB2_37:
0x354: {  	p1 =	sne.s32 s9, $0xC0;
	s10 =	sadd.s32 $0x1, s8;
	v9 =	vld.idx.msk [tilespmem:v9+s26+$0x0], $0xffff  }
0x355: {  	v12 =	vadd.s32 s10, v0;
	v3 =	vld.idx.msk [tilespmem:v3+s31+$0x0], $0xffff;
	v6 =	vadd.f32 v6, v11  }
0x356: {  	s10 =	sadd.s32 $0x2, s8;
	v10 =	vld.idx.msk [tilespmem:v10+s26+$0x0], $0xffff  }
0x357: {  	v11 =	vadd.s32 s10, v0;
	v5 =	vadd.f32 v5, v6;
	v2 =	vld.idx.msk [tilespmem:v2+s31+$0x0], $0xffff  }
0x358: {  	s10 =	sadd.s32 $0x3, s8;
	v8 =	vld.idx.msk [tilespmem:v8+s26+$0x0], $0xffff  }
0x359: {  	v6 =	vadd.s32 s10, v0;
	v5 =	vadd.f32 v7, v5;
	v1 =	vld.idx.msk [tilespmem:v1+s31+$0x0], $0xffff  }
0x35a: {  	s10 =	sadd.s32 $0x4, s8;
	v7 =	vld.idx.msk [tilespmem:v12+s26+$0x0], $0xffff  }
0x35b: {  	v12 =	vadd.s32 s10, v0;
	v5 =	vadd.f32 v3, v5;
	v4 =	vld.idx.msk [tilespmem:v4+s31+$0x0], $0xffff  }
0x35c: {  	s10 =	sadd.s32 $0x5, s8;
	v3 =	vld.idx.msk [tilespmem:v11+s26+$0x0], $0xffff  }
0x35d: {  	v11 =	vadd.s32 s10, v0;
	v5 =	vadd.f32 v2, v5;
	v13 =	vld.idx.msk [tilespmem:v9+s31+$0x0], $0xffff  }
0x35e: {  	s10 =	sadd.s32 $0x6, s8;
	v2 =	vld.idx.msk [tilespmem:v6+s26+$0x0], $0xffff  }
.Ltmp17:
0x35f: {  	v9 =	vadd.s32 s10, v0;
	v14 =	vadd.f32 v1, v5;
	v6 =	vld.idx.msk [tilespmem:v10+s31+$0x0], $0xffff;
	(pc) =	sbr.rel @p1 .LBB2_37-.Ltmp17, $4  }
0x360: {  	s8 =	sadd.s32 $0x7, s8;
	v1 =	vld.idx.msk [tilespmem:v12+s26+$0x0], $0xffff  }
0x361: {  	v10 =	vadd.s32 s8, v0;
	v5 =	vld.idx.msk [tilespmem:v8+s31+$0x0], $0xffff;
	v12 =	vadd.f32 v4, v14  }
0x362: {  	s8 =	sadd.s32 s9, s7;
	v4 =	vld.idx.msk [tilespmem:v11+s26+$0x0], $0xffff  }
0x363: {  	s9 =	sadd.s32 $0x8, s9;
	v8 =	vadd.s32 s8, v0;
	v7 =	vld.idx.msk [tilespmem:v7+s31+$0x0], $0xffff;
	v11 =	vadd.f32 v13, v12  }
0x364: {  	_ =	sdelay $0x3  }
0x365: {  	v9 =	vld.idx.msk [tilespmem:v9+s26+$0x0], $0xffff;
	v6 =	vadd.f32 v6, v11  }
0x366: {  	s7 =	sadd.s32 $0x1, s8;
	v3 =	vld.idx.msk [tilespmem:v3+s31+$0x0], $0xffff  }
0x367: {  	s9 =	sadd.s32 $0x2, s8;
	v10 =	vld.idx.msk [tilespmem:v10+s26+$0x0], $0xffff;
	v55 =	vadd.s32 s7, v0;
	v5 =	vadd.f32 v5, v6  }
0x368: {  	v2 =	vld.idx.msk [tilespmem:v2+s31+$0x0], $0xffff;
	v56 =	vadd.s32 s9, v0  }
0x369: {  	v8 =	vld.idx.msk [tilespmem:v8+s26+$0x0], $0xffff;
	s10 =	sadd.s32 $0x3, s8;
	v5 =	vadd.f32 v7, v5  }
0x36a: {  	v57 =	vadd.s32 s10, v0;
	v1 =	vld.idx.msk [tilespmem:v1+s31+$0x0], $0xffff  }
0x36b: {  	s9 =	sadd.s32 $0x4, s8;
	v4 =	vld.idx.msk [tilespmem:v4+s31+$0x0], $0xffff;
	v3 =	vadd.f32 v3, v5  }
0x36c: {  	v58 =	vadd.s32 s9, v0;
	v11 =	vld.idx.msk [tilespmem:v55+s26+$0x0], $0xffff  }
0x36d: {  	s10 =	sadd.s32 $0x5, s8;
	v6 =	vld.idx.msk [tilespmem:v56+s26+$0x0], $0xffff;
	v2 =	vadd.f32 v2, v3  }
0x36e: {  	v9 =	vld.idx.msk [tilespmem:v9+s31+$0x0], $0xffff;
	v3 =	vadd.s32 s10, v0  }
0x36f: {  	v7 =	vld.idx.msk [tilespmem:v57+s26+$0x0], $0xffff;
	v1 =	vadd.f32 v1, v2  }
0x370: {  	s9 =	sadd.s32 $0x6, s8;
	v10 =	vld.idx.msk [tilespmem:v10+s31+$0x0], $0xffff  }
0x371: {  	v5 =	vld.idx.msk [tilespmem:v58+s26+$0x0], $0xffff;
	v2 =	vadd.s32 s9, v0;
	v1 =	vadd.f32 v4, v1  }
0x372: {  	v59 =	vld.idx.msk [tilespmem:v8+s31+$0x0], $0xffff;
	s10 =	sadd.s32 $0x7, s8  }
0x373: {  	v60 =	vadd.s32 s10, v0;
	v3 =	vld.idx.msk [tilespmem:v3+s26+$0x0], $0xffff;
	v1 =	vadd.f32 v9, v1  }
0x374: {  	v61 =	vld.idx.msk [tilespmem:v11+s31+$0x0], $0xffff  }
0x375: {  	v6 =	vld.idx.msk [tilespmem:v6+s31+$0x0], $0xffff;
	v1 =	vadd.f32 v10, v1  }
0x376: {  	v2 =	vld.idx.msk [tilespmem:v2+s26+$0x0], $0xffff  }
0x377: {  	v62 =	vld.idx.msk [tilespmem:v7+s31+$0x0], $0xffff;
	v1 =	vadd.f32 v59, v1  }
0x378: {  	v8 =	vld.idx.msk [tilespmem:v60+s26+$0x0], $0xffff  }
0x379: {  	v1 =	vadd.f32 v61, v1  }
0x37a: {  	v5 =	vld.idx.msk [tilespmem:v5+s31+$0x0], $0xffff  }
0x37b: {  	v1 =	vadd.f32 v6, v1  }
0x37c: {  	v3 =	vld.idx.msk [tilespmem:v3+s31+$0x0], $0xffff  }
0x37d: {  	v1 =	vadd.f32 v62, v1  }
0x37e: {  	v2 =	vld.idx.msk [tilespmem:v2+s31+$0x0], $0xffff  }
0x37f: {  	v1 =	vadd.f32 v5, v1  }
0x380: {  	v63 =	vld.idx.msk [tilespmem:v8+s31+$0x0], $0xffff  }
0x381: {  	v1 =	vadd.f32 v3, v1  }
0x382: {  	v3 =	vld [tilespmem:$0x4C70]  }
0x383: {  	v1 =	vadd.f32 v2, v1;
	_ =	sdelay $0x1  }
.Ltmp18:
0x384: {  	v1 =	vadd.f32 v63, v1;
	(pc) =	sbr.rel @p0 .LBB2_36-.Ltmp18, $4  }
0x385: {  	_ = 	snop  }
0x386: {  	s6 =	sshll.u32 s6, $0x4;
	v1 =	vadd.f32 v3, v1  }
0x387: {  	s6 =	sand.u32 $0x3FFFFFF0, s6  }
0x388: {  	p1 =	por $0x0, $0x0;
	[tilespmem:s6+$0x4B70] =	vst v1;
	s6 =	simm.s32 $0x1  }
0x389: {  	s6 =	simm.s32 $0x0  }
0x38a: {  	[tilespmem:s26], [sflag:$0x1] =	stream.linear.gather [hbm4b:s18+s6], $0x1900, $0x38;
	[tilespmem:$0x1D3F0] =	vst v63  }
0x38b: {  	_ =	swait.ge [sflag:s4], $0x1900  }
0x38c: {  	[sflag:s4] =	ssyncset.done $0x0  }
0x38d: {  	p1 =	por $0x1, $0x1;
	[sflag:s4] =	ssyncadd.s32 $0xFFFFE700  }
.LBB2_40:
0x38e: {  	s7 =	smul.u32 $0xC80, s6;
	_ =	sdelay $0x1  }
0x38f: {  	s8 =	sadd.s32 $0x0, s7  }
0x390: {  	v1 =	vadd.s32 s8, v0  }
0x391: {  	s9 =	sadd.s32 $0x1, s8  }
0x392: {  	v2 =	vadd.s32 s9, v0  }
0x393: {  	s10 =	sadd.s32 $0x2, s8  }
0x394: {  	v3 =	vadd.s32 s10, v0;
	s10 =	sadd.s32 $0x3, s8  }
0x395: {  	v4 =	vadd.s32 s10, v0;
	s10 =	sadd.s32 $0x4, s8;
	v1 =	vld.idx.msk [tilespmem:v1+s28+$0x0], $0xffff  }
0x396: {  	v5 =	vadd.s32 s10, v0;
	s10 =	sadd.s32 $0x5, s8  }
0x397: {  	v6 =	vadd.s32 s10, v0;
	v2 =	vld.idx.msk [tilespmem:v2+s28+$0x0], $0xffff  }
0x398: {  	s10 =	sadd.s32 $0x6, s8  }
0x399: {  	v7 =	vadd.s32 s10, v0;
	v3 =	vld.idx.msk [tilespmem:v3+s28+$0x0], $0xffff  }
0x39a: {  	s8 =	sadd.s32 $0x7, s8;
	v4 =	vld.idx.msk [tilespmem:v4+s28+$0x0], $0xffff  }
0x39b: {  	v8 =	vadd.s32 s8, v0;
	v5 =	vld.idx.msk [tilespmem:v5+s28+$0x0], $0xffff  }
0x39c: {  	s8 =	sadd.s32 $0x8, s7;
	v6 =	vld.idx.msk [tilespmem:v6+s28+$0x0], $0xffff  }
0x39d: {  	v9 =	vadd.s32 s8, v0;
	v1 =	vld.idx.msk [tilespmem:v1+s31+$0x0], $0xffff  }
0x39e: {  	s10 =	sadd.s32 $0x1, s8;
	v7 =	vld.idx.msk [tilespmem:v7+s28+$0x0], $0xffff  }
0x39f: {  	v10 =	vadd.s32 s10, v0;
	v2 =	vld.idx.msk [tilespmem:v2+s31+$0x0], $0xffff  }
0x3a0: {  	v8 =	vld.idx.msk [tilespmem:v8+s28+$0x0], $0xffff  }
0x3a1: {  	v11 =	vimm.f32 $0.0e+00;
	v3 =	vld.idx.msk [tilespmem:v3+s31+$0x0], $0xffff  }
0x3a2: {  	s10 =	sadd.s32 $0x2, s8;
	v9 =	vld.idx.msk [tilespmem:v9+s28+$0x0], $0xffff;
	v1 =	vadd.f32 v1, v11  }
0x3a3: {  	v12 =	vadd.s32 s10, v0;
	s10 =	sadd.s32 $0x3, s8;
	v4 =	vld.idx.msk [tilespmem:v4+s31+$0x0], $0xffff  }
0x3a4: {  	v13 =	vld.idx.msk [tilespmem:v10+s28+$0x0], $0xffff;
	v11 =	vadd.s32 s10, v0;
	v1 =	vadd.f32 v2, v1  }
0x3a5: {  	v5 =	vld.idx.msk [tilespmem:v5+s31+$0x0], $0xffff  }
0x3a6: {  	v14 =	vld.idx.msk [tilespmem:v6+s31+$0x0], $0xffff;
	s10 =	sadd.s32 $0x4, s8;
	v1 =	vadd.f32 v3, v1  }
0x3a7: {  	v15 =	vld.idx.msk [tilespmem:v7+s31+$0x0], $0xffff;
	v10 =	vadd.s32 s10, v0  }
0x3a8: {  	s10 =	sadd.s32 $0x5, s8;
	v3 =	vld.idx.msk [tilespmem:v12+s28+$0x0], $0xffff;
	v1 =	vadd.f32 v4, v1  }
0x3a9: {  	v63 =	vadd.s32 s10, v0;
	s10 =	sadd.s32 $0x6, s8;
	v2 =	vld.idx.msk [tilespmem:v11+s28+$0x0], $0xffff  }
0x3aa: {  	v4 =	vadd.f32 v5, v1;
	v5 =	vld.idx.msk [tilespmem:v9+s31+$0x0], $0xffff;
	v9 =	vadd.s32 s10, v0  }
0x3ab: {  	v6 =	vld.idx.msk [tilespmem:v8+s31+$0x0], $0xffff;
	s10 =	sadd.s32 $0x7, s8  }
0x3ac: {  	v1 =	vld.idx.msk [tilespmem:v10+s28+$0x0], $0xffff;
	v10 =	vadd.s32 s10, v0;
	v11 =	vadd.f32 v14, v4  }
0x3ad: {  	v7 =	vld.idx.msk [tilespmem:v13+s31+$0x0], $0xffff;
	s8 =	sadd.s32 $0x10, s7  }
0x3ae: {  	p0 =	por p1, p1;
	s9 =	simm.s32 $0x18;
	v8 =	vadd.s32 s8, v0;
	v4 =	vld.idx.msk [tilespmem:v63+s28+$0x0], $0xffff;
	v11 =	vadd.f32 v15, v11  }
.LBB2_41:
0x3af: {  	p1 =	sne.s32 s9, $0xC0;
	s10 =	sadd.s32 $0x1, s8;
	v9 =	vld.idx.msk [tilespmem:v9+s28+$0x0], $0xffff  }
0x3b0: {  	v12 =	vadd.s32 s10, v0;
	v3 =	vld.idx.msk [tilespmem:v3+s31+$0x0], $0xffff;
	v6 =	vadd.f32 v6, v11  }
0x3b1: {  	s10 =	sadd.s32 $0x2, s8;
	v10 =	vld.idx.msk [tilespmem:v10+s28+$0x0], $0xffff  }
0x3b2: {  	v11 =	vadd.s32 s10, v0;
	v5 =	vadd.f32 v5, v6;
	v2 =	vld.idx.msk [tilespmem:v2+s31+$0x0], $0xffff  }
0x3b3: {  	s10 =	sadd.s32 $0x3, s8;
	v8 =	vld.idx.msk [tilespmem:v8+s28+$0x0], $0xffff  }
0x3b4: {  	v6 =	vadd.s32 s10, v0;
	v5 =	vadd.f32 v7, v5;
	v1 =	vld.idx.msk [tilespmem:v1+s31+$0x0], $0xffff  }
0x3b5: {  	s10 =	sadd.s32 $0x4, s8;
	v7 =	vld.idx.msk [tilespmem:v12+s28+$0x0], $0xffff  }
0x3b6: {  	v12 =	vadd.s32 s10, v0;
	v5 =	vadd.f32 v3, v5;
	v4 =	vld.idx.msk [tilespmem:v4+s31+$0x0], $0xffff  }
0x3b7: {  	s10 =	sadd.s32 $0x5, s8;
	v3 =	vld.idx.msk [tilespmem:v11+s28+$0x0], $0xffff  }
0x3b8: {  	v11 =	vadd.s32 s10, v0;
	v5 =	vadd.f32 v2, v5;
	v13 =	vld.idx.msk [tilespmem:v9+s31+$0x0], $0xffff  }
0x3b9: {  	s10 =	sadd.s32 $0x6, s8;
	v2 =	vld.idx.msk [tilespmem:v6+s28+$0x0], $0xffff  }
.Ltmp19:
0x3ba: {  	v9 =	vadd.s32 s10, v0;
	v14 =	vadd.f32 v1, v5;
	v6 =	vld.idx.msk [tilespmem:v10+s31+$0x0], $0xffff;
	(pc) =	sbr.rel @p1 .LBB2_41-.Ltmp19, $4  }
0x3bb: {  	s8 =	sadd.s32 $0x7, s8;
	v1 =	vld.idx.msk [tilespmem:v12+s28+$0x0], $0xffff  }
0x3bc: {  	v10 =	vadd.s32 s8, v0;
	v5 =	vld.idx.msk [tilespmem:v8+s31+$0x0], $0xffff;
	v12 =	vadd.f32 v4, v14  }
0x3bd: {  	s8 =	sadd.s32 s9, s7;
	v4 =	vld.idx.msk [tilespmem:v11+s28+$0x0], $0xffff  }
0x3be: {  	s9 =	sadd.s32 $0x8, s9;
	v8 =	vadd.s32 s8, v0;
	v7 =	vld.idx.msk [tilespmem:v7+s31+$0x0], $0xffff;
	v11 =	vadd.f32 v13, v12  }
0x3bf: {  	_ =	sdelay $0x3  }
0x3c0: {  	v9 =	vld.idx.msk [tilespmem:v9+s28+$0x0], $0xffff;
	v6 =	vadd.f32 v6, v11  }
0x3c1: {  	s7 =	sadd.s32 $0x1, s8;
	v3 =	vld.idx.msk [tilespmem:v3+s31+$0x0], $0xffff  }
0x3c2: {  	s9 =	sadd.s32 $0x2, s8;
	v10 =	vld.idx.msk [tilespmem:v10+s28+$0x0], $0xffff;
	v55 =	vadd.s32 s7, v0;
	v5 =	vadd.f32 v5, v6  }
0x3c3: {  	v2 =	vld.idx.msk [tilespmem:v2+s31+$0x0], $0xffff;
	v56 =	vadd.s32 s9, v0  }
0x3c4: {  	v8 =	vld.idx.msk [tilespmem:v8+s28+$0x0], $0xffff;
	s10 =	sadd.s32 $0x3, s8;
	v5 =	vadd.f32 v7, v5  }
0x3c5: {  	v57 =	vadd.s32 s10, v0;
	v1 =	vld.idx.msk [tilespmem:v1+s31+$0x0], $0xffff  }
0x3c6: {  	s9 =	sadd.s32 $0x4, s8;
	v4 =	vld.idx.msk [tilespmem:v4+s31+$0x0], $0xffff;
	v3 =	vadd.f32 v3, v5  }
0x3c7: {  	v58 =	vadd.s32 s9, v0;
	v11 =	vld.idx.msk [tilespmem:v55+s28+$0x0], $0xffff  }
0x3c8: {  	s10 =	sadd.s32 $0x5, s8;
	v6 =	vld.idx.msk [tilespmem:v56+s28+$0x0], $0xffff;
	v2 =	vadd.f32 v2, v3  }
0x3c9: {  	v9 =	vld.idx.msk [tilespmem:v9+s31+$0x0], $0xffff;
	v3 =	vadd.s32 s10, v0  }
0x3ca: {  	v7 =	vld.idx.msk [tilespmem:v57+s28+$0x0], $0xffff;
	v1 =	vadd.f32 v1, v2  }
0x3cb: {  	s9 =	sadd.s32 $0x6, s8;
	v10 =	vld.idx.msk [tilespmem:v10+s31+$0x0], $0xffff  }
0x3cc: {  	v5 =	vld.idx.msk [tilespmem:v58+s28+$0x0], $0xffff;
	v2 =	vadd.s32 s9, v0;
	v1 =	vadd.f32 v4, v1  }
0x3cd: {  	v59 =	vld.idx.msk [tilespmem:v8+s31+$0x0], $0xffff;
	s10 =	sadd.s32 $0x7, s8  }
0x3ce: {  	v60 =	vadd.s32 s10, v0;
	v3 =	vld.idx.msk [tilespmem:v3+s28+$0x0], $0xffff;
	v1 =	vadd.f32 v9, v1  }
0x3cf: {  	v61 =	vld.idx.msk [tilespmem:v11+s31+$0x0], $0xffff  }
0x3d0: {  	v6 =	vld.idx.msk [tilespmem:v6+s31+$0x0], $0xffff;
	v1 =	vadd.f32 v10, v1  }
0x3d1: {  	v2 =	vld.idx.msk [tilespmem:v2+s28+$0x0], $0xffff  }
0x3d2: {  	v62 =	vld.idx.msk [tilespmem:v7+s31+$0x0], $0xffff;
	v1 =	vadd.f32 v59, v1  }
0x3d3: {  	v8 =	vld.idx.msk [tilespmem:v60+s28+$0x0], $0xffff  }
0x3d4: {  	v1 =	vadd.f32 v61, v1  }
0x3d5: {  	v5 =	vld.idx.msk [tilespmem:v5+s31+$0x0], $0xffff  }
0x3d6: {  	v1 =	vadd.f32 v6, v1  }
0x3d7: {  	v3 =	vld.idx.msk [tilespmem:v3+s31+$0x0], $0xffff  }
0x3d8: {  	v1 =	vadd.f32 v62, v1  }
0x3d9: {  	v2 =	vld.idx.msk [tilespmem:v2+s31+$0x0], $0xffff  }
0x3da: {  	v1 =	vadd.f32 v5, v1  }
0x3db: {  	v63 =	vld.idx.msk [tilespmem:v8+s31+$0x0], $0xffff  }
0x3dc: {  	v1 =	vadd.f32 v3, v1  }
0x3dd: {  	v3 =	vld [tilespmem:$0x4C70]  }
0x3de: {  	v1 =	vadd.f32 v2, v1;
	_ =	sdelay $0x1  }
.Ltmp20:
0x3df: {  	v1 =	vadd.f32 v63, v1;
	(pc) =	sbr.rel @p0 .LBB2_40-.Ltmp20, $4  }
0x3e0: {  	_ = 	snop  }
0x3e1: {  	s6 =	sshll.u32 s6, $0x4;
	v1 =	vadd.f32 v3, v1  }
0x3e2: {  	s6 =	sand.u32 $0x3FFFFFF0, s6  }
0x3e3: {  	p1 =	por $0x0, $0x0;
	[tilespmem:s6+$0x4B90] =	vst v1;
	s6 =	simm.s32 $0x1  }
0x3e4: {  	s6 =	simm.s32 $0x0  }
0x3e5: {  	[tilespmem:s28], [sflag:$0x2] =	stream.linear.gather [hbm4b:s19+s6], $0x1900, $0x38;
	[tilespmem:$0x1D3F0] =	vst v63  }
0x3e6: {  	_ =	swait.ge [sflag:s2], $0x1900  }
0x3e7: {  	[sflag:s2] =	ssyncset.done $0x0  }
0x3e8: {  	p1 =	por $0x1, $0x1;
	[sflag:s2] =	ssyncadd.s32 $0xFFFFE700  }
.LBB2_44:
0x3e9: {  	s7 =	smul.u32 $0xC80, s6;
	_ =	sdelay $0x1  }
0x3ea: {  	s8 =	sadd.s32 $0x0, s7  }
0x3eb: {  	v1 =	vadd.s32 s8, v0  }
0x3ec: {  	s9 =	sadd.s32 $0x1, s8  }
0x3ed: {  	v2 =	vadd.s32 s9, v0  }
0x3ee: {  	s10 =	sadd.s32 $0x2, s8  }
0x3ef: {  	v3 =	vadd.s32 s10, v0;
	s10 =	sadd.s32 $0x3, s8  }
0x3f0: {  	v4 =	vadd.s32 s10, v0;
	s10 =	sadd.s32 $0x4, s8;
	v1 =	vld.idx.msk [tilespmem:v1+s26+$0x0], $0xffff  }
0x3f1: {  	v5 =	vadd.s32 s10, v0;
	s10 =	sadd.s32 $0x5, s8  }
0x3f2: {  	v6 =	vadd.s32 s10, v0;
	v2 =	vld.idx.msk [tilespmem:v2+s26+$0x0], $0xffff  }
0x3f3: {  	s10 =	sadd.s32 $0x6, s8  }
0x3f4: {  	v7 =	vadd.s32 s10, v0;
	v3 =	vld.idx.msk [tilespmem:v3+s26+$0x0], $0xffff  }
0x3f5: {  	s8 =	sadd.s32 $0x7, s8;
	v4 =	vld.idx.msk [tilespmem:v4+s26+$0x0], $0xffff  }
0x3f6: {  	v8 =	vadd.s32 s8, v0;
	v5 =	vld.idx.msk [tilespmem:v5+s26+$0x0], $0xffff  }
0x3f7: {  	s8 =	sadd.s32 $0x8, s7;
	v6 =	vld.idx.msk [tilespmem:v6+s26+$0x0], $0xffff  }
0x3f8: {  	v9 =	vadd.s32 s8, v0;
	v1 =	vld.idx.msk [tilespmem:v1+s31+$0x0], $0xffff  }
0x3f9: {  	s10 =	sadd.s32 $0x1, s8;
	v7 =	vld.idx.msk [tilespmem:v7+s26+$0x0], $0xffff  }
0x3fa: {  	v10 =	vadd.s32 s10, v0;
	v2 =	vld.idx.msk [tilespmem:v2+s31+$0x0], $0xffff  }
0x3fb: {  	v8 =	vld.idx.msk [tilespmem:v8+s26+$0x0], $0xffff  }
0x3fc: {  	v11 =	vimm.f32 $0.0e+00;
	v3 =	vld.idx.msk [tilespmem:v3+s31+$0x0], $0xffff  }
0x3fd: {  	s10 =	sadd.s32 $0x2, s8;
	v9 =	vld.idx.msk [tilespmem:v9+s26+$0x0], $0xffff;
	v1 =	vadd.f32 v1, v11  }
0x3fe: {  	v12 =	vadd.s32 s10, v0;
	s10 =	sadd.s32 $0x3, s8;
	v4 =	vld.idx.msk [tilespmem:v4+s31+$0x0], $0xffff  }
0x3ff: {  	v13 =	vld.idx.msk [tilespmem:v10+s26+$0x0], $0xffff;
	v11 =	vadd.s32 s10, v0;
	v1 =	vadd.f32 v2, v1  }
0x400: {  	v5 =	vld.idx.msk [tilespmem:v5+s31+$0x0], $0xffff  }
0x401: {  	v14 =	vld.idx.msk [tilespmem:v6+s31+$0x0], $0xffff;
	s10 =	sadd.s32 $0x4, s8;
	v1 =	vadd.f32 v3, v1  }
0x402: {  	v15 =	vld.idx.msk [tilespmem:v7+s31+$0x0], $0xffff;
	v10 =	vadd.s32 s10, v0  }
0x403: {  	s10 =	sadd.s32 $0x5, s8;
	v3 =	vld.idx.msk [tilespmem:v12+s26+$0x0], $0xffff;
	v1 =	vadd.f32 v4, v1  }
0x404: {  	v63 =	vadd.s32 s10, v0;
	s10 =	sadd.s32 $0x6, s8;
	v2 =	vld.idx.msk [tilespmem:v11+s26+$0x0], $0xffff  }
0x405: {  	v4 =	vadd.f32 v5, v1;
	v5 =	vld.idx.msk [tilespmem:v9+s31+$0x0], $0xffff;
	v9 =	vadd.s32 s10, v0  }
0x406: {  	v6 =	vld.idx.msk [tilespmem:v8+s31+$0x0], $0xffff;
	s10 =	sadd.s32 $0x7, s8  }
0x407: {  	v1 =	vld.idx.msk [tilespmem:v10+s26+$0x0], $0xffff;
	v10 =	vadd.s32 s10, v0;
	v11 =	vadd.f32 v14, v4  }
0x408: {  	v7 =	vld.idx.msk [tilespmem:v13+s31+$0x0], $0xffff;
	s8 =	sadd.s32 $0x10, s7  }
0x409: {  	p0 =	por p1, p1;
	s9 =	simm.s32 $0x18;
	v8 =	vadd.s32 s8, v0;
	v4 =	vld.idx.msk [tilespmem:v63+s26+$0x0], $0xffff;
	v11 =	vadd.f32 v15, v11  }
.LBB2_45:
0x40a: {  	p1 =	sne.s32 s9, $0xC0;
	s10 =	sadd.s32 $0x1, s8;
	v9 =	vld.idx.msk [tilespmem:v9+s26+$0x0], $0xffff  }
0x40b: {  	v12 =	vadd.s32 s10, v0;
	v3 =	vld.idx.msk [tilespmem:v3+s31+$0x0], $0xffff;
	v6 =	vadd.f32 v6, v11  }
0x40c: {  	s10 =	sadd.s32 $0x2, s8;
	v10 =	vld.idx.msk [tilespmem:v10+s26+$0x0], $0xffff  }
0x40d: {  	v11 =	vadd.s32 s10, v0;
	v5 =	vadd.f32 v5, v6;
	v2 =	vld.idx.msk [tilespmem:v2+s31+$0x0], $0xffff  }
0x40e: {  	s10 =	sadd.s32 $0x3, s8;
	v8 =	vld.idx.msk [tilespmem:v8+s26+$0x0], $0xffff  }
0x40f: {  	v6 =	vadd.s32 s10, v0;
	v5 =	vadd.f32 v7, v5;
	v1 =	vld.idx.msk [tilespmem:v1+s31+$0x0], $0xffff  }
0x410: {  	s10 =	sadd.s32 $0x4, s8;
	v7 =	vld.idx.msk [tilespmem:v12+s26+$0x0], $0xffff  }
0x411: {  	v12 =	vadd.s32 s10, v0;
	v5 =	vadd.f32 v3, v5;
	v4 =	vld.idx.msk [tilespmem:v4+s31+$0x0], $0xffff  }
0x412: {  	s10 =	sadd.s32 $0x5, s8;
	v3 =	vld.idx.msk [tilespmem:v11+s26+$0x0], $0xffff  }
0x413: {  	v11 =	vadd.s32 s10, v0;
	v5 =	vadd.f32 v2, v5;
	v13 =	vld.idx.msk [tilespmem:v9+s31+$0x0], $0xffff  }
0x414: {  	s10 =	sadd.s32 $0x6, s8;
	v2 =	vld.idx.msk [tilespmem:v6+s26+$0x0], $0xffff  }
.Ltmp21:
0x415: {  	v9 =	vadd.s32 s10, v0;
	v14 =	vadd.f32 v1, v5;
	v6 =	vld.idx.msk [tilespmem:v10+s31+$0x0], $0xffff;
	(pc) =	sbr.rel @p1 .LBB2_45-.Ltmp21, $4  }
0x416: {  	s8 =	sadd.s32 $0x7, s8;
	v1 =	vld.idx.msk [tilespmem:v12+s26+$0x0], $0xffff  }
0x417: {  	v10 =	vadd.s32 s8, v0;
	v5 =	vld.idx.msk [tilespmem:v8+s31+$0x0], $0xffff;
	v12 =	vadd.f32 v4, v14  }
0x418: {  	s8 =	sadd.s32 s9, s7;
	v4 =	vld.idx.msk [tilespmem:v11+s26+$0x0], $0xffff  }
0x419: {  	s9 =	sadd.s32 $0x8, s9;
	v8 =	vadd.s32 s8, v0;
	v7 =	vld.idx.msk [tilespmem:v7+s31+$0x0], $0xffff;
	v11 =	vadd.f32 v13, v12  }
0x41a: {  	_ =	sdelay $0x3  }
0x41b: {  	v9 =	vld.idx.msk [tilespmem:v9+s26+$0x0], $0xffff;
	v6 =	vadd.f32 v6, v11  }
0x41c: {  	s7 =	sadd.s32 $0x1, s8;
	v3 =	vld.idx.msk [tilespmem:v3+s31+$0x0], $0xffff  }
0x41d: {  	s9 =	sadd.s32 $0x2, s8;
	v10 =	vld.idx.msk [tilespmem:v10+s26+$0x0], $0xffff;
	v55 =	vadd.s32 s7, v0;
	v5 =	vadd.f32 v5, v6  }
0x41e: {  	v2 =	vld.idx.msk [tilespmem:v2+s31+$0x0], $0xffff;
	v56 =	vadd.s32 s9, v0  }
0x41f: {  	v8 =	vld.idx.msk [tilespmem:v8+s26+$0x0], $0xffff;
	s10 =	sadd.s32 $0x3, s8;
	v5 =	vadd.f32 v7, v5  }
0x420: {  	v57 =	vadd.s32 s10, v0;
	v1 =	vld.idx.msk [tilespmem:v1+s31+$0x0], $0xffff  }
0x421: {  	s9 =	sadd.s32 $0x4, s8;
	v4 =	vld.idx.msk [tilespmem:v4+s31+$0x0], $0xffff;
	v3 =	vadd.f32 v3, v5  }
0x422: {  	v58 =	vadd.s32 s9, v0;
	v11 =	vld.idx.msk [tilespmem:v55+s26+$0x0], $0xffff  }
0x423: {  	s10 =	sadd.s32 $0x5, s8;
	v6 =	vld.idx.msk [tilespmem:v56+s26+$0x0], $0xffff;
	v2 =	vadd.f32 v2, v3  }
0x424: {  	v9 =	vld.idx.msk [tilespmem:v9+s31+$0x0], $0xffff;
	v3 =	vadd.s32 s10, v0  }
0x425: {  	v7 =	vld.idx.msk [tilespmem:v57+s26+$0x0], $0xffff;
	v1 =	vadd.f32 v1, v2  }
0x426: {  	s9 =	sadd.s32 $0x6, s8;
	v10 =	vld.idx.msk [tilespmem:v10+s31+$0x0], $0xffff  }
0x427: {  	v5 =	vld.idx.msk [tilespmem:v58+s26+$0x0], $0xffff;
	v2 =	vadd.s32 s9, v0;
	v1 =	vadd.f32 v4, v1  }
0x428: {  	v59 =	vld.idx.msk [tilespmem:v8+s31+$0x0], $0xffff;
	s10 =	sadd.s32 $0x7, s8  }
0x429: {  	v60 =	vadd.s32 s10, v0;
	v3 =	vld.idx.msk [tilespmem:v3+s26+$0x0], $0xffff;
	v1 =	vadd.f32 v9, v1  }
0x42a: {  	v61 =	vld.idx.msk [tilespmem:v11+s31+$0x0], $0xffff  }
0x42b: {  	v6 =	vld.idx.msk [tilespmem:v6+s31+$0x0], $0xffff;
	v1 =	vadd.f32 v10, v1  }
0x42c: {  	v2 =	vld.idx.msk [tilespmem:v2+s26+$0x0], $0xffff  }
0x42d: {  	v62 =	vld.idx.msk [tilespmem:v7+s31+$0x0], $0xffff;
	v1 =	vadd.f32 v59, v1  }
0x42e: {  	v8 =	vld.idx.msk [tilespmem:v60+s26+$0x0], $0xffff  }
0x42f: {  	v1 =	vadd.f32 v61, v1  }
0x430: {  	v5 =	vld.idx.msk [tilespmem:v5+s31+$0x0], $0xffff  }
0x431: {  	v1 =	vadd.f32 v6, v1  }
0x432: {  	v3 =	vld.idx.msk [tilespmem:v3+s31+$0x0], $0xffff  }
0x433: {  	v1 =	vadd.f32 v62, v1  }
0x434: {  	v2 =	vld.idx.msk [tilespmem:v2+s31+$0x0], $0xffff  }
0x435: {  	v1 =	vadd.f32 v5, v1  }
0x436: {  	v63 =	vld.idx.msk [tilespmem:v8+s31+$0x0], $0xffff  }
0x437: {  	v1 =	vadd.f32 v3, v1  }
0x438: {  	v3 =	vld [tilespmem:$0x4C70]  }
0x439: {  	v1 =	vadd.f32 v2, v1;
	_ =	sdelay $0x1  }
.Ltmp22:
0x43a: {  	v1 =	vadd.f32 v63, v1;
	(pc) =	sbr.rel @p0 .LBB2_44-.Ltmp22, $4  }
0x43b: {  	_ = 	snop  }
0x43c: {  	s6 =	sshll.u32 s6, $0x4;
	v1 =	vadd.f32 v3, v1  }
0x43d: {  	s6 =	sand.u32 $0x3FFFFFF0, s6  }
0x43e: {  	p1 =	por $0x0, $0x0;
	[tilespmem:s6+$0x4BB0] =	vst v1;
	s6 =	simm.s32 $0x1  }
0x43f: {  	s6 =	simm.s32 $0x0  }
0x440: {  	[tilespmem:s26], [sflag:$0x1] =	stream.linear.gather [hbm4b:s20+s6], $0x1900, $0x38;
	[tilespmem:$0x1D3F0] =	vst v63  }
0x441: {  	_ =	swait.ge [sflag:s4], $0x1900  }
0x442: {  	[sflag:s4] =	ssyncset.done $0x0  }
0x443: {  	p1 =	por $0x1, $0x1;
	[sflag:s4] =	ssyncadd.s32 $0xFFFFE700  }
.LBB2_48:
0x444: {  	s7 =	smul.u32 $0xC80, s6;
	_ =	sdelay $0x1  }
0x445: {  	s8 =	sadd.s32 $0x0, s7  }
0x446: {  	v1 =	vadd.s32 s8, v0  }
0x447: {  	s9 =	sadd.s32 $0x1, s8  }
0x448: {  	v2 =	vadd.s32 s9, v0  }
0x449: {  	s10 =	sadd.s32 $0x2, s8  }
0x44a: {  	v3 =	vadd.s32 s10, v0;
	s10 =	sadd.s32 $0x3, s8  }
0x44b: {  	v4 =	vadd.s32 s10, v0;
	s10 =	sadd.s32 $0x4, s8;
	v1 =	vld.idx.msk [tilespmem:v1+s28+$0x0], $0xffff  }
0x44c: {  	v5 =	vadd.s32 s10, v0;
	s10 =	sadd.s32 $0x5, s8  }
0x44d: {  	v6 =	vadd.s32 s10, v0;
	v2 =	vld.idx.msk [tilespmem:v2+s28+$0x0], $0xffff  }
0x44e: {  	s10 =	sadd.s32 $0x6, s8  }
0x44f: {  	v7 =	vadd.s32 s10, v0;
	v3 =	vld.idx.msk [tilespmem:v3+s28+$0x0], $0xffff  }
0x450: {  	s8 =	sadd.s32 $0x7, s8;
	v4 =	vld.idx.msk [tilespmem:v4+s28+$0x0], $0xffff  }
0x451: {  	v8 =	vadd.s32 s8, v0;
	v5 =	vld.idx.msk [tilespmem:v5+s28+$0x0], $0xffff  }
0x452: {  	s8 =	sadd.s32 $0x8, s7;
	v6 =	vld.idx.msk [tilespmem:v6+s28+$0x0], $0xffff  }
0x453: {  	v9 =	vadd.s32 s8, v0;
	v1 =	vld.idx.msk [tilespmem:v1+s31+$0x0], $0xffff  }
0x454: {  	s10 =	sadd.s32 $0x1, s8;
	v7 =	vld.idx.msk [tilespmem:v7+s28+$0x0], $0xffff  }
0x455: {  	v10 =	vadd.s32 s10, v0;
	v2 =	vld.idx.msk [tilespmem:v2+s31+$0x0], $0xffff  }
0x456: {  	v8 =	vld.idx.msk [tilespmem:v8+s28+$0x0], $0xffff  }
0x457: {  	v11 =	vimm.f32 $0.0e+00;
	v3 =	vld.idx.msk [tilespmem:v3+s31+$0x0], $0xffff  }
0x458: {  	s10 =	sadd.s32 $0x2, s8;
	v9 =	vld.idx.msk [tilespmem:v9+s28+$0x0], $0xffff;
	v1 =	vadd.f32 v1, v11  }
0x459: {  	v12 =	vadd.s32 s10, v0;
	s10 =	sadd.s32 $0x3, s8;
	v4 =	vld.idx.msk [tilespmem:v4+s31+$0x0], $0xffff  }
0x45a: {  	v13 =	vld.idx.msk [tilespmem:v10+s28+$0x0], $0xffff;
	v11 =	vadd.s32 s10, v0;
	v1 =	vadd.f32 v2, v1  }
0x45b: {  	v5 =	vld.idx.msk [tilespmem:v5+s31+$0x0], $0xffff  }
0x45c: {  	v14 =	vld.idx.msk [tilespmem:v6+s31+$0x0], $0xffff;
	s10 =	sadd.s32 $0x4, s8;
	v1 =	vadd.f32 v3, v1  }
0x45d: {  	v15 =	vld.idx.msk [tilespmem:v7+s31+$0x0], $0xffff;
	v10 =	vadd.s32 s10, v0  }
0x45e: {  	s10 =	sadd.s32 $0x5, s8;
	v3 =	vld.idx.msk [tilespmem:v12+s28+$0x0], $0xffff;
	v1 =	vadd.f32 v4, v1  }
0x45f: {  	v63 =	vadd.s32 s10, v0;
	s10 =	sadd.s32 $0x6, s8;
	v2 =	vld.idx.msk [tilespmem:v11+s28+$0x0], $0xffff  }
0x460: {  	v4 =	vadd.f32 v5, v1;
	v5 =	vld.idx.msk [tilespmem:v9+s31+$0x0], $0xffff;
	v9 =	vadd.s32 s10, v0  }
0x461: {  	v6 =	vld.idx.msk [tilespmem:v8+s31+$0x0], $0xffff;
	s10 =	sadd.s32 $0x7, s8  }
0x462: {  	v1 =	vld.idx.msk [tilespmem:v10+s28+$0x0], $0xffff;
	v10 =	vadd.s32 s10, v0;
	v11 =	vadd.f32 v14, v4  }
0x463: {  	v7 =	vld.idx.msk [tilespmem:v13+s31+$0x0], $0xffff;
	s8 =	sadd.s32 $0x10, s7  }
0x464: {  	p0 =	por p1, p1;
	s9 =	simm.s32 $0x18;
	v8 =	vadd.s32 s8, v0;
	v4 =	vld.idx.msk [tilespmem:v63+s28+$0x0], $0xffff;
	v11 =	vadd.f32 v15, v11  }
.LBB2_49:
0x465: {  	p1 =	sne.s32 s9, $0xC0;
	s10 =	sadd.s32 $0x1, s8;
	v9 =	vld.idx.msk [tilespmem:v9+s28+$0x0], $0xffff  }
0x466: {  	v12 =	vadd.s32 s10, v0;
	v3 =	vld.idx.msk [tilespmem:v3+s31+$0x0], $0xffff;
	v6 =	vadd.f32 v6, v11  }
0x467: {  	s10 =	sadd.s32 $0x2, s8;
	v10 =	vld.idx.msk [tilespmem:v10+s28+$0x0], $0xffff  }
0x468: {  	v11 =	vadd.s32 s10, v0;
	v5 =	vadd.f32 v5, v6;
	v2 =	vld.idx.msk [tilespmem:v2+s31+$0x0], $0xffff  }
0x469: {  	s10 =	sadd.s32 $0x3, s8;
	v8 =	vld.idx.msk [tilespmem:v8+s28+$0x0], $0xffff  }
0x46a: {  	v6 =	vadd.s32 s10, v0;
	v5 =	vadd.f32 v7, v5;
	v1 =	vld.idx.msk [tilespmem:v1+s31+$0x0], $0xffff  }
0x46b: {  	s10 =	sadd.s32 $0x4, s8;
	v7 =	vld.idx.msk [tilespmem:v12+s28+$0x0], $0xffff  }
0x46c: {  	v12 =	vadd.s32 s10, v0;
	v5 =	vadd.f32 v3, v5;
	v4 =	vld.idx.msk [tilespmem:v4+s31+$0x0], $0xffff  }
0x46d: {  	s10 =	sadd.s32 $0x5, s8;
	v3 =	vld.idx.msk [tilespmem:v11+s28+$0x0], $0xffff  }
0x46e: {  	v11 =	vadd.s32 s10, v0;
	v5 =	vadd.f32 v2, v5;
	v13 =	vld.idx.msk [tilespmem:v9+s31+$0x0], $0xffff  }
0x46f: {  	s10 =	sadd.s32 $0x6, s8;
	v2 =	vld.idx.msk [tilespmem:v6+s28+$0x0], $0xffff  }
.Ltmp23:
0x470: {  	v9 =	vadd.s32 s10, v0;
	v14 =	vadd.f32 v1, v5;
	v6 =	vld.idx.msk [tilespmem:v10+s31+$0x0], $0xffff;
	(pc) =	sbr.rel @p1 .LBB2_49-.Ltmp23, $4  }
0x471: {  	s8 =	sadd.s32 $0x7, s8;
	v1 =	vld.idx.msk [tilespmem:v12+s28+$0x0], $0xffff  }
0x472: {  	v10 =	vadd.s32 s8, v0;
	v5 =	vld.idx.msk [tilespmem:v8+s31+$0x0], $0xffff;
	v12 =	vadd.f32 v4, v14  }
0x473: {  	s8 =	sadd.s32 s9, s7;
	v4 =	vld.idx.msk [tilespmem:v11+s28+$0x0], $0xffff  }
0x474: {  	s9 =	sadd.s32 $0x8, s9;
	v8 =	vadd.s32 s8, v0;
	v7 =	vld.idx.msk [tilespmem:v7+s31+$0x0], $0xffff;
	v11 =	vadd.f32 v13, v12  }
0x475: {  	_ =	sdelay $0x3  }
0x476: {  	v9 =	vld.idx.msk [tilespmem:v9+s28+$0x0], $0xffff;
	v6 =	vadd.f32 v6, v11  }
0x477: {  	s7 =	sadd.s32 $0x1, s8;
	v3 =	vld.idx.msk [tilespmem:v3+s31+$0x0], $0xffff  }
0x478: {  	s9 =	sadd.s32 $0x2, s8;
	v10 =	vld.idx.msk [tilespmem:v10+s28+$0x0], $0xffff;
	v55 =	vadd.s32 s7, v0;
	v5 =	vadd.f32 v5, v6  }
0x479: {  	v2 =	vld.idx.msk [tilespmem:v2+s31+$0x0], $0xffff;
	v56 =	vadd.s32 s9, v0  }
0x47a: {  	v8 =	vld.idx.msk [tilespmem:v8+s28+$0x0], $0xffff;
	s10 =	sadd.s32 $0x3, s8;
	v5 =	vadd.f32 v7, v5  }
0x47b: {  	v57 =	vadd.s32 s10, v0;
	v1 =	vld.idx.msk [tilespmem:v1+s31+$0x0], $0xffff  }
0x47c: {  	s9 =	sadd.s32 $0x4, s8;
	v4 =	vld.idx.msk [tilespmem:v4+s31+$0x0], $0xffff;
	v3 =	vadd.f32 v3, v5  }
0x47d: {  	v58 =	vadd.s32 s9, v0;
	v11 =	vld.idx.msk [tilespmem:v55+s28+$0x0], $0xffff  }
0x47e: {  	s10 =	sadd.s32 $0x5, s8;
	v6 =	vld.idx.msk [tilespmem:v56+s28+$0x0], $0xffff;
	v2 =	vadd.f32 v2, v3  }
0x47f: {  	v9 =	vld.idx.msk [tilespmem:v9+s31+$0x0], $0xffff;
	v3 =	vadd.s32 s10, v0  }
0x480: {  	v7 =	vld.idx.msk [tilespmem:v57+s28+$0x0], $0xffff;
	v1 =	vadd.f32 v1, v2  }
0x481: {  	s9 =	sadd.s32 $0x6, s8;
	v10 =	vld.idx.msk [tilespmem:v10+s31+$0x0], $0xffff  }
0x482: {  	v5 =	vld.idx.msk [tilespmem:v58+s28+$0x0], $0xffff;
	v2 =	vadd.s32 s9, v0;
	v1 =	vadd.f32 v4, v1  }
0x483: {  	v59 =	vld.idx.msk [tilespmem:v8+s31+$0x0], $0xffff;
	s10 =	sadd.s32 $0x7, s8  }
0x484: {  	v60 =	vadd.s32 s10, v0;
	v3 =	vld.idx.msk [tilespmem:v3+s28+$0x0], $0xffff;
	v1 =	vadd.f32 v9, v1  }
0x485: {  	v61 =	vld.idx.msk [tilespmem:v11+s31+$0x0], $0xffff  }
0x486: {  	v6 =	vld.idx.msk [tilespmem:v6+s31+$0x0], $0xffff;
	v1 =	vadd.f32 v10, v1  }
0x487: {  	v2 =	vld.idx.msk [tilespmem:v2+s28+$0x0], $0xffff  }
0x488: {  	v62 =	vld.idx.msk [tilespmem:v7+s31+$0x0], $0xffff;
	v1 =	vadd.f32 v59, v1  }
0x489: {  	v8 =	vld.idx.msk [tilespmem:v60+s28+$0x0], $0xffff  }
0x48a: {  	v1 =	vadd.f32 v61, v1  }
0x48b: {  	v5 =	vld.idx.msk [tilespmem:v5+s31+$0x0], $0xffff  }
0x48c: {  	v1 =	vadd.f32 v6, v1  }
0x48d: {  	v3 =	vld.idx.msk [tilespmem:v3+s31+$0x0], $0xffff  }
0x48e: {  	v1 =	vadd.f32 v62, v1  }
0x48f: {  	v2 =	vld.idx.msk [tilespmem:v2+s31+$0x0], $0xffff  }
0x490: {  	v1 =	vadd.f32 v5, v1  }
0x491: {  	v63 =	vld.idx.msk [tilespmem:v8+s31+$0x0], $0xffff  }
0x492: {  	v1 =	vadd.f32 v3, v1  }
0x493: {  	v3 =	vld [tilespmem:$0x4C70]  }
0x494: {  	v1 =	vadd.f32 v2, v1;
	_ =	sdelay $0x1  }
.Ltmp24:
0x495: {  	v1 =	vadd.f32 v63, v1;
	(pc) =	sbr.rel @p0 .LBB2_48-.Ltmp24, $4  }
0x496: {  	_ = 	snop  }
0x497: {  	s6 =	sshll.u32 s6, $0x4;
	v1 =	vadd.f32 v3, v1  }
0x498: {  	s6 =	sand.u32 $0x3FFFFFF0, s6  }
0x499: {  	p1 =	por $0x0, $0x0;
	[tilespmem:s6+$0x4BD0] =	vst v1;
	s6 =	simm.s32 $0x1  }
0x49a: {  	s6 =	simm.s32 $0x0  }
0x49b: {  	[tilespmem:s28], [sflag:$0x2] =	stream.linear.gather [hbm4b:s21+s6], $0x1900, $0x38;
	[tilespmem:$0x1D3F0] =	vst v63  }
0x49c: {  	_ =	swait.ge [sflag:s2], $0x1900  }
0x49d: {  	[sflag:s2] =	ssyncset.done $0x0  }
0x49e: {  	p1 =	por $0x1, $0x1;
	[sflag:s2] =	ssyncadd.s32 $0xFFFFE700  }
.LBB2_52:
0x49f: {  	s7 =	smul.u32 $0xC80, s6;
	_ =	sdelay $0x1  }
0x4a0: {  	s8 =	sadd.s32 $0x0, s7  }
0x4a1: {  	v1 =	vadd.s32 s8, v0  }
0x4a2: {  	s9 =	sadd.s32 $0x1, s8  }
0x4a3: {  	v2 =	vadd.s32 s9, v0  }
0x4a4: {  	s10 =	sadd.s32 $0x2, s8  }
0x4a5: {  	v3 =	vadd.s32 s10, v0;
	s10 =	sadd.s32 $0x3, s8  }
0x4a6: {  	v4 =	vadd.s32 s10, v0;
	s10 =	sadd.s32 $0x4, s8;
	v1 =	vld.idx.msk [tilespmem:v1+s26+$0x0], $0xffff  }
0x4a7: {  	v5 =	vadd.s32 s10, v0;
	s10 =	sadd.s32 $0x5, s8  }
0x4a8: {  	v6 =	vadd.s32 s10, v0;
	v2 =	vld.idx.msk [tilespmem:v2+s26+$0x0], $0xffff  }
0x4a9: {  	s10 =	sadd.s32 $0x6, s8  }
0x4aa: {  	v7 =	vadd.s32 s10, v0;
	v3 =	vld.idx.msk [tilespmem:v3+s26+$0x0], $0xffff  }
0x4ab: {  	s8 =	sadd.s32 $0x7, s8;
	v4 =	vld.idx.msk [tilespmem:v4+s26+$0x0], $0xffff  }
0x4ac: {  	v8 =	vadd.s32 s8, v0;
	v5 =	vld.idx.msk [tilespmem:v5+s26+$0x0], $0xffff  }
0x4ad: {  	s8 =	sadd.s32 $0x8, s7;
	v6 =	vld.idx.msk [tilespmem:v6+s26+$0x0], $0xffff  }
0x4ae: {  	v9 =	vadd.s32 s8, v0;
	v1 =	vld.idx.msk [tilespmem:v1+s31+$0x0], $0xffff  }
0x4af: {  	s10 =	sadd.s32 $0x1, s8;
	v7 =	vld.idx.msk [tilespmem:v7+s26+$0x0], $0xffff  }
0x4b0: {  	v10 =	vadd.s32 s10, v0;
	v2 =	vld.idx.msk [tilespmem:v2+s31+$0x0], $0xffff  }
0x4b1: {  	v8 =	vld.idx.msk [tilespmem:v8+s26+$0x0], $0xffff  }
0x4b2: {  	v11 =	vimm.f32 $0.0e+00;
	v3 =	vld.idx.msk [tilespmem:v3+s31+$0x0], $0xffff  }
0x4b3: {  	s10 =	sadd.s32 $0x2, s8;
	v9 =	vld.idx.msk [tilespmem:v9+s26+$0x0], $0xffff;
	v1 =	vadd.f32 v1, v11  }
0x4b4: {  	v12 =	vadd.s32 s10, v0;
	s10 =	sadd.s32 $0x3, s8;
	v4 =	vld.idx.msk [tilespmem:v4+s31+$0x0], $0xffff  }
0x4b5: {  	v13 =	vld.idx.msk [tilespmem:v10+s26+$0x0], $0xffff;
	v11 =	vadd.s32 s10, v0;
	v1 =	vadd.f32 v2, v1  }
0x4b6: {  	v5 =	vld.idx.msk [tilespmem:v5+s31+$0x0], $0xffff  }
0x4b7: {  	v14 =	vld.idx.msk [tilespmem:v6+s31+$0x0], $0xffff;
	s10 =	sadd.s32 $0x4, s8;
	v1 =	vadd.f32 v3, v1  }
0x4b8: {  	v15 =	vld.idx.msk [tilespmem:v7+s31+$0x0], $0xffff;
	v10 =	vadd.s32 s10, v0  }
0x4b9: {  	s10 =	sadd.s32 $0x5, s8;
	v3 =	vld.idx.msk [tilespmem:v12+s26+$0x0], $0xffff;
	v1 =	vadd.f32 v4, v1  }
0x4ba: {  	v63 =	vadd.s32 s10, v0;
	s10 =	sadd.s32 $0x6, s8;
	v2 =	vld.idx.msk [tilespmem:v11+s26+$0x0], $0xffff  }
0x4bb: {  	v4 =	vadd.f32 v5, v1;
	v5 =	vld.idx.msk [tilespmem:v9+s31+$0x0], $0xffff;
	v9 =	vadd.s32 s10, v0  }
0x4bc: {  	v6 =	vld.idx.msk [tilespmem:v8+s31+$0x0], $0xffff;
	s10 =	sadd.s32 $0x7, s8  }
0x4bd: {  	v1 =	vld.idx.msk [tilespmem:v10+s26+$0x0], $0xffff;
	v10 =	vadd.s32 s10, v0;
	v11 =	vadd.f32 v14, v4  }
0x4be: {  	v7 =	vld.idx.msk [tilespmem:v13+s31+$0x0], $0xffff;
	s8 =	sadd.s32 $0x10, s7  }
0x4bf: {  	p0 =	por p1, p1;
	s9 =	simm.s32 $0x18;
	v8 =	vadd.s32 s8, v0;
	v4 =	vld.idx.msk [tilespmem:v63+s26+$0x0], $0xffff;
	v11 =	vadd.f32 v15, v11  }
.LBB2_53:
0x4c0: {  	p1 =	sne.s32 s9, $0xC0;
	s10 =	sadd.s32 $0x1, s8;
	v9 =	vld.idx.msk [tilespmem:v9+s26+$0x0], $0xffff  }
0x4c1: {  	v12 =	vadd.s32 s10, v0;
	v3 =	vld.idx.msk [tilespmem:v3+s31+$0x0], $0xffff;
	v6 =	vadd.f32 v6, v11  }
0x4c2: {  	s10 =	sadd.s32 $0x2, s8;
	v10 =	vld.idx.msk [tilespmem:v10+s26+$0x0], $0xffff  }
0x4c3: {  	v11 =	vadd.s32 s10, v0;
	v5 =	vadd.f32 v5, v6;
	v2 =	vld.idx.msk [tilespmem:v2+s31+$0x0], $0xffff  }
0x4c4: {  	s10 =	sadd.s32 $0x3, s8;
	v8 =	vld.idx.msk [tilespmem:v8+s26+$0x0], $0xffff  }
0x4c5: {  	v6 =	vadd.s32 s10, v0;
	v5 =	vadd.f32 v7, v5;
	v1 =	vld.idx.msk [tilespmem:v1+s31+$0x0], $0xffff  }
0x4c6: {  	s10 =	sadd.s32 $0x4, s8;
	v7 =	vld.idx.msk [tilespmem:v12+s26+$0x0], $0xffff  }
0x4c7: {  	v12 =	vadd.s32 s10, v0;
	v5 =	vadd.f32 v3, v5;
	v4 =	vld.idx.msk [tilespmem:v4+s31+$0x0], $0xffff  }
0x4c8: {  	s10 =	sadd.s32 $0x5, s8;
	v3 =	vld.idx.msk [tilespmem:v11+s26+$0x0], $0xffff  }
0x4c9: {  	v11 =	vadd.s32 s10, v0;
	v5 =	vadd.f32 v2, v5;
	v13 =	vld.idx.msk [tilespmem:v9+s31+$0x0], $0xffff  }
0x4ca: {  	s10 =	sadd.s32 $0x6, s8;
	v2 =	vld.idx.msk [tilespmem:v6+s26+$0x0], $0xffff  }
.Ltmp25:
0x4cb: {  	v9 =	vadd.s32 s10, v0;
	v14 =	vadd.f32 v1, v5;
	v6 =	vld.idx.msk [tilespmem:v10+s31+$0x0], $0xffff;
	(pc) =	sbr.rel @p1 .LBB2_53-.Ltmp25, $4  }
0x4cc: {  	s8 =	sadd.s32 $0x7, s8;
	v1 =	vld.idx.msk [tilespmem:v12+s26+$0x0], $0xffff  }
0x4cd: {  	v10 =	vadd.s32 s8, v0;
	v5 =	vld.idx.msk [tilespmem:v8+s31+$0x0], $0xffff;
	v12 =	vadd.f32 v4, v14  }
0x4ce: {  	s8 =	sadd.s32 s9, s7;
	v4 =	vld.idx.msk [tilespmem:v11+s26+$0x0], $0xffff  }
0x4cf: {  	s9 =	sadd.s32 $0x8, s9;
	v8 =	vadd.s32 s8, v0;
	v7 =	vld.idx.msk [tilespmem:v7+s31+$0x0], $0xffff;
	v11 =	vadd.f32 v13, v12  }
0x4d0: {  	_ =	sdelay $0x3  }
0x4d1: {  	v9 =	vld.idx.msk [tilespmem:v9+s26+$0x0], $0xffff;
	v6 =	vadd.f32 v6, v11  }
0x4d2: {  	s7 =	sadd.s32 $0x1, s8;
	v3 =	vld.idx.msk [tilespmem:v3+s31+$0x0], $0xffff  }
0x4d3: {  	s9 =	sadd.s32 $0x2, s8;
	v10 =	vld.idx.msk [tilespmem:v10+s26+$0x0], $0xffff;
	v55 =	vadd.s32 s7, v0;
	v5 =	vadd.f32 v5, v6  }
0x4d4: {  	v2 =	vld.idx.msk [tilespmem:v2+s31+$0x0], $0xffff;
	v56 =	vadd.s32 s9, v0  }
0x4d5: {  	v8 =	vld.idx.msk [tilespmem:v8+s26+$0x0], $0xffff;
	s10 =	sadd.s32 $0x3, s8;
	v5 =	vadd.f32 v7, v5  }
0x4d6: {  	v57 =	vadd.s32 s10, v0;
	v1 =	vld.idx.msk [tilespmem:v1+s31+$0x0], $0xffff  }
0x4d7: {  	s9 =	sadd.s32 $0x4, s8;
	v4 =	vld.idx.msk [tilespmem:v4+s31+$0x0], $0xffff;
	v3 =	vadd.f32 v3, v5  }
0x4d8: {  	v58 =	vadd.s32 s9, v0;
	v11 =	vld.idx.msk [tilespmem:v55+s26+$0x0], $0xffff  }
0x4d9: {  	s10 =	sadd.s32 $0x5, s8;
	v6 =	vld.idx.msk [tilespmem:v56+s26+$0x0], $0xffff;
	v2 =	vadd.f32 v2, v3  }
0x4da: {  	v9 =	vld.idx.msk [tilespmem:v9+s31+$0x0], $0xffff;
	v3 =	vadd.s32 s10, v0  }
0x4db: {  	v7 =	vld.idx.msk [tilespmem:v57+s26+$0x0], $0xffff;
	v1 =	vadd.f32 v1, v2  }
0x4dc: {  	s9 =	sadd.s32 $0x6, s8;
	v10 =	vld.idx.msk [tilespmem:v10+s31+$0x0], $0xffff  }
0x4dd: {  	v5 =	vld.idx.msk [tilespmem:v58+s26+$0x0], $0xffff;
	v2 =	vadd.s32 s9, v0;
	v1 =	vadd.f32 v4, v1  }
0x4de: {  	v59 =	vld.idx.msk [tilespmem:v8+s31+$0x0], $0xffff;
	s10 =	sadd.s32 $0x7, s8  }
0x4df: {  	v60 =	vadd.s32 s10, v0;
	v3 =	vld.idx.msk [tilespmem:v3+s26+$0x0], $0xffff;
	v1 =	vadd.f32 v9, v1  }
0x4e0: {  	v61 =	vld.idx.msk [tilespmem:v11+s31+$0x0], $0xffff  }
0x4e1: {  	v6 =	vld.idx.msk [tilespmem:v6+s31+$0x0], $0xffff;
	v1 =	vadd.f32 v10, v1  }
0x4e2: {  	v2 =	vld.idx.msk [tilespmem:v2+s26+$0x0], $0xffff  }
0x4e3: {  	v62 =	vld.idx.msk [tilespmem:v7+s31+$0x0], $0xffff;
	v1 =	vadd.f32 v59, v1  }
0x4e4: {  	v8 =	vld.idx.msk [tilespmem:v60+s26+$0x0], $0xffff  }
0x4e5: {  	v1 =	vadd.f32 v61, v1  }
0x4e6: {  	v5 =	vld.idx.msk [tilespmem:v5+s31+$0x0], $0xffff  }
0x4e7: {  	v1 =	vadd.f32 v6, v1  }
0x4e8: {  	v3 =	vld.idx.msk [tilespmem:v3+s31+$0x0], $0xffff  }
0x4e9: {  	v1 =	vadd.f32 v62, v1  }
0x4ea: {  	v2 =	vld.idx.msk [tilespmem:v2+s31+$0x0], $0xffff  }
0x4eb: {  	v1 =	vadd.f32 v5, v1  }
0x4ec: {  	v63 =	vld.idx.msk [tilespmem:v8+s31+$0x0], $0xffff  }
0x4ed: {  	v1 =	vadd.f32 v3, v1  }
0x4ee: {  	v3 =	vld [tilespmem:$0x4C70]  }
0x4ef: {  	v1 =	vadd.f32 v2, v1;
	_ =	sdelay $0x1  }
.Ltmp26:
0x4f0: {  	v1 =	vadd.f32 v63, v1;
	(pc) =	sbr.rel @p0 .LBB2_52-.Ltmp26, $4  }
0x4f1: {  	_ = 	snop  }
0x4f2: {  	s6 =	sshll.u32 s6, $0x4;
	v1 =	vadd.f32 v3, v1  }
0x4f3: {  	s6 =	sand.u32 $0x3FFFFFF0, s6  }
0x4f4: {  	p1 =	por $0x0, $0x0;
	[tilespmem:s6+$0x4BF0] =	vst v1;
	s6 =	simm.s32 $0x1  }
0x4f5: {  	s6 =	simm.s32 $0x0  }
0x4f6: {  	[tilespmem:s26], [sflag:$0x1] =	stream.linear.gather [hbm4b:s23+s6], $0x1900, $0x38;
	[tilespmem:$0x1D3F0] =	vst v63  }
0x4f7: {  	_ =	swait.ge [sflag:s4], $0x1900  }
0x4f8: {  	[sflag:s4] =	ssyncset.done $0x0  }
0x4f9: {  	p1 =	por $0x1, $0x1;
	[sflag:s4] =	ssyncadd.s32 $0xFFFFE700  }
.LBB2_56:
0x4fa: {  	s7 =	smul.u32 $0xC80, s6;
	_ =	sdelay $0x1  }
0x4fb: {  	s8 =	sadd.s32 $0x0, s7  }
0x4fc: {  	v1 =	vadd.s32 s8, v0  }
0x4fd: {  	s9 =	sadd.s32 $0x1, s8  }
0x4fe: {  	v2 =	vadd.s32 s9, v0  }
0x4ff: {  	s10 =	sadd.s32 $0x2, s8  }
0x500: {  	v3 =	vadd.s32 s10, v0;
	s10 =	sadd.s32 $0x3, s8  }
0x501: {  	v4 =	vadd.s32 s10, v0;
	s10 =	sadd.s32 $0x4, s8;
	v1 =	vld.idx.msk [tilespmem:v1+s28+$0x0], $0xffff  }
0x502: {  	v5 =	vadd.s32 s10, v0;
	s10 =	sadd.s32 $0x5, s8  }
0x503: {  	v6 =	vadd.s32 s10, v0;
	v2 =	vld.idx.msk [tilespmem:v2+s28+$0x0], $0xffff  }
0x504: {  	s10 =	sadd.s32 $0x6, s8  }
0x505: {  	v7 =	vadd.s32 s10, v0;
	v3 =	vld.idx.msk [tilespmem:v3+s28+$0x0], $0xffff  }
0x506: {  	s8 =	sadd.s32 $0x7, s8;
	v4 =	vld.idx.msk [tilespmem:v4+s28+$0x0], $0xffff  }
0x507: {  	v8 =	vadd.s32 s8, v0;
	v5 =	vld.idx.msk [tilespmem:v5+s28+$0x0], $0xffff  }
0x508: {  	s8 =	sadd.s32 $0x8, s7;
	v6 =	vld.idx.msk [tilespmem:v6+s28+$0x0], $0xffff  }
0x509: {  	v9 =	vadd.s32 s8, v0;
	v1 =	vld.idx.msk [tilespmem:v1+s31+$0x0], $0xffff  }
0x50a: {  	s10 =	sadd.s32 $0x1, s8;
	v7 =	vld.idx.msk [tilespmem:v7+s28+$0x0], $0xffff  }
0x50b: {  	v10 =	vadd.s32 s10, v0;
	v2 =	vld.idx.msk [tilespmem:v2+s31+$0x0], $0xffff  }
0x50c: {  	v8 =	vld.idx.msk [tilespmem:v8+s28+$0x0], $0xffff  }
0x50d: {  	v11 =	vimm.f32 $0.0e+00;
	v3 =	vld.idx.msk [tilespmem:v3+s31+$0x0], $0xffff  }
0x50e: {  	s10 =	sadd.s32 $0x2, s8;
	v9 =	vld.idx.msk [tilespmem:v9+s28+$0x0], $0xffff;
	v1 =	vadd.f32 v1, v11  }
0x50f: {  	v12 =	vadd.s32 s10, v0;
	s10 =	sadd.s32 $0x3, s8;
	v4 =	vld.idx.msk [tilespmem:v4+s31+$0x0], $0xffff  }
0x510: {  	v13 =	vld.idx.msk [tilespmem:v10+s28+$0x0], $0xffff;
	v11 =	vadd.s32 s10, v0;
	v1 =	vadd.f32 v2, v1  }
0x511: {  	v5 =	vld.idx.msk [tilespmem:v5+s31+$0x0], $0xffff  }
0x512: {  	v14 =	vld.idx.msk [tilespmem:v6+s31+$0x0], $0xffff;
	s10 =	sadd.s32 $0x4, s8;
	v1 =	vadd.f32 v3, v1  }
0x513: {  	v15 =	vld.idx.msk [tilespmem:v7+s31+$0x0], $0xffff;
	v10 =	vadd.s32 s10, v0  }
0x514: {  	s10 =	sadd.s32 $0x5, s8;
	v3 =	vld.idx.msk [tilespmem:v12+s28+$0x0], $0xffff;
	v1 =	vadd.f32 v4, v1  }
0x515: {  	v63 =	vadd.s32 s10, v0;
	s10 =	sadd.s32 $0x6, s8;
	v2 =	vld.idx.msk [tilespmem:v11+s28+$0x0], $0xffff  }
0x516: {  	v4 =	vadd.f32 v5, v1;
	v5 =	vld.idx.msk [tilespmem:v9+s31+$0x0], $0xffff;
	v9 =	vadd.s32 s10, v0  }
0x517: {  	v6 =	vld.idx.msk [tilespmem:v8+s31+$0x0], $0xffff;
	s10 =	sadd.s32 $0x7, s8  }
0x518: {  	v1 =	vld.idx.msk [tilespmem:v10+s28+$0x0], $0xffff;
	v10 =	vadd.s32 s10, v0;
	v11 =	vadd.f32 v14, v4  }
0x519: {  	v7 =	vld.idx.msk [tilespmem:v13+s31+$0x0], $0xffff;
	s8 =	sadd.s32 $0x10, s7  }
0x51a: {  	p0 =	por p1, p1;
	s9 =	simm.s32 $0x18;
	v8 =	vadd.s32 s8, v0;
	v4 =	vld.idx.msk [tilespmem:v63+s28+$0x0], $0xffff;
	v11 =	vadd.f32 v15, v11  }
.LBB2_57:
0x51b: {  	p1 =	sne.s32 s9, $0xC0;
	s10 =	sadd.s32 $0x1, s8;
	v9 =	vld.idx.msk [tilespmem:v9+s28+$0x0], $0xffff  }
0x51c: {  	v12 =	vadd.s32 s10, v0;
	v3 =	vld.idx.msk [tilespmem:v3+s31+$0x0], $0xffff;
	v6 =	vadd.f32 v6, v11  }
0x51d: {  	s10 =	sadd.s32 $0x2, s8;
	v10 =	vld.idx.msk [tilespmem:v10+s28+$0x0], $0xffff  }
0x51e: {  	v11 =	vadd.s32 s10, v0;
	v5 =	vadd.f32 v5, v6;
	v2 =	vld.idx.msk [tilespmem:v2+s31+$0x0], $0xffff  }
0x51f: {  	s10 =	sadd.s32 $0x3, s8;
	v8 =	vld.idx.msk [tilespmem:v8+s28+$0x0], $0xffff  }
0x520: {  	v6 =	vadd.s32 s10, v0;
	v5 =	vadd.f32 v7, v5;
	v1 =	vld.idx.msk [tilespmem:v1+s31+$0x0], $0xffff  }
0x521: {  	s10 =	sadd.s32 $0x4, s8;
	v7 =	vld.idx.msk [tilespmem:v12+s28+$0x0], $0xffff  }
0x522: {  	v12 =	vadd.s32 s10, v0;
	v5 =	vadd.f32 v3, v5;
	v4 =	vld.idx.msk [tilespmem:v4+s31+$0x0], $0xffff  }
0x523: {  	s10 =	sadd.s32 $0x5, s8;
	v3 =	vld.idx.msk [tilespmem:v11+s28+$0x0], $0xffff  }
0x524: {  	v11 =	vadd.s32 s10, v0;
	v5 =	vadd.f32 v2, v5;
	v13 =	vld.idx.msk [tilespmem:v9+s31+$0x0], $0xffff  }
0x525: {  	s10 =	sadd.s32 $0x6, s8;
	v2 =	vld.idx.msk [tilespmem:v6+s28+$0x0], $0xffff  }
.Ltmp27:
0x526: {  	v9 =	vadd.s32 s10, v0;
	v14 =	vadd.f32 v1, v5;
	v6 =	vld.idx.msk [tilespmem:v10+s31+$0x0], $0xffff;
	(pc) =	sbr.rel @p1 .LBB2_57-.Ltmp27, $4  }
0x527: {  	s8 =	sadd.s32 $0x7, s8;
	v1 =	vld.idx.msk [tilespmem:v12+s28+$0x0], $0xffff  }
0x528: {  	v10 =	vadd.s32 s8, v0;
	v5 =	vld.idx.msk [tilespmem:v8+s31+$0x0], $0xffff;
	v12 =	vadd.f32 v4, v14  }
0x529: {  	s8 =	sadd.s32 s9, s7;
	v4 =	vld.idx.msk [tilespmem:v11+s28+$0x0], $0xffff  }
0x52a: {  	s9 =	sadd.s32 $0x8, s9;
	v8 =	vadd.s32 s8, v0;
	v7 =	vld.idx.msk [tilespmem:v7+s31+$0x0], $0xffff;
	v11 =	vadd.f32 v13, v12  }
0x52b: {  	_ =	sdelay $0x3  }
0x52c: {  	v9 =	vld.idx.msk [tilespmem:v9+s28+$0x0], $0xffff;
	v6 =	vadd.f32 v6, v11  }
0x52d: {  	s7 =	sadd.s32 $0x1, s8;
	v3 =	vld.idx.msk [tilespmem:v3+s31+$0x0], $0xffff  }
0x52e: {  	s9 =	sadd.s32 $0x2, s8;
	v10 =	vld.idx.msk [tilespmem:v10+s28+$0x0], $0xffff;
	v55 =	vadd.s32 s7, v0;
	v5 =	vadd.f32 v5, v6  }
0x52f: {  	v2 =	vld.idx.msk [tilespmem:v2+s31+$0x0], $0xffff;
	v56 =	vadd.s32 s9, v0  }
0x530: {  	v8 =	vld.idx.msk [tilespmem:v8+s28+$0x0], $0xffff;
	s10 =	sadd.s32 $0x3, s8;
	v5 =	vadd.f32 v7, v5  }
0x531: {  	v57 =	vadd.s32 s10, v0;
	v1 =	vld.idx.msk [tilespmem:v1+s31+$0x0], $0xffff  }
0x532: {  	s9 =	sadd.s32 $0x4, s8;
	v4 =	vld.idx.msk [tilespmem:v4+s31+$0x0], $0xffff;
	v3 =	vadd.f32 v3, v5  }
0x533: {  	v58 =	vadd.s32 s9, v0;
	v11 =	vld.idx.msk [tilespmem:v55+s28+$0x0], $0xffff  }
0x534: {  	s10 =	sadd.s32 $0x5, s8;
	v6 =	vld.idx.msk [tilespmem:v56+s28+$0x0], $0xffff;
	v2 =	vadd.f32 v2, v3  }
0x535: {  	v9 =	vld.idx.msk [tilespmem:v9+s31+$0x0], $0xffff;
	v3 =	vadd.s32 s10, v0  }
0x536: {  	v7 =	vld.idx.msk [tilespmem:v57+s28+$0x0], $0xffff;
	v1 =	vadd.f32 v1, v2  }
0x537: {  	s9 =	sadd.s32 $0x6, s8;
	v10 =	vld.idx.msk [tilespmem:v10+s31+$0x0], $0xffff  }
0x538: {  	v5 =	vld.idx.msk [tilespmem:v58+s28+$0x0], $0xffff;
	v2 =	vadd.s32 s9, v0;
	v1 =	vadd.f32 v4, v1  }
0x539: {  	v59 =	vld.idx.msk [tilespmem:v8+s31+$0x0], $0xffff;
	s10 =	sadd.s32 $0x7, s8  }
0x53a: {  	v60 =	vadd.s32 s10, v0;
	v3 =	vld.idx.msk [tilespmem:v3+s28+$0x0], $0xffff;
	v1 =	vadd.f32 v9, v1  }
0x53b: {  	v61 =	vld.idx.msk [tilespmem:v11+s31+$0x0], $0xffff  }
0x53c: {  	v6 =	vld.idx.msk [tilespmem:v6+s31+$0x0], $0xffff;
	v1 =	vadd.f32 v10, v1  }
0x53d: {  	v2 =	vld.idx.msk [tilespmem:v2+s28+$0x0], $0xffff  }
0x53e: {  	v62 =	vld.idx.msk [tilespmem:v7+s31+$0x0], $0xffff;
	v1 =	vadd.f32 v59, v1  }
0x53f: {  	v8 =	vld.idx.msk [tilespmem:v60+s28+$0x0], $0xffff  }
0x540: {  	v1 =	vadd.f32 v61, v1  }
0x541: {  	v5 =	vld.idx.msk [tilespmem:v5+s31+$0x0], $0xffff  }
0x542: {  	v1 =	vadd.f32 v6, v1  }
0x543: {  	v3 =	vld.idx.msk [tilespmem:v3+s31+$0x0], $0xffff  }
0x544: {  	v1 =	vadd.f32 v62, v1  }
0x545: {  	v2 =	vld.idx.msk [tilespmem:v2+s31+$0x0], $0xffff  }
0x546: {  	v1 =	vadd.f32 v5, v1  }
0x547: {  	v63 =	vld.idx.msk [tilespmem:v8+s31+$0x0], $0xffff  }
0x548: {  	v1 =	vadd.f32 v3, v1  }
0x549: {  	v3 =	vld [tilespmem:$0x4C70]  }
0x54a: {  	v1 =	vadd.f32 v2, v1;
	_ =	sdelay $0x1  }
.Ltmp28:
0x54b: {  	v1 =	vadd.f32 v63, v1;
	(pc) =	sbr.rel @p0 .LBB2_56-.Ltmp28, $4  }
0x54c: {  	_ = 	snop  }
0x54d: {  	s6 =	sshll.u32 s6, $0x4;
	v1 =	vadd.f32 v3, v1  }
0x54e: {  	s6 =	sand.u32 $0x3FFFFFF0, s6  }
0x54f: {  	p1 =	por $0x0, $0x0;
	[tilespmem:s6+$0x4C10] =	vst v1;
	s6 =	simm.s32 $0x1  }
0x550: {  	s6 =	simm.s32 $0x0  }
0x551: {  	[tilespmem:s28], [sflag:$0x2] =	stream.linear.gather [hbm4b:s24+s6], $0x1900, $0x38;
	[tilespmem:$0x1D3F0] =	vst v63  }
0x552: {  	_ =	swait.ge [sflag:s2], $0x1900  }
0x553: {  	[sflag:s2] =	ssyncset.done $0x0  }
0x554: {  	p1 =	por $0x1, $0x1;
	[sflag:s2] =	ssyncadd.s32 $0xFFFFE700  }
.LBB2_60:
0x555: {  	s7 =	smul.u32 $0xC80, s6;
	_ =	sdelay $0x1  }
0x556: {  	s8 =	sadd.s32 $0x0, s7  }
0x557: {  	v1 =	vadd.s32 s8, v0  }
0x558: {  	s9 =	sadd.s32 $0x1, s8  }
0x559: {  	v2 =	vadd.s32 s9, v0  }
0x55a: {  	s10 =	sadd.s32 $0x2, s8  }
0x55b: {  	v3 =	vadd.s32 s10, v0;
	s10 =	sadd.s32 $0x3, s8  }
0x55c: {  	v4 =	vadd.s32 s10, v0;
	s10 =	sadd.s32 $0x4, s8;
	v1 =	vld.idx.msk [tilespmem:v1+s26+$0x0], $0xffff  }
0x55d: {  	v5 =	vadd.s32 s10, v0;
	s10 =	sadd.s32 $0x5, s8  }
0x55e: {  	v6 =	vadd.s32 s10, v0;
	v2 =	vld.idx.msk [tilespmem:v2+s26+$0x0], $0xffff  }
0x55f: {  	s10 =	sadd.s32 $0x6, s8  }
0x560: {  	v7 =	vadd.s32 s10, v0;
	v3 =	vld.idx.msk [tilespmem:v3+s26+$0x0], $0xffff  }
0x561: {  	s8 =	sadd.s32 $0x7, s8;
	v4 =	vld.idx.msk [tilespmem:v4+s26+$0x0], $0xffff  }
0x562: {  	v8 =	vadd.s32 s8, v0;
	v5 =	vld.idx.msk [tilespmem:v5+s26+$0x0], $0xffff  }
0x563: {  	s8 =	sadd.s32 $0x8, s7;
	v6 =	vld.idx.msk [tilespmem:v6+s26+$0x0], $0xffff  }
0x564: {  	v9 =	vadd.s32 s8, v0;
	v1 =	vld.idx.msk [tilespmem:v1+s31+$0x0], $0xffff  }
0x565: {  	s10 =	sadd.s32 $0x1, s8;
	v7 =	vld.idx.msk [tilespmem:v7+s26+$0x0], $0xffff  }
0x566: {  	v10 =	vadd.s32 s10, v0;
	v2 =	vld.idx.msk [tilespmem:v2+s31+$0x0], $0xffff  }
0x567: {  	v8 =	vld.idx.msk [tilespmem:v8+s26+$0x0], $0xffff  }
0x568: {  	v11 =	vimm.f32 $0.0e+00;
	v3 =	vld.idx.msk [tilespmem:v3+s31+$0x0], $0xffff  }
0x569: {  	s10 =	sadd.s32 $0x2, s8;
	v9 =	vld.idx.msk [tilespmem:v9+s26+$0x0], $0xffff;
	v1 =	vadd.f32 v1, v11  }
0x56a: {  	v12 =	vadd.s32 s10, v0;
	s10 =	sadd.s32 $0x3, s8;
	v4 =	vld.idx.msk [tilespmem:v4+s31+$0x0], $0xffff  }
0x56b: {  	v13 =	vld.idx.msk [tilespmem:v10+s26+$0x0], $0xffff;
	v11 =	vadd.s32 s10, v0;
	v1 =	vadd.f32 v2, v1  }
0x56c: {  	v5 =	vld.idx.msk [tilespmem:v5+s31+$0x0], $0xffff  }
0x56d: {  	v14 =	vld.idx.msk [tilespmem:v6+s31+$0x0], $0xffff;
	s10 =	sadd.s32 $0x4, s8;
	v1 =	vadd.f32 v3, v1  }
0x56e: {  	v15 =	vld.idx.msk [tilespmem:v7+s31+$0x0], $0xffff;
	v10 =	vadd.s32 s10, v0  }
0x56f: {  	s10 =	sadd.s32 $0x5, s8;
	v3 =	vld.idx.msk [tilespmem:v12+s26+$0x0], $0xffff;
	v1 =	vadd.f32 v4, v1  }
0x570: {  	v63 =	vadd.s32 s10, v0;
	s10 =	sadd.s32 $0x6, s8;
	v2 =	vld.idx.msk [tilespmem:v11+s26+$0x0], $0xffff  }
0x571: {  	v4 =	vadd.f32 v5, v1;
	v5 =	vld.idx.msk [tilespmem:v9+s31+$0x0], $0xffff;
	v9 =	vadd.s32 s10, v0  }
0x572: {  	v6 =	vld.idx.msk [tilespmem:v8+s31+$0x0], $0xffff;
	s10 =	sadd.s32 $0x7, s8  }
0x573: {  	v1 =	vld.idx.msk [tilespmem:v10+s26+$0x0], $0xffff;
	v10 =	vadd.s32 s10, v0;
	v11 =	vadd.f32 v14, v4  }
0x574: {  	v7 =	vld.idx.msk [tilespmem:v13+s31+$0x0], $0xffff;
	s8 =	sadd.s32 $0x10, s7  }
0x575: {  	p0 =	por p1, p1;
	s9 =	simm.s32 $0x18;
	v8 =	vadd.s32 s8, v0;
	v4 =	vld.idx.msk [tilespmem:v63+s26+$0x0], $0xffff;
	v11 =	vadd.f32 v15, v11  }
.LBB2_61:
0x576: {  	p1 =	sne.s32 s9, $0xC0;
	s10 =	sadd.s32 $0x1, s8;
	v9 =	vld.idx.msk [tilespmem:v9+s26+$0x0], $0xffff  }
0x577: {  	v12 =	vadd.s32 s10, v0;
	v3 =	vld.idx.msk [tilespmem:v3+s31+$0x0], $0xffff;
	v6 =	vadd.f32 v6, v11  }
0x578: {  	s10 =	sadd.s32 $0x2, s8;
	v10 =	vld.idx.msk [tilespmem:v10+s26+$0x0], $0xffff  }
0x579: {  	v11 =	vadd.s32 s10, v0;
	v5 =	vadd.f32 v5, v6;
	v2 =	vld.idx.msk [tilespmem:v2+s31+$0x0], $0xffff  }
0x57a: {  	s10 =	sadd.s32 $0x3, s8;
	v8 =	vld.idx.msk [tilespmem:v8+s26+$0x0], $0xffff  }
0x57b: {  	v6 =	vadd.s32 s10, v0;
	v5 =	vadd.f32 v7, v5;
	v1 =	vld.idx.msk [tilespmem:v1+s31+$0x0], $0xffff  }
0x57c: {  	s10 =	sadd.s32 $0x4, s8;
	v7 =	vld.idx.msk [tilespmem:v12+s26+$0x0], $0xffff  }
0x57d: {  	v12 =	vadd.s32 s10, v0;
	v5 =	vadd.f32 v3, v5;
	v4 =	vld.idx.msk [tilespmem:v4+s31+$0x0], $0xffff  }
0x57e: {  	s10 =	sadd.s32 $0x5, s8;
	v3 =	vld.idx.msk [tilespmem:v11+s26+$0x0], $0xffff  }
0x57f: {  	v11 =	vadd.s32 s10, v0;
	v5 =	vadd.f32 v2, v5;
	v13 =	vld.idx.msk [tilespmem:v9+s31+$0x0], $0xffff  }
0x580: {  	s10 =	sadd.s32 $0x6, s8;
	v2 =	vld.idx.msk [tilespmem:v6+s26+$0x0], $0xffff  }
.Ltmp29:
0x581: {  	v9 =	vadd.s32 s10, v0;
	v14 =	vadd.f32 v1, v5;
	v6 =	vld.idx.msk [tilespmem:v10+s31+$0x0], $0xffff;
	(pc) =	sbr.rel @p1 .LBB2_61-.Ltmp29, $4  }
0x582: {  	s8 =	sadd.s32 $0x7, s8;
	v1 =	vld.idx.msk [tilespmem:v12+s26+$0x0], $0xffff  }
0x583: {  	v10 =	vadd.s32 s8, v0;
	v5 =	vld.idx.msk [tilespmem:v8+s31+$0x0], $0xffff;
	v12 =	vadd.f32 v4, v14  }
0x584: {  	s8 =	sadd.s32 s9, s7;
	v4 =	vld.idx.msk [tilespmem:v11+s26+$0x0], $0xffff  }
0x585: {  	s9 =	sadd.s32 $0x8, s9;
	v8 =	vadd.s32 s8, v0;
	v7 =	vld.idx.msk [tilespmem:v7+s31+$0x0], $0xffff;
	v11 =	vadd.f32 v13, v12  }
0x586: {  	_ =	sdelay $0x3  }
0x587: {  	v9 =	vld.idx.msk [tilespmem:v9+s26+$0x0], $0xffff;
	v6 =	vadd.f32 v6, v11  }
0x588: {  	s7 =	sadd.s32 $0x1, s8;
	v3 =	vld.idx.msk [tilespmem:v3+s31+$0x0], $0xffff  }
0x589: {  	s9 =	sadd.s32 $0x2, s8;
	v10 =	vld.idx.msk [tilespmem:v10+s26+$0x0], $0xffff;
	v55 =	vadd.s32 s7, v0;
	v5 =	vadd.f32 v5, v6  }
0x58a: {  	v2 =	vld.idx.msk [tilespmem:v2+s31+$0x0], $0xffff;
	v56 =	vadd.s32 s9, v0  }
0x58b: {  	v8 =	vld.idx.msk [tilespmem:v8+s26+$0x0], $0xffff;
	s10 =	sadd.s32 $0x3, s8;
	v5 =	vadd.f32 v7, v5  }
0x58c: {  	v57 =	vadd.s32 s10, v0;
	v1 =	vld.idx.msk [tilespmem:v1+s31+$0x0], $0xffff  }
0x58d: {  	s9 =	sadd.s32 $0x4, s8;
	v4 =	vld.idx.msk [tilespmem:v4+s31+$0x0], $0xffff;
	v3 =	vadd.f32 v3, v5  }
0x58e: {  	v58 =	vadd.s32 s9, v0;
	v11 =	vld.idx.msk [tilespmem:v55+s26+$0x0], $0xffff  }
0x58f: {  	s10 =	sadd.s32 $0x5, s8;
	v6 =	vld.idx.msk [tilespmem:v56+s26+$0x0], $0xffff;
	v2 =	vadd.f32 v2, v3  }
0x590: {  	v9 =	vld.idx.msk [tilespmem:v9+s31+$0x0], $0xffff;
	v3 =	vadd.s32 s10, v0  }
0x591: {  	v7 =	vld.idx.msk [tilespmem:v57+s26+$0x0], $0xffff;
	v1 =	vadd.f32 v1, v2  }
0x592: {  	s9 =	sadd.s32 $0x6, s8;
	v10 =	vld.idx.msk [tilespmem:v10+s31+$0x0], $0xffff  }
0x593: {  	v5 =	vld.idx.msk [tilespmem:v58+s26+$0x0], $0xffff;
	v2 =	vadd.s32 s9, v0;
	v1 =	vadd.f32 v4, v1  }
0x594: {  	v59 =	vld.idx.msk [tilespmem:v8+s31+$0x0], $0xffff;
	s10 =	sadd.s32 $0x7, s8  }
0x595: {  	v60 =	vadd.s32 s10, v0;
	v3 =	vld.idx.msk [tilespmem:v3+s26+$0x0], $0xffff;
	v1 =	vadd.f32 v9, v1  }
0x596: {  	v61 =	vld.idx.msk [tilespmem:v11+s31+$0x0], $0xffff  }
0x597: {  	v6 =	vld.idx.msk [tilespmem:v6+s31+$0x0], $0xffff;
	v1 =	vadd.f32 v10, v1  }
0x598: {  	v2 =	vld.idx.msk [tilespmem:v2+s26+$0x0], $0xffff  }
0x599: {  	v62 =	vld.idx.msk [tilespmem:v7+s31+$0x0], $0xffff;
	v1 =	vadd.f32 v59, v1  }
0x59a: {  	v8 =	vld.idx.msk [tilespmem:v60+s26+$0x0], $0xffff  }
0x59b: {  	v1 =	vadd.f32 v61, v1  }
0x59c: {  	v5 =	vld.idx.msk [tilespmem:v5+s31+$0x0], $0xffff  }
0x59d: {  	v1 =	vadd.f32 v6, v1  }
0x59e: {  	v3 =	vld.idx.msk [tilespmem:v3+s31+$0x0], $0xffff  }
0x59f: {  	v1 =	vadd.f32 v62, v1  }
0x5a0: {  	v2 =	vld.idx.msk [tilespmem:v2+s31+$0x0], $0xffff  }
0x5a1: {  	v1 =	vadd.f32 v5, v1  }
0x5a2: {  	v63 =	vld.idx.msk [tilespmem:v8+s31+$0x0], $0xffff  }
0x5a3: {  	v1 =	vadd.f32 v3, v1  }
0x5a4: {  	v3 =	vld [tilespmem:$0x4C70]  }
0x5a5: {  	v1 =	vadd.f32 v2, v1;
	_ =	sdelay $0x1  }
.Ltmp30:
0x5a6: {  	v1 =	vadd.f32 v63, v1;
	(pc) =	sbr.rel @p0 .LBB2_60-.Ltmp30, $4  }
0x5a7: {  	_ = 	snop  }
0x5a8: {  	s6 =	sshll.u32 s6, $0x4;
	v1 =	vadd.f32 v3, v1  }
0x5a9: {  	s6 =	sand.u32 $0x3FFFFFF0, s6  }
0x5aa: {  	p1 =	por $0x0, $0x0;
	[tilespmem:s6+$0x4C30] =	vst v1;
	s6 =	simm.s32 $0x1  }
0x5ab: {  	_ =	swait.ge [sflag:s4], $0x1900  }
0x5ac: {  	[sflag:s4] =	ssyncset.done $0x0  }
0x5ad: {  	s6 =	simm.s32 $0x0;
	p1 =	por $0x1, $0x1;
	[sflag:s4] =	ssyncadd.s32 $0xFFFFE700  }
.LBB2_64:
0x5ae: {  	s7 =	smul.u32 $0xC80, s6;
	_ =	sdelay $0x1  }
0x5af: {  	s8 =	sadd.s32 $0x0, s7  }
0x5b0: {  	v1 =	vadd.s32 s8, v0  }
0x5b1: {  	s9 =	sadd.s32 $0x1, s8  }
0x5b2: {  	v2 =	vadd.s32 s9, v0  }
0x5b3: {  	s10 =	sadd.s32 $0x2, s8  }
0x5b4: {  	v3 =	vadd.s32 s10, v0;
	s10 =	sadd.s32 $0x3, s8  }
0x5b5: {  	v4 =	vadd.s32 s10, v0;
	s10 =	sadd.s32 $0x4, s8;
	v1 =	vld.idx.msk [tilespmem:v1+s28+$0x0], $0xffff  }
0x5b6: {  	v5 =	vadd.s32 s10, v0;
	s10 =	sadd.s32 $0x5, s8  }
0x5b7: {  	v6 =	vadd.s32 s10, v0;
	v2 =	vld.idx.msk [tilespmem:v2+s28+$0x0], $0xffff  }
0x5b8: {  	s10 =	sadd.s32 $0x6, s8  }
0x5b9: {  	v7 =	vadd.s32 s10, v0;
	v3 =	vld.idx.msk [tilespmem:v3+s28+$0x0], $0xffff  }
0x5ba: {  	s8 =	sadd.s32 $0x7, s8;
	v4 =	vld.idx.msk [tilespmem:v4+s28+$0x0], $0xffff  }
0x5bb: {  	v8 =	vadd.s32 s8, v0;
	v5 =	vld.idx.msk [tilespmem:v5+s28+$0x0], $0xffff  }
0x5bc: {  	s8 =	sadd.s32 $0x8, s7;
	v6 =	vld.idx.msk [tilespmem:v6+s28+$0x0], $0xffff  }
0x5bd: {  	v9 =	vadd.s32 s8, v0;
	v1 =	vld.idx.msk [tilespmem:v1+s31+$0x0], $0xffff  }
0x5be: {  	s10 =	sadd.s32 $0x1, s8;
	v7 =	vld.idx.msk [tilespmem:v7+s28+$0x0], $0xffff  }
0x5bf: {  	v10 =	vadd.s32 s10, v0;
	v2 =	vld.idx.msk [tilespmem:v2+s31+$0x0], $0xffff  }
0x5c0: {  	v8 =	vld.idx.msk [tilespmem:v8+s28+$0x0], $0xffff  }
0x5c1: {  	v11 =	vimm.f32 $0.0e+00;
	v3 =	vld.idx.msk [tilespmem:v3+s31+$0x0], $0xffff  }
0x5c2: {  	s10 =	sadd.s32 $0x2, s8;
	v9 =	vld.idx.msk [tilespmem:v9+s28+$0x0], $0xffff;
	v1 =	vadd.f32 v1, v11  }
0x5c3: {  	v12 =	vadd.s32 s10, v0;
	s10 =	sadd.s32 $0x3, s8;
	v4 =	vld.idx.msk [tilespmem:v4+s31+$0x0], $0xffff  }
0x5c4: {  	v13 =	vld.idx.msk [tilespmem:v10+s28+$0x0], $0xffff;
	v11 =	vadd.s32 s10, v0;
	v1 =	vadd.f32 v2, v1  }
0x5c5: {  	v5 =	vld.idx.msk [tilespmem:v5+s31+$0x0], $0xffff  }
0x5c6: {  	v14 =	vld.idx.msk [tilespmem:v6+s31+$0x0], $0xffff;
	s10 =	sadd.s32 $0x4, s8;
	v1 =	vadd.f32 v3, v1  }
0x5c7: {  	v15 =	vld.idx.msk [tilespmem:v7+s31+$0x0], $0xffff;
	v10 =	vadd.s32 s10, v0  }
0x5c8: {  	s10 =	sadd.s32 $0x5, s8;
	v3 =	vld.idx.msk [tilespmem:v12+s28+$0x0], $0xffff;
	v1 =	vadd.f32 v4, v1  }
0x5c9: {  	v63 =	vadd.s32 s10, v0;
	s10 =	sadd.s32 $0x6, s8;
	v2 =	vld.idx.msk [tilespmem:v11+s28+$0x0], $0xffff  }
0x5ca: {  	v4 =	vadd.f32 v5, v1;
	v5 =	vld.idx.msk [tilespmem:v9+s31+$0x0], $0xffff;
	v9 =	vadd.s32 s10, v0  }
0x5cb: {  	v6 =	vld.idx.msk [tilespmem:v8+s31+$0x0], $0xffff;
	s10 =	sadd.s32 $0x7, s8  }
0x5cc: {  	v1 =	vld.idx.msk [tilespmem:v10+s28+$0x0], $0xffff;
	v10 =	vadd.s32 s10, v0;
	v11 =	vadd.f32 v14, v4  }
0x5cd: {  	v7 =	vld.idx.msk [tilespmem:v13+s31+$0x0], $0xffff;
	s8 =	sadd.s32 $0x10, s7  }
0x5ce: {  	p0 =	por p1, p1;
	s9 =	simm.s32 $0x18;
	v8 =	vadd.s32 s8, v0;
	v4 =	vld.idx.msk [tilespmem:v63+s28+$0x0], $0xffff;
	v11 =	vadd.f32 v15, v11  }
.LBB2_65:
0x5cf: {  	p1 =	sne.s32 s9, $0xC0;
	s10 =	sadd.s32 $0x1, s8;
	v9 =	vld.idx.msk [tilespmem:v9+s28+$0x0], $0xffff  }
0x5d0: {  	v12 =	vadd.s32 s10, v0;
	v3 =	vld.idx.msk [tilespmem:v3+s31+$0x0], $0xffff;
	v6 =	vadd.f32 v6, v11  }
0x5d1: {  	s10 =	sadd.s32 $0x2, s8;
	v10 =	vld.idx.msk [tilespmem:v10+s28+$0x0], $0xffff  }
0x5d2: {  	v11 =	vadd.s32 s10, v0;
	v5 =	vadd.f32 v5, v6;
	v2 =	vld.idx.msk [tilespmem:v2+s31+$0x0], $0xffff  }
0x5d3: {  	s10 =	sadd.s32 $0x3, s8;
	v8 =	vld.idx.msk [tilespmem:v8+s28+$0x0], $0xffff  }
0x5d4: {  	v6 =	vadd.s32 s10, v0;
	v5 =	vadd.f32 v7, v5;
	v1 =	vld.idx.msk [tilespmem:v1+s31+$0x0], $0xffff  }
0x5d5: {  	s10 =	sadd.s32 $0x4, s8;
	v7 =	vld.idx.msk [tilespmem:v12+s28+$0x0], $0xffff  }
0x5d6: {  	v12 =	vadd.s32 s10, v0;
	v5 =	vadd.f32 v3, v5;
	v4 =	vld.idx.msk [tilespmem:v4+s31+$0x0], $0xffff  }
0x5d7: {  	s10 =	sadd.s32 $0x5, s8;
	v3 =	vld.idx.msk [tilespmem:v11+s28+$0x0], $0xffff  }
0x5d8: {  	v11 =	vadd.s32 s10, v0;
	v5 =	vadd.f32 v2, v5;
	v13 =	vld.idx.msk [tilespmem:v9+s31+$0x0], $0xffff  }
0x5d9: {  	s10 =	sadd.s32 $0x6, s8;
	v2 =	vld.idx.msk [tilespmem:v6+s28+$0x0], $0xffff  }
.Ltmp31:
0x5da: {  	v9 =	vadd.s32 s10, v0;
	v14 =	vadd.f32 v1, v5;
	v6 =	vld.idx.msk [tilespmem:v10+s31+$0x0], $0xffff;
	(pc) =	sbr.rel @p1 .LBB2_65-.Ltmp31, $4  }
0x5db: {  	s8 =	sadd.s32 $0x7, s8;
	v1 =	vld.idx.msk [tilespmem:v12+s28+$0x0], $0xffff  }
0x5dc: {  	v10 =	vadd.s32 s8, v0;
	v5 =	vld.idx.msk [tilespmem:v8+s31+$0x0], $0xffff;
	v12 =	vadd.f32 v4, v14  }
0x5dd: {  	s8 =	sadd.s32 s9, s7;
	v4 =	vld.idx.msk [tilespmem:v11+s28+$0x0], $0xffff  }
0x5de: {  	s9 =	sadd.s32 $0x8, s9;
	v8 =	vadd.s32 s8, v0;
	v7 =	vld.idx.msk [tilespmem:v7+s31+$0x0], $0xffff;
	v11 =	vadd.f32 v13, v12  }
0x5df: {  	_ =	sdelay $0x3  }
0x5e0: {  	v9 =	vld.idx.msk [tilespmem:v9+s28+$0x0], $0xffff;
	v6 =	vadd.f32 v6, v11  }
0x5e1: {  	s7 =	sadd.s32 $0x1, s8;
	v3 =	vld.idx.msk [tilespmem:v3+s31+$0x0], $0xffff  }
0x5e2: {  	s9 =	sadd.s32 $0x2, s8;
	v10 =	vld.idx.msk [tilespmem:v10+s28+$0x0], $0xffff;
	v55 =	vadd.s32 s7, v0;
	v5 =	vadd.f32 v5, v6  }
0x5e3: {  	v2 =	vld.idx.msk [tilespmem:v2+s31+$0x0], $0xffff;
	v56 =	vadd.s32 s9, v0  }
0x5e4: {  	v8 =	vld.idx.msk [tilespmem:v8+s28+$0x0], $0xffff;
	s10 =	sadd.s32 $0x3, s8;
	v5 =	vadd.f32 v7, v5  }
0x5e5: {  	v57 =	vadd.s32 s10, v0;
	v1 =	vld.idx.msk [tilespmem:v1+s31+$0x0], $0xffff  }
0x5e6: {  	s9 =	sadd.s32 $0x4, s8;
	v4 =	vld.idx.msk [tilespmem:v4+s31+$0x0], $0xffff;
	v3 =	vadd.f32 v3, v5  }
0x5e7: {  	v58 =	vadd.s32 s9, v0;
	v11 =	vld.idx.msk [tilespmem:v55+s28+$0x0], $0xffff  }
0x5e8: {  	s10 =	sadd.s32 $0x5, s8;
	v6 =	vld.idx.msk [tilespmem:v56+s28+$0x0], $0xffff;
	v2 =	vadd.f32 v2, v3  }
0x5e9: {  	v9 =	vld.idx.msk [tilespmem:v9+s31+$0x0], $0xffff;
	v3 =	vadd.s32 s10, v0  }
0x5ea: {  	v7 =	vld.idx.msk [tilespmem:v57+s28+$0x0], $0xffff;
	v1 =	vadd.f32 v1, v2  }
0x5eb: {  	s9 =	sadd.s32 $0x6, s8;
	v10 =	vld.idx.msk [tilespmem:v10+s31+$0x0], $0xffff  }
0x5ec: {  	v5 =	vld.idx.msk [tilespmem:v58+s28+$0x0], $0xffff;
	v2 =	vadd.s32 s9, v0;
	v1 =	vadd.f32 v4, v1  }
0x5ed: {  	v59 =	vld.idx.msk [tilespmem:v8+s31+$0x0], $0xffff;
	s10 =	sadd.s32 $0x7, s8  }
0x5ee: {  	v60 =	vadd.s32 s10, v0;
	v3 =	vld.idx.msk [tilespmem:v3+s28+$0x0], $0xffff;
	v1 =	vadd.f32 v9, v1  }
0x5ef: {  	v61 =	vld.idx.msk [tilespmem:v11+s31+$0x0], $0xffff  }
0x5f0: {  	v6 =	vld.idx.msk [tilespmem:v6+s31+$0x0], $0xffff;
	v1 =	vadd.f32 v10, v1  }
0x5f1: {  	v2 =	vld.idx.msk [tilespmem:v2+s28+$0x0], $0xffff  }
0x5f2: {  	v62 =	vld.idx.msk [tilespmem:v7+s31+$0x0], $0xffff;
	v1 =	vadd.f32 v59, v1  }
0x5f3: {  	v8 =	vld.idx.msk [tilespmem:v60+s28+$0x0], $0xffff  }
0x5f4: {  	v1 =	vadd.f32 v61, v1  }
0x5f5: {  	v5 =	vld.idx.msk [tilespmem:v5+s31+$0x0], $0xffff  }
0x5f6: {  	v1 =	vadd.f32 v6, v1  }
0x5f7: {  	v3 =	vld.idx.msk [tilespmem:v3+s31+$0x0], $0xffff  }
0x5f8: {  	v1 =	vadd.f32 v62, v1  }
0x5f9: {  	v2 =	vld.idx.msk [tilespmem:v2+s31+$0x0], $0xffff  }
0x5fa: {  	v1 =	vadd.f32 v5, v1  }
0x5fb: {  	v63 =	vld.idx.msk [tilespmem:v8+s31+$0x0], $0xffff  }
0x5fc: {  	v1 =	vadd.f32 v3, v1  }
0x5fd: {  	v3 =	vld [tilespmem:$0x4C70]  }
0x5fe: {  	v1 =	vadd.f32 v2, v1;
	_ =	sdelay $0x1  }
.Ltmp32:
0x5ff: {  	v1 =	vadd.f32 v63, v1;
	(pc) =	sbr.rel @p0 .LBB2_64-.Ltmp32, $4  }
0x600: {  	_ = 	snop  }
0x601: {  	s6 =	sshll.u32 s6, $0x4;
	v1 =	vadd.f32 v3, v1  }
0x602: {  	s6 =	sand.u32 $0x3FFFFFF0, s6  }
0x603: {  	p1 =	por $0x0, $0x0;
	[tilespmem:s6+$0x4C50] =	vst v1;
	s6 =	simm.s32 $0x1  }
0x604: {  	s5 =	sadd.s32 $0x1, s5  }
0x605: {  	p0 =	sne.s32 s5, s25  }
.Ltmp33:
0x606: {  	s6 =	simm.s32 $0x4A70;
	(pc) =	sbr.rel @p0 .LBB2_1-.Ltmp33, $4  }
0x607: {  	[hbm4b:s22+s3] =	stream.linear.scatter [tilespmem:s6], [sflag:$0x4], $0x200, $0x38;
	[tilespmem:$0x1D3F0] =	vst v63  }
0x608: {  	_ =	swait.ge [sflag:s30], $0x200  }
0x609: {  	[sflag:s30] =	ssyncset.done $0x0  }
0x60a: {  	[sflag:s30] =	ssyncadd.s32 $0xFFFFFE00  }
0x60b: {  	_ =	sfence.sel $0x180000  }
0x60c: {  	[bflag:$0x0] =	sbarrier.arrive $0xFFFF  }
0x60d: {  	_ =	strace $0x90000047  }
0x60e: {  	s0 =	stileid.u32;
	[bflag:$0x2] =	sbarrier.arrive $0xFFFF  }
0x60f: {  	p0 =	sne.s32 s0, $0x0;
	s0 =	rddreg [dreg:$0x4]  }
0x610: {  	s0 =	sadd.s32 @!p0 $0x100000, s0  }
0x611: {  	[sflag:s0] =	ssyncadd.tile.s32 @!p0 $0x1;
	_ =	shalt  }
.Lfunc_end2:
_tile_overlayer_lowered:
.L_overlay_start_2:
0x612: {  	(tag) =	ssettag $0x2  }
0x613: {  	s0 =	rddreg [dreg:$0x0];
	s2 =	stileid.u32  }
0x614: {  	s1 =	rddreg [dreg:$0x1];
	p0 =	sne.s32 s2, $0x0  }
0x615: {  	s3 =	rddreg [dreg:$0x2];
	[bflag:$0x3] =	sbarrier.arrive $0xFFFF;
	s2 =	simm.s32 @!p0 $0x1C04  }
0x616: {  	[timem:s3], [sflag:s2] =	dma.local @!p0 [hbm:s0], s1  }
0x617: {  	s0 =	simm.s32 @!p0 $0x4  }
0x618: {  	_ =	swait.ge @!p0 [sflag:s0], s1  }
0x619: {  	s1 =	ssub.s32 @!p0 $0x0, s1;
	[sflag:s0] =	ssyncset.done @!p0 $0x0  }
0x61a: {  	[sflag:s0] =	ssyncadd.s32 @!p0 s1  }
0x61b: {  	[bflag:$0x3] =	sbarrier.arrive $0xFFFF  }
0x61c: {  	_ =	shalt  }

</sc_bundles>
